<compile_context>
chip_gen: v7x
topology: tpu7x:2x2x1
jax: 0.10.2.dev20260603
libtpu: 0.0.44.dev20260713+nightly
codegen_flags: <defaults>
</compile_context>

<pallas_src>
import functools

import jax
import jax.numpy as jnp
from jax import lax
from jax.experimental import pallas as pl
from jax.experimental.pallas import tpu as pltpu
from jax.experimental.pallas import tpu_sc as plsc

BT = 128


def _router_body(x_ref, wg_ref, logits_ref, topi_ref, w01_ref):
    xb = x_ref[...]
    wg = wg_ref[...]
    logits = lax.dot_general(xb, wg, (((1,), (1,)), ((), ())),
                             precision=lax.Precision.DEFAULT,
                             preferred_element_type=jnp.float32)
    logits_ref[...] = logits
    num_e = wg.shape[0]
    m1 = logits[:, 0:1]
    i1 = jnp.zeros_like(m1, dtype=jnp.int32)
    for e in range(1, num_e):
        c = logits[:, e:e + 1]
        upd = c > m1
        m1 = jnp.where(upd, c, m1)
        i1 = jnp.where(upd, e, i1)
    m2 = jnp.full_like(m1, -jnp.inf)
    i2 = jnp.zeros_like(i1)
    for e in range(num_e):
        c = logits[:, e:e + 1]
        upd = (c > m2) & (i1 != e)
        m2 = jnp.where(upd, c, m2)
        i2 = jnp.where(upd, e, i2)
    topi_ref[...] = jnp.concatenate([i1, i2], axis=1)
    w0 = 1.0 / (1.0 + jnp.exp(m2 - m1))
    w01_ref[...] = jnp.concatenate([w0, 1.0 - w0], axis=1)


def _mlp_body(te_ref, xs_ref, wg_ref, wu_ref, wd_ref, ys_ref):
    del te_ref
    xb = xs_ref[...]
    g = lax.dot_general(xb, wg_ref[0], (((1,), (1,)), ((), ())),
                        precision=lax.Precision.DEFAULT,
                        preferred_element_type=jnp.float32)
    u = lax.dot_general(xb, wu_ref[0], (((1,), (1,)), ((), ())),
                        precision=lax.Precision.DEFAULT,
                        preferred_element_type=jnp.float32)
    h = g * jax.nn.sigmoid(g) * u
    ys_ref[...] = lax.dot_general(h, wd_ref[0], (((1,), (1,)), ((), ())),
                                  precision=lax.Precision.DEFAULT,
                                  preferred_element_type=jnp.float32)


def _combine_body(a_ref, b_ref, w_ref, out_ref):
    w = w_ref[...]
    out_ref[...] = a_ref[...] * w[:, 0:1] + b_ref[...] * w[:, 1:2]


def _sc_row_gather(n_rows, width, chunk, table, idx, dtype=jnp.float32):
    info = plsc.get_sparse_core_info()
    nw = info.num_cores * info.num_subcores
    per_w = n_rows // nw
    n_chunks = per_w // chunk
    assert per_w * nw == n_rows and n_chunks * chunk == per_w
    nb = 3
    la = 2
    mesh = plsc.VectorSubcoreMesh(core_axis_name="c", subcore_axis_name="s")

    def body(table_hbm, idx_hbm, out_hbm, idx_v, bufs, s0, s1, s2):
        sems = (s0, s1, s2)
        wid = lax.axis_index("s") * info.num_cores + lax.axis_index("c")
        base = wid * per_w
        pltpu.sync_copy(idx_hbm.at[pl.ds(base, per_w)], idx_v)

        def g_copy(c):
            return pltpu.make_async_copy(
                table_hbm.at[idx_v.at[pl.ds(c * chunk, chunk)]],
                bufs.at[c % nb], sems[c % nb])

        def out_copy(c):
            return pltpu.make_async_copy(
                bufs.at[c % nb], out_hbm.at[pl.ds(base + c * chunk, chunk)],
                sems[c % nb])

        waited = set()
        for c in range(min(la, n_chunks)):
            g_copy(c).start()
        for c in range(n_chunks):
            g_copy(c).wait()
            out_copy(c).start()
            nc = c + la
            if nc < n_chunks:
                if nc >= nb:
                    out_copy(nc - nb).wait()
                    waited.add(nc - nb)
                g_copy(nc).start()
        for c in range(n_chunks):
            if c not in waited:
                out_copy(c).wait()

    fn = pl.kernel(
        body,
        out_type=jax.ShapeDtypeStruct((n_rows, width), dtype),
        mesh=mesh,
        scratch_types=[
            pltpu.VMEM((per_w,), jnp.int32),
            pltpu.VMEM((nb, chunk, width), dtype),
            pltpu.SemaphoreType.DMA,
            pltpu.SemaphoreType.DMA,
            pltpu.SemaphoreType.DMA,
        ],
    )
    return fn(table, idx)


def kernel(hidden_states, Wg, W_gate, W_up, W_down):
    B, S, H = hidden_states.shape
    T = B * S
    E, DFF, _ = W_gate.shape
    x = hidden_states.reshape(T, H)

    rb = 512
    logits, topi, w01 = pl.pallas_call(
        _router_body,
        grid=(T // rb,),
        in_specs=[
            pl.BlockSpec((rb, H), lambda i: (i, 0)),
            pl.BlockSpec((E, H), lambda i: (0, 0)),
        ],
        out_specs=[
            pl.BlockSpec((rb, E), lambda i: (i, 0)),
            pl.BlockSpec((rb, 2), lambda i: (i, 0)),
            pl.BlockSpec((rb, 2), lambda i: (i, 0)),
        ],
        out_shape=[
            jax.ShapeDtypeStruct((T, E), jnp.float32),
            jax.ShapeDtypeStruct((T, 2), jnp.int32),
            jax.ShapeDtypeStruct((T, 2), jnp.float32),
        ],
    )(x, Wg)

    P = 2 * T
    g_max = P // BT + E - 1
    s_pad = (g_max + 1) * BT
    ef = topi.reshape(-1)
    oh = (ef[:, None] == jnp.arange(E, dtype=jnp.int32)[None, :]).astype(jnp.int32)
    csum = jnp.cumsum(oh, axis=0)
    cnt = csum[-1]
    tiles = (cnt + BT - 1) // BT
    tile_base = jnp.concatenate(
        [jnp.zeros((1,), jnp.int32), jnp.cumsum(tiles)[:-1].astype(jnp.int32)])
    rank = jnp.sum(oh * csum, axis=1) - 1
    dest = (tile_base * BT)[ef] + rank
    slot_token = (jnp.arange(s_pad, dtype=jnp.int32) % T).at[dest].set(
        jnp.arange(P, dtype=jnp.int32) // 2)
    gidx = jnp.arange(g_max, dtype=jnp.int32)
    tile_expert = jnp.clip(
        jnp.sum((gidx[:, None] >= tile_base[None, :]).astype(jnp.int32), axis=1) - 1,
        0, E - 1)
    dd = dest.reshape(T, 2)
    gather_back = jnp.concatenate([dd[:, 0], dd[:, 1]])

    xs = _sc_row_gather(s_pad, H, 8, x, slot_token)

    grid_spec = pltpu.PrefetchScalarGridSpec(
        num_scalar_prefetch=1,
        grid=(g_max,),
        in_specs=[
            pl.BlockSpec((BT, H), lambda g, te: (g, 0)),
            pl.BlockSpec((1, DFF, H), lambda g, te: (te[g], 0, 0)),
            pl.BlockSpec((1, DFF, H), lambda g, te: (te[g], 0, 0)),
            pl.BlockSpec((1, H, DFF), lambda g, te: (te[g], 0, 0)),
        ],
        out_specs=pl.BlockSpec((BT, H), lambda g, te: (g, 0)),
    )
    ys = pl.pallas_call(
        _mlp_body,
        grid_spec=grid_spec,
        out_shape=jax.ShapeDtypeStruct((g_max * BT, H), jnp.float32),
        compiler_params=pltpu.CompilerParams(
            dimension_semantics=("arbitrary",),
            vmem_limit_bytes=100 * 1024 * 1024,
        ),
    )(tile_expert, xs, W_gate, W_up, W_down)

    ysab = _sc_row_gather(P, H, 8, ys, gather_back)

    cb = 256
    nblk = T // cb
    final = pl.pallas_call(
        _combine_body,
        grid=(nblk,),
        in_specs=[
            pl.BlockSpec((cb, H), lambda i: (i, 0)),
            pl.BlockSpec((cb, H), lambda i, n=nblk: (i + n, 0)),
            pl.BlockSpec((cb, 2), lambda i: (i, 0)),
        ],
        out_specs=pl.BlockSpec((cb, H), lambda i: (i, 0)),
        out_shape=jax.ShapeDtypeStruct((T, H), jnp.float32),
    )(ysab, ysab, w01)

    return (final.reshape(B, S, H), logits, topi)

# --- scband reference (transcript-rebuilt; emitter-appended) ---
"""Pipeline reference for scband-dyn-mo-e-53747220742504 (READ-ONLY COPY).

The authoritative reference and input builder live on the scoring server;
editing this copy changes nothing except your own understanding.
"""

import jax, jax.numpy as jnp
import numpy as np

E = 8
TOP_K = 2
H = 2048
DFF = 1024

def setup_inputs(seed: int = 0) -> dict:
    key = jax.random.key(seed)
    k0, k1, k2, k3, k4 = jax.random.split(key, 5)
    hidden_states = jax.random.normal(k0, (1, 2048, H), dtype=jnp.float32)
    Wg = jax.random.normal(k1, (E, H), dtype=jnp.float32) * 0.02
    W_gate = jax.random.normal(k2, (E, DFF, H), dtype=jnp.float32) * 0.02
    W_up = jax.random.normal(k3, (E, DFF, H), dtype=jnp.float32) * 0.02
    W_down = jax.random.normal(k4, (E, H, DFF), dtype=jnp.float32) * 0.02
    return {"hidden_states": hidden_states, "Wg": Wg, "W_gate": W_gate, "W_up": W_up, "W_down": W_down}

def reference(hidden_states, Wg, W_gate, W_up, W_down):
    B, S, Hd = hidden_states.shape
    x = hidden_states.reshape(-1, Hd)
    # router (nn.Linear, no bias)
    router_logits = x @ Wg.T  # [T, E]
    probs = jax.nn.softmax(router_logits.astype(jnp.float32), axis=1)
    topw, topi = jax.lax.top_k(probs, TOP_K)  # [T, k]
    topw = topw / jnp.sum(topw, axis=-1, keepdims=True)
    topw = topw.astype(hidden_states.dtype)
    # Qwen3MLP per expert: down(silu(gate(x)) * up(x))
    def expert_out(e):
        g = x @ W_gate[e].T
        u = x @ W_up[e].T
        return (jax.nn.silu(g) * u) @ W_down[e].T  # [T, H]
    outs = jnp.stack([expert_out(e) for e in range(E)], axis=0)  # [E, T, H]
    onehot = jax.nn.one_hot(topi, E, dtype=topw.dtype)  # [T, k, E]
    w_per_expert = jnp.sum(onehot * topw[..., None], axis=1)  # [T, E]
    final = jnp.einsum('te,eth->th', w_per_expert, outs)
    final = final.reshape(B, S, Hd)
    return (final, router_logits, topi)

if __name__ == "__main__":
    import jax
    _d = setup_inputs()
    print(jax.jit(kernel)(*tuple(_d.values())))

</pallas_src>

<mosaic_0001>
#map = affine_map<(d0, d1) -> (0, 0)>
#map1 = affine_map<(d0, d1) -> (0)>
module attributes {stable_mosaic.version = 14 : i64} {
  func.func @body(%arg0: i32, %arg1: i32, %arg2: memref<4992x2048xf32, #tpu.memory_space<hbm>>, %arg3: memref<4096xi32, #tpu.memory_space<hbm>>, %arg4: memref<4096x2048xf32, #tpu.memory_space<hbm>>, %arg5: memref<128xi32, #tpu.memory_space<vmem>>, %arg6: memref<3x8x2048xf32, #tpu.memory_space<vmem>>, %arg7: memref<!tpu.dma_semaphore, #tpu.memory_space<semaphore_mem>>, %arg8: memref<!tpu.dma_semaphore, #tpu.memory_space<semaphore_mem>>, %arg9: memref<!tpu.dma_semaphore, #tpu.memory_space<semaphore_mem>>) attributes {dimension_semantics = [#tpu.dimension_semantics<core_parallel>, #tpu.dimension_semantics<subcore_parallel>], iteration_bounds = array<i64: 2, 16>, scalar_prefetch = 0 : i64, scratch_operands = 5 : i64, tpu.core_type = #tpu.core_type<sc_vector_subcore>, window_params = [{transform_indices = #map}, {transform_indices = #map1}, {transform_indices = #map}]} {
    %mul3A = arith.constant 2 : i32
    %mul3A_0 = arith.muli %arg1, %mul3A : i32
    %add3A = arith.addi %mul3A_0, %arg0 : i32
    %mul3A_1 = arith.constant 128 : i32
    %mul3A_2 = arith.muli %add3A, %mul3A_1 : i32
    "tpu.region"() ({
      %run_scoped3A = tpu.sem_alloc : memref<!tpu.dma_semaphore, #tpu.memory_space<semaphore_mem>>
      %dma_start3A_801 = tpu.memref_slice %arg3[%mul3A_2] : memref<4096xi32, #tpu.memory_space<hbm>> -> memref<128xi32, #tpu.memory_space<hbm>>
      %dma_start3A_802 = tpu.memref_slice %arg3[%mul3A_2] : memref<4096xi32, #tpu.memory_space<hbm>> -> memref<128xi32, #tpu.memory_space<hbm>>
      tpu.enqueue_dma source(%dma_start3A_802 : memref<128xi32, #tpu.memory_space<hbm>>) target(%arg5 : memref<128xi32, #tpu.memory_space<vmem>>) target_semaphore(%run_scoped3A : memref<!tpu.dma_semaphore, #tpu.memory_space<semaphore_mem>>)
      %dma_wait3A_803 = tpu.memref_slice %arg3[%mul3A_2] : memref<4096xi32, #tpu.memory_space<hbm>> -> memref<128xi32, #tpu.memory_space<hbm>>
      %dma_wait3A_804 = tpu.memref_slice %arg3[%mul3A_2] : memref<4096xi32, #tpu.memory_space<hbm>> -> memref<128xi32, #tpu.memory_space<hbm>>
      tpu.wait_dma2 semaphore(%run_scoped3A : memref<!tpu.dma_semaphore, #tpu.memory_space<semaphore_mem>>) src(%dma_wait3A_804 : memref<128xi32, #tpu.memory_space<hbm>>) dst(%arg5 : memref<128xi32, #tpu.memory_space<vmem>>)
      tpu.yield
    }) : () -> ()
    %dma_start3A = arith.constant 0 : i32
    %dma_start3A_3 = arith.constant 0 : i32
    %dma_start3A_4 = arith.constant 0 : i32
    %dma_start3A_5 = tpu.memref_slice %arg6[%dma_start3A, %dma_start3A_3, %dma_start3A_4] : memref<3x8x2048xf32, #tpu.memory_space<vmem>> -> memref<1x8x2048xf32, #tpu.memory_space<vmem>>
    %dma_start3A_6 = tpu.memref_squeeze %dma_start3A_5 : memref<1x8x2048xf32, #tpu.memory_space<vmem>> -> memref<8x2048xf32, #tpu.memory_space<vmem>>
    %dma_start3A_7 = arith.constant 0 : i32
    %dma_start3A_8 = tpu.memref_slice %arg5[%dma_start3A_7] : memref<128xi32, #tpu.memory_space<vmem>> -> memref<8xi32, #tpu.memory_space<vmem>>
    %dma_start3A_9 = arith.constant 0 : i32
    %dma_start3A_10 = arith.constant 0 : i32
    %dma_start3A_11 = tpu.memref_slice %arg2[%dma_start3A_9, %dma_start3A_10] : memref<4992x2048xf32, #tpu.memory_space<hbm>> -> memref<4992x2048xf32, #tpu.memory_space<hbm>>
    tpu.enqueue_indirect_dma source(%dma_start3A_11 : memref<4992x2048xf32, #tpu.memory_space<hbm>>) target(%dma_start3A_6 : memref<8x2048xf32, #tpu.memory_space<vmem>>) offsets(%dma_start3A_8 : memref<8xi32, #tpu.memory_space<vmem>>) semaphore(%arg7 : memref<!tpu.dma_semaphore, #tpu.memory_space<semaphore_mem>>)
    %dma_start3A_12 = arith.constant 1 : i32
    %dma_start3A_13 = arith.constant 0 : i32
    %dma_start3A_14 = arith.constant 0 : i32
    %dma_start3A_15 = tpu.memref_slice %arg6[%dma_start3A_12, %dma_start3A_13, %dma_start3A_14] : memref<3x8x2048xf32, #tpu.memory_space<vmem>> -> memref<1x8x2048xf32, #tpu.memory_space<vmem>>
    %dma_start3A_16 = tpu.memref_squeeze %dma_start3A_15 : memref<1x8x2048xf32, #tpu.memory_space<vmem>> -> memref<8x2048xf32, #tpu.memory_space<vmem>>
    %dma_start3A_17 = arith.constant 8 : i32
    %dma_start3A_18 = tpu.memref_slice %arg5[%dma_start3A_17] : memref<128xi32, #tpu.memory_space<vmem>> -> memref<8xi32, #tpu.memory_space<vmem>>
    %dma_start3A_19 = arith.constant 0 : i32
    %dma_start3A_20 = arith.constant 0 : i32
    %dma_start3A_21 = tpu.memref_slice %arg2[%dma_start3A_19, %dma_start3A_20] : memref<4992x2048xf32, #tpu.memory_space<hbm>> -> memref<4992x2048xf32, #tpu.memory_space<hbm>>
    tpu.enqueue_indirect_dma source(%dma_start3A_21 : memref<4992x2048xf32, #tpu.memory_space<hbm>>) target(%dma_start3A_16 : memref<8x2048xf32, #tpu.memory_space<vmem>>) offsets(%dma_start3A_18 : memref<8xi32, #tpu.memory_space<vmem>>) semaphore(%arg8 : memref<!tpu.dma_semaphore, #tpu.memory_space<semaphore_mem>>)
    %dma_wait3A = arith.constant 0 : i32
    %dma_wait3A_22 = arith.constant 0 : i32
    %dma_wait3A_23 = arith.constant 0 : i32
    %dma_wait3A_24 = tpu.memref_slice %arg6[%dma_wait3A, %dma_wait3A_22, %dma_wait3A_23] : memref<3x8x2048xf32, #tpu.memory_space<vmem>> -> memref<1x8x2048xf32, #tpu.memory_space<vmem>>
    %dma_wait3A_25 = tpu.memref_squeeze %dma_wait3A_24 : memref<1x8x2048xf32, #tpu.memory_space<vmem>> -> memref<8x2048xf32, #tpu.memory_space<vmem>>
    %dma_wait3A_26 = arith.constant 0 : i32
    %dma_wait3A_27 = tpu.memref_slice %arg5[%dma_wait3A_26] : memref<128xi32, #tpu.memory_space<vmem>> -> memref<8xi32, #tpu.memory_space<vmem>>
    %dma_wait3A_28 = arith.constant 0 : i32
    %dma_wait3A_29 = arith.constant 0 : i32
    %dma_wait3A_30 = tpu.memref_slice %arg2[%dma_wait3A_28, %dma_wait3A_29] : memref<4992x2048xf32, #tpu.memory_space<hbm>> -> memref<4992x2048xf32, #tpu.memory_space<hbm>>
    tpu.wait_indirect_dma semaphore(%arg7 : memref<!tpu.dma_semaphore, #tpu.memory_space<semaphore_mem>>) src(%dma_wait3A_30 : memref<4992x2048xf32, #tpu.memory_space<hbm>>) dst(%dma_wait3A_25 : memref<8x2048xf32, #tpu.memory_space<vmem>>)
    %add3A_31 = arith.constant 0 : i32
    %add3A_32 = arith.addi %mul3A_2, %add3A_31 : i32
    %dma_start3A_33 = arith.constant 0 : i32
    %dma_start3A_34 = arith.constant 0 : i32
    %dma_start3A_35 = arith.constant 0 : i32
    %dma_start3A_36 = tpu.memref_slice %arg6[%dma_start3A_33, %dma_start3A_34, %dma_start3A_35] : memref<3x8x2048xf32, #tpu.memory_space<vmem>> -> memref<1x8x2048xf32, #tpu.memory_space<vmem>>
    %dma_start3A_37 = tpu.memref_squeeze %dma_start3A_36 : memref<1x8x2048xf32, #tpu.memory_space<vmem>> -> memref<8x2048xf32, #tpu.memory_space<vmem>>
    %dma_start3A_38 = arith.constant 0 : i32
    %dma_start3A_39 = tpu.memref_slice %arg4[%add3A_32, %dma_start3A_38] : memref<4096x2048xf32, #tpu.memory_space<hbm>> -> memref<8x2048xf32, #tpu.memory_space<hbm>>
    %dma_start3A_40 = arith.constant 0 : i32
    %dma_start3A_41 = tpu.memref_slice %arg4[%add3A_32, %dma_start3A_40] : memref<4096x2048xf32, #tpu.memory_space<hbm>> -> memref<8x2048xf32, #tpu.memory_space<hbm>>
    %dma_start3A_42 = arith.constant 0 : i32
    %dma_start3A_43 = arith.constant 0 : i32
    %dma_start3A_44 = tpu.memref_slice %arg6[%dma_start3A_33, %dma_start3A_42, %dma_start3A_43] : memref<3x8x2048xf32, #tpu.memory_space<vmem>> -> memref<1x8x2048xf32, #tpu.memory_space<vmem>>
    %dma_start3A_45 = tpu.memref_squeeze %dma_start3A_44 : memref<1x8x2048xf32, #tpu.memory_space<vmem>> -> memref<8x2048xf32, #tpu.memory_space<vmem>>
    tpu.enqueue_dma source(%dma_start3A_45 : memref<8x2048xf32, #tpu.memory_space<vmem>>) target(%dma_start3A_41 : memref<8x2048xf32, #tpu.memory_space<hbm>>) target_semaphore(%arg7 : memref<!tpu.dma_semaphore, #tpu.memory_space<semaphore_mem>>)
    %dma_start3A_46 = arith.constant 2 : i32
    %dma_start3A_47 = arith.constant 0 : i32
    %dma_start3A_48 = arith.constant 0 : i32
    %dma_start3A_49 = tpu.memref_slice %arg6[%dma_start3A_46, %dma_start3A_47, %dma_start3A_48] : memref<3x8x2048xf32, #tpu.memory_space<vmem>> -> memref<1x8x2048xf32, #tpu.memory_space<vmem>>
    %dma_start3A_50 = tpu.memref_squeeze %dma_start3A_49 : memref<1x8x2048xf32, #tpu.memory_space<vmem>> -> memref<8x2048xf32, #tpu.memory_space<vmem>>
    %dma_start3A_51 = arith.constant 16 : i32
    %dma_start3A_52 = tpu.memref_slice %arg5[%dma_start3A_51] : memref<128xi32, #tpu.memory_space<vmem>> -> memref<8xi32, #tpu.memory_space<vmem>>
    %dma_start3A_53 = arith.constant 0 : i32
    %dma_start3A_54 = arith.constant 0 : i32
    %dma_start3A_55 = tpu.memref_slice %arg2[%dma_start3A_53, %dma_start3A_54] : memref<4992x2048xf32, #tpu.memory_space<hbm>> -> memref<4992x2048xf32, #tpu.memory_space<hbm>>
    tpu.enqueue_indirect_dma source(%dma_start3A_55 : memref<4992x2048xf32, #tpu.memory_space<hbm>>) target(%dma_start3A_50 : memref<8x2048xf32, #tpu.memory_space<vmem>>) offsets(%dma_start3A_52 : memref<8xi32, #tpu.memory_space<vmem>>) semaphore(%arg9 : memref<!tpu.dma_semaphore, #tpu.memory_space<semaphore_mem>>)
    %dma_wait3A_56 = arith.constant 1 : i32
    %dma_wait3A_57 = arith.constant 0 : i32
    %dma_wait3A_58 = arith.constant 0 : i32
    %dma_wait3A_59 = tpu.memref_slice %arg6[%dma_wait3A_56, %dma_wait3A_57, %dma_wait3A_58] : memref<3x8x2048xf32, #tpu.memory_space<vmem>> -> memref<1x8x2048xf32, #tpu.memory_space<vmem>>
    %dma_wait3A_60 = tpu.memref_squeeze %dma_wait3A_59 : memref<1x8x2048xf32, #tpu.memory_space<vmem>> -> memref<8x2048xf32, #tpu.memory_space<vmem>>
    %dma_wait3A_61 = arith.constant 8 : i32
    %dma_wait3A_62 = tpu.memref_slice %arg5[%dma_wait3A_61] : memref<128xi32, #tpu.memory_space<vmem>> -> memref<8xi32, #tpu.memory_space<vmem>>
    %dma_wait3A_63 = arith.constant 0 : i32
    %dma_wait3A_64 = arith.constant 0 : i32
    %dma_wait3A_65 = tpu.memref_slice %arg2[%dma_wait3A_63, %dma_wait3A_64] : memref<4992x2048xf32, #tpu.memory_space<hbm>> -> memref<4992x2048xf32, #tpu.memory_space<hbm>>
    tpu.wait_indirect_dma semaphore(%arg8 : memref<!tpu.dma_semaphore, #tpu.memory_space<semaphore_mem>>) src(%dma_wait3A_65 : memref<4992x2048xf32, #tpu.memory_space<hbm>>) dst(%dma_wait3A_60 : memref<8x2048xf32, #tpu.memory_space<vmem>>)
    %add3A_66 = arith.constant 8 : i32
    %add3A_67 = arith.addi %mul3A_2, %add3A_66 : i32
    %dma_start3A_68 = arith.constant 1 : i32
    %dma_start3A_69 = arith.constant 0 : i32
    %dma_start3A_70 = arith.constant 0 : i32
    %dma_start3A_71 = tpu.memref_slice %arg6[%dma_start3A_68, %dma_start3A_69, %dma_start3A_70] : memref<3x8x2048xf32, #tpu.memory_space<vmem>> -> memref<1x8x2048xf32, #tpu.memory_space<vmem>>
    %dma_start3A_72 = tpu.memref_squeeze %dma_start3A_71 : memref<1x8x2048xf32, #tpu.memory_space<vmem>> -> memref<8x2048xf32, #tpu.memory_space<vmem>>
    %dma_start3A_73 = arith.constant 0 : i32
    %dma_start3A_74 = tpu.memref_slice %arg4[%add3A_67, %dma_start3A_73] : memref<4096x2048xf32, #tpu.memory_space<hbm>> -> memref<8x2048xf32, #tpu.memory_space<hbm>>
    %dma_start3A_75 = arith.constant 0 : i32
    %dma_start3A_76 = tpu.memref_slice %arg4[%add3A_67, %dma_start3A_75] : memref<4096x2048xf32, #tpu.memory_space<hbm>> -> memref<8x2048xf32, #tpu.memory_space<hbm>>
    %dma_start3A_77 = arith.constant 0 : i32
    %dma_start3A_78 = arith.constant 0 : i32
    %dma_start3A_79 = tpu.memref_slice %arg6[%dma_start3A_68, %dma_start3A_77, %dma_start3A_78] : memref<3x8x2048xf32, #tpu.memory_space<vmem>> -> memref<1x8x2048xf32, #tpu.memory_space<vmem>>
    %dma_start3A_80 = tpu.memref_squeeze %dma_start3A_79 : memref<1x8x2048xf32, #tpu.memory_space<vmem>> -> memref<8x2048xf32, #tpu.memory_space<vmem>>
    tpu.enqueue_dma source(%dma_start3A_80 : memref<8x2048xf32, #tpu.memory_space<vmem>>) target(%dma_start3A_76 : memref<8x2048xf32, #tpu.memory_space<hbm>>) target_semaphore(%arg8 : memref<!tpu.dma_semaphore, #tpu.memory_space<semaphore_mem>>)
    %add3A_81 = arith.constant 0 : i32
    %add3A_82 = arith.addi %mul3A_2, %add3A_81 : i32
    %dma_wait3A_83 = arith.constant 0 : i32
    %dma_wait3A_84 = arith.constant 0 : i32
    %dma_wait3A_85 = arith.constant 0 : i32
    %dma_wait3A_86 = tpu.memref_slice %arg6[%dma_wait3A_83, %dma_wait3A_84, %dma_wait3A_85] : memref<3x8x2048xf32, #tpu.memory_space<vmem>> -> memref<1x8x2048xf32, #tpu.memory_space<vmem>>
    %dma_wait3A_87 = tpu.memref_squeeze %dma_wait3A_86 : memref<1x8x2048xf32, #tpu.memory_space<vmem>> -> memref<8x2048xf32, #tpu.memory_space<vmem>>
    %dma_wait3A_88 = arith.constant 0 : i32
    %dma_wait3A_89 = tpu.memref_slice %arg4[%add3A_82, %dma_wait3A_88] : memref<4096x2048xf32, #tpu.memory_space<hbm>> -> memref<8x2048xf32, #tpu.memory_space<hbm>>
    %dma_wait3A_90 = arith.constant 0 : i32
    %dma_wait3A_91 = tpu.memref_slice %arg4[%add3A_82, %dma_wait3A_90] : memref<4096x2048xf32, #tpu.memory_space<hbm>> -> memref<8x2048xf32, #tpu.memory_space<hbm>>
    %dma_wait3A_92 = arith.constant 0 : i32
    %dma_wait3A_93 = arith.constant 0 : i32
    %dma_wait3A_94 = tpu.memref_slice %arg6[%dma_wait3A_83, %dma_wait3A_92, %dma_wait3A_93] : memref<3x8x2048xf32, #tpu.memory_space<vmem>> -> memref<1x8x2048xf32, #tpu.memory_space<vmem>>
    %dma_wait3A_95 = tpu.memref_squeeze %dma_wait3A_94 : memref<1x8x2048xf32, #tpu.memory_space<vmem>> -> memref<8x2048xf32, #tpu.memory_space<vmem>>
    tpu.wait_dma2 semaphore(%arg7 : memref<!tpu.dma_semaphore, #tpu.memory_space<semaphore_mem>>) src(%dma_wait3A_95 : memref<8x2048xf32, #tpu.memory_space<vmem>>) dst(%dma_wait3A_91 : memref<8x2048xf32, #tpu.memory_space<hbm>>)
    %dma_start3A_96 = arith.constant 0 : i32
    %dma_start3A_97 = arith.constant 0 : i32
    %dma_start3A_98 = arith.constant 0 : i32
    %dma_start3A_99 = tpu.memref_slice %arg6[%dma_start3A_96, %dma_start3A_97, %dma_start3A_98] : memref<3x8x2048xf32, #tpu.memory_space<vmem>> -> memref<1x8x2048xf32, #tpu.memory_space<vmem>>
    %dma_start3A_100 = tpu.memref_squeeze %dma_start3A_99 : memref<1x8x2048xf32, #tpu.memory_space<vmem>> -> memref<8x2048xf32, #tpu.memory_space<vmem>>
    %dma_start3A_101 = arith.constant 24 : i32
    %dma_start3A_102 = tpu.memref_slice %arg5[%dma_start3A_101] : memref<128xi32, #tpu.memory_space<vmem>> -> memref<8xi32, #tpu.memory_space<vmem>>
    %dma_start3A_103 = arith.constant 0 : i32
    %dma_start3A_104 = arith.constant 0 : i32
    %dma_start3A_105 = tpu.memref_slice %arg2[%dma_start3A_103, %dma_start3A_104] : memref<4992x2048xf32, #tpu.memory_space<hbm>> -> memref<4992x2048xf32, #tpu.memory_space<hbm>>
    tpu.enqueue_indirect_dma source(%dma_start3A_105 : memref<4992x2048xf32, #tpu.memory_space<hbm>>) target(%dma_start3A_100 : memref<8x2048xf32, #tpu.memory_space<vmem>>) offsets(%dma_start3A_102 : memref<8xi32, #tpu.memory_space<vmem>>) semaphore(%arg7 : memref<!tpu.dma_semaphore, #tpu.memory_space<semaphore_mem>>)
    %dma_wait3A_106 = arith.constant 2 : i32
    %dma_wait3A_107 = arith.constant 0 : i32
    %dma_wait3A_108 = arith.constant 0 : i32
    %dma_wait3A_109 = tpu.memref_slice %arg6[%dma_wait3A_106, %dma_wait3A_107, %dma_wait3A_108] : memref<3x8x2048xf32, #tpu.memory_space<vmem>> -> memref<1x8x2048xf32, #tpu.memory_space<vmem>>
    %dma_wait3A_110 = tpu.memref_squeeze %dma_wait3A_109 : memref<1x8x2048xf32, #tpu.memory_space<vmem>> -> memref<8x2048xf32, #tpu.memory_space<vmem>>
    %dma_wait3A_111 = arith.constant 16 : i32
    %dma_wait3A_112 = tpu.memref_slice %arg5[%dma_wait3A_111] : memref<128xi32, #tpu.memory_space<vmem>> -> memref<8xi32, #tpu.memory_space<vmem>>
    %dma_wait3A_113 = arith.constant 0 : i32
    %dma_wait3A_114 = arith.constant 0 : i32
    %dma_wait3A_115 = tpu.memref_slice %arg2[%dma_wait3A_113, %dma_wait3A_114] : memref<4992x2048xf32, #tpu.memory_space<hbm>> -> memref<4992x2048xf32, #tpu.memory_space<hbm>>
    tpu.wait_indirect_dma semaphore(%arg9 : memref<!tpu.dma_semaphore, #tpu.memory_space<semaphore_mem>>) src(%dma_wait3A_115 : memref<4992x2048xf32, #tpu.memory_space<hbm>>) dst(%dma_wait3A_110 : memref<8x2048xf32, #tpu.memory_space<vmem>>)
    %add3A_116 = arith.constant 16 : i32
    %add3A_117 = arith.addi %mul3A_2, %add3A_116 : i32
    %dma_start3A_118 = arith.constant 2 : i32
    %dma_start3A_119 = arith.constant 0 : i32
    %dma_start3A_120 = arith.constant 0 : i32
    %dma_start3A_121 = tpu.memref_slice %arg6[%dma_start3A_118, %dma_start3A_119, %dma_start3A_120] : memref<3x8x2048xf32, #tpu.memory_space<vmem>> -> memref<1x8x2048xf32, #tpu.memory_space<vmem>>
    %dma_start3A_122 = tpu.memref_squeeze %dma_start3A_121 : memref<1x8x2048xf32, #tpu.memory_space<vmem>> -> memref<8x2048xf32, #tpu.memory_space<vmem>>
    %dma_start3A_123 = arith.constant 0 : i32
    %dma_start3A_124 = tpu.memref_slice %arg4[%add3A_117, %dma_start3A_123] : memref<4096x2048xf32, #tpu.memory_space<hbm>> -> memref<8x2048xf32, #tpu.memory_space<hbm>>
    %dma_start3A_125 = arith.constant 0 : i32
    %dma_start3A_126 = tpu.memref_slice %arg4[%add3A_117, %dma_start3A_125] : memref<4096x2048xf32, #tpu.memory_space<hbm>> -> memref<8x2048xf32, #tpu.memory_space<hbm>>
    %dma_start3A_127 = arith.constant 0 : i32
    %dma_start3A_128 = arith.constant 0 : i32
    %dma_start3A_129 = tpu.memref_slice %arg6[%dma_start3A_118, %dma_start3A_127, %dma_start3A_128] : memref<3x8x2048xf32, #tpu.memory_space<vmem>> -> memref<1x8x2048xf32, #tpu.memory_space<vmem>>
    %dma_start3A_130 = tpu.memref_squeeze %dma_start3A_129 : memref<1x8x2048xf32, #tpu.memory_space<vmem>> -> memref<8x2048xf32, #tpu.memory_space<vmem>>
    tpu.enqueue_dma source(%dma_start3A_130 : memref<8x2048xf32, #tpu.memory_space<vmem>>) target(%dma_start3A_126 : memref<8x2048xf32, #tpu.memory_space<hbm>>) target_semaphore(%arg9 : memref<!tpu.dma_semaphore, #tpu.memory_space<semaphore_mem>>)
    %add3A_131 = arith.constant 8 : i32
    %add3A_132 = arith.addi %mul3A_2, %add3A_131 : i32
    %dma_wait3A_133 = arith.constant 1 : i32
    %dma_wait3A_134 = arith.constant 0 : i32
    %dma_wait3A_135 = arith.constant 0 : i32
    %dma_wait3A_136 = tpu.memref_slice %arg6[%dma_wait3A_133, %dma_wait3A_134, %dma_wait3A_135] : memref<3x8x2048xf32, #tpu.memory_space<vmem>> -> memref<1x8x2048xf32, #tpu.memory_space<vmem>>
    %dma_wait3A_137 = tpu.memref_squeeze %dma_wait3A_136 : memref<1x8x2048xf32, #tpu.memory_space<vmem>> -> memref<8x2048xf32, #tpu.memory_space<vmem>>
    %dma_wait3A_138 = arith.constant 0 : i32
    %dma_wait3A_139 = tpu.memref_slice %arg4[%add3A_132, %dma_wait3A_138] : memref<4096x2048xf32, #tpu.memory_space<hbm>> -> memref<8x2048xf32, #tpu.memory_space<hbm>>
    %dma_wait3A_140 = arith.constant 0 : i32
    %dma_wait3A_141 = tpu.memref_slice %arg4[%add3A_132, %dma_wait3A_140] : memref<4096x2048xf32, #tpu.memory_space<hbm>> -> memref<8x2048xf32, #tpu.memory_space<hbm>>
    %dma_wait3A_142 = arith.constant 0 : i32
    %dma_wait3A_143 = arith.constant 0 : i32
    %dma_wait3A_144 = tpu.memref_slice %arg6[%dma_wait3A_133, %dma_wait3A_142, %dma_wait3A_143] : memref<3x8x2048xf32, #tpu.memory_space<vmem>> -> memref<1x8x2048xf32, #tpu.memory_space<vmem>>
    %dma_wait3A_145 = tpu.memref_squeeze %dma_wait3A_144 : memref<1x8x2048xf32, #tpu.memory_space<vmem>> -> memref<8x2048xf32, #tpu.memory_space<vmem>>
    tpu.wait_dma2 semaphore(%arg8 : memref<!tpu.dma_semaphore, #tpu.memory_space<semaphore_mem>>) src(%dma_wait3A_145 : memref<8x2048xf32, #tpu.memory_space<vmem>>) dst(%dma_wait3A_141 : memref<8x2048xf32, #tpu.memory_space<hbm>>)
    %dma_start3A_146 = arith.constant 1 : i32
    %dma_start3A_147 = arith.constant 0 : i32
    %dma_start3A_148 = arith.constant 0 : i32
    %dma_start3A_149 = tpu.memref_slice %arg6[%dma_start3A_146, %dma_start3A_147, %dma_start3A_148] : memref<3x8x2048xf32, #tpu.memory_space<vmem>> -> memref<1x8x2048xf32, #tpu.memory_space<vmem>>
    %dma_start3A_150 = tpu.memref_squeeze %dma_start3A_149 : memref<1x8x2048xf32, #tpu.memory_space<vmem>> -> memref<8x2048xf32, #tpu.memory_space<vmem>>
    %dma_start3A_151 = arith.constant 32 : i32
    %dma_start3A_152 = tpu.memref_slice %arg5[%dma_start3A_151] : memref<128xi32, #tpu.memory_space<vmem>> -> memref<8xi32, #tpu.memory_space<vmem>>
    %dma_start3A_153 = arith.constant 0 : i32
    %dma_start3A_154 = arith.constant 0 : i32
    %dma_start3A_155 = tpu.memref_slice %arg2[%dma_start3A_153, %dma_start3A_154] : memref<4992x2048xf32, #tpu.memory_space<hbm>> -> memref<4992x2048xf32, #tpu.memory_space<hbm>>
    tpu.enqueue_indirect_dma source(%dma_start3A_155 : memref<4992x2048xf32, #tpu.memory_space<hbm>>) target(%dma_start3A_150 : memref<8x2048xf32, #tpu.memory_space<vmem>>) offsets(%dma_start3A_152 : memref<8xi32, #tpu.memory_space<vmem>>) semaphore(%arg8 : memref<!tpu.dma_semaphore, #tpu.memory_space<semaphore_mem>>)
    %dma_wait3A_156 = arith.constant 0 : i32
    %dma_wait3A_157 = arith.constant 0 : i32
    %dma_wait3A_158 = arith.constant 0 : i32
    %dma_wait3A_159 = tpu.memref_slice %arg6[%dma_wait3A_156, %dma_wait3A_157, %dma_wait3A_158] : memref<3x8x2048xf32, #tpu.memory_space<vmem>> -> memref<1x8x2048xf32, #tpu.memory_space<vmem>>
    %dma_wait3A_160 = tpu.memref_squeeze %dma_wait3A_159 : memref<1x8x2048xf32, #tpu.memory_space<vmem>> -> memref<8x2048xf32, #tpu.memory_space<vmem>>
    %dma_wait3A_161 = arith.constant 24 : i32
    %dma_wait3A_162 = tpu.memref_slice %arg5[%dma_wait3A_161] : memref<128xi32, #tpu.memory_space<vmem>> -> memref<8xi32, #tpu.memory_space<vmem>>
    %dma_wait3A_163 = arith.constant 0 : i32
    %dma_wait3A_164 = arith.constant 0 : i32
    %dma_wait3A_165 = tpu.memref_slice %arg2[%dma_wait3A_163, %dma_wait3A_164] : memref<4992x2048xf32, #tpu.memory_space<hbm>> -> memref<4992x2048xf32, #tpu.memory_space<hbm>>
    tpu.wait_indirect_dma semaphore(%arg7 : memref<!tpu.dma_semaphore, #tpu.memory_space<semaphore_mem>>) src(%dma_wait3A_165 : memref<4992x2048xf32, #tpu.memory_space<hbm>>) dst(%dma_wait3A_160 : memref<8x2048xf32, #tpu.memory_space<vmem>>)
    %add3A_166 = arith.constant 24 : i32
    %add3A_167 = arith.addi %mul3A_2, %add3A_166 : i32
    %dma_start3A_168 = arith.constant 0 : i32
    %dma_start3A_169 = arith.constant 0 : i32
    %dma_start3A_170 = arith.constant 0 : i32
    %dma_start3A_171 = tpu.memref_slice %arg6[%dma_start3A_168, %dma_start3A_169, %dma_start3A_170] : memref<3x8x2048xf32, #tpu.memory_space<vmem>> -> memref<1x8x2048xf32, #tpu.memory_space<vmem>>
    %dma_start3A_172 = tpu.memref_squeeze %dma_start3A_171 : memref<1x8x2048xf32, #tpu.memory_space<vmem>> -> memref<8x2048xf32, #tpu.memory_space<vmem>>
    %dma_start3A_173 = arith.constant 0 : i32
    %dma_start3A_174 = tpu.memref_slice %arg4[%add3A_167, %dma_start3A_173] : memref<4096x2048xf32, #tpu.memory_space<hbm>> -> memref<8x2048xf32, #tpu.memory_space<hbm>>
    %dma_start3A_175 = arith.constant 0 : i32
    %dma_start3A_176 = tpu.memref_slice %arg4[%add3A_167, %dma_start3A_175] : memref<4096x2048xf32, #tpu.memory_space<hbm>> -> memref<8x2048xf32, #tpu.memory_space<hbm>>
    %dma_start3A_177 = arith.constant 0 : i32
    %dma_start3A_178 = arith.constant 0 : i32
    %dma_start3A_179 = tpu.memref_slice %arg6[%dma_start3A_168, %dma_start3A_177, %dma_start3A_178] : memref<3x8x2048xf32, #tpu.memory_space<vmem>> -> memref<1x8x2048xf32, #tpu.memory_space<vmem>>
    %dma_start3A_180 = tpu.memref_squeeze %dma_start3A_179 : memref<1x8x2048xf32, #tpu.memory_space<vmem>> -> memref<8x2048xf32, #tpu.memory_space<vmem>>
    tpu.enqueue_dma source(%dma_start3A_180 : memref<8x2048xf32, #tpu.memory_space<vmem>>) target(%dma_start3A_176 : memref<8x2048xf32, #tpu.memory_space<hbm>>) target_semaphore(%arg7 : memref<!tpu.dma_semaphore, #tpu.memory_space<semaphore_mem>>)
    %add3A_181 = arith.constant 16 : i32
    %add3A_182 = arith.addi %mul3A_2, %add3A_181 : i32
    %dma_wait3A_183 = arith.constant 2 : i32
    %dma_wait3A_184 = arith.constant 0 : i32
    %dma_wait3A_185 = arith.constant 0 : i32
    %dma_wait3A_186 = tpu.memref_slice %arg6[%dma_wait3A_183, %dma_wait3A_184, %dma_wait3A_185] : memref<3x8x2048xf32, #tpu.memory_space<vmem>> -> memref<1x8x2048xf32, #tpu.memory_space<vmem>>
    %dma_wait3A_187 = tpu.memref_squeeze %dma_wait3A_186 : memref<1x8x2048xf32, #tpu.memory_space<vmem>> -> memref<8x2048xf32, #tpu.memory_space<vmem>>
    %dma_wait3A_188 = arith.constant 0 : i32
    %dma_wait3A_189 = tpu.memref_slice %arg4[%add3A_182, %dma_wait3A_188] : memref<4096x2048xf32, #tpu.memory_space<hbm>> -> memref<8x2048xf32, #tpu.memory_space<hbm>>
    %dma_wait3A_190 = arith.constant 0 : i32
    %dma_wait3A_191 = tpu.memref_slice %arg4[%add3A_182, %dma_wait3A_190] : memref<4096x2048xf32, #tpu.memory_space<hbm>> -> memref<8x2048xf32, #tpu.memory_space<hbm>>
    %dma_wait3A_192 = arith.constant 0 : i32
    %dma_wait3A_193 = arith.constant 0 : i32
    %dma_wait3A_194 = tpu.memref_slice %arg6[%dma_wait3A_183, %dma_wait3A_192, %dma_wait3A_193] : memref<3x8x2048xf32, #tpu.memory_space<vmem>> -> memref<1x8x2048xf32, #tpu.memory_space<vmem>>
    %dma_wait3A_195 = tpu.memref_squeeze %dma_wait3A_194 : memref<1x8x2048xf32, #tpu.memory_space<vmem>> -> memref<8x2048xf32, #tpu.memory_space<vmem>>
    tpu.wait_dma2 semaphore(%arg9 : memref<!tpu.dma_semaphore, #tpu.memory_space<semaphore_mem>>) src(%dma_wait3A_195 : memref<8x2048xf32, #tpu.memory_space<vmem>>) dst(%dma_wait3A_191 : memref<8x2048xf32, #tpu.memory_space<hbm>>)
    %dma_start3A_196 = arith.constant 2 : i32
    %dma_start3A_197 = arith.constant 0 : i32
    %dma_start3A_198 = arith.constant 0 : i32
    %dma_start3A_199 = tpu.memref_slice %arg6[%dma_start3A_196, %dma_start3A_197, %dma_start3A_198] : memref<3x8x2048xf32, #tpu.memory_space<vmem>> -> memref<1x8x2048xf32, #tpu.memory_space<vmem>>
    %dma_start3A_200 = tpu.memref_squeeze %dma_start3A_199 : memref<1x8x2048xf32, #tpu.memory_space<vmem>> -> memref<8x2048xf32, #tpu.memory_space<vmem>>
    %dma_start3A_201 = arith.constant 40 : i32
    %dma_start3A_202 = tpu.memref_slice %arg5[%dma_start3A_201] : memref<128xi32, #tpu.memory_space<vmem>> -> memref<8xi32, #tpu.memory_space<vmem>>
    %dma_start3A_203 = arith.constant 0 : i32
    %dma_start3A_204 = arith.constant 0 : i32
    %dma_start3A_205 = tpu.memref_slice %arg2[%dma_start3A_203, %dma_start3A_204] : memref<4992x2048xf32, #tpu.memory_space<hbm>> -> memref<4992x2048xf32, #tpu.memory_space<hbm>>
    tpu.enqueue_indirect_dma source(%dma_start3A_205 : memref<4992x2048xf32, #tpu.memory_space<hbm>>) target(%dma_start3A_200 : memref<8x2048xf32, #tpu.memory_space<vmem>>) offsets(%dma_start3A_202 : memref<8xi32, #tpu.memory_space<vmem>>) semaphore(%arg9 : memref<!tpu.dma_semaphore, #tpu.memory_space<semaphore_mem>>)
    %dma_wait3A_206 = arith.constant 1 : i32
    %dma_wait3A_207 = arith.constant 0 : i32
    %dma_wait3A_208 = arith.constant 0 : i32
    %dma_wait3A_209 = tpu.memref_slice %arg6[%dma_wait3A_206, %dma_wait3A_207, %dma_wait3A_208] : memref<3x8x2048xf32, #tpu.memory_space<vmem>> -> memref<1x8x2048xf32, #tpu.memory_space<vmem>>
    %dma_wait3A_210 = tpu.memref_squeeze %dma_wait3A_209 : memref<1x8x2048xf32, #tpu.memory_space<vmem>> -> memref<8x2048xf32, #tpu.memory_space<vmem>>
    %dma_wait3A_211 = arith.constant 32 : i32
    %dma_wait3A_212 = tpu.memref_slice %arg5[%dma_wait3A_211] : memref<128xi32, #tpu.memory_space<vmem>> -> memref<8xi32, #tpu.memory_space<vmem>>
    %dma_wait3A_213 = arith.constant 0 : i32
    %dma_wait3A_214 = arith.constant 0 : i32
    %dma_wait3A_215 = tpu.memref_slice %arg2[%dma_wait3A_213, %dma_wait3A_214] : memref<4992x2048xf32, #tpu.memory_space<hbm>> -> memref<4992x2048xf32, #tpu.memory_space<hbm>>
    tpu.wait_indirect_dma semaphore(%arg8 : memref<!tpu.dma_semaphore, #tpu.memory_space<semaphore_mem>>) src(%dma_wait3A_215 : memref<4992x2048xf32, #tpu.memory_space<hbm>>) dst(%dma_wait3A_210 : memref<8x2048xf32, #tpu.memory_space<vmem>>)
    %add3A_216 = arith.constant 32 : i32
    %add3A_217 = arith.addi %mul3A_2, %add3A_216 : i32
    %dma_start3A_218 = arith.constant 1 : i32
    %dma_start3A_219 = arith.constant 0 : i32
    %dma_start3A_220 = arith.constant 0 : i32
    %dma_start3A_221 = tpu.memref_slice %arg6[%dma_start3A_218, %dma_start3A_219, %dma_start3A_220] : memref<3x8x2048xf32, #tpu.memory_space<vmem>> -> memref<1x8x2048xf32, #tpu.memory_space<vmem>>
    %dma_start3A_222 = tpu.memref_squeeze %dma_start3A_221 : memref<1x8x2048xf32, #tpu.memory_space<vmem>> -> memref<8x2048xf32, #tpu.memory_space<vmem>>
    %dma_start3A_223 = arith.constant 0 : i32
    %dma_start3A_224 = tpu.memref_slice %arg4[%add3A_217, %dma_start3A_223] : memref<4096x2048xf32, #tpu.memory_space<hbm>> -> memref<8x2048xf32, #tpu.memory_space<hbm>>
    %dma_start3A_225 = arith.constant 0 : i32
    %dma_start3A_226 = tpu.memref_slice %arg4[%add3A_217, %dma_start3A_225] : memref<4096x2048xf32, #tpu.memory_space<hbm>> -> memref<8x2048xf32, #tpu.memory_space<hbm>>
    %dma_start3A_227 = arith.constant 0 : i32
    %dma_start3A_228 = arith.constant 0 : i32
    %dma_start3A_229 = tpu.memref_slice %arg6[%dma_start3A_218, %dma_start3A_227, %dma_start3A_228] : memref<3x8x2048xf32, #tpu.memory_space<vmem>> -> memref<1x8x2048xf32, #tpu.memory_space<vmem>>
    %dma_start3A_230 = tpu.memref_squeeze %dma_start3A_229 : memref<1x8x2048xf32, #tpu.memory_space<vmem>> -> memref<8x2048xf32, #tpu.memory_space<vmem>>
    tpu.enqueue_dma source(%dma_start3A_230 : memref<8x2048xf32, #tpu.memory_space<vmem>>) target(%dma_start3A_226 : memref<8x2048xf32, #tpu.memory_space<hbm>>) target_semaphore(%arg8 : memref<!tpu.dma_semaphore, #tpu.memory_space<semaphore_mem>>)
    %add3A_231 = arith.constant 24 : i32
    %add3A_232 = arith.addi %mul3A_2, %add3A_231 : i32
    %dma_wait3A_233 = arith.constant 0 : i32
    %dma_wait3A_234 = arith.constant 0 : i32
    %dma_wait3A_235 = arith.constant 0 : i32
    %dma_wait3A_236 = tpu.memref_slice %arg6[%dma_wait3A_233, %dma_wait3A_234, %dma_wait3A_235] : memref<3x8x2048xf32, #tpu.memory_space<vmem>> -> memref<1x8x2048xf32, #tpu.memory_space<vmem>>
    %dma_wait3A_237 = tpu.memref_squeeze %dma_wait3A_236 : memref<1x8x2048xf32, #tpu.memory_space<vmem>> -> memref<8x2048xf32, #tpu.memory_space<vmem>>
    %dma_wait3A_238 = arith.constant 0 : i32
    %dma_wait3A_239 = tpu.memref_slice %arg4[%add3A_232, %dma_wait3A_238] : memref<4096x2048xf32, #tpu.memory_space<hbm>> -> memref<8x2048xf32, #tpu.memory_space<hbm>>
    %dma_wait3A_240 = arith.constant 0 : i32
    %dma_wait3A_241 = tpu.memref_slice %arg4[%add3A_232, %dma_wait3A_240] : memref<4096x2048xf32, #tpu.memory_space<hbm>> -> memref<8x2048xf32, #tpu.memory_space<hbm>>
    %dma_wait3A_242 = arith.constant 0 : i32
    %dma_wait3A_243 = arith.constant 0 : i32
    %dma_wait3A_244 = tpu.memref_slice %arg6[%dma_wait3A_233, %dma_wait3A_242, %dma_wait3A_243] : memref<3x8x2048xf32, #tpu.memory_space<vmem>> -> memref<1x8x2048xf32, #tpu.memory_space<vmem>>
    %dma_wait3A_245 = tpu.memref_squeeze %dma_wait3A_244 : memref<1x8x2048xf32, #tpu.memory_space<vmem>> -> memref<8x2048xf32, #tpu.memory_space<vmem>>
    tpu.wait_dma2 semaphore(%arg7 : memref<!tpu.dma_semaphore, #tpu.memory_space<semaphore_mem>>) src(%dma_wait3A_245 : memref<8x2048xf32, #tpu.memory_space<vmem>>) dst(%dma_wait3A_241 : memref<8x2048xf32, #tpu.memory_space<hbm>>)
    %dma_start3A_246 = arith.constant 0 : i32
    %dma_start3A_247 = arith.constant 0 : i32
    %dma_start3A_248 = arith.constant 0 : i32
    %dma_start3A_249 = tpu.memref_slice %arg6[%dma_start3A_246, %dma_start3A_247, %dma_start3A_248] : memref<3x8x2048xf32, #tpu.memory_space<vmem>> -> memref<1x8x2048xf32, #tpu.memory_space<vmem>>
    %dma_start3A_250 = tpu.memref_squeeze %dma_start3A_249 : memref<1x8x2048xf32, #tpu.memory_space<vmem>> -> memref<8x2048xf32, #tpu.memory_space<vmem>>
    %dma_start3A_251 = arith.constant 48 : i32
    %dma_start3A_252 = tpu.memref_slice %arg5[%dma_start3A_251] : memref<128xi32, #tpu.memory_space<vmem>> -> memref<8xi32, #tpu.memory_space<vmem>>
    %dma_start3A_253 = arith.constant 0 : i32
    %dma_start3A_254 = arith.constant 0 : i32
    %dma_start3A_255 = tpu.memref_slice %arg2[%dma_start3A_253, %dma_start3A_254] : memref<4992x2048xf32, #tpu.memory_space<hbm>> -> memref<4992x2048xf32, #tpu.memory_space<hbm>>
    tpu.enqueue_indirect_dma source(%dma_start3A_255 : memref<4992x2048xf32, #tpu.memory_space<hbm>>) target(%dma_start3A_250 : memref<8x2048xf32, #tpu.memory_space<vmem>>) offsets(%dma_start3A_252 : memref<8xi32, #tpu.memory_space<vmem>>) semaphore(%arg7 : memref<!tpu.dma_semaphore, #tpu.memory_space<semaphore_mem>>)
    %dma_wait3A_256 = arith.constant 2 : i32
    %dma_wait3A_257 = arith.constant 0 : i32
    %dma_wait3A_258 = arith.constant 0 : i32
    %dma_wait3A_259 = tpu.memref_slice %arg6[%dma_wait3A_256, %dma_wait3A_257, %dma_wait3A_258] : memref<3x8x2048xf32, #tpu.memory_space<vmem>> -> memref<1x8x2048xf32, #tpu.memory_space<vmem>>
    %dma_wait3A_260 = tpu.memref_squeeze %dma_wait3A_259 : memref<1x8x2048xf32, #tpu.memory_space<vmem>> -> memref<8x2048xf32, #tpu.memory_space<vmem>>
    %dma_wait3A_261 = arith.constant 40 : i32
    %dma_wait3A_262 = tpu.memref_slice %arg5[%dma_wait3A_261] : memref<128xi32, #tpu.memory_space<vmem>> -> memref<8xi32, #tpu.memory_space<vmem>>
    %dma_wait3A_263 = arith.constant 0 : i32
    %dma_wait3A_264 = arith.constant 0 : i32
    %dma_wait3A_265 = tpu.memref_slice %arg2[%dma_wait3A_263, %dma_wait3A_264] : memref<4992x2048xf32, #tpu.memory_space<hbm>> -> memref<4992x2048xf32, #tpu.memory_space<hbm>>
    tpu.wait_indirect_dma semaphore(%arg9 : memref<!tpu.dma_semaphore, #tpu.memory_space<semaphore_mem>>) src(%dma_wait3A_265 : memref<4992x2048xf32, #tpu.memory_space<hbm>>) dst(%dma_wait3A_260 : memref<8x2048xf32, #tpu.memory_space<vmem>>)
    %add3A_266 = arith.constant 40 : i32
    %add3A_267 = arith.addi %mul3A_2, %add3A_266 : i32
    %dma_start3A_268 = arith.constant 2 : i32
    %dma_start3A_269 = arith.constant 0 : i32
    %dma_start3A_270 = arith.constant 0 : i32
    %dma_start3A_271 = tpu.memref_slice %arg6[%dma_start3A_268, %dma_start3A_269, %dma_start3A_270] : memref<3x8x2048xf32, #tpu.memory_space<vmem>> -> memref<1x8x2048xf32, #tpu.memory_space<vmem>>
    %dma_start3A_272 = tpu.memref_squeeze %dma_start3A_271 : memref<1x8x2048xf32, #tpu.memory_space<vmem>> -> memref<8x2048xf32, #tpu.memory_space<vmem>>
    %dma_start3A_273 = arith.constant 0 : i32
    %dma_start3A_274 = tpu.memref_slice %arg4[%add3A_267, %dma_start3A_273] : memref<4096x2048xf32, #tpu.memory_space<hbm>> -> memref<8x2048xf32, #tpu.memory_space<hbm>>
    %dma_start3A_275 = arith.constant 0 : i32
    %dma_start3A_276 = tpu.memref_slice %arg4[%add3A_267, %dma_start3A_275] : memref<4096x2048xf32, #tpu.memory_space<hbm>> -> memref<8x2048xf32, #tpu.memory_space<hbm>>
    %dma_start3A_277 = arith.constant 0 : i32
    %dma_start3A_278 = arith.constant 0 : i32
    %dma_start3A_279 = tpu.memref_slice %arg6[%dma_start3A_268, %dma_start3A_277, %dma_start3A_278] : memref<3x8x2048xf32, #tpu.memory_space<vmem>> -> memref<1x8x2048xf32, #tpu.memory_space<vmem>>
    %dma_start3A_280 = tpu.memref_squeeze %dma_start3A_279 : memref<1x8x2048xf32, #tpu.memory_space<vmem>> -> memref<8x2048xf32, #tpu.memory_space<vmem>>
    tpu.enqueue_dma source(%dma_start3A_280 : memref<8x2048xf32, #tpu.memory_space<vmem>>) target(%dma_start3A_276 : memref<8x2048xf32, #tpu.memory_space<hbm>>) target_semaphore(%arg9 : memref<!tpu.dma_semaphore, #tpu.memory_space<semaphore_mem>>)
    %add3A_281 = arith.constant 32 : i32
    %add3A_282 = arith.addi %mul3A_2, %add3A_281 : i32
    %dma_wait3A_283 = arith.constant 1 : i32
    %dma_wait3A_284 = arith.constant 0 : i32
    %dma_wait3A_285 = arith.constant 0 : i32
    %dma_wait3A_286 = tpu.memref_slice %arg6[%dma_wait3A_283, %dma_wait3A_284, %dma_wait3A_285] : memref<3x8x2048xf32, #tpu.memory_space<vmem>> -> memref<1x8x2048xf32, #tpu.memory_space<vmem>>
    %dma_wait3A_287 = tpu.memref_squeeze %dma_wait3A_286 : memref<1x8x2048xf32, #tpu.memory_space<vmem>> -> memref<8x2048xf32, #tpu.memory_space<vmem>>
    %dma_wait3A_288 = arith.constant 0 : i32
    %dma_wait3A_289 = tpu.memref_slice %arg4[%add3A_282, %dma_wait3A_288] : memref<4096x2048xf32, #tpu.memory_space<hbm>> -> memref<8x2048xf32, #tpu.memory_space<hbm>>
    %dma_wait3A_290 = arith.constant 0 : i32
    %dma_wait3A_291 = tpu.memref_slice %arg4[%add3A_282, %dma_wait3A_290] : memref<4096x2048xf32, #tpu.memory_space<hbm>> -> memref<8x2048xf32, #tpu.memory_space<hbm>>
    %dma_wait3A_292 = arith.constant 0 : i32
    %dma_wait3A_293 = arith.constant 0 : i32
    %dma_wait3A_294 = tpu.memref_slice %arg6[%dma_wait3A_283, %dma_wait3A_292, %dma_wait3A_293] : memref<3x8x2048xf32, #tpu.memory_space<vmem>> -> memref<1x8x2048xf32, #tpu.memory_space<vmem>>
    %dma_wait3A_295 = tpu.memref_squeeze %dma_wait3A_294 : memref<1x8x2048xf32, #tpu.memory_space<vmem>> -> memref<8x2048xf32, #tpu.memory_space<vmem>>
    tpu.wait_dma2 semaphore(%arg8 : memref<!tpu.dma_semaphore, #tpu.memory_space<semaphore_mem>>) src(%dma_wait3A_295 : memref<8x2048xf32, #tpu.memory_space<vmem>>) dst(%dma_wait3A_291 : memref<8x2048xf32, #tpu.memory_space<hbm>>)
    %dma_start3A_296 = arith.constant 1 : i32
    %dma_start3A_297 = arith.constant 0 : i32
    %dma_start3A_298 = arith.constant 0 : i32
    %dma_start3A_299 = tpu.memref_slice %arg6[%dma_start3A_296, %dma_start3A_297, %dma_start3A_298] : memref<3x8x2048xf32, #tpu.memory_space<vmem>> -> memref<1x8x2048xf32, #tpu.memory_space<vmem>>
    %dma_start3A_300 = tpu.memref_squeeze %dma_start3A_299 : memref<1x8x2048xf32, #tpu.memory_space<vmem>> -> memref<8x2048xf32, #tpu.memory_space<vmem>>
    %dma_start3A_301 = arith.constant 56 : i32
    %dma_start3A_302 = tpu.memref_slice %arg5[%dma_start3A_301] : memref<128xi32, #tpu.memory_space<vmem>> -> memref<8xi32, #tpu.memory_space<vmem>>
    %dma_start3A_303 = arith.constant 0 : i32
    %dma_start3A_304 = arith.constant 0 : i32
    %dma_start3A_305 = tpu.memref_slice %arg2[%dma_start3A_303, %dma_start3A_304] : memref<4992x2048xf32, #tpu.memory_space<hbm>> -> memref<4992x2048xf32, #tpu.memory_space<hbm>>
    tpu.enqueue_indirect_dma source(%dma_start3A_305 : memref<4992x2048xf32, #tpu.memory_space<hbm>>) target(%dma_start3A_300 : memref<8x2048xf32, #tpu.memory_space<vmem>>) offsets(%dma_start3A_302 : memref<8xi32, #tpu.memory_space<vmem>>) semaphore(%arg8 : memref<!tpu.dma_semaphore, #tpu.memory_space<semaphore_mem>>)
    %dma_wait3A_306 = arith.constant 0 : i32
    %dma_wait3A_307 = arith.constant 0 : i32
    %dma_wait3A_308 = arith.constant 0 : i32
    %dma_wait3A_309 = tpu.memref_slice %arg6[%dma_wait3A_306, %dma_wait3A_307, %dma_wait3A_308] : memref<3x8x2048xf32, #tpu.memory_space<vmem>> -> memref<1x8x2048xf32, #tpu.memory_space<vmem>>
    %dma_wait3A_310 = tpu.memref_squeeze %dma_wait3A_309 : memref<1x8x2048xf32, #tpu.memory_space<vmem>> -> memref<8x2048xf32, #tpu.memory_space<vmem>>
    %dma_wait3A_311 = arith.constant 48 : i32
    %dma_wait3A_312 = tpu.memref_slice %arg5[%dma_wait3A_311] : memref<128xi32, #tpu.memory_space<vmem>> -> memref<8xi32, #tpu.memory_space<vmem>>
    %dma_wait3A_313 = arith.constant 0 : i32
    %dma_wait3A_314 = arith.constant 0 : i32
    %dma_wait3A_315 = tpu.memref_slice %arg2[%dma_wait3A_313, %dma_wait3A_314] : memref<4992x2048xf32, #tpu.memory_space<hbm>> -> memref<4992x2048xf32, #tpu.memory_space<hbm>>
    tpu.wait_indirect_dma semaphore(%arg7 : memref<!tpu.dma_semaphore, #tpu.memory_space<semaphore_mem>>) src(%dma_wait3A_315 : memref<4992x2048xf32, #tpu.memory_space<hbm>>) dst(%dma_wait3A_310 : memref<8x2048xf32, #tpu.memory_space<vmem>>)
    %add3A_316 = arith.constant 48 : i32
    %add3A_317 = arith.addi %mul3A_2, %add3A_316 : i32
    %dma_start3A_318 = arith.constant 0 : i32
    %dma_start3A_319 = arith.constant 0 : i32
    %dma_start3A_320 = arith.constant 0 : i32
    %dma_start3A_321 = tpu.memref_slice %arg6[%dma_start3A_318, %dma_start3A_319, %dma_start3A_320] : memref<3x8x2048xf32, #tpu.memory_space<vmem>> -> memref<1x8x2048xf32, #tpu.memory_space<vmem>>
    %dma_start3A_322 = tpu.memref_squeeze %dma_start3A_321 : memref<1x8x2048xf32, #tpu.memory_space<vmem>> -> memref<8x2048xf32, #tpu.memory_space<vmem>>
    %dma_start3A_323 = arith.constant 0 : i32
    %dma_start3A_324 = tpu.memref_slice %arg4[%add3A_317, %dma_start3A_323] : memref<4096x2048xf32, #tpu.memory_space<hbm>> -> memref<8x2048xf32, #tpu.memory_space<hbm>>
    %dma_start3A_325 = arith.constant 0 : i32
    %dma_start3A_326 = tpu.memref_slice %arg4[%add3A_317, %dma_start3A_325] : memref<4096x2048xf32, #tpu.memory_space<hbm>> -> memref<8x2048xf32, #tpu.memory_space<hbm>>
    %dma_start3A_327 = arith.constant 0 : i32
    %dma_start3A_328 = arith.constant 0 : i32
    %dma_start3A_329 = tpu.memref_slice %arg6[%dma_start3A_318, %dma_start3A_327, %dma_start3A_328] : memref<3x8x2048xf32, #tpu.memory_space<vmem>> -> memref<1x8x2048xf32, #tpu.memory_space<vmem>>
    %dma_start3A_330 = tpu.memref_squeeze %dma_start3A_329 : memref<1x8x2048xf32, #tpu.memory_space<vmem>> -> memref<8x2048xf32, #tpu.memory_space<vmem>>
    tpu.enqueue_dma source(%dma_start3A_330 : memref<8x2048xf32, #tpu.memory_space<vmem>>) target(%dma_start3A_326 : memref<8x2048xf32, #tpu.memory_space<hbm>>) target_semaphore(%arg7 : memref<!tpu.dma_semaphore, #tpu.memory_space<semaphore_mem>>)
    %add3A_331 = arith.constant 40 : i32
    %add3A_332 = arith.addi %mul3A_2, %add3A_331 : i32
    %dma_wait3A_333 = arith.constant 2 : i32
    %dma_wait3A_334 = arith.constant 0 : i32
    %dma_wait3A_335 = arith.constant 0 : i32
    %dma_wait3A_336 = tpu.memref_slice %arg6[%dma_wait3A_333, %dma_wait3A_334, %dma_wait3A_335] : memref<3x8x2048xf32, #tpu.memory_space<vmem>> -> memref<1x8x2048xf32, #tpu.memory_space<vmem>>
    %dma_wait3A_337 = tpu.memref_squeeze %dma_wait3A_336 : memref<1x8x2048xf32, #tpu.memory_space<vmem>> -> memref<8x2048xf32, #tpu.memory_space<vmem>>
    %dma_wait3A_338 = arith.constant 0 : i32
    %dma_wait3A_339 = tpu.memref_slice %arg4[%add3A_332, %dma_wait3A_338] : memref<4096x2048xf32, #tpu.memory_space<hbm>> -> memref<8x2048xf32, #tpu.memory_space<hbm>>
    %dma_wait3A_340 = arith.constant 0 : i32
    %dma_wait3A_341 = tpu.memref_slice %arg4[%add3A_332, %dma_wait3A_340] : memref<4096x2048xf32, #tpu.memory_space<hbm>> -> memref<8x2048xf32, #tpu.memory_space<hbm>>
    %dma_wait3A_342 = arith.constant 0 : i32
    %dma_wait3A_343 = arith.constant 0 : i32
    %dma_wait3A_344 = tpu.memref_slice %arg6[%dma_wait3A_333, %dma_wait3A_342, %dma_wait3A_343] : memref<3x8x2048xf32, #tpu.memory_space<vmem>> -> memref<1x8x2048xf32, #tpu.memory_space<vmem>>
    %dma_wait3A_345 = tpu.memref_squeeze %dma_wait3A_344 : memref<1x8x2048xf32, #tpu.memory_space<vmem>> -> memref<8x2048xf32, #tpu.memory_space<vmem>>
    tpu.wait_dma2 semaphore(%arg9 : memref<!tpu.dma_semaphore, #tpu.memory_space<semaphore_mem>>) src(%dma_wait3A_345 : memref<8x2048xf32, #tpu.memory_space<vmem>>) dst(%dma_wait3A_341 : memref<8x2048xf32, #tpu.memory_space<hbm>>)
    %dma_start3A_346 = arith.constant 2 : i32
    %dma_start3A_347 = arith.constant 0 : i32
    %dma_start3A_348 = arith.constant 0 : i32
    %dma_start3A_349 = tpu.memref_slice %arg6[%dma_start3A_346, %dma_start3A_347, %dma_start3A_348] : memref<3x8x2048xf32, #tpu.memory_space<vmem>> -> memref<1x8x2048xf32, #tpu.memory_space<vmem>>
    %dma_start3A_350 = tpu.memref_squeeze %dma_start3A_349 : memref<1x8x2048xf32, #tpu.memory_space<vmem>> -> memref<8x2048xf32, #tpu.memory_space<vmem>>
    %dma_start3A_351 = arith.constant 64 : i32
    %dma_start3A_352 = tpu.memref_slice %arg5[%dma_start3A_351] : memref<128xi32, #tpu.memory_space<vmem>> -> memref<8xi32, #tpu.memory_space<vmem>>
    %dma_start3A_353 = arith.constant 0 : i32
    %dma_start3A_354 = arith.constant 0 : i32
    %dma_start3A_355 = tpu.memref_slice %arg2[%dma_start3A_353, %dma_start3A_354] : memref<4992x2048xf32, #tpu.memory_space<hbm>> -> memref<4992x2048xf32, #tpu.memory_space<hbm>>
    tpu.enqueue_indirect_dma source(%dma_start3A_355 : memref<4992x2048xf32, #tpu.memory_space<hbm>>) target(%dma_start3A_350 : memref<8x2048xf32, #tpu.memory_space<vmem>>) offsets(%dma_start3A_352 : memref<8xi32, #tpu.memory_space<vmem>>) semaphore(%arg9 : memref<!tpu.dma_semaphore, #tpu.memory_space<semaphore_mem>>)
    %dma_wait3A_356 = arith.constant 1 : i32
    %dma_wait3A_357 = arith.constant 0 : i32
    %dma_wait3A_358 = arith.constant 0 : i32
    %dma_wait3A_359 = tpu.memref_slice %arg6[%dma_wait3A_356, %dma_wait3A_357, %dma_wait3A_358] : memref<3x8x2048xf32, #tpu.memory_space<vmem>> -> memref<1x8x2048xf32, #tpu.memory_space<vmem>>
    %dma_wait3A_360 = tpu.memref_squeeze %dma_wait3A_359 : memref<1x8x2048xf32, #tpu.memory_space<vmem>> -> memref<8x2048xf32, #tpu.memory_space<vmem>>
    %dma_wait3A_361 = arith.constant 56 : i32
    %dma_wait3A_362 = tpu.memref_slice %arg5[%dma_wait3A_361] : memref<128xi32, #tpu.memory_space<vmem>> -> memref<8xi32, #tpu.memory_space<vmem>>
    %dma_wait3A_363 = arith.constant 0 : i32
    %dma_wait3A_364 = arith.constant 0 : i32
    %dma_wait3A_365 = tpu.memref_slice %arg2[%dma_wait3A_363, %dma_wait3A_364] : memref<4992x2048xf32, #tpu.memory_space<hbm>> -> memref<4992x2048xf32, #tpu.memory_space<hbm>>
    tpu.wait_indirect_dma semaphore(%arg8 : memref<!tpu.dma_semaphore, #tpu.memory_space<semaphore_mem>>) src(%dma_wait3A_365 : memref<4992x2048xf32, #tpu.memory_space<hbm>>) dst(%dma_wait3A_360 : memref<8x2048xf32, #tpu.memory_space<vmem>>)
    %add3A_366 = arith.constant 56 : i32
    %add3A_367 = arith.addi %mul3A_2, %add3A_366 : i32
    %dma_start3A_368 = arith.constant 1 : i32
    %dma_start3A_369 = arith.constant 0 : i32
    %dma_start3A_370 = arith.constant 0 : i32
    %dma_start3A_371 = tpu.memref_slice %arg6[%dma_start3A_368, %dma_start3A_369, %dma_start3A_370] : memref<3x8x2048xf32, #tpu.memory_space<vmem>> -> memref<1x8x2048xf32, #tpu.memory_space<vmem>>
    %dma_start3A_372 = tpu.memref_squeeze %dma_start3A_371 : memref<1x8x2048xf32, #tpu.memory_space<vmem>> -> memref<8x2048xf32, #tpu.memory_space<vmem>>
    %dma_start3A_373 = arith.constant 0 : i32
    %dma_start3A_374 = tpu.memref_slice %arg4[%add3A_367, %dma_start3A_373] : memref<4096x2048xf32, #tpu.memory_space<hbm>> -> memref<8x2048xf32, #tpu.memory_space<hbm>>
    %dma_start3A_375 = arith.constant 0 : i32
    %dma_start3A_376 = tpu.memref_slice %arg4[%add3A_367, %dma_start3A_375] : memref<4096x2048xf32, #tpu.memory_space<hbm>> -> memref<8x2048xf32, #tpu.memory_space<hbm>>
    %dma_start3A_377 = arith.constant 0 : i32
    %dma_start3A_378 = arith.constant 0 : i32
    %dma_start3A_379 = tpu.memref_slice %arg6[%dma_start3A_368, %dma_start3A_377, %dma_start3A_378] : memref<3x8x2048xf32, #tpu.memory_space<vmem>> -> memref<1x8x2048xf32, #tpu.memory_space<vmem>>
    %dma_start3A_380 = tpu.memref_squeeze %dma_start3A_379 : memref<1x8x2048xf32, #tpu.memory_space<vmem>> -> memref<8x2048xf32, #tpu.memory_space<vmem>>
    tpu.enqueue_dma source(%dma_start3A_380 : memref<8x2048xf32, #tpu.memory_space<vmem>>) target(%dma_start3A_376 : memref<8x2048xf32, #tpu.memory_space<hbm>>) target_semaphore(%arg8 : memref<!tpu.dma_semaphore, #tpu.memory_space<semaphore_mem>>)
    %add3A_381 = arith.constant 48 : i32
    %add3A_382 = arith.addi %mul3A_2, %add3A_381 : i32
    %dma_wait3A_383 = arith.constant 0 : i32
    %dma_wait3A_384 = arith.constant 0 : i32
    %dma_wait3A_385 = arith.constant 0 : i32
    %dma_wait3A_386 = tpu.memref_slice %arg6[%dma_wait3A_383, %dma_wait3A_384, %dma_wait3A_385] : memref<3x8x2048xf32, #tpu.memory_space<vmem>> -> memref<1x8x2048xf32, #tpu.memory_space<vmem>>
    %dma_wait3A_387 = tpu.memref_squeeze %dma_wait3A_386 : memref<1x8x2048xf32, #tpu.memory_space<vmem>> -> memref<8x2048xf32, #tpu.memory_space<vmem>>
    %dma_wait3A_388 = arith.constant 0 : i32
    %dma_wait3A_389 = tpu.memref_slice %arg4[%add3A_382, %dma_wait3A_388] : memref<4096x2048xf32, #tpu.memory_space<hbm>> -> memref<8x2048xf32, #tpu.memory_space<hbm>>
    %dma_wait3A_390 = arith.constant 0 : i32
    %dma_wait3A_391 = tpu.memref_slice %arg4[%add3A_382, %dma_wait3A_390] : memref<4096x2048xf32, #tpu.memory_space<hbm>> -> memref<8x2048xf32, #tpu.memory_space<hbm>>
    %dma_wait3A_392 = arith.constant 0 : i32
    %dma_wait3A_393 = arith.constant 0 : i32
    %dma_wait3A_394 = tpu.memref_slice %arg6[%dma_wait3A_383, %dma_wait3A_392, %dma_wait3A_393] : memref<3x8x2048xf32, #tpu.memory_space<vmem>> -> memref<1x8x2048xf32, #tpu.memory_space<vmem>>
    %dma_wait3A_395 = tpu.memref_squeeze %dma_wait3A_394 : memref<1x8x2048xf32, #tpu.memory_space<vmem>> -> memref<8x2048xf32, #tpu.memory_space<vmem>>
    tpu.wait_dma2 semaphore(%arg7 : memref<!tpu.dma_semaphore, #tpu.memory_space<semaphore_mem>>) src(%dma_wait3A_395 : memref<8x2048xf32, #tpu.memory_space<vmem>>) dst(%dma_wait3A_391 : memref<8x2048xf32, #tpu.memory_space<hbm>>)
    %dma_start3A_396 = arith.constant 0 : i32
    %dma_start3A_397 = arith.constant 0 : i32
    %dma_start3A_398 = arith.constant 0 : i32
    %dma_start3A_399 = tpu.memref_slice %arg6[%dma_start3A_396, %dma_start3A_397, %dma_start3A_398] : memref<3x8x2048xf32, #tpu.memory_space<vmem>> -> memref<1x8x2048xf32, #tpu.memory_space<vmem>>
    %dma_start3A_400 = tpu.memref_squeeze %dma_start3A_399 : memref<1x8x2048xf32, #tpu.memory_space<vmem>> -> memref<8x2048xf32, #tpu.memory_space<vmem>>
    %dma_start3A_401 = arith.constant 72 : i32
    %dma_start3A_402 = tpu.memref_slice %arg5[%dma_start3A_401] : memref<128xi32, #tpu.memory_space<vmem>> -> memref<8xi32, #tpu.memory_space<vmem>>
    %dma_start3A_403 = arith.constant 0 : i32
    %dma_start3A_404 = arith.constant 0 : i32
    %dma_start3A_405 = tpu.memref_slice %arg2[%dma_start3A_403, %dma_start3A_404] : memref<4992x2048xf32, #tpu.memory_space<hbm>> -> memref<4992x2048xf32, #tpu.memory_space<hbm>>
    tpu.enqueue_indirect_dma source(%dma_start3A_405 : memref<4992x2048xf32, #tpu.memory_space<hbm>>) target(%dma_start3A_400 : memref<8x2048xf32, #tpu.memory_space<vmem>>) offsets(%dma_start3A_402 : memref<8xi32, #tpu.memory_space<vmem>>) semaphore(%arg7 : memref<!tpu.dma_semaphore, #tpu.memory_space<semaphore_mem>>)
    %dma_wait3A_406 = arith.constant 2 : i32
    %dma_wait3A_407 = arith.constant 0 : i32
    %dma_wait3A_408 = arith.constant 0 : i32
    %dma_wait3A_409 = tpu.memref_slice %arg6[%dma_wait3A_406, %dma_wait3A_407, %dma_wait3A_408] : memref<3x8x2048xf32, #tpu.memory_space<vmem>> -> memref<1x8x2048xf32, #tpu.memory_space<vmem>>
    %dma_wait3A_410 = tpu.memref_squeeze %dma_wait3A_409 : memref<1x8x2048xf32, #tpu.memory_space<vmem>> -> memref<8x2048xf32, #tpu.memory_space<vmem>>
    %dma_wait3A_411 = arith.constant 64 : i32
    %dma_wait3A_412 = tpu.memref_slice %arg5[%dma_wait3A_411] : memref<128xi32, #tpu.memory_space<vmem>> -> memref<8xi32, #tpu.memory_space<vmem>>
    %dma_wait3A_413 = arith.constant 0 : i32
    %dma_wait3A_414 = arith.constant 0 : i32
    %dma_wait3A_415 = tpu.memref_slice %arg2[%dma_wait3A_413, %dma_wait3A_414] : memref<4992x2048xf32, #tpu.memory_space<hbm>> -> memref<4992x2048xf32, #tpu.memory_space<hbm>>
    tpu.wait_indirect_dma semaphore(%arg9 : memref<!tpu.dma_semaphore, #tpu.memory_space<semaphore_mem>>) src(%dma_wait3A_415 : memref<4992x2048xf32, #tpu.memory_space<hbm>>) dst(%dma_wait3A_410 : memref<8x2048xf32, #tpu.memory_space<vmem>>)
    %add3A_416 = arith.constant 64 : i32
    %add3A_417 = arith.addi %mul3A_2, %add3A_416 : i32
    %dma_start3A_418 = arith.constant 2 : i32
    %dma_start3A_419 = arith.constant 0 : i32
    %dma_start3A_420 = arith.constant 0 : i32
    %dma_start3A_421 = tpu.memref_slice %arg6[%dma_start3A_418, %dma_start3A_419, %dma_start3A_420] : memref<3x8x2048xf32, #tpu.memory_space<vmem>> -> memref<1x8x2048xf32, #tpu.memory_space<vmem>>
    %dma_start3A_422 = tpu.memref_squeeze %dma_start3A_421 : memref<1x8x2048xf32, #tpu.memory_space<vmem>> -> memref<8x2048xf32, #tpu.memory_space<vmem>>
    %dma_start3A_423 = arith.constant 0 : i32
    %dma_start3A_424 = tpu.memref_slice %arg4[%add3A_417, %dma_start3A_423] : memref<4096x2048xf32, #tpu.memory_space<hbm>> -> memref<8x2048xf32, #tpu.memory_space<hbm>>
    %dma_start3A_425 = arith.constant 0 : i32
    %dma_start3A_426 = tpu.memref_slice %arg4[%add3A_417, %dma_start3A_425] : memref<4096x2048xf32, #tpu.memory_space<hbm>> -> memref<8x2048xf32, #tpu.memory_space<hbm>>
    %dma_start3A_427 = arith.constant 0 : i32
    %dma_start3A_428 = arith.constant 0 : i32
    %dma_start3A_429 = tpu.memref_slice %arg6[%dma_start3A_418, %dma_start3A_427, %dma_start3A_428] : memref<3x8x2048xf32, #tpu.memory_space<vmem>> -> memref<1x8x2048xf32, #tpu.memory_space<vmem>>
    %dma_start3A_430 = tpu.memref_squeeze %dma_start3A_429 : memref<1x8x2048xf32, #tpu.memory_space<vmem>> -> memref<8x2048xf32, #tpu.memory_space<vmem>>
    tpu.enqueue_dma source(%dma_start3A_430 : memref<8x2048xf32, #tpu.memory_space<vmem>>) target(%dma_start3A_426 : memref<8x2048xf32, #tpu.memory_space<hbm>>) target_semaphore(%arg9 : memref<!tpu.dma_semaphore, #tpu.memory_space<semaphore_mem>>)
    %add3A_431 = arith.constant 56 : i32
    %add3A_432 = arith.addi %mul3A_2, %add3A_431 : i32
    %dma_wait3A_433 = arith.constant 1 : i32
    %dma_wait3A_434 = arith.constant 0 : i32
    %dma_wait3A_435 = arith.constant 0 : i32
    %dma_wait3A_436 = tpu.memref_slice %arg6[%dma_wait3A_433, %dma_wait3A_434, %dma_wait3A_435] : memref<3x8x2048xf32, #tpu.memory_space<vmem>> -> memref<1x8x2048xf32, #tpu.memory_space<vmem>>
    %dma_wait3A_437 = tpu.memref_squeeze %dma_wait3A_436 : memref<1x8x2048xf32, #tpu.memory_space<vmem>> -> memref<8x2048xf32, #tpu.memory_space<vmem>>
    %dma_wait3A_438 = arith.constant 0 : i32
    %dma_wait3A_439 = tpu.memref_slice %arg4[%add3A_432, %dma_wait3A_438] : memref<4096x2048xf32, #tpu.memory_space<hbm>> -> memref<8x2048xf32, #tpu.memory_space<hbm>>
    %dma_wait3A_440 = arith.constant 0 : i32
    %dma_wait3A_441 = tpu.memref_slice %arg4[%add3A_432, %dma_wait3A_440] : memref<4096x2048xf32, #tpu.memory_space<hbm>> -> memref<8x2048xf32, #tpu.memory_space<hbm>>
    %dma_wait3A_442 = arith.constant 0 : i32
    %dma_wait3A_443 = arith.constant 0 : i32
    %dma_wait3A_444 = tpu.memref_slice %arg6[%dma_wait3A_433, %dma_wait3A_442, %dma_wait3A_443] : memref<3x8x2048xf32, #tpu.memory_space<vmem>> -> memref<1x8x2048xf32, #tpu.memory_space<vmem>>
    %dma_wait3A_445 = tpu.memref_squeeze %dma_wait3A_444 : memref<1x8x2048xf32, #tpu.memory_space<vmem>> -> memref<8x2048xf32, #tpu.memory_space<vmem>>
    tpu.wait_dma2 semaphore(%arg8 : memref<!tpu.dma_semaphore, #tpu.memory_space<semaphore_mem>>) src(%dma_wait3A_445 : memref<8x2048xf32, #tpu.memory_space<vmem>>) dst(%dma_wait3A_441 : memref<8x2048xf32, #tpu.memory_space<hbm>>)
    %dma_start3A_446 = arith.constant 1 : i32
    %dma_start3A_447 = arith.constant 0 : i32
    %dma_start3A_448 = arith.constant 0 : i32
    %dma_start3A_449 = tpu.memref_slice %arg6[%dma_start3A_446, %dma_start3A_447, %dma_start3A_448] : memref<3x8x2048xf32, #tpu.memory_space<vmem>> -> memref<1x8x2048xf32, #tpu.memory_space<vmem>>
    %dma_start3A_450 = tpu.memref_squeeze %dma_start3A_449 : memref<1x8x2048xf32, #tpu.memory_space<vmem>> -> memref<8x2048xf32, #tpu.memory_space<vmem>>
    %dma_start3A_451 = arith.constant 80 : i32
    %dma_start3A_452 = tpu.memref_slice %arg5[%dma_start3A_451] : memref<128xi32, #tpu.memory_space<vmem>> -> memref<8xi32, #tpu.memory_space<vmem>>
    %dma_start3A_453 = arith.constant 0 : i32
    %dma_start3A_454 = arith.constant 0 : i32
    %dma_start3A_455 = tpu.memref_slice %arg2[%dma_start3A_453, %dma_start3A_454] : memref<4992x2048xf32, #tpu.memory_space<hbm>> -> memref<4992x2048xf32, #tpu.memory_space<hbm>>
    tpu.enqueue_indirect_dma source(%dma_start3A_455 : memref<4992x2048xf32, #tpu.memory_space<hbm>>) target(%dma_start3A_450 : memref<8x2048xf32, #tpu.memory_space<vmem>>) offsets(%dma_start3A_452 : memref<8xi32, #tpu.memory_space<vmem>>) semaphore(%arg8 : memref<!tpu.dma_semaphore, #tpu.memory_space<semaphore_mem>>)
    %dma_wait3A_456 = arith.constant 0 : i32
    %dma_wait3A_457 = arith.constant 0 : i32
    %dma_wait3A_458 = arith.constant 0 : i32
    %dma_wait3A_459 = tpu.memref_slice %arg6[%dma_wait3A_456, %dma_wait3A_457, %dma_wait3A_458] : memref<3x8x2048xf32, #tpu.memory_space<vmem>> -> memref<1x8x2048xf32, #tpu.memory_space<vmem>>
    %dma_wait3A_460 = tpu.memref_squeeze %dma_wait3A_459 : memref<1x8x2048xf32, #tpu.memory_space<vmem>> -> memref<8x2048xf32, #tpu.memory_space<vmem>>
    %dma_wait3A_461 = arith.constant 72 : i32
    %dma_wait3A_462 = tpu.memref_slice %arg5[%dma_wait3A_461] : memref<128xi32, #tpu.memory_space<vmem>> -> memref<8xi32, #tpu.memory_space<vmem>>
    %dma_wait3A_463 = arith.constant 0 : i32
    %dma_wait3A_464 = arith.constant 0 : i32
    %dma_wait3A_465 = tpu.memref_slice %arg2[%dma_wait3A_463, %dma_wait3A_464] : memref<4992x2048xf32, #tpu.memory_space<hbm>> -> memref<4992x2048xf32, #tpu.memory_space<hbm>>
    tpu.wait_indirect_dma semaphore(%arg7 : memref<!tpu.dma_semaphore, #tpu.memory_space<semaphore_mem>>) src(%dma_wait3A_465 : memref<4992x2048xf32, #tpu.memory_space<hbm>>) dst(%dma_wait3A_460 : memref<8x2048xf32, #tpu.memory_space<vmem>>)
    %add3A_466 = arith.constant 72 : i32
    %add3A_467 = arith.addi %mul3A_2, %add3A_466 : i32
    %dma_start3A_468 = arith.constant 0 : i32
    %dma_start3A_469 = arith.constant 0 : i32
    %dma_start3A_470 = arith.constant 0 : i32
    %dma_start3A_471 = tpu.memref_slice %arg6[%dma_start3A_468, %dma_start3A_469, %dma_start3A_470] : memref<3x8x2048xf32, #tpu.memory_space<vmem>> -> memref<1x8x2048xf32, #tpu.memory_space<vmem>>
    %dma_start3A_472 = tpu.memref_squeeze %dma_start3A_471 : memref<1x8x2048xf32, #tpu.memory_space<vmem>> -> memref<8x2048xf32, #tpu.memory_space<vmem>>
    %dma_start3A_473 = arith.constant 0 : i32
    %dma_start3A_474 = tpu.memref_slice %arg4[%add3A_467, %dma_start3A_473] : memref<4096x2048xf32, #tpu.memory_space<hbm>> -> memref<8x2048xf32, #tpu.memory_space<hbm>>
    %dma_start3A_475 = arith.constant 0 : i32
    %dma_start3A_476 = tpu.memref_slice %arg4[%add3A_467, %dma_start3A_475] : memref<4096x2048xf32, #tpu.memory_space<hbm>> -> memref<8x2048xf32, #tpu.memory_space<hbm>>
    %dma_start3A_477 = arith.constant 0 : i32
    %dma_start3A_478 = arith.constant 0 : i32
    %dma_start3A_479 = tpu.memref_slice %arg6[%dma_start3A_468, %dma_start3A_477, %dma_start3A_478] : memref<3x8x2048xf32, #tpu.memory_space<vmem>> -> memref<1x8x2048xf32, #tpu.memory_space<vmem>>
    %dma_start3A_480 = tpu.memref_squeeze %dma_start3A_479 : memref<1x8x2048xf32, #tpu.memory_space<vmem>> -> memref<8x2048xf32, #tpu.memory_space<vmem>>
    tpu.enqueue_dma source(%dma_start3A_480 : memref<8x2048xf32, #tpu.memory_space<vmem>>) target(%dma_start3A_476 : memref<8x2048xf32, #tpu.memory_space<hbm>>) target_semaphore(%arg7 : memref<!tpu.dma_semaphore, #tpu.memory_space<semaphore_mem>>)
    %add3A_481 = arith.constant 64 : i32
    %add3A_482 = arith.addi %mul3A_2, %add3A_481 : i32
    %dma_wait3A_483 = arith.constant 2 : i32
    %dma_wait3A_484 = arith.constant 0 : i32
    %dma_wait3A_485 = arith.constant 0 : i32
    %dma_wait3A_486 = tpu.memref_slice %arg6[%dma_wait3A_483, %dma_wait3A_484, %dma_wait3A_485] : memref<3x8x2048xf32, #tpu.memory_space<vmem>> -> memref<1x8x2048xf32, #tpu.memory_space<vmem>>
    %dma_wait3A_487 = tpu.memref_squeeze %dma_wait3A_486 : memref<1x8x2048xf32, #tpu.memory_space<vmem>> -> memref<8x2048xf32, #tpu.memory_space<vmem>>
    %dma_wait3A_488 = arith.constant 0 : i32
    %dma_wait3A_489 = tpu.memref_slice %arg4[%add3A_482, %dma_wait3A_488] : memref<4096x2048xf32, #tpu.memory_space<hbm>> -> memref<8x2048xf32, #tpu.memory_space<hbm>>
    %dma_wait3A_490 = arith.constant 0 : i32
    %dma_wait3A_491 = tpu.memref_slice %arg4[%add3A_482, %dma_wait3A_490] : memref<4096x2048xf32, #tpu.memory_space<hbm>> -> memref<8x2048xf32, #tpu.memory_space<hbm>>
    %dma_wait3A_492 = arith.constant 0 : i32
    %dma_wait3A_493 = arith.constant 0 : i32
    %dma_wait3A_494 = tpu.memref_slice %arg6[%dma_wait3A_483, %dma_wait3A_492, %dma_wait3A_493] : memref<3x8x2048xf32, #tpu.memory_space<vmem>> -> memref<1x8x2048xf32, #tpu.memory_space<vmem>>
    %dma_wait3A_495 = tpu.memref_squeeze %dma_wait3A_494 : memref<1x8x2048xf32, #tpu.memory_space<vmem>> -> memref<8x2048xf32, #tpu.memory_space<vmem>>
    tpu.wait_dma2 semaphore(%arg9 : memref<!tpu.dma_semaphore, #tpu.memory_space<semaphore_mem>>) src(%dma_wait3A_495 : memref<8x2048xf32, #tpu.memory_space<vmem>>) dst(%dma_wait3A_491 : memref<8x2048xf32, #tpu.memory_space<hbm>>)
    %dma_start3A_496 = arith.constant 2 : i32
    %dma_start3A_497 = arith.constant 0 : i32
    %dma_start3A_498 = arith.constant 0 : i32
    %dma_start3A_499 = tpu.memref_slice %arg6[%dma_start3A_496, %dma_start3A_497, %dma_start3A_498] : memref<3x8x2048xf32, #tpu.memory_space<vmem>> -> memref<1x8x2048xf32, #tpu.memory_space<vmem>>
    %dma_start3A_500 = tpu.memref_squeeze %dma_start3A_499 : memref<1x8x2048xf32, #tpu.memory_space<vmem>> -> memref<8x2048xf32, #tpu.memory_space<vmem>>
    %dma_start3A_501 = arith.constant 88 : i32
    %dma_start3A_502 = tpu.memref_slice %arg5[%dma_start3A_501] : memref<128xi32, #tpu.memory_space<vmem>> -> memref<8xi32, #tpu.memory_space<vmem>>
    %dma_start3A_503 = arith.constant 0 : i32
    %dma_start3A_504 = arith.constant 0 : i32
    %dma_start3A_505 = tpu.memref_slice %arg2[%dma_start3A_503, %dma_start3A_504] : memref<4992x2048xf32, #tpu.memory_space<hbm>> -> memref<4992x2048xf32, #tpu.memory_space<hbm>>
    tpu.enqueue_indirect_dma source(%dma_start3A_505 : memref<4992x2048xf32, #tpu.memory_space<hbm>>) target(%dma_start3A_500 : memref<8x2048xf32, #tpu.memory_space<vmem>>) offsets(%dma_start3A_502 : memref<8xi32, #tpu.memory_space<vmem>>) semaphore(%arg9 : memref<!tpu.dma_semaphore, #tpu.memory_space<semaphore_mem>>)
    %dma_wait3A_506 = arith.constant 1 : i32
    %dma_wait3A_507 = arith.constant 0 : i32
    %dma_wait3A_508 = arith.constant 0 : i32
    %dma_wait3A_509 = tpu.memref_slice %arg6[%dma_wait3A_506, %dma_wait3A_507, %dma_wait3A_508] : memref<3x8x2048xf32, #tpu.memory_space<vmem>> -> memref<1x8x2048xf32, #tpu.memory_space<vmem>>
    %dma_wait3A_510 = tpu.memref_squeeze %dma_wait3A_509 : memref<1x8x2048xf32, #tpu.memory_space<vmem>> -> memref<8x2048xf32, #tpu.memory_space<vmem>>
    %dma_wait3A_511 = arith.constant 80 : i32
    %dma_wait3A_512 = tpu.memref_slice %arg5[%dma_wait3A_511] : memref<128xi32, #tpu.memory_space<vmem>> -> memref<8xi32, #tpu.memory_space<vmem>>
    %dma_wait3A_513 = arith.constant 0 : i32
    %dma_wait3A_514 = arith.constant 0 : i32
    %dma_wait3A_515 = tpu.memref_slice %arg2[%dma_wait3A_513, %dma_wait3A_514] : memref<4992x2048xf32, #tpu.memory_space<hbm>> -> memref<4992x2048xf32, #tpu.memory_space<hbm>>
    tpu.wait_indirect_dma semaphore(%arg8 : memref<!tpu.dma_semaphore, #tpu.memory_space<semaphore_mem>>) src(%dma_wait3A_515 : memref<4992x2048xf32, #tpu.memory_space<hbm>>) dst(%dma_wait3A_510 : memref<8x2048xf32, #tpu.memory_space<vmem>>)
    %add3A_516 = arith.constant 80 : i32
    %add3A_517 = arith.addi %mul3A_2, %add3A_516 : i32
    %dma_start3A_518 = arith.constant 1 : i32
    %dma_start3A_519 = arith.constant 0 : i32
    %dma_start3A_520 = arith.constant 0 : i32
    %dma_start3A_521 = tpu.memref_slice %arg6[%dma_start3A_518, %dma_start3A_519, %dma_start3A_520] : memref<3x8x2048xf32, #tpu.memory_space<vmem>> -> memref<1x8x2048xf32, #tpu.memory_space<vmem>>
    %dma_start3A_522 = tpu.memref_squeeze %dma_start3A_521 : memref<1x8x2048xf32, #tpu.memory_space<vmem>> -> memref<8x2048xf32, #tpu.memory_space<vmem>>
    %dma_start3A_523 = arith.constant 0 : i32
    %dma_start3A_524 = tpu.memref_slice %arg4[%add3A_517, %dma_start3A_523] : memref<4096x2048xf32, #tpu.memory_space<hbm>> -> memref<8x2048xf32, #tpu.memory_space<hbm>>
    %dma_start3A_525 = arith.constant 0 : i32
    %dma_start3A_526 = tpu.memref_slice %arg4[%add3A_517, %dma_start3A_525] : memref<4096x2048xf32, #tpu.memory_space<hbm>> -> memref<8x2048xf32, #tpu.memory_space<hbm>>
    %dma_start3A_527 = arith.constant 0 : i32
    %dma_start3A_528 = arith.constant 0 : i32
    %dma_start3A_529 = tpu.memref_slice %arg6[%dma_start3A_518, %dma_start3A_527, %dma_start3A_528] : memref<3x8x2048xf32, #tpu.memory_space<vmem>> -> memref<1x8x2048xf32, #tpu.memory_space<vmem>>
    %dma_start3A_530 = tpu.memref_squeeze %dma_start3A_529 : memref<1x8x2048xf32, #tpu.memory_space<vmem>> -> memref<8x2048xf32, #tpu.memory_space<vmem>>
    tpu.enqueue_dma source(%dma_start3A_530 : memref<8x2048xf32, #tpu.memory_space<vmem>>) target(%dma_start3A_526 : memref<8x2048xf32, #tpu.memory_space<hbm>>) target_semaphore(%arg8 : memref<!tpu.dma_semaphore, #tpu.memory_space<semaphore_mem>>)
    %add3A_531 = arith.constant 72 : i32
    %add3A_532 = arith.addi %mul3A_2, %add3A_531 : i32
    %dma_wait3A_533 = arith.constant 0 : i32
    %dma_wait3A_534 = arith.constant 0 : i32
    %dma_wait3A_535 = arith.constant 0 : i32
    %dma_wait3A_536 = tpu.memref_slice %arg6[%dma_wait3A_533, %dma_wait3A_534, %dma_wait3A_535] : memref<3x8x2048xf32, #tpu.memory_space<vmem>> -> memref<1x8x2048xf32, #tpu.memory_space<vmem>>
    %dma_wait3A_537 = tpu.memref_squeeze %dma_wait3A_536 : memref<1x8x2048xf32, #tpu.memory_space<vmem>> -> memref<8x2048xf32, #tpu.memory_space<vmem>>
    %dma_wait3A_538 = arith.constant 0 : i32
    %dma_wait3A_539 = tpu.memref_slice %arg4[%add3A_532, %dma_wait3A_538] : memref<4096x2048xf32, #tpu.memory_space<hbm>> -> memref<8x2048xf32, #tpu.memory_space<hbm>>
    %dma_wait3A_540 = arith.constant 0 : i32
    %dma_wait3A_541 = tpu.memref_slice %arg4[%add3A_532, %dma_wait3A_540] : memref<4096x2048xf32, #tpu.memory_space<hbm>> -> memref<8x2048xf32, #tpu.memory_space<hbm>>
    %dma_wait3A_542 = arith.constant 0 : i32
    %dma_wait3A_543 = arith.constant 0 : i32
    %dma_wait3A_544 = tpu.memref_slice %arg6[%dma_wait3A_533, %dma_wait3A_542, %dma_wait3A_543] : memref<3x8x2048xf32, #tpu.memory_space<vmem>> -> memref<1x8x2048xf32, #tpu.memory_space<vmem>>
    %dma_wait3A_545 = tpu.memref_squeeze %dma_wait3A_544 : memref<1x8x2048xf32, #tpu.memory_space<vmem>> -> memref<8x2048xf32, #tpu.memory_space<vmem>>
    tpu.wait_dma2 semaphore(%arg7 : memref<!tpu.dma_semaphore, #tpu.memory_space<semaphore_mem>>) src(%dma_wait3A_545 : memref<8x2048xf32, #tpu.memory_space<vmem>>) dst(%dma_wait3A_541 : memref<8x2048xf32, #tpu.memory_space<hbm>>)
    %dma_start3A_546 = arith.constant 0 : i32
    %dma_start3A_547 = arith.constant 0 : i32
    %dma_start3A_548 = arith.constant 0 : i32
    %dma_start3A_549 = tpu.memref_slice %arg6[%dma_start3A_546, %dma_start3A_547, %dma_start3A_548] : memref<3x8x2048xf32, #tpu.memory_space<vmem>> -> memref<1x8x2048xf32, #tpu.memory_space<vmem>>
    %dma_start3A_550 = tpu.memref_squeeze %dma_start3A_549 : memref<1x8x2048xf32, #tpu.memory_space<vmem>> -> memref<8x2048xf32, #tpu.memory_space<vmem>>
    %dma_start3A_551 = arith.constant 96 : i32
    %dma_start3A_552 = tpu.memref_slice %arg5[%dma_start3A_551] : memref<128xi32, #tpu.memory_space<vmem>> -> memref<8xi32, #tpu.memory_space<vmem>>
    %dma_start3A_553 = arith.constant 0 : i32
    %dma_start3A_554 = arith.constant 0 : i32
    %dma_start3A_555 = tpu.memref_slice %arg2[%dma_start3A_553, %dma_start3A_554] : memref<4992x2048xf32, #tpu.memory_space<hbm>> -> memref<4992x2048xf32, #tpu.memory_space<hbm>>
    tpu.enqueue_indirect_dma source(%dma_start3A_555 : memref<4992x2048xf32, #tpu.memory_space<hbm>>) target(%dma_start3A_550 : memref<8x2048xf32, #tpu.memory_space<vmem>>) offsets(%dma_start3A_552 : memref<8xi32, #tpu.memory_space<vmem>>) semaphore(%arg7 : memref<!tpu.dma_semaphore, #tpu.memory_space<semaphore_mem>>)
    %dma_wait3A_556 = arith.constant 2 : i32
    %dma_wait3A_557 = arith.constant 0 : i32
    %dma_wait3A_558 = arith.constant 0 : i32
    %dma_wait3A_559 = tpu.memref_slice %arg6[%dma_wait3A_556, %dma_wait3A_557, %dma_wait3A_558] : memref<3x8x2048xf32, #tpu.memory_space<vmem>> -> memref<1x8x2048xf32, #tpu.memory_space<vmem>>
    %dma_wait3A_560 = tpu.memref_squeeze %dma_wait3A_559 : memref<1x8x2048xf32, #tpu.memory_space<vmem>> -> memref<8x2048xf32, #tpu.memory_space<vmem>>
    %dma_wait3A_561 = arith.constant 88 : i32
    %dma_wait3A_562 = tpu.memref_slice %arg5[%dma_wait3A_561] : memref<128xi32, #tpu.memory_space<vmem>> -> memref<8xi32, #tpu.memory_space<vmem>>
    %dma_wait3A_563 = arith.constant 0 : i32
    %dma_wait3A_564 = arith.constant 0 : i32
    %dma_wait3A_565 = tpu.memref_slice %arg2[%dma_wait3A_563, %dma_wait3A_564] : memref<4992x2048xf32, #tpu.memory_space<hbm>> -> memref<4992x2048xf32, #tpu.memory_space<hbm>>
    tpu.wait_indirect_dma semaphore(%arg9 : memref<!tpu.dma_semaphore, #tpu.memory_space<semaphore_mem>>) src(%dma_wait3A_565 : memref<4992x2048xf32, #tpu.memory_space<hbm>>) dst(%dma_wait3A_560 : memref<8x2048xf32, #tpu.memory_space<vmem>>)
    %add3A_566 = arith.constant 88 : i32
    %add3A_567 = arith.addi %mul3A_2, %add3A_566 : i32
    %dma_start3A_568 = arith.constant 2 : i32
    %dma_start3A_569 = arith.constant 0 : i32
    %dma_start3A_570 = arith.constant 0 : i32
    %dma_start3A_571 = tpu.memref_slice %arg6[%dma_start3A_568, %dma_start3A_569, %dma_start3A_570] : memref<3x8x2048xf32, #tpu.memory_space<vmem>> -> memref<1x8x2048xf32, #tpu.memory_space<vmem>>
    %dma_start3A_572 = tpu.memref_squeeze %dma_start3A_571 : memref<1x8x2048xf32, #tpu.memory_space<vmem>> -> memref<8x2048xf32, #tpu.memory_space<vmem>>
    %dma_start3A_573 = arith.constant 0 : i32
    %dma_start3A_574 = tpu.memref_slice %arg4[%add3A_567, %dma_start3A_573] : memref<4096x2048xf32, #tpu.memory_space<hbm>> -> memref<8x2048xf32, #tpu.memory_space<hbm>>
    %dma_start3A_575 = arith.constant 0 : i32
    %dma_start3A_576 = tpu.memref_slice %arg4[%add3A_567, %dma_start3A_575] : memref<4096x2048xf32, #tpu.memory_space<hbm>> -> memref<8x2048xf32, #tpu.memory_space<hbm>>
    %dma_start3A_577 = arith.constant 0 : i32
    %dma_start3A_578 = arith.constant 0 : i32
    %dma_start3A_579 = tpu.memref_slice %arg6[%dma_start3A_568, %dma_start3A_577, %dma_start3A_578] : memref<3x8x2048xf32, #tpu.memory_space<vmem>> -> memref<1x8x2048xf32, #tpu.memory_space<vmem>>
    %dma_start3A_580 = tpu.memref_squeeze %dma_start3A_579 : memref<1x8x2048xf32, #tpu.memory_space<vmem>> -> memref<8x2048xf32, #tpu.memory_space<vmem>>
    tpu.enqueue_dma source(%dma_start3A_580 : memref<8x2048xf32, #tpu.memory_space<vmem>>) target(%dma_start3A_576 : memref<8x2048xf32, #tpu.memory_space<hbm>>) target_semaphore(%arg9 : memref<!tpu.dma_semaphore, #tpu.memory_space<semaphore_mem>>)
    %add3A_581 = arith.constant 80 : i32
    %add3A_582 = arith.addi %mul3A_2, %add3A_581 : i32
    %dma_wait3A_583 = arith.constant 1 : i32
    %dma_wait3A_584 = arith.constant 0 : i32
    %dma_wait3A_585 = arith.constant 0 : i32
    %dma_wait3A_586 = tpu.memref_slice %arg6[%dma_wait3A_583, %dma_wait3A_584, %dma_wait3A_585] : memref<3x8x2048xf32, #tpu.memory_space<vmem>> -> memref<1x8x2048xf32, #tpu.memory_space<vmem>>
    %dma_wait3A_587 = tpu.memref_squeeze %dma_wait3A_586 : memref<1x8x2048xf32, #tpu.memory_space<vmem>> -> memref<8x2048xf32, #tpu.memory_space<vmem>>
    %dma_wait3A_588 = arith.constant 0 : i32
    %dma_wait3A_589 = tpu.memref_slice %arg4[%add3A_582, %dma_wait3A_588] : memref<4096x2048xf32, #tpu.memory_space<hbm>> -> memref<8x2048xf32, #tpu.memory_space<hbm>>
    %dma_wait3A_590 = arith.constant 0 : i32
    %dma_wait3A_591 = tpu.memref_slice %arg4[%add3A_582, %dma_wait3A_590] : memref<4096x2048xf32, #tpu.memory_space<hbm>> -> memref<8x2048xf32, #tpu.memory_space<hbm>>
    %dma_wait3A_592 = arith.constant 0 : i32
    %dma_wait3A_593 = arith.constant 0 : i32
    %dma_wait3A_594 = tpu.memref_slice %arg6[%dma_wait3A_583, %dma_wait3A_592, %dma_wait3A_593] : memref<3x8x2048xf32, #tpu.memory_space<vmem>> -> memref<1x8x2048xf32, #tpu.memory_space<vmem>>
    %dma_wait3A_595 = tpu.memref_squeeze %dma_wait3A_594 : memref<1x8x2048xf32, #tpu.memory_space<vmem>> -> memref<8x2048xf32, #tpu.memory_space<vmem>>
    tpu.wait_dma2 semaphore(%arg8 : memref<!tpu.dma_semaphore, #tpu.memory_space<semaphore_mem>>) src(%dma_wait3A_595 : memref<8x2048xf32, #tpu.memory_space<vmem>>) dst(%dma_wait3A_591 : memref<8x2048xf32, #tpu.memory_space<hbm>>)
    %dma_start3A_596 = arith.constant 1 : i32
    %dma_start3A_597 = arith.constant 0 : i32
    %dma_start3A_598 = arith.constant 0 : i32
    %dma_start3A_599 = tpu.memref_slice %arg6[%dma_start3A_596, %dma_start3A_597, %dma_start3A_598] : memref<3x8x2048xf32, #tpu.memory_space<vmem>> -> memref<1x8x2048xf32, #tpu.memory_space<vmem>>
    %dma_start3A_600 = tpu.memref_squeeze %dma_start3A_599 : memref<1x8x2048xf32, #tpu.memory_space<vmem>> -> memref<8x2048xf32, #tpu.memory_space<vmem>>
    %dma_start3A_601 = arith.constant 104 : i32
    %dma_start3A_602 = tpu.memref_slice %arg5[%dma_start3A_601] : memref<128xi32, #tpu.memory_space<vmem>> -> memref<8xi32, #tpu.memory_space<vmem>>
    %dma_start3A_603 = arith.constant 0 : i32
    %dma_start3A_604 = arith.constant 0 : i32
    %dma_start3A_605 = tpu.memref_slice %arg2[%dma_start3A_603, %dma_start3A_604] : memref<4992x2048xf32, #tpu.memory_space<hbm>> -> memref<4992x2048xf32, #tpu.memory_space<hbm>>
    tpu.enqueue_indirect_dma source(%dma_start3A_605 : memref<4992x2048xf32, #tpu.memory_space<hbm>>) target(%dma_start3A_600 : memref<8x2048xf32, #tpu.memory_space<vmem>>) offsets(%dma_start3A_602 : memref<8xi32, #tpu.memory_space<vmem>>) semaphore(%arg8 : memref<!tpu.dma_semaphore, #tpu.memory_space<semaphore_mem>>)
    %dma_wait3A_606 = arith.constant 0 : i32
    %dma_wait3A_607 = arith.constant 0 : i32
    %dma_wait3A_608 = arith.constant 0 : i32
    %dma_wait3A_609 = tpu.memref_slice %arg6[%dma_wait3A_606, %dma_wait3A_607, %dma_wait3A_608] : memref<3x8x2048xf32, #tpu.memory_space<vmem>> -> memref<1x8x2048xf32, #tpu.memory_space<vmem>>
    %dma_wait3A_610 = tpu.memref_squeeze %dma_wait3A_609 : memref<1x8x2048xf32, #tpu.memory_space<vmem>> -> memref<8x2048xf32, #tpu.memory_space<vmem>>
    %dma_wait3A_611 = arith.constant 96 : i32
    %dma_wait3A_612 = tpu.memref_slice %arg5[%dma_wait3A_611] : memref<128xi32, #tpu.memory_space<vmem>> -> memref<8xi32, #tpu.memory_space<vmem>>
    %dma_wait3A_613 = arith.constant 0 : i32
    %dma_wait3A_614 = arith.constant 0 : i32
    %dma_wait3A_615 = tpu.memref_slice %arg2[%dma_wait3A_613, %dma_wait3A_614] : memref<4992x2048xf32, #tpu.memory_space<hbm>> -> memref<4992x2048xf32, #tpu.memory_space<hbm>>
    tpu.wait_indirect_dma semaphore(%arg7 : memref<!tpu.dma_semaphore, #tpu.memory_space<semaphore_mem>>) src(%dma_wait3A_615 : memref<4992x2048xf32, #tpu.memory_space<hbm>>) dst(%dma_wait3A_610 : memref<8x2048xf32, #tpu.memory_space<vmem>>)
    %add3A_616 = arith.constant 96 : i32
    %add3A_617 = arith.addi %mul3A_2, %add3A_616 : i32
    %dma_start3A_618 = arith.constant 0 : i32
    %dma_start3A_619 = arith.constant 0 : i32
    %dma_start3A_620 = arith.constant 0 : i32
    %dma_start3A_621 = tpu.memref_slice %arg6[%dma_start3A_618, %dma_start3A_619, %dma_start3A_620] : memref<3x8x2048xf32, #tpu.memory_space<vmem>> -> memref<1x8x2048xf32, #tpu.memory_space<vmem>>
    %dma_start3A_622 = tpu.memref_squeeze %dma_start3A_621 : memref<1x8x2048xf32, #tpu.memory_space<vmem>> -> memref<8x2048xf32, #tpu.memory_space<vmem>>
    %dma_start3A_623 = arith.constant 0 : i32
    %dma_start3A_624 = tpu.memref_slice %arg4[%add3A_617, %dma_start3A_623] : memref<4096x2048xf32, #tpu.memory_space<hbm>> -> memref<8x2048xf32, #tpu.memory_space<hbm>>
    %dma_start3A_625 = arith.constant 0 : i32
    %dma_start3A_626 = tpu.memref_slice %arg4[%add3A_617, %dma_start3A_625] : memref<4096x2048xf32, #tpu.memory_space<hbm>> -> memref<8x2048xf32, #tpu.memory_space<hbm>>
    %dma_start3A_627 = arith.constant 0 : i32
    %dma_start3A_628 = arith.constant 0 : i32
    %dma_start3A_629 = tpu.memref_slice %arg6[%dma_start3A_618, %dma_start3A_627, %dma_start3A_628] : memref<3x8x2048xf32, #tpu.memory_space<vmem>> -> memref<1x8x2048xf32, #tpu.memory_space<vmem>>
    %dma_start3A_630 = tpu.memref_squeeze %dma_start3A_629 : memref<1x8x2048xf32, #tpu.memory_space<vmem>> -> memref<8x2048xf32, #tpu.memory_space<vmem>>
    tpu.enqueue_dma source(%dma_start3A_630 : memref<8x2048xf32, #tpu.memory_space<vmem>>) target(%dma_start3A_626 : memref<8x2048xf32, #tpu.memory_space<hbm>>) target_semaphore(%arg7 : memref<!tpu.dma_semaphore, #tpu.memory_space<semaphore_mem>>)
    %add3A_631 = arith.constant 88 : i32
    %add3A_632 = arith.addi %mul3A_2, %add3A_631 : i32
    %dma_wait3A_633 = arith.constant 2 : i32
    %dma_wait3A_634 = arith.constant 0 : i32
    %dma_wait3A_635 = arith.constant 0 : i32
    %dma_wait3A_636 = tpu.memref_slice %arg6[%dma_wait3A_633, %dma_wait3A_634, %dma_wait3A_635] : memref<3x8x2048xf32, #tpu.memory_space<vmem>> -> memref<1x8x2048xf32, #tpu.memory_space<vmem>>
    %dma_wait3A_637 = tpu.memref_squeeze %dma_wait3A_636 : memref<1x8x2048xf32, #tpu.memory_space<vmem>> -> memref<8x2048xf32, #tpu.memory_space<vmem>>
    %dma_wait3A_638 = arith.constant 0 : i32
    %dma_wait3A_639 = tpu.memref_slice %arg4[%add3A_632, %dma_wait3A_638] : memref<4096x2048xf32, #tpu.memory_space<hbm>> -> memref<8x2048xf32, #tpu.memory_space<hbm>>
    %dma_wait3A_640 = arith.constant 0 : i32
    %dma_wait3A_641 = tpu.memref_slice %arg4[%add3A_632, %dma_wait3A_640] : memref<4096x2048xf32, #tpu.memory_space<hbm>> -> memref<8x2048xf32, #tpu.memory_space<hbm>>
    %dma_wait3A_642 = arith.constant 0 : i32
    %dma_wait3A_643 = arith.constant 0 : i32
    %dma_wait3A_644 = tpu.memref_slice %arg6[%dma_wait3A_633, %dma_wait3A_642, %dma_wait3A_643] : memref<3x8x2048xf32, #tpu.memory_space<vmem>> -> memref<1x8x2048xf32, #tpu.memory_space<vmem>>
    %dma_wait3A_645 = tpu.memref_squeeze %dma_wait3A_644 : memref<1x8x2048xf32, #tpu.memory_space<vmem>> -> memref<8x2048xf32, #tpu.memory_space<vmem>>
    tpu.wait_dma2 semaphore(%arg9 : memref<!tpu.dma_semaphore, #tpu.memory_space<semaphore_mem>>) src(%dma_wait3A_645 : memref<8x2048xf32, #tpu.memory_space<vmem>>) dst(%dma_wait3A_641 : memref<8x2048xf32, #tpu.memory_space<hbm>>)
    %dma_start3A_646 = arith.constant 2 : i32
    %dma_start3A_647 = arith.constant 0 : i32
    %dma_start3A_648 = arith.constant 0 : i32
    %dma_start3A_649 = tpu.memref_slice %arg6[%dma_start3A_646, %dma_start3A_647, %dma_start3A_648] : memref<3x8x2048xf32, #tpu.memory_space<vmem>> -> memref<1x8x2048xf32, #tpu.memory_space<vmem>>
    %dma_start3A_650 = tpu.memref_squeeze %dma_start3A_649 : memref<1x8x2048xf32, #tpu.memory_space<vmem>> -> memref<8x2048xf32, #tpu.memory_space<vmem>>
    %dma_start3A_651 = arith.constant 112 : i32
    %dma_start3A_652 = tpu.memref_slice %arg5[%dma_start3A_651] : memref<128xi32, #tpu.memory_space<vmem>> -> memref<8xi32, #tpu.memory_space<vmem>>
    %dma_start3A_653 = arith.constant 0 : i32
    %dma_start3A_654 = arith.constant 0 : i32
    %dma_start3A_655 = tpu.memref_slice %arg2[%dma_start3A_653, %dma_start3A_654] : memref<4992x2048xf32, #tpu.memory_space<hbm>> -> memref<4992x2048xf32, #tpu.memory_space<hbm>>
    tpu.enqueue_indirect_dma source(%dma_start3A_655 : memref<4992x2048xf32, #tpu.memory_space<hbm>>) target(%dma_start3A_650 : memref<8x2048xf32, #tpu.memory_space<vmem>>) offsets(%dma_start3A_652 : memref<8xi32, #tpu.memory_space<vmem>>) semaphore(%arg9 : memref<!tpu.dma_semaphore, #tpu.memory_space<semaphore_mem>>)
    %dma_wait3A_656 = arith.constant 1 : i32
    %dma_wait3A_657 = arith.constant 0 : i32
    %dma_wait3A_658 = arith.constant 0 : i32
    %dma_wait3A_659 = tpu.memref_slice %arg6[%dma_wait3A_656, %dma_wait3A_657, %dma_wait3A_658] : memref<3x8x2048xf32, #tpu.memory_space<vmem>> -> memref<1x8x2048xf32, #tpu.memory_space<vmem>>
    %dma_wait3A_660 = tpu.memref_squeeze %dma_wait3A_659 : memref<1x8x2048xf32, #tpu.memory_space<vmem>> -> memref<8x2048xf32, #tpu.memory_space<vmem>>
    %dma_wait3A_661 = arith.constant 104 : i32
    %dma_wait3A_662 = tpu.memref_slice %arg5[%dma_wait3A_661] : memref<128xi32, #tpu.memory_space<vmem>> -> memref<8xi32, #tpu.memory_space<vmem>>
    %dma_wait3A_663 = arith.constant 0 : i32
    %dma_wait3A_664 = arith.constant 0 : i32
    %dma_wait3A_665 = tpu.memref_slice %arg2[%dma_wait3A_663, %dma_wait3A_664] : memref<4992x2048xf32, #tpu.memory_space<hbm>> -> memref<4992x2048xf32, #tpu.memory_space<hbm>>
    tpu.wait_indirect_dma semaphore(%arg8 : memref<!tpu.dma_semaphore, #tpu.memory_space<semaphore_mem>>) src(%dma_wait3A_665 : memref<4992x2048xf32, #tpu.memory_space<hbm>>) dst(%dma_wait3A_660 : memref<8x2048xf32, #tpu.memory_space<vmem>>)
    %add3A_666 = arith.constant 104 : i32
    %add3A_667 = arith.addi %mul3A_2, %add3A_666 : i32
    %dma_start3A_668 = arith.constant 1 : i32
    %dma_start3A_669 = arith.constant 0 : i32
    %dma_start3A_670 = arith.constant 0 : i32
    %dma_start3A_671 = tpu.memref_slice %arg6[%dma_start3A_668, %dma_start3A_669, %dma_start3A_670] : memref<3x8x2048xf32, #tpu.memory_space<vmem>> -> memref<1x8x2048xf32, #tpu.memory_space<vmem>>
    %dma_start3A_672 = tpu.memref_squeeze %dma_start3A_671 : memref<1x8x2048xf32, #tpu.memory_space<vmem>> -> memref<8x2048xf32, #tpu.memory_space<vmem>>
    %dma_start3A_673 = arith.constant 0 : i32
    %dma_start3A_674 = tpu.memref_slice %arg4[%add3A_667, %dma_start3A_673] : memref<4096x2048xf32, #tpu.memory_space<hbm>> -> memref<8x2048xf32, #tpu.memory_space<hbm>>
    %dma_start3A_675 = arith.constant 0 : i32
    %dma_start3A_676 = tpu.memref_slice %arg4[%add3A_667, %dma_start3A_675] : memref<4096x2048xf32, #tpu.memory_space<hbm>> -> memref<8x2048xf32, #tpu.memory_space<hbm>>
    %dma_start3A_677 = arith.constant 0 : i32
    %dma_start3A_678 = arith.constant 0 : i32
    %dma_start3A_679 = tpu.memref_slice %arg6[%dma_start3A_668, %dma_start3A_677, %dma_start3A_678] : memref<3x8x2048xf32, #tpu.memory_space<vmem>> -> memref<1x8x2048xf32, #tpu.memory_space<vmem>>
    %dma_start3A_680 = tpu.memref_squeeze %dma_start3A_679 : memref<1x8x2048xf32, #tpu.memory_space<vmem>> -> memref<8x2048xf32, #tpu.memory_space<vmem>>
    tpu.enqueue_dma source(%dma_start3A_680 : memref<8x2048xf32, #tpu.memory_space<vmem>>) target(%dma_start3A_676 : memref<8x2048xf32, #tpu.memory_space<hbm>>) target_semaphore(%arg8 : memref<!tpu.dma_semaphore, #tpu.memory_space<semaphore_mem>>)
    %add3A_681 = arith.constant 96 : i32
    %add3A_682 = arith.addi %mul3A_2, %add3A_681 : i32
    %dma_wait3A_683 = arith.constant 0 : i32
    %dma_wait3A_684 = arith.constant 0 : i32
    %dma_wait3A_685 = arith.constant 0 : i32
    %dma_wait3A_686 = tpu.memref_slice %arg6[%dma_wait3A_683, %dma_wait3A_684, %dma_wait3A_685] : memref<3x8x2048xf32, #tpu.memory_space<vmem>> -> memref<1x8x2048xf32, #tpu.memory_space<vmem>>
    %dma_wait3A_687 = tpu.memref_squeeze %dma_wait3A_686 : memref<1x8x2048xf32, #tpu.memory_space<vmem>> -> memref<8x2048xf32, #tpu.memory_space<vmem>>
    %dma_wait3A_688 = arith.constant 0 : i32
    %dma_wait3A_689 = tpu.memref_slice %arg4[%add3A_682, %dma_wait3A_688] : memref<4096x2048xf32, #tpu.memory_space<hbm>> -> memref<8x2048xf32, #tpu.memory_space<hbm>>
    %dma_wait3A_690 = arith.constant 0 : i32
    %dma_wait3A_691 = tpu.memref_slice %arg4[%add3A_682, %dma_wait3A_690] : memref<4096x2048xf32, #tpu.memory_space<hbm>> -> memref<8x2048xf32, #tpu.memory_space<hbm>>
    %dma_wait3A_692 = arith.constant 0 : i32
    %dma_wait3A_693 = arith.constant 0 : i32
    %dma_wait3A_694 = tpu.memref_slice %arg6[%dma_wait3A_683, %dma_wait3A_692, %dma_wait3A_693] : memref<3x8x2048xf32, #tpu.memory_space<vmem>> -> memref<1x8x2048xf32, #tpu.memory_space<vmem>>
    %dma_wait3A_695 = tpu.memref_squeeze %dma_wait3A_694 : memref<1x8x2048xf32, #tpu.memory_space<vmem>> -> memref<8x2048xf32, #tpu.memory_space<vmem>>
    tpu.wait_dma2 semaphore(%arg7 : memref<!tpu.dma_semaphore, #tpu.memory_space<semaphore_mem>>) src(%dma_wait3A_695 : memref<8x2048xf32, #tpu.memory_space<vmem>>) dst(%dma_wait3A_691 : memref<8x2048xf32, #tpu.memory_space<hbm>>)
    %dma_start3A_696 = arith.constant 0 : i32
    %dma_start3A_697 = arith.constant 0 : i32
    %dma_start3A_698 = arith.constant 0 : i32
    %dma_start3A_699 = tpu.memref_slice %arg6[%dma_start3A_696, %dma_start3A_697, %dma_start3A_698] : memref<3x8x2048xf32, #tpu.memory_space<vmem>> -> memref<1x8x2048xf32, #tpu.memory_space<vmem>>
    %dma_start3A_700 = tpu.memref_squeeze %dma_start3A_699 : memref<1x8x2048xf32, #tpu.memory_space<vmem>> -> memref<8x2048xf32, #tpu.memory_space<vmem>>
    %dma_start3A_701 = arith.constant 120 : i32
    %dma_start3A_702 = tpu.memref_slice %arg5[%dma_start3A_701] : memref<128xi32, #tpu.memory_space<vmem>> -> memref<8xi32, #tpu.memory_space<vmem>>
    %dma_start3A_703 = arith.constant 0 : i32
    %dma_start3A_704 = arith.constant 0 : i32
    %dma_start3A_705 = tpu.memref_slice %arg2[%dma_start3A_703, %dma_start3A_704] : memref<4992x2048xf32, #tpu.memory_space<hbm>> -> memref<4992x2048xf32, #tpu.memory_space<hbm>>
    tpu.enqueue_indirect_dma source(%dma_start3A_705 : memref<4992x2048xf32, #tpu.memory_space<hbm>>) target(%dma_start3A_700 : memref<8x2048xf32, #tpu.memory_space<vmem>>) offsets(%dma_start3A_702 : memref<8xi32, #tpu.memory_space<vmem>>) semaphore(%arg7 : memref<!tpu.dma_semaphore, #tpu.memory_space<semaphore_mem>>)
    %dma_wait3A_706 = arith.constant 2 : i32
    %dma_wait3A_707 = arith.constant 0 : i32
    %dma_wait3A_708 = arith.constant 0 : i32
    %dma_wait3A_709 = tpu.memref_slice %arg6[%dma_wait3A_706, %dma_wait3A_707, %dma_wait3A_708] : memref<3x8x2048xf32, #tpu.memory_space<vmem>> -> memref<1x8x2048xf32, #tpu.memory_space<vmem>>
    %dma_wait3A_710 = tpu.memref_squeeze %dma_wait3A_709 : memref<1x8x2048xf32, #tpu.memory_space<vmem>> -> memref<8x2048xf32, #tpu.memory_space<vmem>>
    %dma_wait3A_711 = arith.constant 112 : i32
    %dma_wait3A_712 = tpu.memref_slice %arg5[%dma_wait3A_711] : memref<128xi32, #tpu.memory_space<vmem>> -> memref<8xi32, #tpu.memory_space<vmem>>
    %dma_wait3A_713 = arith.constant 0 : i32
    %dma_wait3A_714 = arith.constant 0 : i32
    %dma_wait3A_715 = tpu.memref_slice %arg2[%dma_wait3A_713, %dma_wait3A_714] : memref<4992x2048xf32, #tpu.memory_space<hbm>> -> memref<4992x2048xf32, #tpu.memory_space<hbm>>
    tpu.wait_indirect_dma semaphore(%arg9 : memref<!tpu.dma_semaphore, #tpu.memory_space<semaphore_mem>>) src(%dma_wait3A_715 : memref<4992x2048xf32, #tpu.memory_space<hbm>>) dst(%dma_wait3A_710 : memref<8x2048xf32, #tpu.memory_space<vmem>>)
    %add3A_716 = arith.constant 112 : i32
    %add3A_717 = arith.addi %mul3A_2, %add3A_716 : i32
    %dma_start3A_718 = arith.constant 2 : i32
    %dma_start3A_719 = arith.constant 0 : i32
    %dma_start3A_720 = arith.constant 0 : i32
    %dma_start3A_721 = tpu.memref_slice %arg6[%dma_start3A_718, %dma_start3A_719, %dma_start3A_720] : memref<3x8x2048xf32, #tpu.memory_space<vmem>> -> memref<1x8x2048xf32, #tpu.memory_space<vmem>>
    %dma_start3A_722 = tpu.memref_squeeze %dma_start3A_721 : memref<1x8x2048xf32, #tpu.memory_space<vmem>> -> memref<8x2048xf32, #tpu.memory_space<vmem>>
    %dma_start3A_723 = arith.constant 0 : i32
    %dma_start3A_724 = tpu.memref_slice %arg4[%add3A_717, %dma_start3A_723] : memref<4096x2048xf32, #tpu.memory_space<hbm>> -> memref<8x2048xf32, #tpu.memory_space<hbm>>
    %dma_start3A_725 = arith.constant 0 : i32
    %dma_start3A_726 = tpu.memref_slice %arg4[%add3A_717, %dma_start3A_725] : memref<4096x2048xf32, #tpu.memory_space<hbm>> -> memref<8x2048xf32, #tpu.memory_space<hbm>>
    %dma_start3A_727 = arith.constant 0 : i32
    %dma_start3A_728 = arith.constant 0 : i32
    %dma_start3A_729 = tpu.memref_slice %arg6[%dma_start3A_718, %dma_start3A_727, %dma_start3A_728] : memref<3x8x2048xf32, #tpu.memory_space<vmem>> -> memref<1x8x2048xf32, #tpu.memory_space<vmem>>
    %dma_start3A_730 = tpu.memref_squeeze %dma_start3A_729 : memref<1x8x2048xf32, #tpu.memory_space<vmem>> -> memref<8x2048xf32, #tpu.memory_space<vmem>>
    tpu.enqueue_dma source(%dma_start3A_730 : memref<8x2048xf32, #tpu.memory_space<vmem>>) target(%dma_start3A_726 : memref<8x2048xf32, #tpu.memory_space<hbm>>) target_semaphore(%arg9 : memref<!tpu.dma_semaphore, #tpu.memory_space<semaphore_mem>>)
    %dma_wait3A_731 = arith.constant 0 : i32
    %dma_wait3A_732 = arith.constant 0 : i32
    %dma_wait3A_733 = arith.constant 0 : i32
    %dma_wait3A_734 = tpu.memref_slice %arg6[%dma_wait3A_731, %dma_wait3A_732, %dma_wait3A_733] : memref<3x8x2048xf32, #tpu.memory_space<vmem>> -> memref<1x8x2048xf32, #tpu.memory_space<vmem>>
    %dma_wait3A_735 = tpu.memref_squeeze %dma_wait3A_734 : memref<1x8x2048xf32, #tpu.memory_space<vmem>> -> memref<8x2048xf32, #tpu.memory_space<vmem>>
    %dma_wait3A_736 = arith.constant 120 : i32
    %dma_wait3A_737 = tpu.memref_slice %arg5[%dma_wait3A_736] : memref<128xi32, #tpu.memory_space<vmem>> -> memref<8xi32, #tpu.memory_space<vmem>>
    %dma_wait3A_738 = arith.constant 0 : i32
    %dma_wait3A_739 = arith.constant 0 : i32
    %dma_wait3A_740 = tpu.memref_slice %arg2[%dma_wait3A_738, %dma_wait3A_739] : memref<4992x2048xf32, #tpu.memory_space<hbm>> -> memref<4992x2048xf32, #tpu.memory_space<hbm>>
    tpu.wait_indirect_dma semaphore(%arg7 : memref<!tpu.dma_semaphore, #tpu.memory_space<semaphore_mem>>) src(%dma_wait3A_740 : memref<4992x2048xf32, #tpu.memory_space<hbm>>) dst(%dma_wait3A_735 : memref<8x2048xf32, #tpu.memory_space<vmem>>)
    %add3A_741 = arith.constant 120 : i32
    %add3A_742 = arith.addi %mul3A_2, %add3A_741 : i32
    %dma_start3A_743 = arith.constant 0 : i32
    %dma_start3A_744 = arith.constant 0 : i32
    %dma_start3A_745 = arith.constant 0 : i32
    %dma_start3A_746 = tpu.memref_slice %arg6[%dma_start3A_743, %dma_start3A_744, %dma_start3A_745] : memref<3x8x2048xf32, #tpu.memory_space<vmem>> -> memref<1x8x2048xf32, #tpu.memory_space<vmem>>
    %dma_start3A_747 = tpu.memref_squeeze %dma_start3A_746 : memref<1x8x2048xf32, #tpu.memory_space<vmem>> -> memref<8x2048xf32, #tpu.memory_space<vmem>>
    %dma_start3A_748 = arith.constant 0 : i32
    %dma_start3A_749 = tpu.memref_slice %arg4[%add3A_742, %dma_start3A_748] : memref<4096x2048xf32, #tpu.memory_space<hbm>> -> memref<8x2048xf32, #tpu.memory_space<hbm>>
    %dma_start3A_750 = arith.constant 0 : i32
    %dma_start3A_751 = tpu.memref_slice %arg4[%add3A_742, %dma_start3A_750] : memref<4096x2048xf32, #tpu.memory_space<hbm>> -> memref<8x2048xf32, #tpu.memory_space<hbm>>
    %dma_start3A_752 = arith.constant 0 : i32
    %dma_start3A_753 = arith.constant 0 : i32
    %dma_start3A_754 = tpu.memref_slice %arg6[%dma_start3A_743, %dma_start3A_752, %dma_start3A_753] : memref<3x8x2048xf32, #tpu.memory_space<vmem>> -> memref<1x8x2048xf32, #tpu.memory_space<vmem>>
    %dma_start3A_755 = tpu.memref_squeeze %dma_start3A_754 : memref<1x8x2048xf32, #tpu.memory_space<vmem>> -> memref<8x2048xf32, #tpu.memory_space<vmem>>
    tpu.enqueue_dma source(%dma_start3A_755 : memref<8x2048xf32, #tpu.memory_space<vmem>>) target(%dma_start3A_751 : memref<8x2048xf32, #tpu.memory_space<hbm>>) target_semaphore(%arg7 : memref<!tpu.dma_semaphore, #tpu.memory_space<semaphore_mem>>)
    %add3A_756 = arith.constant 104 : i32
    %add3A_757 = arith.addi %mul3A_2, %add3A_756 : i32
    %dma_wait3A_758 = arith.constant 1 : i32
    %dma_wait3A_759 = arith.constant 0 : i32
    %dma_wait3A_760 = arith.constant 0 : i32
    %dma_wait3A_761 = tpu.memref_slice %arg6[%dma_wait3A_758, %dma_wait3A_759, %dma_wait3A_760] : memref<3x8x2048xf32, #tpu.memory_space<vmem>> -> memref<1x8x2048xf32, #tpu.memory_space<vmem>>
    %dma_wait3A_762 = tpu.memref_squeeze %dma_wait3A_761 : memref<1x8x2048xf32, #tpu.memory_space<vmem>> -> memref<8x2048xf32, #tpu.memory_space<vmem>>
    %dma_wait3A_763 = arith.constant 0 : i32
    %dma_wait3A_764 = tpu.memref_slice %arg4[%add3A_757, %dma_wait3A_763] : memref<4096x2048xf32, #tpu.memory_space<hbm>> -> memref<8x2048xf32, #tpu.memory_space<hbm>>
    %dma_wait3A_765 = arith.constant 0 : i32
    %dma_wait3A_766 = tpu.memref_slice %arg4[%add3A_757, %dma_wait3A_765] : memref<4096x2048xf32, #tpu.memory_space<hbm>> -> memref<8x2048xf32, #tpu.memory_space<hbm>>
    %dma_wait3A_767 = arith.constant 0 : i32
    %dma_wait3A_768 = arith.constant 0 : i32
    %dma_wait3A_769 = tpu.memref_slice %arg6[%dma_wait3A_758, %dma_wait3A_767, %dma_wait3A_768] : memref<3x8x2048xf32, #tpu.memory_space<vmem>> -> memref<1x8x2048xf32, #tpu.memory_space<vmem>>
    %dma_wait3A_770 = tpu.memref_squeeze %dma_wait3A_769 : memref<1x8x2048xf32, #tpu.memory_space<vmem>> -> memref<8x2048xf32, #tpu.memory_space<vmem>>
    tpu.wait_dma2 semaphore(%arg8 : memref<!tpu.dma_semaphore, #tpu.memory_space<semaphore_mem>>) src(%dma_wait3A_770 : memref<8x2048xf32, #tpu.memory_space<vmem>>) dst(%dma_wait3A_766 : memref<8x2048xf32, #tpu.memory_space<hbm>>)
    %add3A_771 = arith.constant 112 : i32
    %add3A_772 = arith.addi %mul3A_2, %add3A_771 : i32
    %dma_wait3A_773 = arith.constant 2 : i32
    %dma_wait3A_774 = arith.constant 0 : i32
    %dma_wait3A_775 = arith.constant 0 : i32
    %dma_wait3A_776 = tpu.memref_slice %arg6[%dma_wait3A_773, %dma_wait3A_774, %dma_wait3A_775] : memref<3x8x2048xf32, #tpu.memory_space<vmem>> -> memref<1x8x2048xf32, #tpu.memory_space<vmem>>
    %dma_wait3A_777 = tpu.memref_squeeze %dma_wait3A_776 : memref<1x8x2048xf32, #tpu.memory_space<vmem>> -> memref<8x2048xf32, #tpu.memory_space<vmem>>
    %dma_wait3A_778 = arith.constant 0 : i32
    %dma_wait3A_779 = tpu.memref_slice %arg4[%add3A_772, %dma_wait3A_778] : memref<4096x2048xf32, #tpu.memory_space<hbm>> -> memref<8x2048xf32, #tpu.memory_space<hbm>>
    %dma_wait3A_780 = arith.constant 0 : i32
    %dma_wait3A_781 = tpu.memref_slice %arg4[%add3A_772, %dma_wait3A_780] : memref<4096x2048xf32, #tpu.memory_space<hbm>> -> memref<8x2048xf32, #tpu.memory_space<hbm>>
    %dma_wait3A_782 = arith.constant 0 : i32
    %dma_wait3A_783 = arith.constant 0 : i32
    %dma_wait3A_784 = tpu.memref_slice %arg6[%dma_wait3A_773, %dma_wait3A_782, %dma_wait3A_783] : memref<3x8x2048xf32, #tpu.memory_space<vmem>> -> memref<1x8x2048xf32, #tpu.memory_space<vmem>>
    %dma_wait3A_785 = tpu.memref_squeeze %dma_wait3A_784 : memref<1x8x2048xf32, #tpu.memory_space<vmem>> -> memref<8x2048xf32, #tpu.memory_space<vmem>>
    tpu.wait_dma2 semaphore(%arg9 : memref<!tpu.dma_semaphore, #tpu.memory_space<semaphore_mem>>) src(%dma_wait3A_785 : memref<8x2048xf32, #tpu.memory_space<vmem>>) dst(%dma_wait3A_781 : memref<8x2048xf32, #tpu.memory_space<hbm>>)
    %add3A_786 = arith.constant 120 : i32
    %add3A_787 = arith.addi %mul3A_2, %add3A_786 : i32
    %dma_wait3A_788 = arith.constant 0 : i32
    %dma_wait3A_789 = arith.constant 0 : i32
    %dma_wait3A_790 = arith.constant 0 : i32
    %dma_wait3A_791 = tpu.memref_slice %arg6[%dma_wait3A_788, %dma_wait3A_789, %dma_wait3A_790] : memref<3x8x2048xf32, #tpu.memory_space<vmem>> -> memref<1x8x2048xf32, #tpu.memory_space<vmem>>
    %dma_wait3A_792 = tpu.memref_squeeze %dma_wait3A_791 : memref<1x8x2048xf32, #tpu.memory_space<vmem>> -> memref<8x2048xf32, #tpu.memory_space<vmem>>
    %dma_wait3A_793 = arith.constant 0 : i32
    %dma_wait3A_794 = tpu.memref_slice %arg4[%add3A_787, %dma_wait3A_793] : memref<4096x2048xf32, #tpu.memory_space<hbm>> -> memref<8x2048xf32, #tpu.memory_space<hbm>>
    %dma_wait3A_795 = arith.constant 0 : i32
    %dma_wait3A_796 = tpu.memref_slice %arg4[%add3A_787, %dma_wait3A_795] : memref<4096x2048xf32, #tpu.memory_space<hbm>> -> memref<8x2048xf32, #tpu.memory_space<hbm>>
    %dma_wait3A_797 = arith.constant 0 : i32
    %dma_wait3A_798 = arith.constant 0 : i32
    %dma_wait3A_799 = tpu.memref_slice %arg6[%dma_wait3A_788, %dma_wait3A_797, %dma_wait3A_798] : memref<3x8x2048xf32, #tpu.memory_space<vmem>> -> memref<1x8x2048xf32, #tpu.memory_space<vmem>>
    %dma_wait3A_800 = tpu.memref_squeeze %dma_wait3A_799 : memref<1x8x2048xf32, #tpu.memory_space<vmem>> -> memref<8x2048xf32, #tpu.memory_space<vmem>>
    tpu.wait_dma2 semaphore(%arg7 : memref<!tpu.dma_semaphore, #tpu.memory_space<semaphore_mem>>) src(%dma_wait3A_800 : memref<8x2048xf32, #tpu.memory_space<vmem>>) dst(%dma_wait3A_796 : memref<8x2048xf32, #tpu.memory_space<hbm>>)
    return
  }
}

#map = affine_map<(d0, d1) -> (0, 0)>
#map1 = affine_map<(d0, d1) -> (0)>
module attributes {stable_mosaic.version = 14 : i64} {
  func.func @body(%arg0: i32, %arg1: i32, %arg2: memref<2048x2048xf32, #tpu.memory_space<hbm>>, %arg3: memref<5120xi32, #tpu.memory_space<hbm>>, %arg4: memref<5120x2048xf32, #tpu.memory_space<hbm>>, %arg5: memref<160xi32, #tpu.memory_space<vmem>>, %arg6: memref<3x8x2048xf32, #tpu.memory_space<vmem>>, %arg7: memref<!tpu.dma_semaphore, #tpu.memory_space<semaphore_mem>>, %arg8: memref<!tpu.dma_semaphore, #tpu.memory_space<semaphore_mem>>, %arg9: memref<!tpu.dma_semaphore, #tpu.memory_space<semaphore_mem>>) attributes {dimension_semantics = [#tpu.dimension_semantics<core_parallel>, #tpu.dimension_semantics<subcore_parallel>], iteration_bounds = array<i64: 2, 16>, scalar_prefetch = 0 : i64, scratch_operands = 5 : i64, tpu.core_type = #tpu.core_type<sc_vector_subcore>, window_params = [{transform_indices = #map}, {transform_indices = #map1}, {transform_indices = #map}]} {
    %mul3A = arith.constant 2 : i32
    %mul3A_0 = arith.muli %arg1, %mul3A : i32
    %add3A = arith.addi %mul3A_0, %arg0 : i32
    %mul3A_1 = arith.constant 160 : i32
    %mul3A_2 = arith.muli %add3A, %mul3A_1 : i32
    "tpu.region"() ({
      %run_scoped3A = tpu.sem_alloc : memref<!tpu.dma_semaphore, #tpu.memory_space<semaphore_mem>>
      %dma_start3A_1001 = tpu.memref_slice %arg3[%mul3A_2] : memref<5120xi32, #tpu.memory_space<hbm>> -> memref<160xi32, #tpu.memory_space<hbm>>
      %dma_start3A_1002 = tpu.memref_slice %arg3[%mul3A_2] : memref<5120xi32, #tpu.memory_space<hbm>> -> memref<160xi32, #tpu.memory_space<hbm>>
      tpu.enqueue_dma source(%dma_start3A_1002 : memref<160xi32, #tpu.memory_space<hbm>>) target(%arg5 : memref<160xi32, #tpu.memory_space<vmem>>) target_semaphore(%run_scoped3A : memref<!tpu.dma_semaphore, #tpu.memory_space<semaphore_mem>>)
      %dma_wait3A_1003 = tpu.memref_slice %arg3[%mul3A_2] : memref<5120xi32, #tpu.memory_space<hbm>> -> memref<160xi32, #tpu.memory_space<hbm>>
      %dma_wait3A_1004 = tpu.memref_slice %arg3[%mul3A_2] : memref<5120xi32, #tpu.memory_space<hbm>> -> memref<160xi32, #tpu.memory_space<hbm>>
      tpu.wait_dma2 semaphore(%run_scoped3A : memref<!tpu.dma_semaphore, #tpu.memory_space<semaphore_mem>>) src(%dma_wait3A_1004 : memref<160xi32, #tpu.memory_space<hbm>>) dst(%arg5 : memref<160xi32, #tpu.memory_space<vmem>>)
      tpu.yield
    }) : () -> ()
    %dma_start3A = arith.constant 0 : i32
    %dma_start3A_3 = arith.constant 0 : i32
    %dma_start3A_4 = arith.constant 0 : i32
    %dma_start3A_5 = tpu.memref_slice %arg6[%dma_start3A, %dma_start3A_3, %dma_start3A_4] : memref<3x8x2048xf32, #tpu.memory_space<vmem>> -> memref<1x8x2048xf32, #tpu.memory_space<vmem>>
    %dma_start3A_6 = tpu.memref_squeeze %dma_start3A_5 : memref<1x8x2048xf32, #tpu.memory_space<vmem>> -> memref<8x2048xf32, #tpu.memory_space<vmem>>
    %dma_start3A_7 = arith.constant 0 : i32
    %dma_start3A_8 = tpu.memref_slice %arg5[%dma_start3A_7] : memref<160xi32, #tpu.memory_space<vmem>> -> memref<8xi32, #tpu.memory_space<vmem>>
    %dma_start3A_9 = arith.constant 0 : i32
    %dma_start3A_10 = arith.constant 0 : i32
    %dma_start3A_11 = tpu.memref_slice %arg2[%dma_start3A_9, %dma_start3A_10] : memref<2048x2048xf32, #tpu.memory_space<hbm>> -> memref<2048x2048xf32, #tpu.memory_space<hbm>>
    tpu.enqueue_indirect_dma source(%dma_start3A_11 : memref<2048x2048xf32, #tpu.memory_space<hbm>>) target(%dma_start3A_6 : memref<8x2048xf32, #tpu.memory_space<vmem>>) offsets(%dma_start3A_8 : memref<8xi32, #tpu.memory_space<vmem>>) semaphore(%arg7 : memref<!tpu.dma_semaphore, #tpu.memory_space<semaphore_mem>>)
    %dma_start3A_12 = arith.constant 1 : i32
    %dma_start3A_13 = arith.constant 0 : i32
    %dma_start3A_14 = arith.constant 0 : i32
    %dma_start3A_15 = tpu.memref_slice %arg6[%dma_start3A_12, %dma_start3A_13, %dma_start3A_14] : memref<3x8x2048xf32, #tpu.memory_space<vmem>> -> memref<1x8x2048xf32, #tpu.memory_space<vmem>>
    %dma_start3A_16 = tpu.memref_squeeze %dma_start3A_15 : memref<1x8x2048xf32, #tpu.memory_space<vmem>> -> memref<8x2048xf32, #tpu.memory_space<vmem>>
    %dma_start3A_17 = arith.constant 8 : i32
    %dma_start3A_18 = tpu.memref_slice %arg5[%dma_start3A_17] : memref<160xi32, #tpu.memory_space<vmem>> -> memref<8xi32, #tpu.memory_space<vmem>>
    %dma_start3A_19 = arith.constant 0 : i32
    %dma_start3A_20 = arith.constant 0 : i32
    %dma_start3A_21 = tpu.memref_slice %arg2[%dma_start3A_19, %dma_start3A_20] : memref<2048x2048xf32, #tpu.memory_space<hbm>> -> memref<2048x2048xf32, #tpu.memory_space<hbm>>
    tpu.enqueue_indirect_dma source(%dma_start3A_21 : memref<2048x2048xf32, #tpu.memory_space<hbm>>) target(%dma_start3A_16 : memref<8x2048xf32, #tpu.memory_space<vmem>>) offsets(%dma_start3A_18 : memref<8xi32, #tpu.memory_space<vmem>>) semaphore(%arg8 : memref<!tpu.dma_semaphore, #tpu.memory_space<semaphore_mem>>)
    %dma_wait3A = arith.constant 0 : i32
    %dma_wait3A_22 = arith.constant 0 : i32
    %dma_wait3A_23 = arith.constant 0 : i32
    %dma_wait3A_24 = tpu.memref_slice %arg6[%dma_wait3A, %dma_wait3A_22, %dma_wait3A_23] : memref<3x8x2048xf32, #tpu.memory_space<vmem>> -> memref<1x8x2048xf32, #tpu.memory_space<vmem>>
    %dma_wait3A_25 = tpu.memref_squeeze %dma_wait3A_24 : memref<1x8x2048xf32, #tpu.memory_space<vmem>> -> memref<8x2048xf32, #tpu.memory_space<vmem>>
    %dma_wait3A_26 = arith.constant 0 : i32
    %dma_wait3A_27 = tpu.memref_slice %arg5[%dma_wait3A_26] : memref<160xi32, #tpu.memory_space<vmem>> -> memref<8xi32, #tpu.memory_space<vmem>>
    %dma_wait3A_28 = arith.constant 0 : i32
    %dma_wait3A_29 = arith.constant 0 : i32
    %dma_wait3A_30 = tpu.memref_slice %arg2[%dma_wait3A_28, %dma_wait3A_29] : memref<2048x2048xf32, #tpu.memory_space<hbm>> -> memref<2048x2048xf32, #tpu.memory_space<hbm>>
    tpu.wait_indirect_dma semaphore(%arg7 : memref<!tpu.dma_semaphore, #tpu.memory_space<semaphore_mem>>) src(%dma_wait3A_30 : memref<2048x2048xf32, #tpu.memory_space<hbm>>) dst(%dma_wait3A_25 : memref<8x2048xf32, #tpu.memory_space<vmem>>)
    %add3A_31 = arith.constant 0 : i32
    %add3A_32 = arith.addi %mul3A_2, %add3A_31 : i32
    %dma_start3A_33 = arith.constant 0 : i32
    %dma_start3A_34 = arith.constant 0 : i32
    %dma_start3A_35 = arith.constant 0 : i32
    %dma_start3A_36 = tpu.memref_slice %arg6[%dma_start3A_33, %dma_start3A_34, %dma_start3A_35] : memref<3x8x2048xf32, #tpu.memory_space<vmem>> -> memref<1x8x2048xf32, #tpu.memory_space<vmem>>
    %dma_start3A_37 = tpu.memref_squeeze %dma_start3A_36 : memref<1x8x2048xf32, #tpu.memory_space<vmem>> -> memref<8x2048xf32, #tpu.memory_space<vmem>>
    %dma_start3A_38 = arith.constant 0 : i32
    %dma_start3A_39 = tpu.memref_slice %arg4[%add3A_32, %dma_start3A_38] : memref<5120x2048xf32, #tpu.memory_space<hbm>> -> memref<8x2048xf32, #tpu.memory_space<hbm>>
    %dma_start3A_40 = arith.constant 0 : i32
    %dma_start3A_41 = tpu.memref_slice %arg4[%add3A_32, %dma_start3A_40] : memref<5120x2048xf32, #tpu.memory_space<hbm>> -> memref<8x2048xf32, #tpu.memory_space<hbm>>
    %dma_start3A_42 = arith.constant 0 : i32
    %dma_start3A_43 = arith.constant 0 : i32
    %dma_start3A_44 = tpu.memref_slice %arg6[%dma_start3A_33, %dma_start3A_42, %dma_start3A_43] : memref<3x8x2048xf32, #tpu.memory_space<vmem>> -> memref<1x8x2048xf32, #tpu.memory_space<vmem>>
    %dma_start3A_45 = tpu.memref_squeeze %dma_start3A_44 : memref<1x8x2048xf32, #tpu.memory_space<vmem>> -> memref<8x2048xf32, #tpu.memory_space<vmem>>
    tpu.enqueue_dma source(%dma_start3A_45 : memref<8x2048xf32, #tpu.memory_space<vmem>>) target(%dma_start3A_41 : memref<8x2048xf32, #tpu.memory_space<hbm>>) target_semaphore(%arg7 : memref<!tpu.dma_semaphore, #tpu.memory_space<semaphore_mem>>)
    %dma_start3A_46 = arith.constant 2 : i32
    %dma_start3A_47 = arith.constant 0 : i32
    %dma_start3A_48 = arith.constant 0 : i32
    %dma_start3A_49 = tpu.memref_slice %arg6[%dma_start3A_46, %dma_start3A_47, %dma_start3A_48] : memref<3x8x2048xf32, #tpu.memory_space<vmem>> -> memref<1x8x2048xf32, #tpu.memory_space<vmem>>
    %dma_start3A_50 = tpu.memref_squeeze %dma_start3A_49 : memref<1x8x2048xf32, #tpu.memory_space<vmem>> -> memref<8x2048xf32, #tpu.memory_space<vmem>>
    %dma_start3A_51 = arith.constant 16 : i32
    %dma_start3A_52 = tpu.memref_slice %arg5[%dma_start3A_51] : memref<160xi32, #tpu.memory_space<vmem>> -> memref<8xi32, #tpu.memory_space<vmem>>
    %dma_start3A_53 = arith.constant 0 : i32
    %dma_start3A_54 = arith.constant 0 : i32
    %dma_start3A_55 = tpu.memref_slice %arg2[%dma_start3A_53, %dma_start3A_54] : memref<2048x2048xf32, #tpu.memory_space<hbm>> -> memref<2048x2048xf32, #tpu.memory_space<hbm>>
    tpu.enqueue_indirect_dma source(%dma_start3A_55 : memref<2048x2048xf32, #tpu.memory_space<hbm>>) target(%dma_start3A_50 : memref<8x2048xf32, #tpu.memory_space<vmem>>) offsets(%dma_start3A_52 : memref<8xi32, #tpu.memory_space<vmem>>) semaphore(%arg9 : memref<!tpu.dma_semaphore, #tpu.memory_space<semaphore_mem>>)
    %dma_wait3A_56 = arith.constant 1 : i32
    %dma_wait3A_57 = arith.constant 0 : i32
    %dma_wait3A_58 = arith.constant 0 : i32
    %dma_wait3A_59 = tpu.memref_slice %arg6[%dma_wait3A_56, %dma_wait3A_57, %dma_wait3A_58] : memref<3x8x2048xf32, #tpu.memory_space<vmem>> -> memref<1x8x2048xf32, #tpu.memory_space<vmem>>
    %dma_wait3A_60 = tpu.memref_squeeze %dma_wait3A_59 : memref<1x8x2048xf32, #tpu.memory_space<vmem>> -> memref<8x2048xf32, #tpu.memory_space<vmem>>
    %dma_wait3A_61 = arith.constant 8 : i32
    %dma_wait3A_62 = tpu.memref_slice %arg5[%dma_wait3A_61] : memref<160xi32, #tpu.memory_space<vmem>> -> memref<8xi32, #tpu.memory_space<vmem>>
    %dma_wait3A_63 = arith.constant 0 : i32
    %dma_wait3A_64 = arith.constant 0 : i32
    %dma_wait3A_65 = tpu.memref_slice %arg2[%dma_wait3A_63, %dma_wait3A_64] : memref<2048x2048xf32, #tpu.memory_space<hbm>> -> memref<2048x2048xf32, #tpu.memory_space<hbm>>
    tpu.wait_indirect_dma semaphore(%arg8 : memref<!tpu.dma_semaphore, #tpu.memory_space<semaphore_mem>>) src(%dma_wait3A_65 : memref<2048x2048xf32, #tpu.memory_space<hbm>>) dst(%dma_wait3A_60 : memref<8x2048xf32, #tpu.memory_space<vmem>>)
    %add3A_66 = arith.constant 8 : i32
    %add3A_67 = arith.addi %mul3A_2, %add3A_66 : i32
    %dma_start3A_68 = arith.constant 1 : i32
    %dma_start3A_69 = arith.constant 0 : i32
    %dma_start3A_70 = arith.constant 0 : i32
    %dma_start3A_71 = tpu.memref_slice %arg6[%dma_start3A_68, %dma_start3A_69, %dma_start3A_70] : memref<3x8x2048xf32, #tpu.memory_space<vmem>> -> memref<1x8x2048xf32, #tpu.memory_space<vmem>>
    %dma_start3A_72 = tpu.memref_squeeze %dma_start3A_71 : memref<1x8x2048xf32, #tpu.memory_space<vmem>> -> memref<8x2048xf32, #tpu.memory_space<vmem>>
    %dma_start3A_73 = arith.constant 0 : i32
    %dma_start3A_74 = tpu.memref_slice %arg4[%add3A_67, %dma_start3A_73] : memref<5120x2048xf32, #tpu.memory_space<hbm>> -> memref<8x2048xf32, #tpu.memory_space<hbm>>
    %dma_start3A_75 = arith.constant 0 : i32
    %dma_start3A_76 = tpu.memref_slice %arg4[%add3A_67, %dma_start3A_75] : memref<5120x2048xf32, #tpu.memory_space<hbm>> -> memref<8x2048xf32, #tpu.memory_space<hbm>>
    %dma_start3A_77 = arith.constant 0 : i32
    %dma_start3A_78 = arith.constant 0 : i32
    %dma_start3A_79 = tpu.memref_slice %arg6[%dma_start3A_68, %dma_start3A_77, %dma_start3A_78] : memref<3x8x2048xf32, #tpu.memory_space<vmem>> -> memref<1x8x2048xf32, #tpu.memory_space<vmem>>
    %dma_start3A_80 = tpu.memref_squeeze %dma_start3A_79 : memref<1x8x2048xf32, #tpu.memory_space<vmem>> -> memref<8x2048xf32, #tpu.memory_space<vmem>>
    tpu.enqueue_dma source(%dma_start3A_80 : memref<8x2048xf32, #tpu.memory_space<vmem>>) target(%dma_start3A_76 : memref<8x2048xf32, #tpu.memory_space<hbm>>) target_semaphore(%arg8 : memref<!tpu.dma_semaphore, #tpu.memory_space<semaphore_mem>>)
    %add3A_81 = arith.constant 0 : i32
    %add3A_82 = arith.addi %mul3A_2, %add3A_81 : i32
    %dma_wait3A_83 = arith.constant 0 : i32
    %dma_wait3A_84 = arith.constant 0 : i32
    %dma_wait3A_85 = arith.constant 0 : i32
    %dma_wait3A_86 = tpu.memref_slice %arg6[%dma_wait3A_83, %dma_wait3A_84, %dma_wait3A_85] : memref<3x8x2048xf32, #tpu.memory_space<vmem>> -> memref<1x8x2048xf32, #tpu.memory_space<vmem>>
    %dma_wait3A_87 = tpu.memref_squeeze %dma_wait3A_86 : memref<1x8x2048xf32, #tpu.memory_space<vmem>> -> memref<8x2048xf32, #tpu.memory_space<vmem>>
    %dma_wait3A_88 = arith.constant 0 : i32
    %dma_wait3A_89 = tpu.memref_slice %arg4[%add3A_82, %dma_wait3A_88] : memref<5120x2048xf32, #tpu.memory_space<hbm>> -> memref<8x2048xf32, #tpu.memory_space<hbm>>
    %dma_wait3A_90 = arith.constant 0 : i32
    %dma_wait3A_91 = tpu.memref_slice %arg4[%add3A_82, %dma_wait3A_90] : memref<5120x2048xf32, #tpu.memory_space<hbm>> -> memref<8x2048xf32, #tpu.memory_space<hbm>>
    %dma_wait3A_92 = arith.constant 0 : i32
    %dma_wait3A_93 = arith.constant 0 : i32
    %dma_wait3A_94 = tpu.memref_slice %arg6[%dma_wait3A_83, %dma_wait3A_92, %dma_wait3A_93] : memref<3x8x2048xf32, #tpu.memory_space<vmem>> -> memref<1x8x2048xf32, #tpu.memory_space<vmem>>
    %dma_wait3A_95 = tpu.memref_squeeze %dma_wait3A_94 : memref<1x8x2048xf32, #tpu.memory_space<vmem>> -> memref<8x2048xf32, #tpu.memory_space<vmem>>
    tpu.wait_dma2 semaphore(%arg7 : memref<!tpu.dma_semaphore, #tpu.memory_space<semaphore_mem>>) src(%dma_wait3A_95 : memref<8x2048xf32, #tpu.memory_space<vmem>>) dst(%dma_wait3A_91 : memref<8x2048xf32, #tpu.memory_space<hbm>>)
    %dma_start3A_96 = arith.constant 0 : i32
    %dma_start3A_97 = arith.constant 0 : i32
    %dma_start3A_98 = arith.constant 0 : i32
    %dma_start3A_99 = tpu.memref_slice %arg6[%dma_start3A_96, %dma_start3A_97, %dma_start3A_98] : memref<3x8x2048xf32, #tpu.memory_space<vmem>> -> memref<1x8x2048xf32, #tpu.memory_space<vmem>>
    %dma_start3A_100 = tpu.memref_squeeze %dma_start3A_99 : memref<1x8x2048xf32, #tpu.memory_space<vmem>> -> memref<8x2048xf32, #tpu.memory_space<vmem>>
    %dma_start3A_101 = arith.constant 24 : i32
    %dma_start3A_102 = tpu.memref_slice %arg5[%dma_start3A_101] : memref<160xi32, #tpu.memory_space<vmem>> -> memref<8xi32, #tpu.memory_space<vmem>>
    %dma_start3A_103 = arith.constant 0 : i32
    %dma_start3A_104 = arith.constant 0 : i32
    %dma_start3A_105 = tpu.memref_slice %arg2[%dma_start3A_103, %dma_start3A_104] : memref<2048x2048xf32, #tpu.memory_space<hbm>> -> memref<2048x2048xf32, #tpu.memory_space<hbm>>
    tpu.enqueue_indirect_dma source(%dma_start3A_105 : memref<2048x2048xf32, #tpu.memory_space<hbm>>) target(%dma_start3A_100 : memref<8x2048xf32, #tpu.memory_space<vmem>>) offsets(%dma_start3A_102 : memref<8xi32, #tpu.memory_space<vmem>>) semaphore(%arg7 : memref<!tpu.dma_semaphore, #tpu.memory_space<semaphore_mem>>)
    %dma_wait3A_106 = arith.constant 2 : i32
    %dma_wait3A_107 = arith.constant 0 : i32
    %dma_wait3A_108 = arith.constant 0 : i32
    %dma_wait3A_109 = tpu.memref_slice %arg6[%dma_wait3A_106, %dma_wait3A_107, %dma_wait3A_108] : memref<3x8x2048xf32, #tpu.memory_space<vmem>> -> memref<1x8x2048xf32, #tpu.memory_space<vmem>>
    %dma_wait3A_110 = tpu.memref_squeeze %dma_wait3A_109 : memref<1x8x2048xf32, #tpu.memory_space<vmem>> -> memref<8x2048xf32, #tpu.memory_space<vmem>>
    %dma_wait3A_111 = arith.constant 16 : i32
    %dma_wait3A_112 = tpu.memref_slice %arg5[%dma_wait3A_111] : memref<160xi32, #tpu.memory_space<vmem>> -> memref<8xi32, #tpu.memory_space<vmem>>
    %dma_wait3A_113 = arith.constant 0 : i32
    %dma_wait3A_114 = arith.constant 0 : i32
    %dma_wait3A_115 = tpu.memref_slice %arg2[%dma_wait3A_113, %dma_wait3A_114] : memref<2048x2048xf32, #tpu.memory_space<hbm>> -> memref<2048x2048xf32, #tpu.memory_space<hbm>>
    tpu.wait_indirect_dma semaphore(%arg9 : memref<!tpu.dma_semaphore, #tpu.memory_space<semaphore_mem>>) src(%dma_wait3A_115 : memref<2048x2048xf32, #tpu.memory_space<hbm>>) dst(%dma_wait3A_110 : memref<8x2048xf32, #tpu.memory_space<vmem>>)
    %add3A_116 = arith.constant 16 : i32
    %add3A_117 = arith.addi %mul3A_2, %add3A_116 : i32
    %dma_start3A_118 = arith.constant 2 : i32
    %dma_start3A_119 = arith.constant 0 : i32
    %dma_start3A_120 = arith.constant 0 : i32
    %dma_start3A_121 = tpu.memref_slice %arg6[%dma_start3A_118, %dma_start3A_119, %dma_start3A_120] : memref<3x8x2048xf32, #tpu.memory_space<vmem>> -> memref<1x8x2048xf32, #tpu.memory_space<vmem>>
    %dma_start3A_122 = tpu.memref_squeeze %dma_start3A_121 : memref<1x8x2048xf32, #tpu.memory_space<vmem>> -> memref<8x2048xf32, #tpu.memory_space<vmem>>
    %dma_start3A_123 = arith.constant 0 : i32
    %dma_start3A_124 = tpu.memref_slice %arg4[%add3A_117, %dma_start3A_123] : memref<5120x2048xf32, #tpu.memory_space<hbm>> -> memref<8x2048xf32, #tpu.memory_space<hbm>>
    %dma_start3A_125 = arith.constant 0 : i32
    %dma_start3A_126 = tpu.memref_slice %arg4[%add3A_117, %dma_start3A_125] : memref<5120x2048xf32, #tpu.memory_space<hbm>> -> memref<8x2048xf32, #tpu.memory_space<hbm>>
    %dma_start3A_127 = arith.constant 0 : i32
    %dma_start3A_128 = arith.constant 0 : i32
    %dma_start3A_129 = tpu.memref_slice %arg6[%dma_start3A_118, %dma_start3A_127, %dma_start3A_128] : memref<3x8x2048xf32, #tpu.memory_space<vmem>> -> memref<1x8x2048xf32, #tpu.memory_space<vmem>>
    %dma_start3A_130 = tpu.memref_squeeze %dma_start3A_129 : memref<1x8x2048xf32, #tpu.memory_space<vmem>> -> memref<8x2048xf32, #tpu.memory_space<vmem>>
    tpu.enqueue_dma source(%dma_start3A_130 : memref<8x2048xf32, #tpu.memory_space<vmem>>) target(%dma_start3A_126 : memref<8x2048xf32, #tpu.memory_space<hbm>>) target_semaphore(%arg9 : memref<!tpu.dma_semaphore, #tpu.memory_space<semaphore_mem>>)
    %add3A_131 = arith.constant 8 : i32
    %add3A_132 = arith.addi %mul3A_2, %add3A_131 : i32
    %dma_wait3A_133 = arith.constant 1 : i32
    %dma_wait3A_134 = arith.constant 0 : i32
    %dma_wait3A_135 = arith.constant 0 : i32
    %dma_wait3A_136 = tpu.memref_slice %arg6[%dma_wait3A_133, %dma_wait3A_134, %dma_wait3A_135] : memref<3x8x2048xf32, #tpu.memory_space<vmem>> -> memref<1x8x2048xf32, #tpu.memory_space<vmem>>
    %dma_wait3A_137 = tpu.memref_squeeze %dma_wait3A_136 : memref<1x8x2048xf32, #tpu.memory_space<vmem>> -> memref<8x2048xf32, #tpu.memory_space<vmem>>
    %dma_wait3A_138 = arith.constant 0 : i32
    %dma_wait3A_139 = tpu.memref_slice %arg4[%add3A_132, %dma_wait3A_138] : memref<5120x2048xf32, #tpu.memory_space<hbm>> -> memref<8x2048xf32, #tpu.memory_space<hbm>>
    %dma_wait3A_140 = arith.constant 0 : i32
    %dma_wait3A_141 = tpu.memref_slice %arg4[%add3A_132, %dma_wait3A_140] : memref<5120x2048xf32, #tpu.memory_space<hbm>> -> memref<8x2048xf32, #tpu.memory_space<hbm>>
    %dma_wait3A_142 = arith.constant 0 : i32
    %dma_wait3A_143 = arith.constant 0 : i32
    %dma_wait3A_144 = tpu.memref_slice %arg6[%dma_wait3A_133, %dma_wait3A_142, %dma_wait3A_143] : memref<3x8x2048xf32, #tpu.memory_space<vmem>> -> memref<1x8x2048xf32, #tpu.memory_space<vmem>>
    %dma_wait3A_145 = tpu.memref_squeeze %dma_wait3A_144 : memref<1x8x2048xf32, #tpu.memory_space<vmem>> -> memref<8x2048xf32, #tpu.memory_space<vmem>>
    tpu.wait_dma2 semaphore(%arg8 : memref<!tpu.dma_semaphore, #tpu.memory_space<semaphore_mem>>) src(%dma_wait3A_145 : memref<8x2048xf32, #tpu.memory_space<vmem>>) dst(%dma_wait3A_141 : memref<8x2048xf32, #tpu.memory_space<hbm>>)
    %dma_start3A_146 = arith.constant 1 : i32
    %dma_start3A_147 = arith.constant 0 : i32
    %dma_start3A_148 = arith.constant 0 : i32
    %dma_start3A_149 = tpu.memref_slice %arg6[%dma_start3A_146, %dma_start3A_147, %dma_start3A_148] : memref<3x8x2048xf32, #tpu.memory_space<vmem>> -> memref<1x8x2048xf32, #tpu.memory_space<vmem>>
    %dma_start3A_150 = tpu.memref_squeeze %dma_start3A_149 : memref<1x8x2048xf32, #tpu.memory_space<vmem>> -> memref<8x2048xf32, #tpu.memory_space<vmem>>
    %dma_start3A_151 = arith.constant 32 : i32
    %dma_start3A_152 = tpu.memref_slice %arg5[%dma_start3A_151] : memref<160xi32, #tpu.memory_space<vmem>> -> memref<8xi32, #tpu.memory_space<vmem>>
    %dma_start3A_153 = arith.constant 0 : i32
    %dma_start3A_154 = arith.constant 0 : i32
    %dma_start3A_155 = tpu.memref_slice %arg2[%dma_start3A_153, %dma_start3A_154] : memref<2048x2048xf32, #tpu.memory_space<hbm>> -> memref<2048x2048xf32, #tpu.memory_space<hbm>>
    tpu.enqueue_indirect_dma source(%dma_start3A_155 : memref<2048x2048xf32, #tpu.memory_space<hbm>>) target(%dma_start3A_150 : memref<8x2048xf32, #tpu.memory_space<vmem>>) offsets(%dma_start3A_152 : memref<8xi32, #tpu.memory_space<vmem>>) semaphore(%arg8 : memref<!tpu.dma_semaphore, #tpu.memory_space<semaphore_mem>>)
    %dma_wait3A_156 = arith.constant 0 : i32
    %dma_wait3A_157 = arith.constant 0 : i32
    %dma_wait3A_158 = arith.constant 0 : i32
    %dma_wait3A_159 = tpu.memref_slice %arg6[%dma_wait3A_156, %dma_wait3A_157, %dma_wait3A_158] : memref<3x8x2048xf32, #tpu.memory_space<vmem>> -> memref<1x8x2048xf32, #tpu.memory_space<vmem>>
    %dma_wait3A_160 = tpu.memref_squeeze %dma_wait3A_159 : memref<1x8x2048xf32, #tpu.memory_space<vmem>> -> memref<8x2048xf32, #tpu.memory_space<vmem>>
    %dma_wait3A_161 = arith.constant 24 : i32
    %dma_wait3A_162 = tpu.memref_slice %arg5[%dma_wait3A_161] : memref<160xi32, #tpu.memory_space<vmem>> -> memref<8xi32, #tpu.memory_space<vmem>>
    %dma_wait3A_163 = arith.constant 0 : i32
    %dma_wait3A_164 = arith.constant 0 : i32
    %dma_wait3A_165 = tpu.memref_slice %arg2[%dma_wait3A_163, %dma_wait3A_164] : memref<2048x2048xf32, #tpu.memory_space<hbm>> -> memref<2048x2048xf32, #tpu.memory_space<hbm>>
    tpu.wait_indirect_dma semaphore(%arg7 : memref<!tpu.dma_semaphore, #tpu.memory_space<semaphore_mem>>) src(%dma_wait3A_165 : memref<2048x2048xf32, #tpu.memory_space<hbm>>) dst(%dma_wait3A_160 : memref<8x2048xf32, #tpu.memory_space<vmem>>)
    %add3A_166 = arith.constant 24 : i32
    %add3A_167 = arith.addi %mul3A_2, %add3A_166 : i32
    %dma_start3A_168 = arith.constant 0 : i32
    %dma_start3A_169 = arith.constant 0 : i32
    %dma_start3A_170 = arith.constant 0 : i32
    %dma_start3A_171 = tpu.memref_slice %arg6[%dma_start3A_168, %dma_start3A_169, %dma_start3A_170] : memref<3x8x2048xf32, #tpu.memory_space<vmem>> -> memref<1x8x2048xf32, #tpu.memory_space<vmem>>
    %dma_start3A_172 = tpu.memref_squeeze %dma_start3A_171 : memref<1x8x2048xf32, #tpu.memory_space<vmem>> -> memref<8x2048xf32, #tpu.memory_space<vmem>>
    %dma_start3A_173 = arith.constant 0 : i32
    %dma_start3A_174 = tpu.memref_slice %arg4[%add3A_167, %dma_start3A_173] : memref<5120x2048xf32, #tpu.memory_space<hbm>> -> memref<8x2048xf32, #tpu.memory_space<hbm>>
    %dma_start3A_175 = arith.constant 0 : i32
    %dma_start3A_176 = tpu.memref_slice %arg4[%add3A_167, %dma_start3A_175] : memref<5120x2048xf32, #tpu.memory_space<hbm>> -> memref<8x2048xf32, #tpu.memory_space<hbm>>
    %dma_start3A_177 = arith.constant 0 : i32
    %dma_start3A_178 = arith.constant 0 : i32
    %dma_start3A_179 = tpu.memref_slice %arg6[%dma_start3A_168, %dma_start3A_177, %dma_start3A_178] : memref<3x8x2048xf32, #tpu.memory_space<vmem>> -> memref<1x8x2048xf32, #tpu.memory_space<vmem>>
    %dma_start3A_180 = tpu.memref_squeeze %dma_start3A_179 : memref<1x8x2048xf32, #tpu.memory_space<vmem>> -> memref<8x2048xf32, #tpu.memory_space<vmem>>
    tpu.enqueue_dma source(%dma_start3A_180 : memref<8x2048xf32, #tpu.memory_space<vmem>>) target(%dma_start3A_176 : memref<8x2048xf32, #tpu.memory_space<hbm>>) target_semaphore(%arg7 : memref<!tpu.dma_semaphore, #tpu.memory_space<semaphore_mem>>)
    %add3A_181 = arith.constant 16 : i32
    %add3A_182 = arith.addi %mul3A_2, %add3A_181 : i32
    %dma_wait3A_183 = arith.constant 2 : i32
    %dma_wait3A_184 = arith.constant 0 : i32
    %dma_wait3A_185 = arith.constant 0 : i32
    %dma_wait3A_186 = tpu.memref_slice %arg6[%dma_wait3A_183, %dma_wait3A_184, %dma_wait3A_185] : memref<3x8x2048xf32, #tpu.memory_space<vmem>> -> memref<1x8x2048xf32, #tpu.memory_space<vmem>>
    %dma_wait3A_187 = tpu.memref_squeeze %dma_wait3A_186 : memref<1x8x2048xf32, #tpu.memory_space<vmem>> -> memref<8x2048xf32, #tpu.memory_space<vmem>>
    %dma_wait3A_188 = arith.constant 0 : i32
    %dma_wait3A_189 = tpu.memref_slice %arg4[%add3A_182, %dma_wait3A_188] : memref<5120x2048xf32, #tpu.memory_space<hbm>> -> memref<8x2048xf32, #tpu.memory_space<hbm>>
    %dma_wait3A_190 = arith.constant 0 : i32
    %dma_wait3A_191 = tpu.memref_slice %arg4[%add3A_182, %dma_wait3A_190] : memref<5120x2048xf32, #tpu.memory_space<hbm>> -> memref<8x2048xf32, #tpu.memory_space<hbm>>
    %dma_wait3A_192 = arith.constant 0 : i32
    %dma_wait3A_193 = arith.constant 0 : i32
    %dma_wait3A_194 = tpu.memref_slice %arg6[%dma_wait3A_183, %dma_wait3A_192, %dma_wait3A_193] : memref<3x8x2048xf32, #tpu.memory_space<vmem>> -> memref<1x8x2048xf32, #tpu.memory_space<vmem>>
    %dma_wait3A_195 = tpu.memref_squeeze %dma_wait3A_194 : memref<1x8x2048xf32, #tpu.memory_space<vmem>> -> memref<8x2048xf32, #tpu.memory_space<vmem>>
    tpu.wait_dma2 semaphore(%arg9 : memref<!tpu.dma_semaphore, #tpu.memory_space<semaphore_mem>>) src(%dma_wait3A_195 : memref<8x2048xf32, #tpu.memory_space<vmem>>) dst(%dma_wait3A_191 : memref<8x2048xf32, #tpu.memory_space<hbm>>)
    %dma_start3A_196 = arith.constant 2 : i32
    %dma_start3A_197 = arith.constant 0 : i32
    %dma_start3A_198 = arith.constant 0 : i32
    %dma_start3A_199 = tpu.memref_slice %arg6[%dma_start3A_196, %dma_start3A_197, %dma_start3A_198] : memref<3x8x2048xf32, #tpu.memory_space<vmem>> -> memref<1x8x2048xf32, #tpu.memory_space<vmem>>
    %dma_start3A_200 = tpu.memref_squeeze %dma_start3A_199 : memref<1x8x2048xf32, #tpu.memory_space<vmem>> -> memref<8x2048xf32, #tpu.memory_space<vmem>>
    %dma_start3A_201 = arith.constant 40 : i32
    %dma_start3A_202 = tpu.memref_slice %arg5[%dma_start3A_201] : memref<160xi32, #tpu.memory_space<vmem>> -> memref<8xi32, #tpu.memory_space<vmem>>
    %dma_start3A_203 = arith.constant 0 : i32
    %dma_start3A_204 = arith.constant 0 : i32
    %dma_start3A_205 = tpu.memref_slice %arg2[%dma_start3A_203, %dma_start3A_204] : memref<2048x2048xf32, #tpu.memory_space<hbm>> -> memref<2048x2048xf32, #tpu.memory_space<hbm>>
    tpu.enqueue_indirect_dma source(%dma_start3A_205 : memref<2048x2048xf32, #tpu.memory_space<hbm>>) target(%dma_start3A_200 : memref<8x2048xf32, #tpu.memory_space<vmem>>) offsets(%dma_start3A_202 : memref<8xi32, #tpu.memory_space<vmem>>) semaphore(%arg9 : memref<!tpu.dma_semaphore, #tpu.memory_space<semaphore_mem>>)
    %dma_wait3A_206 = arith.constant 1 : i32
    %dma_wait3A_207 = arith.constant 0 : i32
    %dma_wait3A_208 = arith.constant 0 : i32
    %dma_wait3A_209 = tpu.memref_slice %arg6[%dma_wait3A_206, %dma_wait3A_207, %dma_wait3A_208] : memref<3x8x2048xf32, #tpu.memory_space<vmem>> -> memref<1x8x2048xf32, #tpu.memory_space<vmem>>
    %dma_wait3A_210 = tpu.memref_squeeze %dma_wait3A_209 : memref<1x8x2048xf32, #tpu.memory_space<vmem>> -> memref<8x2048xf32, #tpu.memory_space<vmem>>
    %dma_wait3A_211 = arith.constant 32 : i32
    %dma_wait3A_212 = tpu.memref_slice %arg5[%dma_wait3A_211] : memref<160xi32, #tpu.memory_space<vmem>> -> memref<8xi32, #tpu.memory_space<vmem>>
    %dma_wait3A_213 = arith.constant 0 : i32
    %dma_wait3A_214 = arith.constant 0 : i32
    %dma_wait3A_215 = tpu.memref_slice %arg2[%dma_wait3A_213, %dma_wait3A_214] : memref<2048x2048xf32, #tpu.memory_space<hbm>> -> memref<2048x2048xf32, #tpu.memory_space<hbm>>
    tpu.wait_indirect_dma semaphore(%arg8 : memref<!tpu.dma_semaphore, #tpu.memory_space<semaphore_mem>>) src(%dma_wait3A_215 : memref<2048x2048xf32, #tpu.memory_space<hbm>>) dst(%dma_wait3A_210 : memref<8x2048xf32, #tpu.memory_space<vmem>>)
    %add3A_216 = arith.constant 32 : i32
    %add3A_217 = arith.addi %mul3A_2, %add3A_216 : i32
    %dma_start3A_218 = arith.constant 1 : i32
    %dma_start3A_219 = arith.constant 0 : i32
    %dma_start3A_220 = arith.constant 0 : i32
    %dma_start3A_221 = tpu.memref_slice %arg6[%dma_start3A_218, %dma_start3A_219, %dma_start3A_220] : memref<3x8x2048xf32, #tpu.memory_space<vmem>> -> memref<1x8x2048xf32, #tpu.memory_space<vmem>>
    %dma_start3A_222 = tpu.memref_squeeze %dma_start3A_221 : memref<1x8x2048xf32, #tpu.memory_space<vmem>> -> memref<8x2048xf32, #tpu.memory_space<vmem>>
    %dma_start3A_223 = arith.constant 0 : i32
    %dma_start3A_224 = tpu.memref_slice %arg4[%add3A_217, %dma_start3A_223] : memref<5120x2048xf32, #tpu.memory_space<hbm>> -> memref<8x2048xf32, #tpu.memory_space<hbm>>
    %dma_start3A_225 = arith.constant 0 : i32
    %dma_start3A_226 = tpu.memref_slice %arg4[%add3A_217, %dma_start3A_225] : memref<5120x2048xf32, #tpu.memory_space<hbm>> -> memref<8x2048xf32, #tpu.memory_space<hbm>>
    %dma_start3A_227 = arith.constant 0 : i32
    %dma_start3A_228 = arith.constant 0 : i32
    %dma_start3A_229 = tpu.memref_slice %arg6[%dma_start3A_218, %dma_start3A_227, %dma_start3A_228] : memref<3x8x2048xf32, #tpu.memory_space<vmem>> -> memref<1x8x2048xf32, #tpu.memory_space<vmem>>
    %dma_start3A_230 = tpu.memref_squeeze %dma_start3A_229 : memref<1x8x2048xf32, #tpu.memory_space<vmem>> -> memref<8x2048xf32, #tpu.memory_space<vmem>>
    tpu.enqueue_dma source(%dma_start3A_230 : memref<8x2048xf32, #tpu.memory_space<vmem>>) target(%dma_start3A_226 : memref<8x2048xf32, #tpu.memory_space<hbm>>) target_semaphore(%arg8 : memref<!tpu.dma_semaphore, #tpu.memory_space<semaphore_mem>>)
    %add3A_231 = arith.constant 24 : i32
    %add3A_232 = arith.addi %mul3A_2, %add3A_231 : i32
    %dma_wait3A_233 = arith.constant 0 : i32
    %dma_wait3A_234 = arith.constant 0 : i32
    %dma_wait3A_235 = arith.constant 0 : i32
    %dma_wait3A_236 = tpu.memref_slice %arg6[%dma_wait3A_233, %dma_wait3A_234, %dma_wait3A_235] : memref<3x8x2048xf32, #tpu.memory_space<vmem>> -> memref<1x8x2048xf32, #tpu.memory_space<vmem>>
    %dma_wait3A_237 = tpu.memref_squeeze %dma_wait3A_236 : memref<1x8x2048xf32, #tpu.memory_space<vmem>> -> memref<8x2048xf32, #tpu.memory_space<vmem>>
    %dma_wait3A_238 = arith.constant 0 : i32
    %dma_wait3A_239 = tpu.memref_slice %arg4[%add3A_232, %dma_wait3A_238] : memref<5120x2048xf32, #tpu.memory_space<hbm>> -> memref<8x2048xf32, #tpu.memory_space<hbm>>
    %dma_wait3A_240 = arith.constant 0 : i32
    %dma_wait3A_241 = tpu.memref_slice %arg4[%add3A_232, %dma_wait3A_240] : memref<5120x2048xf32, #tpu.memory_space<hbm>> -> memref<8x2048xf32, #tpu.memory_space<hbm>>
    %dma_wait3A_242 = arith.constant 0 : i32
    %dma_wait3A_243 = arith.constant 0 : i32
    %dma_wait3A_244 = tpu.memref_slice %arg6[%dma_wait3A_233, %dma_wait3A_242, %dma_wait3A_243] : memref<3x8x2048xf32, #tpu.memory_space<vmem>> -> memref<1x8x2048xf32, #tpu.memory_space<vmem>>
    %dma_wait3A_245 = tpu.memref_squeeze %dma_wait3A_244 : memref<1x8x2048xf32, #tpu.memory_space<vmem>> -> memref<8x2048xf32, #tpu.memory_space<vmem>>
    tpu.wait_dma2 semaphore(%arg7 : memref<!tpu.dma_semaphore, #tpu.memory_space<semaphore_mem>>) src(%dma_wait3A_245 : memref<8x2048xf32, #tpu.memory_space<vmem>>) dst(%dma_wait3A_241 : memref<8x2048xf32, #tpu.memory_space<hbm>>)
    %dma_start3A_246 = arith.constant 0 : i32
    %dma_start3A_247 = arith.constant 0 : i32
    %dma_start3A_248 = arith.constant 0 : i32
    %dma_start3A_249 = tpu.memref_slice %arg6[%dma_start3A_246, %dma_start3A_247, %dma_start3A_248] : memref<3x8x2048xf32, #tpu.memory_space<vmem>> -> memref<1x8x2048xf32, #tpu.memory_space<vmem>>
    %dma_start3A_250 = tpu.memref_squeeze %dma_start3A_249 : memref<1x8x2048xf32, #tpu.memory_space<vmem>> -> memref<8x2048xf32, #tpu.memory_space<vmem>>
    %dma_start3A_251 = arith.constant 48 : i32
    %dma_start3A_252 = tpu.memref_slice %arg5[%dma_start3A_251] : memref<160xi32, #tpu.memory_space<vmem>> -> memref<8xi32, #tpu.memory_space<vmem>>
    %dma_start3A_253 = arith.constant 0 : i32
    %dma_start3A_254 = arith.constant 0 : i32
    %dma_start3A_255 = tpu.memref_slice %arg2[%dma_start3A_253, %dma_start3A_254] : memref<2048x2048xf32, #tpu.memory_space<hbm>> -> memref<2048x2048xf32, #tpu.memory_space<hbm>>
    tpu.enqueue_indirect_dma source(%dma_start3A_255 : memref<2048x2048xf32, #tpu.memory_space<hbm>>) target(%dma_start3A_250 : memref<8x2048xf32, #tpu.memory_space<vmem>>) offsets(%dma_start3A_252 : memref<8xi32, #tpu.memory_space<vmem>>) semaphore(%arg7 : memref<!tpu.dma_semaphore, #tpu.memory_space<semaphore_mem>>)
    %dma_wait3A_256 = arith.constant 2 : i32
    %dma_wait3A_257 = arith.constant 0 : i32
    %dma_wait3A_258 = arith.constant 0 : i32
    %dma_wait3A_259 = tpu.memref_slice %arg6[%dma_wait3A_256, %dma_wait3A_257, %dma_wait3A_258] : memref<3x8x2048xf32, #tpu.memory_space<vmem>> -> memref<1x8x2048xf32, #tpu.memory_space<vmem>>
    %dma_wait3A_260 = tpu.memref_squeeze %dma_wait3A_259 : memref<1x8x2048xf32, #tpu.memory_space<vmem>> -> memref<8x2048xf32, #tpu.memory_space<vmem>>
    %dma_wait3A_261 = arith.constant 40 : i32
    %dma_wait3A_262 = tpu.memref_slice %arg5[%dma_wait3A_261] : memref<160xi32, #tpu.memory_space<vmem>> -> memref<8xi32, #tpu.memory_space<vmem>>
    %dma_wait3A_263 = arith.constant 0 : i32
    %dma_wait3A_264 = arith.constant 0 : i32
    %dma_wait3A_265 = tpu.memref_slice %arg2[%dma_wait3A_263, %dma_wait3A_264] : memref<2048x2048xf32, #tpu.memory_space<hbm>> -> memref<2048x2048xf32, #tpu.memory_space<hbm>>
    tpu.wait_indirect_dma semaphore(%arg9 : memref<!tpu.dma_semaphore, #tpu.memory_space<semaphore_mem>>) src(%dma_wait3A_265 : memref<2048x2048xf32, #tpu.memory_space<hbm>>) dst(%dma_wait3A_260 : memref<8x2048xf32, #tpu.memory_space<vmem>>)
    %add3A_266 = arith.constant 40 : i32
    %add3A_267 = arith.addi %mul3A_2, %add3A_266 : i32
    %dma_start3A_268 = arith.constant 2 : i32
    %dma_start3A_269 = arith.constant 0 : i32
    %dma_start3A_270 = arith.constant 0 : i32
    %dma_start3A_271 = tpu.memref_slice %arg6[%dma_start3A_268, %dma_start3A_269, %dma_start3A_270] : memref<3x8x2048xf32, #tpu.memory_space<vmem>> -> memref<1x8x2048xf32, #tpu.memory_space<vmem>>
    %dma_start3A_272 = tpu.memref_squeeze %dma_start3A_271 : memref<1x8x2048xf32, #tpu.memory_space<vmem>> -> memref<8x2048xf32, #tpu.memory_space<vmem>>
    %dma_start3A_273 = arith.constant 0 : i32
    %dma_start3A_274 = tpu.memref_slice %arg4[%add3A_267, %dma_start3A_273] : memref<5120x2048xf32, #tpu.memory_space<hbm>> -> memref<8x2048xf32, #tpu.memory_space<hbm>>
    %dma_start3A_275 = arith.constant 0 : i32
    %dma_start3A_276 = tpu.memref_slice %arg4[%add3A_267, %dma_start3A_275] : memref<5120x2048xf32, #tpu.memory_space<hbm>> -> memref<8x2048xf32, #tpu.memory_space<hbm>>
    %dma_start3A_277 = arith.constant 0 : i32
    %dma_start3A_278 = arith.constant 0 : i32
    %dma_start3A_279 = tpu.memref_slice %arg6[%dma_start3A_268, %dma_start3A_277, %dma_start3A_278] : memref<3x8x2048xf32, #tpu.memory_space<vmem>> -> memref<1x8x2048xf32, #tpu.memory_space<vmem>>
    %dma_start3A_280 = tpu.memref_squeeze %dma_start3A_279 : memref<1x8x2048xf32, #tpu.memory_space<vmem>> -> memref<8x2048xf32, #tpu.memory_space<vmem>>
    tpu.enqueue_dma source(%dma_start3A_280 : memref<8x2048xf32, #tpu.memory_space<vmem>>) target(%dma_start3A_276 : memref<8x2048xf32, #tpu.memory_space<hbm>>) target_semaphore(%arg9 : memref<!tpu.dma_semaphore, #tpu.memory_space<semaphore_mem>>)
    %add3A_281 = arith.constant 32 : i32
    %add3A_282 = arith.addi %mul3A_2, %add3A_281 : i32
    %dma_wait3A_283 = arith.constant 1 : i32
    %dma_wait3A_284 = arith.constant 0 : i32
    %dma_wait3A_285 = arith.constant 0 : i32
    %dma_wait3A_286 = tpu.memref_slice %arg6[%dma_wait3A_283, %dma_wait3A_284, %dma_wait3A_285] : memref<3x8x2048xf32, #tpu.memory_space<vmem>> -> memref<1x8x2048xf32, #tpu.memory_space<vmem>>
    %dma_wait3A_287 = tpu.memref_squeeze %dma_wait3A_286 : memref<1x8x2048xf32, #tpu.memory_space<vmem>> -> memref<8x2048xf32, #tpu.memory_space<vmem>>
    %dma_wait3A_288 = arith.constant 0 : i32
    %dma_wait3A_289 = tpu.memref_slice %arg4[%add3A_282, %dma_wait3A_288] : memref<5120x2048xf32, #tpu.memory_space<hbm>> -> memref<8x2048xf32, #tpu.memory_space<hbm>>
    %dma_wait3A_290 = arith.constant 0 : i32
    %dma_wait3A_291 = tpu.memref_slice %arg4[%add3A_282, %dma_wait3A_290] : memref<5120x2048xf32, #tpu.memory_space<hbm>> -> memref<8x2048xf32, #tpu.memory_space<hbm>>
    %dma_wait3A_292 = arith.constant 0 : i32
    %dma_wait3A_293 = arith.constant 0 : i32
    %dma_wait3A_294 = tpu.memref_slice %arg6[%dma_wait3A_283, %dma_wait3A_292, %dma_wait3A_293] : memref<3x8x2048xf32, #tpu.memory_space<vmem>> -> memref<1x8x2048xf32, #tpu.memory_space<vmem>>
    %dma_wait3A_295 = tpu.memref_squeeze %dma_wait3A_294 : memref<1x8x2048xf32, #tpu.memory_space<vmem>> -> memref<8x2048xf32, #tpu.memory_space<vmem>>
    tpu.wait_dma2 semaphore(%arg8 : memref<!tpu.dma_semaphore, #tpu.memory_space<semaphore_mem>>) src(%dma_wait3A_295 : memref<8x2048xf32, #tpu.memory_space<vmem>>) dst(%dma_wait3A_291 : memref<8x2048xf32, #tpu.memory_space<hbm>>)
    %dma_start3A_296 = arith.constant 1 : i32
    %dma_start3A_297 = arith.constant 0 : i32
    %dma_start3A_298 = arith.constant 0 : i32
    %dma_start3A_299 = tpu.memref_slice %arg6[%dma_start3A_296, %dma_start3A_297, %dma_start3A_298] : memref<3x8x2048xf32, #tpu.memory_space<vmem>> -> memref<1x8x2048xf32, #tpu.memory_space<vmem>>
    %dma_start3A_300 = tpu.memref_squeeze %dma_start3A_299 : memref<1x8x2048xf32, #tpu.memory_space<vmem>> -> memref<8x2048xf32, #tpu.memory_space<vmem>>
    %dma_start3A_301 = arith.constant 56 : i32
    %dma_start3A_302 = tpu.memref_slice %arg5[%dma_start3A_301] : memref<160xi32, #tpu.memory_space<vmem>> -> memref<8xi32, #tpu.memory_space<vmem>>
    %dma_start3A_303 = arith.constant 0 : i32
    %dma_start3A_304 = arith.constant 0 : i32
    %dma_start3A_305 = tpu.memref_slice %arg2[%dma_start3A_303, %dma_start3A_304] : memref<2048x2048xf32, #tpu.memory_space<hbm>> -> memref<2048x2048xf32, #tpu.memory_space<hbm>>
    tpu.enqueue_indirect_dma source(%dma_start3A_305 : memref<2048x2048xf32, #tpu.memory_space<hbm>>) target(%dma_start3A_300 : memref<8x2048xf32, #tpu.memory_space<vmem>>) offsets(%dma_start3A_302 : memref<8xi32, #tpu.memory_space<vmem>>) semaphore(%arg8 : memref<!tpu.dma_semaphore, #tpu.memory_space<semaphore_mem>>)
    %dma_wait3A_306 = arith.constant 0 : i32
    %dma_wait3A_307 = arith.constant 0 : i32
    %dma_wait3A_308 = arith.constant 0 : i32
    %dma_wait3A_309 = tpu.memref_slice %arg6[%dma_wait3A_306, %dma_wait3A_307, %dma_wait3A_308] : memref<3x8x2048xf32, #tpu.memory_space<vmem>> -> memref<1x8x2048xf32, #tpu.memory_space<vmem>>
    %dma_wait3A_310 = tpu.memref_squeeze %dma_wait3A_309 : memref<1x8x2048xf32, #tpu.memory_space<vmem>> -> memref<8x2048xf32, #tpu.memory_space<vmem>>
    %dma_wait3A_311 = arith.constant 48 : i32
    %dma_wait3A_312 = tpu.memref_slice %arg5[%dma_wait3A_311] : memref<160xi32, #tpu.memory_space<vmem>> -> memref<8xi32, #tpu.memory_space<vmem>>
    %dma_wait3A_313 = arith.constant 0 : i32
    %dma_wait3A_314 = arith.constant 0 : i32
    %dma_wait3A_315 = tpu.memref_slice %arg2[%dma_wait3A_313, %dma_wait3A_314] : memref<2048x2048xf32, #tpu.memory_space<hbm>> -> memref<2048x2048xf32, #tpu.memory_space<hbm>>
    tpu.wait_indirect_dma semaphore(%arg7 : memref<!tpu.dma_semaphore, #tpu.memory_space<semaphore_mem>>) src(%dma_wait3A_315 : memref<2048x2048xf32, #tpu.memory_space<hbm>>) dst(%dma_wait3A_310 : memref<8x2048xf32, #tpu.memory_space<vmem>>)
    %add3A_316 = arith.constant 48 : i32
    %add3A_317 = arith.addi %mul3A_2, %add3A_316 : i32
    %dma_start3A_318 = arith.constant 0 : i32
    %dma_start3A_319 = arith.constant 0 : i32
    %dma_start3A_320 = arith.constant 0 : i32
    %dma_start3A_321 = tpu.memref_slice %arg6[%dma_start3A_318, %dma_start3A_319, %dma_start3A_320] : memref<3x8x2048xf32, #tpu.memory_space<vmem>> -> memref<1x8x2048xf32, #tpu.memory_space<vmem>>
    %dma_start3A_322 = tpu.memref_squeeze %dma_start3A_321 : memref<1x8x2048xf32, #tpu.memory_space<vmem>> -> memref<8x2048xf32, #tpu.memory_space<vmem>>
    %dma_start3A_323 = arith.constant 0 : i32
    %dma_start3A_324 = tpu.memref_slice %arg4[%add3A_317, %dma_start3A_323] : memref<5120x2048xf32, #tpu.memory_space<hbm>> -> memref<8x2048xf32, #tpu.memory_space<hbm>>
    %dma_start3A_325 = arith.constant 0 : i32
    %dma_start3A_326 = tpu.memref_slice %arg4[%add3A_317, %dma_start3A_325] : memref<5120x2048xf32, #tpu.memory_space<hbm>> -> memref<8x2048xf32, #tpu.memory_space<hbm>>
    %dma_start3A_327 = arith.constant 0 : i32
    %dma_start3A_328 = arith.constant 0 : i32
    %dma_start3A_329 = tpu.memref_slice %arg6[%dma_start3A_318, %dma_start3A_327, %dma_start3A_328] : memref<3x8x2048xf32, #tpu.memory_space<vmem>> -> memref<1x8x2048xf32, #tpu.memory_space<vmem>>
    %dma_start3A_330 = tpu.memref_squeeze %dma_start3A_329 : memref<1x8x2048xf32, #tpu.memory_space<vmem>> -> memref<8x2048xf32, #tpu.memory_space<vmem>>
    tpu.enqueue_dma source(%dma_start3A_330 : memref<8x2048xf32, #tpu.memory_space<vmem>>) target(%dma_start3A_326 : memref<8x2048xf32, #tpu.memory_space<hbm>>) target_semaphore(%arg7 : memref<!tpu.dma_semaphore, #tpu.memory_space<semaphore_mem>>)
    %add3A_331 = arith.constant 40 : i32
    %add3A_332 = arith.addi %mul3A_2, %add3A_331 : i32
    %dma_wait3A_333 = arith.constant 2 : i32
    %dma_wait3A_334 = arith.constant 0 : i32
    %dma_wait3A_335 = arith.constant 0 : i32
    %dma_wait3A_336 = tpu.memref_slice %arg6[%dma_wait3A_333, %dma_wait3A_334, %dma_wait3A_335] : memref<3x8x2048xf32, #tpu.memory_space<vmem>> -> memref<1x8x2048xf32, #tpu.memory_space<vmem>>
    %dma_wait3A_337 = tpu.memref_squeeze %dma_wait3A_336 : memref<1x8x2048xf32, #tpu.memory_space<vmem>> -> memref<8x2048xf32, #tpu.memory_space<vmem>>
    %dma_wait3A_338 = arith.constant 0 : i32
    %dma_wait3A_339 = tpu.memref_slice %arg4[%add3A_332, %dma_wait3A_338] : memref<5120x2048xf32, #tpu.memory_space<hbm>> -> memref<8x2048xf32, #tpu.memory_space<hbm>>
    %dma_wait3A_340 = arith.constant 0 : i32
    %dma_wait3A_341 = tpu.memref_slice %arg4[%add3A_332, %dma_wait3A_340] : memref<5120x2048xf32, #tpu.memory_space<hbm>> -> memref<8x2048xf32, #tpu.memory_space<hbm>>
    %dma_wait3A_342 = arith.constant 0 : i32
    %dma_wait3A_343 = arith.constant 0 : i32
    %dma_wait3A_344 = tpu.memref_slice %arg6[%dma_wait3A_333, %dma_wait3A_342, %dma_wait3A_343] : memref<3x8x2048xf32, #tpu.memory_space<vmem>> -> memref<1x8x2048xf32, #tpu.memory_space<vmem>>
    %dma_wait3A_345 = tpu.memref_squeeze %dma_wait3A_344 : memref<1x8x2048xf32, #tpu.memory_space<vmem>> -> memref<8x2048xf32, #tpu.memory_space<vmem>>
    tpu.wait_dma2 semaphore(%arg9 : memref<!tpu.dma_semaphore, #tpu.memory_space<semaphore_mem>>) src(%dma_wait3A_345 : memref<8x2048xf32, #tpu.memory_space<vmem>>) dst(%dma_wait3A_341 : memref<8x2048xf32, #tpu.memory_space<hbm>>)
    %dma_start3A_346 = arith.constant 2 : i32
    %dma_start3A_347 = arith.constant 0 : i32
    %dma_start3A_348 = arith.constant 0 : i32
    %dma_start3A_349 = tpu.memref_slice %arg6[%dma_start3A_346, %dma_start3A_347, %dma_start3A_348] : memref<3x8x2048xf32, #tpu.memory_space<vmem>> -> memref<1x8x2048xf32, #tpu.memory_space<vmem>>
    %dma_start3A_350 = tpu.memref_squeeze %dma_start3A_349 : memref<1x8x2048xf32, #tpu.memory_space<vmem>> -> memref<8x2048xf32, #tpu.memory_space<vmem>>
    %dma_start3A_351 = arith.constant 64 : i32
    %dma_start3A_352 = tpu.memref_slice %arg5[%dma_start3A_351] : memref<160xi32, #tpu.memory_space<vmem>> -> memref<8xi32, #tpu.memory_space<vmem>>
    %dma_start3A_353 = arith.constant 0 : i32
    %dma_start3A_354 = arith.constant 0 : i32
    %dma_start3A_355 = tpu.memref_slice %arg2[%dma_start3A_353, %dma_start3A_354] : memref<2048x2048xf32, #tpu.memory_space<hbm>> -> memref<2048x2048xf32, #tpu.memory_space<hbm>>
    tpu.enqueue_indirect_dma source(%dma_start3A_355 : memref<2048x2048xf32, #tpu.memory_space<hbm>>) target(%dma_start3A_350 : memref<8x2048xf32, #tpu.memory_space<vmem>>) offsets(%dma_start3A_352 : memref<8xi32, #tpu.memory_space<vmem>>) semaphore(%arg9 : memref<!tpu.dma_semaphore, #tpu.memory_space<semaphore_mem>>)
    %dma_wait3A_356 = arith.constant 1 : i32
    %dma_wait3A_357 = arith.constant 0 : i32
    %dma_wait3A_358 = arith.constant 0 : i32
    %dma_wait3A_359 = tpu.memref_slice %arg6[%dma_wait3A_356, %dma_wait3A_357, %dma_wait3A_358] : memref<3x8x2048xf32, #tpu.memory_space<vmem>> -> memref<1x8x2048xf32, #tpu.memory_space<vmem>>
    %dma_wait3A_360 = tpu.memref_squeeze %dma_wait3A_359 : memref<1x8x2048xf32, #tpu.memory_space<vmem>> -> memref<8x2048xf32, #tpu.memory_space<vmem>>
    %dma_wait3A_361 = arith.constant 56 : i32
    %dma_wait3A_362 = tpu.memref_slice %arg5[%dma_wait3A_361] : memref<160xi32, #tpu.memory_space<vmem>> -> memref<8xi32, #tpu.memory_space<vmem>>
    %dma_wait3A_363 = arith.constant 0 : i32
    %dma_wait3A_364 = arith.constant 0 : i32
    %dma_wait3A_365 = tpu.memref_slice %arg2[%dma_wait3A_363, %dma_wait3A_364] : memref<2048x2048xf32, #tpu.memory_space<hbm>> -> memref<2048x2048xf32, #tpu.memory_space<hbm>>
    tpu.wait_indirect_dma semaphore(%arg8 : memref<!tpu.dma_semaphore, #tpu.memory_space<semaphore_mem>>) src(%dma_wait3A_365 : memref<2048x2048xf32, #tpu.memory_space<hbm>>) dst(%dma_wait3A_360 : memref<8x2048xf32, #tpu.memory_space<vmem>>)
    %add3A_366 = arith.constant 56 : i32
    %add3A_367 = arith.addi %mul3A_2, %add3A_366 : i32
    %dma_start3A_368 = arith.constant 1 : i32
    %dma_start3A_369 = arith.constant 0 : i32
    %dma_start3A_370 = arith.constant 0 : i32
    %dma_start3A_371 = tpu.memref_slice %arg6[%dma_start3A_368, %dma_start3A_369, %dma_start3A_370] : memref<3x8x2048xf32, #tpu.memory_space<vmem>> -> memref<1x8x2048xf32, #tpu.memory_space<vmem>>
    %dma_start3A_372 = tpu.memref_squeeze %dma_start3A_371 : memref<1x8x2048xf32, #tpu.memory_space<vmem>> -> memref<8x2048xf32, #tpu.memory_space<vmem>>
    %dma_start3A_373 = arith.constant 0 : i32
    %dma_start3A_374 = tpu.memref_slice %arg4[%add3A_367, %dma_start3A_373] : memref<5120x2048xf32, #tpu.memory_space<hbm>> -> memref<8x2048xf32, #tpu.memory_space<hbm>>
    %dma_start3A_375 = arith.constant 0 : i32
    %dma_start3A_376 = tpu.memref_slice %arg4[%add3A_367, %dma_start3A_375] : memref<5120x2048xf32, #tpu.memory_space<hbm>> -> memref<8x2048xf32, #tpu.memory_space<hbm>>
    %dma_start3A_377 = arith.constant 0 : i32
    %dma_start3A_378 = arith.constant 0 : i32
    %dma_start3A_379 = tpu.memref_slice %arg6[%dma_start3A_368, %dma_start3A_377, %dma_start3A_378] : memref<3x8x2048xf32, #tpu.memory_space<vmem>> -> memref<1x8x2048xf32, #tpu.memory_space<vmem>>
    %dma_start3A_380 = tpu.memref_squeeze %dma_start3A_379 : memref<1x8x2048xf32, #tpu.memory_space<vmem>> -> memref<8x2048xf32, #tpu.memory_space<vmem>>
    tpu.enqueue_dma source(%dma_start3A_380 : memref<8x2048xf32, #tpu.memory_space<vmem>>) target(%dma_start3A_376 : memref<8x2048xf32, #tpu.memory_space<hbm>>) target_semaphore(%arg8 : memref<!tpu.dma_semaphore, #tpu.memory_space<semaphore_mem>>)
    %add3A_381 = arith.constant 48 : i32
    %add3A_382 = arith.addi %mul3A_2, %add3A_381 : i32
    %dma_wait3A_383 = arith.constant 0 : i32
    %dma_wait3A_384 = arith.constant 0 : i32
    %dma_wait3A_385 = arith.constant 0 : i32
    %dma_wait3A_386 = tpu.memref_slice %arg6[%dma_wait3A_383, %dma_wait3A_384, %dma_wait3A_385] : memref<3x8x2048xf32, #tpu.memory_space<vmem>> -> memref<1x8x2048xf32, #tpu.memory_space<vmem>>
    %dma_wait3A_387 = tpu.memref_squeeze %dma_wait3A_386 : memref<1x8x2048xf32, #tpu.memory_space<vmem>> -> memref<8x2048xf32, #tpu.memory_space<vmem>>
    %dma_wait3A_388 = arith.constant 0 : i32
    %dma_wait3A_389 = tpu.memref_slice %arg4[%add3A_382, %dma_wait3A_388] : memref<5120x2048xf32, #tpu.memory_space<hbm>> -> memref<8x2048xf32, #tpu.memory_space<hbm>>
    %dma_wait3A_390 = arith.constant 0 : i32
    %dma_wait3A_391 = tpu.memref_slice %arg4[%add3A_382, %dma_wait3A_390] : memref<5120x2048xf32, #tpu.memory_space<hbm>> -> memref<8x2048xf32, #tpu.memory_space<hbm>>
    %dma_wait3A_392 = arith.constant 0 : i32
    %dma_wait3A_393 = arith.constant 0 : i32
    %dma_wait3A_394 = tpu.memref_slice %arg6[%dma_wait3A_383, %dma_wait3A_392, %dma_wait3A_393] : memref<3x8x2048xf32, #tpu.memory_space<vmem>> -> memref<1x8x2048xf32, #tpu.memory_space<vmem>>
    %dma_wait3A_395 = tpu.memref_squeeze %dma_wait3A_394 : memref<1x8x2048xf32, #tpu.memory_space<vmem>> -> memref<8x2048xf32, #tpu.memory_space<vmem>>
    tpu.wait_dma2 semaphore(%arg7 : memref<!tpu.dma_semaphore, #tpu.memory_space<semaphore_mem>>) src(%dma_wait3A_395 : memref<8x2048xf32, #tpu.memory_space<vmem>>) dst(%dma_wait3A_391 : memref<8x2048xf32, #tpu.memory_space<hbm>>)
    %dma_start3A_396 = arith.constant 0 : i32
    %dma_start3A_397 = arith.constant 0 : i32
    %dma_start3A_398 = arith.constant 0 : i32
    %dma_start3A_399 = tpu.memref_slice %arg6[%dma_start3A_396, %dma_start3A_397, %dma_start3A_398] : memref<3x8x2048xf32, #tpu.memory_space<vmem>> -> memref<1x8x2048xf32, #tpu.memory_space<vmem>>
    %dma_start3A_400 = tpu.memref_squeeze %dma_start3A_399 : memref<1x8x2048xf32, #tpu.memory_space<vmem>> -> memref<8x2048xf32, #tpu.memory_space<vmem>>
    %dma_start3A_401 = arith.constant 72 : i32
    %dma_start3A_402 = tpu.memref_slice %arg5[%dma_start3A_401] : memref<160xi32, #tpu.memory_space<vmem>> -> memref<8xi32, #tpu.memory_space<vmem>>
    %dma_start3A_403 = arith.constant 0 : i32
    %dma_start3A_404 = arith.constant 0 : i32
    %dma_start3A_405 = tpu.memref_slice %arg2[%dma_start3A_403, %dma_start3A_404] : memref<2048x2048xf32, #tpu.memory_space<hbm>> -> memref<2048x2048xf32, #tpu.memory_space<hbm>>
    tpu.enqueue_indirect_dma source(%dma_start3A_405 : memref<2048x2048xf32, #tpu.memory_space<hbm>>) target(%dma_start3A_400 : memref<8x2048xf32, #tpu.memory_space<vmem>>) offsets(%dma_start3A_402 : memref<8xi32, #tpu.memory_space<vmem>>) semaphore(%arg7 : memref<!tpu.dma_semaphore, #tpu.memory_space<semaphore_mem>>)
    %dma_wait3A_406 = arith.constant 2 : i32
    %dma_wait3A_407 = arith.constant 0 : i32
    %dma_wait3A_408 = arith.constant 0 : i32
    %dma_wait3A_409 = tpu.memref_slice %arg6[%dma_wait3A_406, %dma_wait3A_407, %dma_wait3A_408] : memref<3x8x2048xf32, #tpu.memory_space<vmem>> -> memref<1x8x2048xf32, #tpu.memory_space<vmem>>
    %dma_wait3A_410 = tpu.memref_squeeze %dma_wait3A_409 : memref<1x8x2048xf32, #tpu.memory_space<vmem>> -> memref<8x2048xf32, #tpu.memory_space<vmem>>
    %dma_wait3A_411 = arith.constant 64 : i32
    %dma_wait3A_412 = tpu.memref_slice %arg5[%dma_wait3A_411] : memref<160xi32, #tpu.memory_space<vmem>> -> memref<8xi32, #tpu.memory_space<vmem>>
    %dma_wait3A_413 = arith.constant 0 : i32
    %dma_wait3A_414 = arith.constant 0 : i32
    %dma_wait3A_415 = tpu.memref_slice %arg2[%dma_wait3A_413, %dma_wait3A_414] : memref<2048x2048xf32, #tpu.memory_space<hbm>> -> memref<2048x2048xf32, #tpu.memory_space<hbm>>
    tpu.wait_indirect_dma semaphore(%arg9 : memref<!tpu.dma_semaphore, #tpu.memory_space<semaphore_mem>>) src(%dma_wait3A_415 : memref<2048x2048xf32, #tpu.memory_space<hbm>>) dst(%dma_wait3A_410 : memref<8x2048xf32, #tpu.memory_space<vmem>>)
    %add3A_416 = arith.constant 64 : i32
    %add3A_417 = arith.addi %mul3A_2, %add3A_416 : i32
    %dma_start3A_418 = arith.constant 2 : i32
    %dma_start3A_419 = arith.constant 0 : i32
    %dma_start3A_420 = arith.constant 0 : i32
    %dma_start3A_421 = tpu.memref_slice %arg6[%dma_start3A_418, %dma_start3A_419, %dma_start3A_420] : memref<3x8x2048xf32, #tpu.memory_space<vmem>> -> memref<1x8x2048xf32, #tpu.memory_space<vmem>>
    %dma_start3A_422 = tpu.memref_squeeze %dma_start3A_421 : memref<1x8x2048xf32, #tpu.memory_space<vmem>> -> memref<8x2048xf32, #tpu.memory_space<vmem>>
    %dma_start3A_423 = arith.constant 0 : i32
    %dma_start3A_424 = tpu.memref_slice %arg4[%add3A_417, %dma_start3A_423] : memref<5120x2048xf32, #tpu.memory_space<hbm>> -> memref<8x2048xf32, #tpu.memory_space<hbm>>
    %dma_start3A_425 = arith.constant 0 : i32
    %dma_start3A_426 = tpu.memref_slice %arg4[%add3A_417, %dma_start3A_425] : memref<5120x2048xf32, #tpu.memory_space<hbm>> -> memref<8x2048xf32, #tpu.memory_space<hbm>>
    %dma_start3A_427 = arith.constant 0 : i32
    %dma_start3A_428 = arith.constant 0 : i32
    %dma_start3A_429 = tpu.memref_slice %arg6[%dma_start3A_418, %dma_start3A_427, %dma_start3A_428] : memref<3x8x2048xf32, #tpu.memory_space<vmem>> -> memref<1x8x2048xf32, #tpu.memory_space<vmem>>
    %dma_start3A_430 = tpu.memref_squeeze %dma_start3A_429 : memref<1x8x2048xf32, #tpu.memory_space<vmem>> -> memref<8x2048xf32, #tpu.memory_space<vmem>>
    tpu.enqueue_dma source(%dma_start3A_430 : memref<8x2048xf32, #tpu.memory_space<vmem>>) target(%dma_start3A_426 : memref<8x2048xf32, #tpu.memory_space<hbm>>) target_semaphore(%arg9 : memref<!tpu.dma_semaphore, #tpu.memory_space<semaphore_mem>>)
    %add3A_431 = arith.constant 56 : i32
    %add3A_432 = arith.addi %mul3A_2, %add3A_431 : i32
    %dma_wait3A_433 = arith.constant 1 : i32
    %dma_wait3A_434 = arith.constant 0 : i32
    %dma_wait3A_435 = arith.constant 0 : i32
    %dma_wait3A_436 = tpu.memref_slice %arg6[%dma_wait3A_433, %dma_wait3A_434, %dma_wait3A_435] : memref<3x8x2048xf32, #tpu.memory_space<vmem>> -> memref<1x8x2048xf32, #tpu.memory_space<vmem>>
    %dma_wait3A_437 = tpu.memref_squeeze %dma_wait3A_436 : memref<1x8x2048xf32, #tpu.memory_space<vmem>> -> memref<8x2048xf32, #tpu.memory_space<vmem>>
    %dma_wait3A_438 = arith.constant 0 : i32
    %dma_wait3A_439 = tpu.memref_slice %arg4[%add3A_432, %dma_wait3A_438] : memref<5120x2048xf32, #tpu.memory_space<hbm>> -> memref<8x2048xf32, #tpu.memory_space<hbm>>
    %dma_wait3A_440 = arith.constant 0 : i32
    %dma_wait3A_441 = tpu.memref_slice %arg4[%add3A_432, %dma_wait3A_440] : memref<5120x2048xf32, #tpu.memory_space<hbm>> -> memref<8x2048xf32, #tpu.memory_space<hbm>>
    %dma_wait3A_442 = arith.constant 0 : i32
    %dma_wait3A_443 = arith.constant 0 : i32
    %dma_wait3A_444 = tpu.memref_slice %arg6[%dma_wait3A_433, %dma_wait3A_442, %dma_wait3A_443] : memref<3x8x2048xf32, #tpu.memory_space<vmem>> -> memref<1x8x2048xf32, #tpu.memory_space<vmem>>
    %dma_wait3A_445 = tpu.memref_squeeze %dma_wait3A_444 : memref<1x8x2048xf32, #tpu.memory_space<vmem>> -> memref<8x2048xf32, #tpu.memory_space<vmem>>
    tpu.wait_dma2 semaphore(%arg8 : memref<!tpu.dma_semaphore, #tpu.memory_space<semaphore_mem>>) src(%dma_wait3A_445 : memref<8x2048xf32, #tpu.memory_space<vmem>>) dst(%dma_wait3A_441 : memref<8x2048xf32, #tpu.memory_space<hbm>>)
    %dma_start3A_446 = arith.constant 1 : i32
    %dma_start3A_447 = arith.constant 0 : i32
    %dma_start3A_448 = arith.constant 0 : i32
    %dma_start3A_449 = tpu.memref_slice %arg6[%dma_start3A_446, %dma_start3A_447, %dma_start3A_448] : memref<3x8x2048xf32, #tpu.memory_space<vmem>> -> memref<1x8x2048xf32, #tpu.memory_space<vmem>>
    %dma_start3A_450 = tpu.memref_squeeze %dma_start3A_449 : memref<1x8x2048xf32, #tpu.memory_space<vmem>> -> memref<8x2048xf32, #tpu.memory_space<vmem>>
    %dma_start3A_451 = arith.constant 80 : i32
    %dma_start3A_452 = tpu.memref_slice %arg5[%dma_start3A_451] : memref<160xi32, #tpu.memory_space<vmem>> -> memref<8xi32, #tpu.memory_space<vmem>>
    %dma_start3A_453 = arith.constant 0 : i32
    %dma_start3A_454 = arith.constant 0 : i32
    %dma_start3A_455 = tpu.memref_slice %arg2[%dma_start3A_453, %dma_start3A_454] : memref<2048x2048xf32, #tpu.memory_space<hbm>> -> memref<2048x2048xf32, #tpu.memory_space<hbm>>
    tpu.enqueue_indirect_dma source(%dma_start3A_455 : memref<2048x2048xf32, #tpu.memory_space<hbm>>) target(%dma_start3A_450 : memref<8x2048xf32, #tpu.memory_space<vmem>>) offsets(%dma_start3A_452 : memref<8xi32, #tpu.memory_space<vmem>>) semaphore(%arg8 : memref<!tpu.dma_semaphore, #tpu.memory_space<semaphore_mem>>)
    %dma_wait3A_456 = arith.constant 0 : i32
    %dma_wait3A_457 = arith.constant 0 : i32
    %dma_wait3A_458 = arith.constant 0 : i32
    %dma_wait3A_459 = tpu.memref_slice %arg6[%dma_wait3A_456, %dma_wait3A_457, %dma_wait3A_458] : memref<3x8x2048xf32, #tpu.memory_space<vmem>> -> memref<1x8x2048xf32, #tpu.memory_space<vmem>>
    %dma_wait3A_460 = tpu.memref_squeeze %dma_wait3A_459 : memref<1x8x2048xf32, #tpu.memory_space<vmem>> -> memref<8x2048xf32, #tpu.memory_space<vmem>>
    %dma_wait3A_461 = arith.constant 72 : i32
    %dma_wait3A_462 = tpu.memref_slice %arg5[%dma_wait3A_461] : memref<160xi32, #tpu.memory_space<vmem>> -> memref<8xi32, #tpu.memory_space<vmem>>
    %dma_wait3A_463 = arith.constant 0 : i32
    %dma_wait3A_464 = arith.constant 0 : i32
    %dma_wait3A_465 = tpu.memref_slice %arg2[%dma_wait3A_463, %dma_wait3A_464] : memref<2048x2048xf32, #tpu.memory_space<hbm>> -> memref<2048x2048xf32, #tpu.memory_space<hbm>>
    tpu.wait_indirect_dma semaphore(%arg7 : memref<!tpu.dma_semaphore, #tpu.memory_space<semaphore_mem>>) src(%dma_wait3A_465 : memref<2048x2048xf32, #tpu.memory_space<hbm>>) dst(%dma_wait3A_460 : memref<8x2048xf32, #tpu.memory_space<vmem>>)
    %add3A_466 = arith.constant 72 : i32
    %add3A_467 = arith.addi %mul3A_2, %add3A_466 : i32
    %dma_start3A_468 = arith.constant 0 : i32
    %dma_start3A_469 = arith.constant 0 : i32
    %dma_start3A_470 = arith.constant 0 : i32
    %dma_start3A_471 = tpu.memref_slice %arg6[%dma_start3A_468, %dma_start3A_469, %dma_start3A_470] : memref<3x8x2048xf32, #tpu.memory_space<vmem>> -> memref<1x8x2048xf32, #tpu.memory_space<vmem>>
    %dma_start3A_472 = tpu.memref_squeeze %dma_start3A_471 : memref<1x8x2048xf32, #tpu.memory_space<vmem>> -> memref<8x2048xf32, #tpu.memory_space<vmem>>
    %dma_start3A_473 = arith.constant 0 : i32
    %dma_start3A_474 = tpu.memref_slice %arg4[%add3A_467, %dma_start3A_473] : memref<5120x2048xf32, #tpu.memory_space<hbm>> -> memref<8x2048xf32, #tpu.memory_space<hbm>>
    %dma_start3A_475 = arith.constant 0 : i32
    %dma_start3A_476 = tpu.memref_slice %arg4[%add3A_467, %dma_start3A_475] : memref<5120x2048xf32, #tpu.memory_space<hbm>> -> memref<8x2048xf32, #tpu.memory_space<hbm>>
    %dma_start3A_477 = arith.constant 0 : i32
    %dma_start3A_478 = arith.constant 0 : i32
    %dma_start3A_479 = tpu.memref_slice %arg6[%dma_start3A_468, %dma_start3A_477, %dma_start3A_478] : memref<3x8x2048xf32, #tpu.memory_space<vmem>> -> memref<1x8x2048xf32, #tpu.memory_space<vmem>>
    %dma_start3A_480 = tpu.memref_squeeze %dma_start3A_479 : memref<1x8x2048xf32, #tpu.memory_space<vmem>> -> memref<8x2048xf32, #tpu.memory_space<vmem>>
    tpu.enqueue_dma source(%dma_start3A_480 : memref<8x2048xf32, #tpu.memory_space<vmem>>) target(%dma_start3A_476 : memref<8x2048xf32, #tpu.memory_space<hbm>>) target_semaphore(%arg7 : memref<!tpu.dma_semaphore, #tpu.memory_space<semaphore_mem>>)
    %add3A_481 = arith.constant 64 : i32
    %add3A_482 = arith.addi %mul3A_2, %add3A_481 : i32
    %dma_wait3A_483 = arith.constant 2 : i32
    %dma_wait3A_484 = arith.constant 0 : i32
    %dma_wait3A_485 = arith.constant 0 : i32
    %dma_wait3A_486 = tpu.memref_slice %arg6[%dma_wait3A_483, %dma_wait3A_484, %dma_wait3A_485] : memref<3x8x2048xf32, #tpu.memory_space<vmem>> -> memref<1x8x2048xf32, #tpu.memory_space<vmem>>
    %dma_wait3A_487 = tpu.memref_squeeze %dma_wait3A_486 : memref<1x8x2048xf32, #tpu.memory_space<vmem>> -> memref<8x2048xf32, #tpu.memory_space<vmem>>
    %dma_wait3A_488 = arith.constant 0 : i32
    %dma_wait3A_489 = tpu.memref_slice %arg4[%add3A_482, %dma_wait3A_488] : memref<5120x2048xf32, #tpu.memory_space<hbm>> -> memref<8x2048xf32, #tpu.memory_space<hbm>>
    %dma_wait3A_490 = arith.constant 0 : i32
    %dma_wait3A_491 = tpu.memref_slice %arg4[%add3A_482, %dma_wait3A_490] : memref<5120x2048xf32, #tpu.memory_space<hbm>> -> memref<8x2048xf32, #tpu.memory_space<hbm>>
    %dma_wait3A_492 = arith.constant 0 : i32
    %dma_wait3A_493 = arith.constant 0 : i32
    %dma_wait3A_494 = tpu.memref_slice %arg6[%dma_wait3A_483, %dma_wait3A_492, %dma_wait3A_493] : memref<3x8x2048xf32, #tpu.memory_space<vmem>> -> memref<1x8x2048xf32, #tpu.memory_space<vmem>>
    %dma_wait3A_495 = tpu.memref_squeeze %dma_wait3A_494 : memref<1x8x2048xf32, #tpu.memory_space<vmem>> -> memref<8x2048xf32, #tpu.memory_space<vmem>>
    tpu.wait_dma2 semaphore(%arg9 : memref<!tpu.dma_semaphore, #tpu.memory_space<semaphore_mem>>) src(%dma_wait3A_495 : memref<8x2048xf32, #tpu.memory_space<vmem>>) dst(%dma_wait3A_491 : memref<8x2048xf32, #tpu.memory_space<hbm>>)
    %dma_start3A_496 = arith.constant 2 : i32
    %dma_start3A_497 = arith.constant 0 : i32
    %dma_start3A_498 = arith.constant 0 : i32
    %dma_start3A_499 = tpu.memref_slice %arg6[%dma_start3A_496, %dma_start3A_497, %dma_start3A_498] : memref<3x8x2048xf32, #tpu.memory_space<vmem>> -> memref<1x8x2048xf32, #tpu.memory_space<vmem>>
    %dma_start3A_500 = tpu.memref_squeeze %dma_start3A_499 : memref<1x8x2048xf32, #tpu.memory_space<vmem>> -> memref<8x2048xf32, #tpu.memory_space<vmem>>
    %dma_start3A_501 = arith.constant 88 : i32
    %dma_start3A_502 = tpu.memref_slice %arg5[%dma_start3A_501] : memref<160xi32, #tpu.memory_space<vmem>> -> memref<8xi32, #tpu.memory_space<vmem>>
    %dma_start3A_503 = arith.constant 0 : i32
    %dma_start3A_504 = arith.constant 0 : i32
    %dma_start3A_505 = tpu.memref_slice %arg2[%dma_start3A_503, %dma_start3A_504] : memref<2048x2048xf32, #tpu.memory_space<hbm>> -> memref<2048x2048xf32, #tpu.memory_space<hbm>>
    tpu.enqueue_indirect_dma source(%dma_start3A_505 : memref<2048x2048xf32, #tpu.memory_space<hbm>>) target(%dma_start3A_500 : memref<8x2048xf32, #tpu.memory_space<vmem>>) offsets(%dma_start3A_502 : memref<8xi32, #tpu.memory_space<vmem>>) semaphore(%arg9 : memref<!tpu.dma_semaphore, #tpu.memory_space<semaphore_mem>>)
    %dma_wait3A_506 = arith.constant 1 : i32
    %dma_wait3A_507 = arith.constant 0 : i32
    %dma_wait3A_508 = arith.constant 0 : i32
    %dma_wait3A_509 = tpu.memref_slice %arg6[%dma_wait3A_506, %dma_wait3A_507, %dma_wait3A_508] : memref<3x8x2048xf32, #tpu.memory_space<vmem>> -> memref<1x8x2048xf32, #tpu.memory_space<vmem>>
    %dma_wait3A_510 = tpu.memref_squeeze %dma_wait3A_509 : memref<1x8x2048xf32, #tpu.memory_space<vmem>> -> memref<8x2048xf32, #tpu.memory_space<vmem>>
    %dma_wait3A_511 = arith.constant 80 : i32
    %dma_wait3A_512 = tpu.memref_slice %arg5[%dma_wait3A_511] : memref<160xi32, #tpu.memory_space<vmem>> -> memref<8xi32, #tpu.memory_space<vmem>>
    %dma_wait3A_513 = arith.constant 0 : i32
    %dma_wait3A_514 = arith.constant 0 : i32
    %dma_wait3A_515 = tpu.memref_slice %arg2[%dma_wait3A_513, %dma_wait3A_514] : memref<2048x2048xf32, #tpu.memory_space<hbm>> -> memref<2048x2048xf32, #tpu.memory_space<hbm>>
    tpu.wait_indirect_dma semaphore(%arg8 : memref<!tpu.dma_semaphore, #tpu.memory_space<semaphore_mem>>) src(%dma_wait3A_515 : memref<2048x2048xf32, #tpu.memory_space<hbm>>) dst(%dma_wait3A_510 : memref<8x2048xf32, #tpu.memory_space<vmem>>)
    %add3A_516 = arith.constant 80 : i32
    %add3A_517 = arith.addi %mul3A_2, %add3A_516 : i32
    %dma_start3A_518 = arith.constant 1 : i32
    %dma_start3A_519 = arith.constant 0 : i32
    %dma_start3A_520 = arith.constant 0 : i32
    %dma_start3A_521 = tpu.memref_slice %arg6[%dma_start3A_518, %dma_start3A_519, %dma_start3A_520] : memref<3x8x2048xf32, #tpu.memory_space<vmem>> -> memref<1x8x2048xf32, #tpu.memory_space<vmem>>
    %dma_start3A_522 = tpu.memref_squeeze %dma_start3A_521 : memref<1x8x2048xf32, #tpu.memory_space<vmem>> -> memref<8x2048xf32, #tpu.memory_space<vmem>>
    %dma_start3A_523 = arith.constant 0 : i32
    %dma_start3A_524 = tpu.memref_slice %arg4[%add3A_517, %dma_start3A_523] : memref<5120x2048xf32, #tpu.memory_space<hbm>> -> memref<8x2048xf32, #tpu.memory_space<hbm>>
    %dma_start3A_525 = arith.constant 0 : i32
    %dma_start3A_526 = tpu.memref_slice %arg4[%add3A_517, %dma_start3A_525] : memref<5120x2048xf32, #tpu.memory_space<hbm>> -> memref<8x2048xf32, #tpu.memory_space<hbm>>
    %dma_start3A_527 = arith.constant 0 : i32
    %dma_start3A_528 = arith.constant 0 : i32
    %dma_start3A_529 = tpu.memref_slice %arg6[%dma_start3A_518, %dma_start3A_527, %dma_start3A_528] : memref<3x8x2048xf32, #tpu.memory_space<vmem>> -> memref<1x8x2048xf32, #tpu.memory_space<vmem>>
    %dma_start3A_530 = tpu.memref_squeeze %dma_start3A_529 : memref<1x8x2048xf32, #tpu.memory_space<vmem>> -> memref<8x2048xf32, #tpu.memory_space<vmem>>
    tpu.enqueue_dma source(%dma_start3A_530 : memref<8x2048xf32, #tpu.memory_space<vmem>>) target(%dma_start3A_526 : memref<8x2048xf32, #tpu.memory_space<hbm>>) target_semaphore(%arg8 : memref<!tpu.dma_semaphore, #tpu.memory_space<semaphore_mem>>)
    %add3A_531 = arith.constant 72 : i32
    %add3A_532 = arith.addi %mul3A_2, %add3A_531 : i32
    %dma_wait3A_533 = arith.constant 0 : i32
    %dma_wait3A_534 = arith.constant 0 : i32
    %dma_wait3A_535 = arith.constant 0 : i32
    %dma_wait3A_536 = tpu.memref_slice %arg6[%dma_wait3A_533, %dma_wait3A_534, %dma_wait3A_535] : memref<3x8x2048xf32, #tpu.memory_space<vmem>> -> memref<1x8x2048xf32, #tpu.memory_space<vmem>>
    %dma_wait3A_537 = tpu.memref_squeeze %dma_wait3A_536 : memref<1x8x2048xf32, #tpu.memory_space<vmem>> -> memref<8x2048xf32, #tpu.memory_space<vmem>>
    %dma_wait3A_538 = arith.constant 0 : i32
    %dma_wait3A_539 = tpu.memref_slice %arg4[%add3A_532, %dma_wait3A_538] : memref<5120x2048xf32, #tpu.memory_space<hbm>> -> memref<8x2048xf32, #tpu.memory_space<hbm>>
    %dma_wait3A_540 = arith.constant 0 : i32
    %dma_wait3A_541 = tpu.memref_slice %arg4[%add3A_532, %dma_wait3A_540] : memref<5120x2048xf32, #tpu.memory_space<hbm>> -> memref<8x2048xf32, #tpu.memory_space<hbm>>
    %dma_wait3A_542 = arith.constant 0 : i32
    %dma_wait3A_543 = arith.constant 0 : i32
    %dma_wait3A_544 = tpu.memref_slice %arg6[%dma_wait3A_533, %dma_wait3A_542, %dma_wait3A_543] : memref<3x8x2048xf32, #tpu.memory_space<vmem>> -> memref<1x8x2048xf32, #tpu.memory_space<vmem>>
    %dma_wait3A_545 = tpu.memref_squeeze %dma_wait3A_544 : memref<1x8x2048xf32, #tpu.memory_space<vmem>> -> memref<8x2048xf32, #tpu.memory_space<vmem>>
    tpu.wait_dma2 semaphore(%arg7 : memref<!tpu.dma_semaphore, #tpu.memory_space<semaphore_mem>>) src(%dma_wait3A_545 : memref<8x2048xf32, #tpu.memory_space<vmem>>) dst(%dma_wait3A_541 : memref<8x2048xf32, #tpu.memory_space<hbm>>)
    %dma_start3A_546 = arith.constant 0 : i32
    %dma_start3A_547 = arith.constant 0 : i32
    %dma_start3A_548 = arith.constant 0 : i32
    %dma_start3A_549 = tpu.memref_slice %arg6[%dma_start3A_546, %dma_start3A_547, %dma_start3A_548] : memref<3x8x2048xf32, #tpu.memory_space<vmem>> -> memref<1x8x2048xf32, #tpu.memory_space<vmem>>
    %dma_start3A_550 = tpu.memref_squeeze %dma_start3A_549 : memref<1x8x2048xf32, #tpu.memory_space<vmem>> -> memref<8x2048xf32, #tpu.memory_space<vmem>>
    %dma_start3A_551 = arith.constant 96 : i32
    %dma_start3A_552 = tpu.memref_slice %arg5[%dma_start3A_551] : memref<160xi32, #tpu.memory_space<vmem>> -> memref<8xi32, #tpu.memory_space<vmem>>
    %dma_start3A_553 = arith.constant 0 : i32
    %dma_start3A_554 = arith.constant 0 : i32
    %dma_start3A_555 = tpu.memref_slice %arg2[%dma_start3A_553, %dma_start3A_554] : memref<2048x2048xf32, #tpu.memory_space<hbm>> -> memref<2048x2048xf32, #tpu.memory_space<hbm>>
    tpu.enqueue_indirect_dma source(%dma_start3A_555 : memref<2048x2048xf32, #tpu.memory_space<hbm>>) target(%dma_start3A_550 : memref<8x2048xf32, #tpu.memory_space<vmem>>) offsets(%dma_start3A_552 : memref<8xi32, #tpu.memory_space<vmem>>) semaphore(%arg7 : memref<!tpu.dma_semaphore, #tpu.memory_space<semaphore_mem>>)
    %dma_wait3A_556 = arith.constant 2 : i32
    %dma_wait3A_557 = arith.constant 0 : i32
    %dma_wait3A_558 = arith.constant 0 : i32
    %dma_wait3A_559 = tpu.memref_slice %arg6[%dma_wait3A_556, %dma_wait3A_557, %dma_wait3A_558] : memref<3x8x2048xf32, #tpu.memory_space<vmem>> -> memref<1x8x2048xf32, #tpu.memory_space<vmem>>
    %dma_wait3A_560 = tpu.memref_squeeze %dma_wait3A_559 : memref<1x8x2048xf32, #tpu.memory_space<vmem>> -> memref<8x2048xf32, #tpu.memory_space<vmem>>
    %dma_wait3A_561 = arith.constant 88 : i32
    %dma_wait3A_562 = tpu.memref_slice %arg5[%dma_wait3A_561] : memref<160xi32, #tpu.memory_space<vmem>> -> memref<8xi32, #tpu.memory_space<vmem>>
    %dma_wait3A_563 = arith.constant 0 : i32
    %dma_wait3A_564 = arith.constant 0 : i32
    %dma_wait3A_565 = tpu.memref_slice %arg2[%dma_wait3A_563, %dma_wait3A_564] : memref<2048x2048xf32, #tpu.memory_space<hbm>> -> memref<2048x2048xf32, #tpu.memory_space<hbm>>
    tpu.wait_indirect_dma semaphore(%arg9 : memref<!tpu.dma_semaphore, #tpu.memory_space<semaphore_mem>>) src(%dma_wait3A_565 : memref<2048x2048xf32, #tpu.memory_space<hbm>>) dst(%dma_wait3A_560 : memref<8x2048xf32, #tpu.memory_space<vmem>>)
    %add3A_566 = arith.constant 88 : i32
    %add3A_567 = arith.addi %mul3A_2, %add3A_566 : i32
    %dma_start3A_568 = arith.constant 2 : i32
    %dma_start3A_569 = arith.constant 0 : i32
    %dma_start3A_570 = arith.constant 0 : i32
    %dma_start3A_571 = tpu.memref_slice %arg6[%dma_start3A_568, %dma_start3A_569, %dma_start3A_570] : memref<3x8x2048xf32, #tpu.memory_space<vmem>> -> memref<1x8x2048xf32, #tpu.memory_space<vmem>>
    %dma_start3A_572 = tpu.memref_squeeze %dma_start3A_571 : memref<1x8x2048xf32, #tpu.memory_space<vmem>> -> memref<8x2048xf32, #tpu.memory_space<vmem>>
    %dma_start3A_573 = arith.constant 0 : i32
    %dma_start3A_574 = tpu.memref_slice %arg4[%add3A_567, %dma_start3A_573] : memref<5120x2048xf32, #tpu.memory_space<hbm>> -> memref<8x2048xf32, #tpu.memory_space<hbm>>
    %dma_start3A_575 = arith.constant 0 : i32
    %dma_start3A_576 = tpu.memref_slice %arg4[%add3A_567, %dma_start3A_575] : memref<5120x2048xf32, #tpu.memory_space<hbm>> -> memref<8x2048xf32, #tpu.memory_space<hbm>>
    %dma_start3A_577 = arith.constant 0 : i32
    %dma_start3A_578 = arith.constant 0 : i32
    %dma_start3A_579 = tpu.memref_slice %arg6[%dma_start3A_568, %dma_start3A_577, %dma_start3A_578] : memref<3x8x2048xf32, #tpu.memory_space<vmem>> -> memref<1x8x2048xf32, #tpu.memory_space<vmem>>
    %dma_start3A_580 = tpu.memref_squeeze %dma_start3A_579 : memref<1x8x2048xf32, #tpu.memory_space<vmem>> -> memref<8x2048xf32, #tpu.memory_space<vmem>>
    tpu.enqueue_dma source(%dma_start3A_580 : memref<8x2048xf32, #tpu.memory_space<vmem>>) target(%dma_start3A_576 : memref<8x2048xf32, #tpu.memory_space<hbm>>) target_semaphore(%arg9 : memref<!tpu.dma_semaphore, #tpu.memory_space<semaphore_mem>>)
    %add3A_581 = arith.constant 80 : i32
    %add3A_582 = arith.addi %mul3A_2, %add3A_581 : i32
    %dma_wait3A_583 = arith.constant 1 : i32
    %dma_wait3A_584 = arith.constant 0 : i32
    %dma_wait3A_585 = arith.constant 0 : i32
    %dma_wait3A_586 = tpu.memref_slice %arg6[%dma_wait3A_583, %dma_wait3A_584, %dma_wait3A_585] : memref<3x8x2048xf32, #tpu.memory_space<vmem>> -> memref<1x8x2048xf32, #tpu.memory_space<vmem>>
    %dma_wait3A_587 = tpu.memref_squeeze %dma_wait3A_586 : memref<1x8x2048xf32, #tpu.memory_space<vmem>> -> memref<8x2048xf32, #tpu.memory_space<vmem>>
    %dma_wait3A_588 = arith.constant 0 : i32
    %dma_wait3A_589 = tpu.memref_slice %arg4[%add3A_582, %dma_wait3A_588] : memref<5120x2048xf32, #tpu.memory_space<hbm>> -> memref<8x2048xf32, #tpu.memory_space<hbm>>
    %dma_wait3A_590 = arith.constant 0 : i32
    %dma_wait3A_591 = tpu.memref_slice %arg4[%add3A_582, %dma_wait3A_590] : memref<5120x2048xf32, #tpu.memory_space<hbm>> -> memref<8x2048xf32, #tpu.memory_space<hbm>>
    %dma_wait3A_592 = arith.constant 0 : i32
    %dma_wait3A_593 = arith.constant 0 : i32
    %dma_wait3A_594 = tpu.memref_slice %arg6[%dma_wait3A_583, %dma_wait3A_592, %dma_wait3A_593] : memref<3x8x2048xf32, #tpu.memory_space<vmem>> -> memref<1x8x2048xf32, #tpu.memory_space<vmem>>
    %dma_wait3A_595 = tpu.memref_squeeze %dma_wait3A_594 : memref<1x8x2048xf32, #tpu.memory_space<vmem>> -> memref<8x2048xf32, #tpu.memory_space<vmem>>
    tpu.wait_dma2 semaphore(%arg8 : memref<!tpu.dma_semaphore, #tpu.memory_space<semaphore_mem>>) src(%dma_wait3A_595 : memref<8x2048xf32, #tpu.memory_space<vmem>>) dst(%dma_wait3A_591 : memref<8x2048xf32, #tpu.memory_space<hbm>>)
    %dma_start3A_596 = arith.constant 1 : i32
    %dma_start3A_597 = arith.constant 0 : i32
    %dma_start3A_598 = arith.constant 0 : i32
    %dma_start3A_599 = tpu.memref_slice %arg6[%dma_start3A_596, %dma_start3A_597, %dma_start3A_598] : memref<3x8x2048xf32, #tpu.memory_space<vmem>> -> memref<1x8x2048xf32, #tpu.memory_space<vmem>>
    %dma_start3A_600 = tpu.memref_squeeze %dma_start3A_599 : memref<1x8x2048xf32, #tpu.memory_space<vmem>> -> memref<8x2048xf32, #tpu.memory_space<vmem>>
    %dma_start3A_601 = arith.constant 104 : i32
    %dma_start3A_602 = tpu.memref_slice %arg5[%dma_start3A_601] : memref<160xi32, #tpu.memory_space<vmem>> -> memref<8xi32, #tpu.memory_space<vmem>>
    %dma_start3A_603 = arith.constant 0 : i32
    %dma_start3A_604 = arith.constant 0 : i32
    %dma_start3A_605 = tpu.memref_slice %arg2[%dma_start3A_603, %dma_start3A_604] : memref<2048x2048xf32, #tpu.memory_space<hbm>> -> memref<2048x2048xf32, #tpu.memory_space<hbm>>
    tpu.enqueue_indirect_dma source(%dma_start3A_605 : memref<2048x2048xf32, #tpu.memory_space<hbm>>) target(%dma_start3A_600 : memref<8x2048xf32, #tpu.memory_space<vmem>>) offsets(%dma_start3A_602 : memref<8xi32, #tpu.memory_space<vmem>>) semaphore(%arg8 : memref<!tpu.dma_semaphore, #tpu.memory_space<semaphore_mem>>)
    %dma_wait3A_606 = arith.constant 0 : i32
    %dma_wait3A_607 = arith.constant 0 : i32
    %dma_wait3A_608 = arith.constant 0 : i32
    %dma_wait3A_609 = tpu.memref_slice %arg6[%dma_wait3A_606, %dma_wait3A_607, %dma_wait3A_608] : memref<3x8x2048xf32, #tpu.memory_space<vmem>> -> memref<1x8x2048xf32, #tpu.memory_space<vmem>>
    %dma_wait3A_610 = tpu.memref_squeeze %dma_wait3A_609 : memref<1x8x2048xf32, #tpu.memory_space<vmem>> -> memref<8x2048xf32, #tpu.memory_space<vmem>>
    %dma_wait3A_611 = arith.constant 96 : i32
    %dma_wait3A_612 = tpu.memref_slice %arg5[%dma_wait3A_611] : memref<160xi32, #tpu.memory_space<vmem>> -> memref<8xi32, #tpu.memory_space<vmem>>
    %dma_wait3A_613 = arith.constant 0 : i32
    %dma_wait3A_614 = arith.constant 0 : i32
    %dma_wait3A_615 = tpu.memref_slice %arg2[%dma_wait3A_613, %dma_wait3A_614] : memref<2048x2048xf32, #tpu.memory_space<hbm>> -> memref<2048x2048xf32, #tpu.memory_space<hbm>>
    tpu.wait_indirect_dma semaphore(%arg7 : memref<!tpu.dma_semaphore, #tpu.memory_space<semaphore_mem>>) src(%dma_wait3A_615 : memref<2048x2048xf32, #tpu.memory_space<hbm>>) dst(%dma_wait3A_610 : memref<8x2048xf32, #tpu.memory_space<vmem>>)
    %add3A_616 = arith.constant 96 : i32
    %add3A_617 = arith.addi %mul3A_2, %add3A_616 : i32
    %dma_start3A_618 = arith.constant 0 : i32
    %dma_start3A_619 = arith.constant 0 : i32
    %dma_start3A_620 = arith.constant 0 : i32
    %dma_start3A_621 = tpu.memref_slice %arg6[%dma_start3A_618, %dma_start3A_619, %dma_start3A_620] : memref<3x8x2048xf32, #tpu.memory_space<vmem>> -> memref<1x8x2048xf32, #tpu.memory_space<vmem>>
    %dma_start3A_622 = tpu.memref_squeeze %dma_start3A_621 : memref<1x8x2048xf32, #tpu.memory_space<vmem>> -> memref<8x2048xf32, #tpu.memory_space<vmem>>
    %dma_start3A_623 = arith.constant 0 : i32
    %dma_start3A_624 = tpu.memref_slice %arg4[%add3A_617, %dma_start3A_623] : memref<5120x2048xf32, #tpu.memory_space<hbm>> -> memref<8x2048xf32, #tpu.memory_space<hbm>>
    %dma_start3A_625 = arith.constant 0 : i32
    %dma_start3A_626 = tpu.memref_slice %arg4[%add3A_617, %dma_start3A_625] : memref<5120x2048xf32, #tpu.memory_space<hbm>> -> memref<8x2048xf32, #tpu.memory_space<hbm>>
    %dma_start3A_627 = arith.constant 0 : i32
    %dma_start3A_628 = arith.constant 0 : i32
    %dma_start3A_629 = tpu.memref_slice %arg6[%dma_start3A_618, %dma_start3A_627, %dma_start3A_628] : memref<3x8x2048xf32, #tpu.memory_space<vmem>> -> memref<1x8x2048xf32, #tpu.memory_space<vmem>>
    %dma_start3A_630 = tpu.memref_squeeze %dma_start3A_629 : memref<1x8x2048xf32, #tpu.memory_space<vmem>> -> memref<8x2048xf32, #tpu.memory_space<vmem>>
    tpu.enqueue_dma source(%dma_start3A_630 : memref<8x2048xf32, #tpu.memory_space<vmem>>) target(%dma_start3A_626 : memref<8x2048xf32, #tpu.memory_space<hbm>>) target_semaphore(%arg7 : memref<!tpu.dma_semaphore, #tpu.memory_space<semaphore_mem>>)
    %add3A_631 = arith.constant 88 : i32
    %add3A_632 = arith.addi %mul3A_2, %add3A_631 : i32
    %dma_wait3A_633 = arith.constant 2 : i32
    %dma_wait3A_634 = arith.constant 0 : i32
    %dma_wait3A_635 = arith.constant 0 : i32
    %dma_wait3A_636 = tpu.memref_slice %arg6[%dma_wait3A_633, %dma_wait3A_634, %dma_wait3A_635] : memref<3x8x2048xf32, #tpu.memory_space<vmem>> -> memref<1x8x2048xf32, #tpu.memory_space<vmem>>
    %dma_wait3A_637 = tpu.memref_squeeze %dma_wait3A_636 : memref<1x8x2048xf32, #tpu.memory_space<vmem>> -> memref<8x2048xf32, #tpu.memory_space<vmem>>
    %dma_wait3A_638 = arith.constant 0 : i32
    %dma_wait3A_639 = tpu.memref_slice %arg4[%add3A_632, %dma_wait3A_638] : memref<5120x2048xf32, #tpu.memory_space<hbm>> -> memref<8x2048xf32, #tpu.memory_space<hbm>>
    %dma_wait3A_640 = arith.constant 0 : i32
    %dma_wait3A_641 = tpu.memref_slice %arg4[%add3A_632, %dma_wait3A_640] : memref<5120x2048xf32, #tpu.memory_space<hbm>> -> memref<8x2048xf32, #tpu.memory_space<hbm>>
    %dma_wait3A_642 = arith.constant 0 : i32
    %dma_wait3A_643 = arith.constant 0 : i32
    %dma_wait3A_644 = tpu.memref_slice %arg6[%dma_wait3A_633, %dma_wait3A_642, %dma_wait3A_643] : memref<3x8x2048xf32, #tpu.memory_space<vmem>> -> memref<1x8x2048xf32, #tpu.memory_space<vmem>>
    %dma_wait3A_645 = tpu.memref_squeeze %dma_wait3A_644 : memref<1x8x2048xf32, #tpu.memory_space<vmem>> -> memref<8x2048xf32, #tpu.memory_space<vmem>>
    tpu.wait_dma2 semaphore(%arg9 : memref<!tpu.dma_semaphore, #tpu.memory_space<semaphore_mem>>) src(%dma_wait3A_645 : memref<8x2048xf32, #tpu.memory_space<vmem>>) dst(%dma_wait3A_641 : memref<8x2048xf32, #tpu.memory_space<hbm>>)
    %dma_start3A_646 = arith.constant 2 : i32
    %dma_start3A_647 = arith.constant 0 : i32
    %dma_start3A_648 = arith.constant 0 : i32
    %dma_start3A_649 = tpu.memref_slice %arg6[%dma_start3A_646, %dma_start3A_647, %dma_start3A_648] : memref<3x8x2048xf32, #tpu.memory_space<vmem>> -> memref<1x8x2048xf32, #tpu.memory_space<vmem>>
    %dma_start3A_650 = tpu.memref_squeeze %dma_start3A_649 : memref<1x8x2048xf32, #tpu.memory_space<vmem>> -> memref<8x2048xf32, #tpu.memory_space<vmem>>
    %dma_start3A_651 = arith.constant 112 : i32
    %dma_start3A_652 = tpu.memref_slice %arg5[%dma_start3A_651] : memref<160xi32, #tpu.memory_space<vmem>> -> memref<8xi32, #tpu.memory_space<vmem>>
    %dma_start3A_653 = arith.constant 0 : i32
    %dma_start3A_654 = arith.constant 0 : i32
    %dma_start3A_655 = tpu.memref_slice %arg2[%dma_start3A_653, %dma_start3A_654] : memref<2048x2048xf32, #tpu.memory_space<hbm>> -> memref<2048x2048xf32, #tpu.memory_space<hbm>>
    tpu.enqueue_indirect_dma source(%dma_start3A_655 : memref<2048x2048xf32, #tpu.memory_space<hbm>>) target(%dma_start3A_650 : memref<8x2048xf32, #tpu.memory_space<vmem>>) offsets(%dma_start3A_652 : memref<8xi32, #tpu.memory_space<vmem>>) semaphore(%arg9 : memref<!tpu.dma_semaphore, #tpu.memory_space<semaphore_mem>>)
    %dma_wait3A_656 = arith.constant 1 : i32
    %dma_wait3A_657 = arith.constant 0 : i32
    %dma_wait3A_658 = arith.constant 0 : i32
    %dma_wait3A_659 = tpu.memref_slice %arg6[%dma_wait3A_656, %dma_wait3A_657, %dma_wait3A_658] : memref<3x8x2048xf32, #tpu.memory_space<vmem>> -> memref<1x8x2048xf32, #tpu.memory_space<vmem>>
    %dma_wait3A_660 = tpu.memref_squeeze %dma_wait3A_659 : memref<1x8x2048xf32, #tpu.memory_space<vmem>> -> memref<8x2048xf32, #tpu.memory_space<vmem>>
    %dma_wait3A_661 = arith.constant 104 : i32
    %dma_wait3A_662 = tpu.memref_slice %arg5[%dma_wait3A_661] : memref<160xi32, #tpu.memory_space<vmem>> -> memref<8xi32, #tpu.memory_space<vmem>>
    %dma_wait3A_663 = arith.constant 0 : i32
    %dma_wait3A_664 = arith.constant 0 : i32
    %dma_wait3A_665 = tpu.memref_slice %arg2[%dma_wait3A_663, %dma_wait3A_664] : memref<2048x2048xf32, #tpu.memory_space<hbm>> -> memref<2048x2048xf32, #tpu.memory_space<hbm>>
    tpu.wait_indirect_dma semaphore(%arg8 : memref<!tpu.dma_semaphore, #tpu.memory_space<semaphore_mem>>) src(%dma_wait3A_665 : memref<2048x2048xf32, #tpu.memory_space<hbm>>) dst(%dma_wait3A_660 : memref<8x2048xf32, #tpu.memory_space<vmem>>)
    %add3A_666 = arith.constant 104 : i32
    %add3A_667 = arith.addi %mul3A_2, %add3A_666 : i32
    %dma_start3A_668 = arith.constant 1 : i32
    %dma_start3A_669 = arith.constant 0 : i32
    %dma_start3A_670 = arith.constant 0 : i32
    %dma_start3A_671 = tpu.memref_slice %arg6[%dma_start3A_668, %dma_start3A_669, %dma_start3A_670] : memref<3x8x2048xf32, #tpu.memory_space<vmem>> -> memref<1x8x2048xf32, #tpu.memory_space<vmem>>
    %dma_start3A_672 = tpu.memref_squeeze %dma_start3A_671 : memref<1x8x2048xf32, #tpu.memory_space<vmem>> -> memref<8x2048xf32, #tpu.memory_space<vmem>>
    %dma_start3A_673 = arith.constant 0 : i32
    %dma_start3A_674 = tpu.memref_slice %arg4[%add3A_667, %dma_start3A_673] : memref<5120x2048xf32, #tpu.memory_space<hbm>> -> memref<8x2048xf32, #tpu.memory_space<hbm>>
    %dma_start3A_675 = arith.constant 0 : i32
    %dma_start3A_676 = tpu.memref_slice %arg4[%add3A_667, %dma_start3A_675] : memref<5120x2048xf32, #tpu.memory_space<hbm>> -> memref<8x2048xf32, #tpu.memory_space<hbm>>
    %dma_start3A_677 = arith.constant 0 : i32
    %dma_start3A_678 = arith.constant 0 : i32
    %dma_start3A_679 = tpu.memref_slice %arg6[%dma_start3A_668, %dma_start3A_677, %dma_start3A_678] : memref<3x8x2048xf32, #tpu.memory_space<vmem>> -> memref<1x8x2048xf32, #tpu.memory_space<vmem>>
    %dma_start3A_680 = tpu.memref_squeeze %dma_start3A_679 : memref<1x8x2048xf32, #tpu.memory_space<vmem>> -> memref<8x2048xf32, #tpu.memory_space<vmem>>
    tpu.enqueue_dma source(%dma_start3A_680 : memref<8x2048xf32, #tpu.memory_space<vmem>>) target(%dma_start3A_676 : memref<8x2048xf32, #tpu.memory_space<hbm>>) target_semaphore(%arg8 : memref<!tpu.dma_semaphore, #tpu.memory_space<semaphore_mem>>)
    %add3A_681 = arith.constant 96 : i32
    %add3A_682 = arith.addi %mul3A_2, %add3A_681 : i32
    %dma_wait3A_683 = arith.constant 0 : i32
    %dma_wait3A_684 = arith.constant 0 : i32
    %dma_wait3A_685 = arith.constant 0 : i32
    %dma_wait3A_686 = tpu.memref_slice %arg6[%dma_wait3A_683, %dma_wait3A_684, %dma_wait3A_685] : memref<3x8x2048xf32, #tpu.memory_space<vmem>> -> memref<1x8x2048xf32, #tpu.memory_space<vmem>>
    %dma_wait3A_687 = tpu.memref_squeeze %dma_wait3A_686 : memref<1x8x2048xf32, #tpu.memory_space<vmem>> -> memref<8x2048xf32, #tpu.memory_space<vmem>>
    %dma_wait3A_688 = arith.constant 0 : i32
    %dma_wait3A_689 = tpu.memref_slice %arg4[%add3A_682, %dma_wait3A_688] : memref<5120x2048xf32, #tpu.memory_space<hbm>> -> memref<8x2048xf32, #tpu.memory_space<hbm>>
    %dma_wait3A_690 = arith.constant 0 : i32
    %dma_wait3A_691 = tpu.memref_slice %arg4[%add3A_682, %dma_wait3A_690] : memref<5120x2048xf32, #tpu.memory_space<hbm>> -> memref<8x2048xf32, #tpu.memory_space<hbm>>
    %dma_wait3A_692 = arith.constant 0 : i32
    %dma_wait3A_693 = arith.constant 0 : i32
    %dma_wait3A_694 = tpu.memref_slice %arg6[%dma_wait3A_683, %dma_wait3A_692, %dma_wait3A_693] : memref<3x8x2048xf32, #tpu.memory_space<vmem>> -> memref<1x8x2048xf32, #tpu.memory_space<vmem>>
    %dma_wait3A_695 = tpu.memref_squeeze %dma_wait3A_694 : memref<1x8x2048xf32, #tpu.memory_space<vmem>> -> memref<8x2048xf32, #tpu.memory_space<vmem>>
    tpu.wait_dma2 semaphore(%arg7 : memref<!tpu.dma_semaphore, #tpu.memory_space<semaphore_mem>>) src(%dma_wait3A_695 : memref<8x2048xf32, #tpu.memory_space<vmem>>) dst(%dma_wait3A_691 : memref<8x2048xf32, #tpu.memory_space<hbm>>)
    %dma_start3A_696 = arith.constant 0 : i32
    %dma_start3A_697 = arith.constant 0 : i32
    %dma_start3A_698 = arith.constant 0 : i32
    %dma_start3A_699 = tpu.memref_slice %arg6[%dma_start3A_696, %dma_start3A_697, %dma_start3A_698] : memref<3x8x2048xf32, #tpu.memory_space<vmem>> -> memref<1x8x2048xf32, #tpu.memory_space<vmem>>
    %dma_start3A_700 = tpu.memref_squeeze %dma_start3A_699 : memref<1x8x2048xf32, #tpu.memory_space<vmem>> -> memref<8x2048xf32, #tpu.memory_space<vmem>>
    %dma_start3A_701 = arith.constant 120 : i32
    %dma_start3A_702 = tpu.memref_slice %arg5[%dma_start3A_701] : memref<160xi32, #tpu.memory_space<vmem>> -> memref<8xi32, #tpu.memory_space<vmem>>
    %dma_start3A_703 = arith.constant 0 : i32
    %dma_start3A_704 = arith.constant 0 : i32
    %dma_start3A_705 = tpu.memref_slice %arg2[%dma_start3A_703, %dma_start3A_704] : memref<2048x2048xf32, #tpu.memory_space<hbm>> -> memref<2048x2048xf32, #tpu.memory_space<hbm>>
    tpu.enqueue_indirect_dma source(%dma_start3A_705 : memref<2048x2048xf32, #tpu.memory_space<hbm>>) target(%dma_start3A_700 : memref<8x2048xf32, #tpu.memory_space<vmem>>) offsets(%dma_start3A_702 : memref<8xi32, #tpu.memory_space<vmem>>) semaphore(%arg7 : memref<!tpu.dma_semaphore, #tpu.memory_space<semaphore_mem>>)
    %dma_wait3A_706 = arith.constant 2 : i32
    %dma_wait3A_707 = arith.constant 0 : i32
    %dma_wait3A_708 = arith.constant 0 : i32
    %dma_wait3A_709 = tpu.memref_slice %arg6[%dma_wait3A_706, %dma_wait3A_707, %dma_wait3A_708] : memref<3x8x2048xf32, #tpu.memory_space<vmem>> -> memref<1x8x2048xf32, #tpu.memory_space<vmem>>
    %dma_wait3A_710 = tpu.memref_squeeze %dma_wait3A_709 : memref<1x8x2048xf32, #tpu.memory_space<vmem>> -> memref<8x2048xf32, #tpu.memory_space<vmem>>
    %dma_wait3A_711 = arith.constant 112 : i32
    %dma_wait3A_712 = tpu.memref_slice %arg5[%dma_wait3A_711] : memref<160xi32, #tpu.memory_space<vmem>> -> memref<8xi32, #tpu.memory_space<vmem>>
    %dma_wait3A_713 = arith.constant 0 : i32
    %dma_wait3A_714 = arith.constant 0 : i32
    %dma_wait3A_715 = tpu.memref_slice %arg2[%dma_wait3A_713, %dma_wait3A_714] : memref<2048x2048xf32, #tpu.memory_space<hbm>> -> memref<2048x2048xf32, #tpu.memory_space<hbm>>
    tpu.wait_indirect_dma semaphore(%arg9 : memref<!tpu.dma_semaphore, #tpu.memory_space<semaphore_mem>>) src(%dma_wait3A_715 : memref<2048x2048xf32, #tpu.memory_space<hbm>>) dst(%dma_wait3A_710 : memref<8x2048xf32, #tpu.memory_space<vmem>>)
    %add3A_716 = arith.constant 112 : i32
    %add3A_717 = arith.addi %mul3A_2, %add3A_716 : i32
    %dma_start3A_718 = arith.constant 2 : i32
    %dma_start3A_719 = arith.constant 0 : i32
    %dma_start3A_720 = arith.constant 0 : i32
    %dma_start3A_721 = tpu.memref_slice %arg6[%dma_start3A_718, %dma_start3A_719, %dma_start3A_720] : memref<3x8x2048xf32, #tpu.memory_space<vmem>> -> memref<1x8x2048xf32, #tpu.memory_space<vmem>>
    %dma_start3A_722 = tpu.memref_squeeze %dma_start3A_721 : memref<1x8x2048xf32, #tpu.memory_space<vmem>> -> memref<8x2048xf32, #tpu.memory_space<vmem>>
    %dma_start3A_723 = arith.constant 0 : i32
    %dma_start3A_724 = tpu.memref_slice %arg4[%add3A_717, %dma_start3A_723] : memref<5120x2048xf32, #tpu.memory_space<hbm>> -> memref<8x2048xf32, #tpu.memory_space<hbm>>
    %dma_start3A_725 = arith.constant 0 : i32
    %dma_start3A_726 = tpu.memref_slice %arg4[%add3A_717, %dma_start3A_725] : memref<5120x2048xf32, #tpu.memory_space<hbm>> -> memref<8x2048xf32, #tpu.memory_space<hbm>>
    %dma_start3A_727 = arith.constant 0 : i32
    %dma_start3A_728 = arith.constant 0 : i32
    %dma_start3A_729 = tpu.memref_slice %arg6[%dma_start3A_718, %dma_start3A_727, %dma_start3A_728] : memref<3x8x2048xf32, #tpu.memory_space<vmem>> -> memref<1x8x2048xf32, #tpu.memory_space<vmem>>
    %dma_start3A_730 = tpu.memref_squeeze %dma_start3A_729 : memref<1x8x2048xf32, #tpu.memory_space<vmem>> -> memref<8x2048xf32, #tpu.memory_space<vmem>>
    tpu.enqueue_dma source(%dma_start3A_730 : memref<8x2048xf32, #tpu.memory_space<vmem>>) target(%dma_start3A_726 : memref<8x2048xf32, #tpu.memory_space<hbm>>) target_semaphore(%arg9 : memref<!tpu.dma_semaphore, #tpu.memory_space<semaphore_mem>>)
    %add3A_731 = arith.constant 104 : i32
    %add3A_732 = arith.addi %mul3A_2, %add3A_731 : i32
    %dma_wait3A_733 = arith.constant 1 : i32
    %dma_wait3A_734 = arith.constant 0 : i32
    %dma_wait3A_735 = arith.constant 0 : i32
    %dma_wait3A_736 = tpu.memref_slice %arg6[%dma_wait3A_733, %dma_wait3A_734, %dma_wait3A_735] : memref<3x8x2048xf32, #tpu.memory_space<vmem>> -> memref<1x8x2048xf32, #tpu.memory_space<vmem>>
    %dma_wait3A_737 = tpu.memref_squeeze %dma_wait3A_736 : memref<1x8x2048xf32, #tpu.memory_space<vmem>> -> memref<8x2048xf32, #tpu.memory_space<vmem>>
    %dma_wait3A_738 = arith.constant 0 : i32
    %dma_wait3A_739 = tpu.memref_slice %arg4[%add3A_732, %dma_wait3A_738] : memref<5120x2048xf32, #tpu.memory_space<hbm>> -> memref<8x2048xf32, #tpu.memory_space<hbm>>
    %dma_wait3A_740 = arith.constant 0 : i32
    %dma_wait3A_741 = tpu.memref_slice %arg4[%add3A_732, %dma_wait3A_740] : memref<5120x2048xf32, #tpu.memory_space<hbm>> -> memref<8x2048xf32, #tpu.memory_space<hbm>>
    %dma_wait3A_742 = arith.constant 0 : i32
    %dma_wait3A_743 = arith.constant 0 : i32
    %dma_wait3A_744 = tpu.memref_slice %arg6[%dma_wait3A_733, %dma_wait3A_742, %dma_wait3A_743] : memref<3x8x2048xf32, #tpu.memory_space<vmem>> -> memref<1x8x2048xf32, #tpu.memory_space<vmem>>
    %dma_wait3A_745 = tpu.memref_squeeze %dma_wait3A_744 : memref<1x8x2048xf32, #tpu.memory_space<vmem>> -> memref<8x2048xf32, #tpu.memory_space<vmem>>
    tpu.wait_dma2 semaphore(%arg8 : memref<!tpu.dma_semaphore, #tpu.memory_space<semaphore_mem>>) src(%dma_wait3A_745 : memref<8x2048xf32, #tpu.memory_space<vmem>>) dst(%dma_wait3A_741 : memref<8x2048xf32, #tpu.memory_space<hbm>>)
    %dma_start3A_746 = arith.constant 1 : i32
    %dma_start3A_747 = arith.constant 0 : i32
    %dma_start3A_748 = arith.constant 0 : i32
    %dma_start3A_749 = tpu.memref_slice %arg6[%dma_start3A_746, %dma_start3A_747, %dma_start3A_748] : memref<3x8x2048xf32, #tpu.memory_space<vmem>> -> memref<1x8x2048xf32, #tpu.memory_space<vmem>>
    %dma_start3A_750 = tpu.memref_squeeze %dma_start3A_749 : memref<1x8x2048xf32, #tpu.memory_space<vmem>> -> memref<8x2048xf32, #tpu.memory_space<vmem>>
    %dma_start3A_751 = arith.constant 128 : i32
    %dma_start3A_752 = tpu.memref_slice %arg5[%dma_start3A_751] : memref<160xi32, #tpu.memory_space<vmem>> -> memref<8xi32, #tpu.memory_space<vmem>>
    %dma_start3A_753 = arith.constant 0 : i32
    %dma_start3A_754 = arith.constant 0 : i32
    %dma_start3A_755 = tpu.memref_slice %arg2[%dma_start3A_753, %dma_start3A_754] : memref<2048x2048xf32, #tpu.memory_space<hbm>> -> memref<2048x2048xf32, #tpu.memory_space<hbm>>
    tpu.enqueue_indirect_dma source(%dma_start3A_755 : memref<2048x2048xf32, #tpu.memory_space<hbm>>) target(%dma_start3A_750 : memref<8x2048xf32, #tpu.memory_space<vmem>>) offsets(%dma_start3A_752 : memref<8xi32, #tpu.memory_space<vmem>>) semaphore(%arg8 : memref<!tpu.dma_semaphore, #tpu.memory_space<semaphore_mem>>)
    %dma_wait3A_756 = arith.constant 0 : i32
    %dma_wait3A_757 = arith.constant 0 : i32
    %dma_wait3A_758 = arith.constant 0 : i32
    %dma_wait3A_759 = tpu.memref_slice %arg6[%dma_wait3A_756, %dma_wait3A_757, %dma_wait3A_758] : memref<3x8x2048xf32, #tpu.memory_space<vmem>> -> memref<1x8x2048xf32, #tpu.memory_space<vmem>>
    %dma_wait3A_760 = tpu.memref_squeeze %dma_wait3A_759 : memref<1x8x2048xf32, #tpu.memory_space<vmem>> -> memref<8x2048xf32, #tpu.memory_space<vmem>>
    %dma_wait3A_761 = arith.constant 120 : i32
    %dma_wait3A_762 = tpu.memref_slice %arg5[%dma_wait3A_761] : memref<160xi32, #tpu.memory_space<vmem>> -> memref<8xi32, #tpu.memory_space<vmem>>
    %dma_wait3A_763 = arith.constant 0 : i32
    %dma_wait3A_764 = arith.constant 0 : i32
    %dma_wait3A_765 = tpu.memref_slice %arg2[%dma_wait3A_763, %dma_wait3A_764] : memref<2048x2048xf32, #tpu.memory_space<hbm>> -> memref<2048x2048xf32, #tpu.memory_space<hbm>>
    tpu.wait_indirect_dma semaphore(%arg7 : memref<!tpu.dma_semaphore, #tpu.memory_space<semaphore_mem>>) src(%dma_wait3A_765 : memref<2048x2048xf32, #tpu.memory_space<hbm>>) dst(%dma_wait3A_760 : memref<8x2048xf32, #tpu.memory_space<vmem>>)
    %add3A_766 = arith.constant 120 : i32
    %add3A_767 = arith.addi %mul3A_2, %add3A_766 : i32
    %dma_start3A_768 = arith.constant 0 : i32
    %dma_start3A_769 = arith.constant 0 : i32
    %dma_start3A_770 = arith.constant 0 : i32
    %dma_start3A_771 = tpu.memref_slice %arg6[%dma_start3A_768, %dma_start3A_769, %dma_start3A_770] : memref<3x8x2048xf32, #tpu.memory_space<vmem>> -> memref<1x8x2048xf32, #tpu.memory_space<vmem>>
    %dma_start3A_772 = tpu.memref_squeeze %dma_start3A_771 : memref<1x8x2048xf32, #tpu.memory_space<vmem>> -> memref<8x2048xf32, #tpu.memory_space<vmem>>
    %dma_start3A_773 = arith.constant 0 : i32
    %dma_start3A_774 = tpu.memref_slice %arg4[%add3A_767, %dma_start3A_773] : memref<5120x2048xf32, #tpu.memory_space<hbm>> -> memref<8x2048xf32, #tpu.memory_space<hbm>>
    %dma_start3A_775 = arith.constant 0 : i32
    %dma_start3A_776 = tpu.memref_slice %arg4[%add3A_767, %dma_start3A_775] : memref<5120x2048xf32, #tpu.memory_space<hbm>> -> memref<8x2048xf32, #tpu.memory_space<hbm>>
    %dma_start3A_777 = arith.constant 0 : i32
    %dma_start3A_778 = arith.constant 0 : i32
    %dma_start3A_779 = tpu.memref_slice %arg6[%dma_start3A_768, %dma_start3A_777, %dma_start3A_778] : memref<3x8x2048xf32, #tpu.memory_space<vmem>> -> memref<1x8x2048xf32, #tpu.memory_space<vmem>>
    %dma_start3A_780 = tpu.memref_squeeze %dma_start3A_779 : memref<1x8x2048xf32, #tpu.memory_space<vmem>> -> memref<8x2048xf32, #tpu.memory_space<vmem>>
    tpu.enqueue_dma source(%dma_start3A_780 : memref<8x2048xf32, #tpu.memory_space<vmem>>) target(%dma_start3A_776 : memref<8x2048xf32, #tpu.memory_space<hbm>>) target_semaphore(%arg7 : memref<!tpu.dma_semaphore, #tpu.memory_space<semaphore_mem>>)
    %add3A_781 = arith.constant 112 : i32
    %add3A_782 = arith.addi %mul3A_2, %add3A_781 : i32
    %dma_wait3A_783 = arith.constant 2 : i32
    %dma_wait3A_784 = arith.constant 0 : i32
    %dma_wait3A_785 = arith.constant 0 : i32
    %dma_wait3A_786 = tpu.memref_slice %arg6[%dma_wait3A_783, %dma_wait3A_784, %dma_wait3A_785] : memref<3x8x2048xf32, #tpu.memory_space<vmem>> -> memref<1x8x2048xf32, #tpu.memory_space<vmem>>
    %dma_wait3A_787 = tpu.memref_squeeze %dma_wait3A_786 : memref<1x8x2048xf32, #tpu.memory_space<vmem>> -> memref<8x2048xf32, #tpu.memory_space<vmem>>
    %dma_wait3A_788 = arith.constant 0 : i32
    %dma_wait3A_789 = tpu.memref_slice %arg4[%add3A_782, %dma_wait3A_788] : memref<5120x2048xf32, #tpu.memory_space<hbm>> -> memref<8x2048xf32, #tpu.memory_space<hbm>>
    %dma_wait3A_790 = arith.constant 0 : i32
    %dma_wait3A_791 = tpu.memref_slice %arg4[%add3A_782, %dma_wait3A_790] : memref<5120x2048xf32, #tpu.memory_space<hbm>> -> memref<8x2048xf32, #tpu.memory_space<hbm>>
    %dma_wait3A_792 = arith.constant 0 : i32
    %dma_wait3A_793 = arith.constant 0 : i32
    %dma_wait3A_794 = tpu.memref_slice %arg6[%dma_wait3A_783, %dma_wait3A_792, %dma_wait3A_793] : memref<3x8x2048xf32, #tpu.memory_space<vmem>> -> memref<1x8x2048xf32, #tpu.memory_space<vmem>>
    %dma_wait3A_795 = tpu.memref_squeeze %dma_wait3A_794 : memref<1x8x2048xf32, #tpu.memory_space<vmem>> -> memref<8x2048xf32, #tpu.memory_space<vmem>>
    tpu.wait_dma2 semaphore(%arg9 : memref<!tpu.dma_semaphore, #tpu.memory_space<semaphore_mem>>) src(%dma_wait3A_795 : memref<8x2048xf32, #tpu.memory_space<vmem>>) dst(%dma_wait3A_791 : memref<8x2048xf32, #tpu.memory_space<hbm>>)
    %dma_start3A_796 = arith.constant 2 : i32
    %dma_start3A_797 = arith.constant 0 : i32
    %dma_start3A_798 = arith.constant 0 : i32
    %dma_start3A_799 = tpu.memref_slice %arg6[%dma_start3A_796, %dma_start3A_797, %dma_start3A_798] : memref<3x8x2048xf32, #tpu.memory_space<vmem>> -> memref<1x8x2048xf32, #tpu.memory_space<vmem>>
    %dma_start3A_800 = tpu.memref_squeeze %dma_start3A_799 : memref<1x8x2048xf32, #tpu.memory_space<vmem>> -> memref<8x2048xf32, #tpu.memory_space<vmem>>
    %dma_start3A_801 = arith.constant 136 : i32
    %dma_start3A_802 = tpu.memref_slice %arg5[%dma_start3A_801] : memref<160xi32, #tpu.memory_space<vmem>> -> memref<8xi32, #tpu.memory_space<vmem>>
    %dma_start3A_803 = arith.constant 0 : i32
    %dma_start3A_804 = arith.constant 0 : i32
    %dma_start3A_805 = tpu.memref_slice %arg2[%dma_start3A_803, %dma_start3A_804] : memref<2048x2048xf32, #tpu.memory_space<hbm>> -> memref<2048x2048xf32, #tpu.memory_space<hbm>>
    tpu.enqueue_indirect_dma source(%dma_start3A_805 : memref<2048x2048xf32, #tpu.memory_space<hbm>>) target(%dma_start3A_800 : memref<8x2048xf32, #tpu.memory_space<vmem>>) offsets(%dma_start3A_802 : memref<8xi32, #tpu.memory_space<vmem>>) semaphore(%arg9 : memref<!tpu.dma_semaphore, #tpu.memory_space<semaphore_mem>>)
    %dma_wait3A_806 = arith.constant 1 : i32
    %dma_wait3A_807 = arith.constant 0 : i32
    %dma_wait3A_808 = arith.constant 0 : i32
    %dma_wait3A_809 = tpu.memref_slice %arg6[%dma_wait3A_806, %dma_wait3A_807, %dma_wait3A_808] : memref<3x8x2048xf32, #tpu.memory_space<vmem>> -> memref<1x8x2048xf32, #tpu.memory_space<vmem>>
    %dma_wait3A_810 = tpu.memref_squeeze %dma_wait3A_809 : memref<1x8x2048xf32, #tpu.memory_space<vmem>> -> memref<8x2048xf32, #tpu.memory_space<vmem>>
    %dma_wait3A_811 = arith.constant 128 : i32
    %dma_wait3A_812 = tpu.memref_slice %arg5[%dma_wait3A_811] : memref<160xi32, #tpu.memory_space<vmem>> -> memref<8xi32, #tpu.memory_space<vmem>>
    %dma_wait3A_813 = arith.constant 0 : i32
    %dma_wait3A_814 = arith.constant 0 : i32
    %dma_wait3A_815 = tpu.memref_slice %arg2[%dma_wait3A_813, %dma_wait3A_814] : memref<2048x2048xf32, #tpu.memory_space<hbm>> -> memref<2048x2048xf32, #tpu.memory_space<hbm>>
    tpu.wait_indirect_dma semaphore(%arg8 : memref<!tpu.dma_semaphore, #tpu.memory_space<semaphore_mem>>) src(%dma_wait3A_815 : memref<2048x2048xf32, #tpu.memory_space<hbm>>) dst(%dma_wait3A_810 : memref<8x2048xf32, #tpu.memory_space<vmem>>)
    %add3A_816 = arith.constant 128 : i32
    %add3A_817 = arith.addi %mul3A_2, %add3A_816 : i32
    %dma_start3A_818 = arith.constant 1 : i32
    %dma_start3A_819 = arith.constant 0 : i32
    %dma_start3A_820 = arith.constant 0 : i32
    %dma_start3A_821 = tpu.memref_slice %arg6[%dma_start3A_818, %dma_start3A_819, %dma_start3A_820] : memref<3x8x2048xf32, #tpu.memory_space<vmem>> -> memref<1x8x2048xf32, #tpu.memory_space<vmem>>
    %dma_start3A_822 = tpu.memref_squeeze %dma_start3A_821 : memref<1x8x2048xf32, #tpu.memory_space<vmem>> -> memref<8x2048xf32, #tpu.memory_space<vmem>>
    %dma_start3A_823 = arith.constant 0 : i32
    %dma_start3A_824 = tpu.memref_slice %arg4[%add3A_817, %dma_start3A_823] : memref<5120x2048xf32, #tpu.memory_space<hbm>> -> memref<8x2048xf32, #tpu.memory_space<hbm>>
    %dma_start3A_825 = arith.constant 0 : i32
    %dma_start3A_826 = tpu.memref_slice %arg4[%add3A_817, %dma_start3A_825] : memref<5120x2048xf32, #tpu.memory_space<hbm>> -> memref<8x2048xf32, #tpu.memory_space<hbm>>
    %dma_start3A_827 = arith.constant 0 : i32
    %dma_start3A_828 = arith.constant 0 : i32
    %dma_start3A_829 = tpu.memref_slice %arg6[%dma_start3A_818, %dma_start3A_827, %dma_start3A_828] : memref<3x8x2048xf32, #tpu.memory_space<vmem>> -> memref<1x8x2048xf32, #tpu.memory_space<vmem>>
    %dma_start3A_830 = tpu.memref_squeeze %dma_start3A_829 : memref<1x8x2048xf32, #tpu.memory_space<vmem>> -> memref<8x2048xf32, #tpu.memory_space<vmem>>
    tpu.enqueue_dma source(%dma_start3A_830 : memref<8x2048xf32, #tpu.memory_space<vmem>>) target(%dma_start3A_826 : memref<8x2048xf32, #tpu.memory_space<hbm>>) target_semaphore(%arg8 : memref<!tpu.dma_semaphore, #tpu.memory_space<semaphore_mem>>)
    %add3A_831 = arith.constant 120 : i32
    %add3A_832 = arith.addi %mul3A_2, %add3A_831 : i32
    %dma_wait3A_833 = arith.constant 0 : i32
    %dma_wait3A_834 = arith.constant 0 : i32
    %dma_wait3A_835 = arith.constant 0 : i32
    %dma_wait3A_836 = tpu.memref_slice %arg6[%dma_wait3A_833, %dma_wait3A_834, %dma_wait3A_835] : memref<3x8x2048xf32, #tpu.memory_space<vmem>> -> memref<1x8x2048xf32, #tpu.memory_space<vmem>>
    %dma_wait3A_837 = tpu.memref_squeeze %dma_wait3A_836 : memref<1x8x2048xf32, #tpu.memory_space<vmem>> -> memref<8x2048xf32, #tpu.memory_space<vmem>>
    %dma_wait3A_838 = arith.constant 0 : i32
    %dma_wait3A_839 = tpu.memref_slice %arg4[%add3A_832, %dma_wait3A_838] : memref<5120x2048xf32, #tpu.memory_space<hbm>> -> memref<8x2048xf32, #tpu.memory_space<hbm>>
    %dma_wait3A_840 = arith.constant 0 : i32
    %dma_wait3A_841 = tpu.memref_slice %arg4[%add3A_832, %dma_wait3A_840] : memref<5120x2048xf32, #tpu.memory_space<hbm>> -> memref<8x2048xf32, #tpu.memory_space<hbm>>
    %dma_wait3A_842 = arith.constant 0 : i32
    %dma_wait3A_843 = arith.constant 0 : i32
    %dma_wait3A_844 = tpu.memref_slice %arg6[%dma_wait3A_833, %dma_wait3A_842, %dma_wait3A_843] : memref<3x8x2048xf32, #tpu.memory_space<vmem>> -> memref<1x8x2048xf32, #tpu.memory_space<vmem>>
    %dma_wait3A_845 = tpu.memref_squeeze %dma_wait3A_844 : memref<1x8x2048xf32, #tpu.memory_space<vmem>> -> memref<8x2048xf32, #tpu.memory_space<vmem>>
    tpu.wait_dma2 semaphore(%arg7 : memref<!tpu.dma_semaphore, #tpu.memory_space<semaphore_mem>>) src(%dma_wait3A_845 : memref<8x2048xf32, #tpu.memory_space<vmem>>) dst(%dma_wait3A_841 : memref<8x2048xf32, #tpu.memory_space<hbm>>)
    %dma_start3A_846 = arith.constant 0 : i32
    %dma_start3A_847 = arith.constant 0 : i32
    %dma_start3A_848 = arith.constant 0 : i32
    %dma_start3A_849 = tpu.memref_slice %arg6[%dma_start3A_846, %dma_start3A_847, %dma_start3A_848] : memref<3x8x2048xf32, #tpu.memory_space<vmem>> -> memref<1x8x2048xf32, #tpu.memory_space<vmem>>
    %dma_start3A_850 = tpu.memref_squeeze %dma_start3A_849 : memref<1x8x2048xf32, #tpu.memory_space<vmem>> -> memref<8x2048xf32, #tpu.memory_space<vmem>>
    %dma_start3A_851 = arith.constant 144 : i32
    %dma_start3A_852 = tpu.memref_slice %arg5[%dma_start3A_851] : memref<160xi32, #tpu.memory_space<vmem>> -> memref<8xi32, #tpu.memory_space<vmem>>
    %dma_start3A_853 = arith.constant 0 : i32
    %dma_start3A_854 = arith.constant 0 : i32
    %dma_start3A_855 = tpu.memref_slice %arg2[%dma_start3A_853, %dma_start3A_854] : memref<2048x2048xf32, #tpu.memory_space<hbm>> -> memref<2048x2048xf32, #tpu.memory_space<hbm>>
    tpu.enqueue_indirect_dma source(%dma_start3A_855 : memref<2048x2048xf32, #tpu.memory_space<hbm>>) target(%dma_start3A_850 : memref<8x2048xf32, #tpu.memory_space<vmem>>) offsets(%dma_start3A_852 : memref<8xi32, #tpu.memory_space<vmem>>) semaphore(%arg7 : memref<!tpu.dma_semaphore, #tpu.memory_space<semaphore_mem>>)
    %dma_wait3A_856 = arith.constant 2 : i32
    %dma_wait3A_857 = arith.constant 0 : i32
    %dma_wait3A_858 = arith.constant 0 : i32
    %dma_wait3A_859 = tpu.memref_slice %arg6[%dma_wait3A_856, %dma_wait3A_857, %dma_wait3A_858] : memref<3x8x2048xf32, #tpu.memory_space<vmem>> -> memref<1x8x2048xf32, #tpu.memory_space<vmem>>
    %dma_wait3A_860 = tpu.memref_squeeze %dma_wait3A_859 : memref<1x8x2048xf32, #tpu.memory_space<vmem>> -> memref<8x2048xf32, #tpu.memory_space<vmem>>
    %dma_wait3A_861 = arith.constant 136 : i32
    %dma_wait3A_862 = tpu.memref_slice %arg5[%dma_wait3A_861] : memref<160xi32, #tpu.memory_space<vmem>> -> memref<8xi32, #tpu.memory_space<vmem>>
    %dma_wait3A_863 = arith.constant 0 : i32
    %dma_wait3A_864 = arith.constant 0 : i32
    %dma_wait3A_865 = tpu.memref_slice %arg2[%dma_wait3A_863, %dma_wait3A_864] : memref<2048x2048xf32, #tpu.memory_space<hbm>> -> memref<2048x2048xf32, #tpu.memory_space<hbm>>
    tpu.wait_indirect_dma semaphore(%arg9 : memref<!tpu.dma_semaphore, #tpu.memory_space<semaphore_mem>>) src(%dma_wait3A_865 : memref<2048x2048xf32, #tpu.memory_space<hbm>>) dst(%dma_wait3A_860 : memref<8x2048xf32, #tpu.memory_space<vmem>>)
    %add3A_866 = arith.constant 136 : i32
    %add3A_867 = arith.addi %mul3A_2, %add3A_866 : i32
    %dma_start3A_868 = arith.constant 2 : i32
    %dma_start3A_869 = arith.constant 0 : i32
    %dma_start3A_870 = arith.constant 0 : i32
    %dma_start3A_871 = tpu.memref_slice %arg6[%dma_start3A_868, %dma_start3A_869, %dma_start3A_870] : memref<3x8x2048xf32, #tpu.memory_space<vmem>> -> memref<1x8x2048xf32, #tpu.memory_space<vmem>>
    %dma_start3A_872 = tpu.memref_squeeze %dma_start3A_871 : memref<1x8x2048xf32, #tpu.memory_space<vmem>> -> memref<8x2048xf32, #tpu.memory_space<vmem>>
    %dma_start3A_873 = arith.constant 0 : i32
    %dma_start3A_874 = tpu.memref_slice %arg4[%add3A_867, %dma_start3A_873] : memref<5120x2048xf32, #tpu.memory_space<hbm>> -> memref<8x2048xf32, #tpu.memory_space<hbm>>
    %dma_start3A_875 = arith.constant 0 : i32
    %dma_start3A_876 = tpu.memref_slice %arg4[%add3A_867, %dma_start3A_875] : memref<5120x2048xf32, #tpu.memory_space<hbm>> -> memref<8x2048xf32, #tpu.memory_space<hbm>>
    %dma_start3A_877 = arith.constant 0 : i32
    %dma_start3A_878 = arith.constant 0 : i32
    %dma_start3A_879 = tpu.memref_slice %arg6[%dma_start3A_868, %dma_start3A_877, %dma_start3A_878] : memref<3x8x2048xf32, #tpu.memory_space<vmem>> -> memref<1x8x2048xf32, #tpu.memory_space<vmem>>
    %dma_start3A_880 = tpu.memref_squeeze %dma_start3A_879 : memref<1x8x2048xf32, #tpu.memory_space<vmem>> -> memref<8x2048xf32, #tpu.memory_space<vmem>>
    tpu.enqueue_dma source(%dma_start3A_880 : memref<8x2048xf32, #tpu.memory_space<vmem>>) target(%dma_start3A_876 : memref<8x2048xf32, #tpu.memory_space<hbm>>) target_semaphore(%arg9 : memref<!tpu.dma_semaphore, #tpu.memory_space<semaphore_mem>>)
    %add3A_881 = arith.constant 128 : i32
    %add3A_882 = arith.addi %mul3A_2, %add3A_881 : i32
    %dma_wait3A_883 = arith.constant 1 : i32
    %dma_wait3A_884 = arith.constant 0 : i32
    %dma_wait3A_885 = arith.constant 0 : i32
    %dma_wait3A_886 = tpu.memref_slice %arg6[%dma_wait3A_883, %dma_wait3A_884, %dma_wait3A_885] : memref<3x8x2048xf32, #tpu.memory_space<vmem>> -> memref<1x8x2048xf32, #tpu.memory_space<vmem>>
    %dma_wait3A_887 = tpu.memref_squeeze %dma_wait3A_886 : memref<1x8x2048xf32, #tpu.memory_space<vmem>> -> memref<8x2048xf32, #tpu.memory_space<vmem>>
    %dma_wait3A_888 = arith.constant 0 : i32
    %dma_wait3A_889 = tpu.memref_slice %arg4[%add3A_882, %dma_wait3A_888] : memref<5120x2048xf32, #tpu.memory_space<hbm>> -> memref<8x2048xf32, #tpu.memory_space<hbm>>
    %dma_wait3A_890 = arith.constant 0 : i32
    %dma_wait3A_891 = tpu.memref_slice %arg4[%add3A_882, %dma_wait3A_890] : memref<5120x2048xf32, #tpu.memory_space<hbm>> -> memref<8x2048xf32, #tpu.memory_space<hbm>>
    %dma_wait3A_892 = arith.constant 0 : i32
    %dma_wait3A_893 = arith.constant 0 : i32
    %dma_wait3A_894 = tpu.memref_slice %arg6[%dma_wait3A_883, %dma_wait3A_892, %dma_wait3A_893] : memref<3x8x2048xf32, #tpu.memory_space<vmem>> -> memref<1x8x2048xf32, #tpu.memory_space<vmem>>
    %dma_wait3A_895 = tpu.memref_squeeze %dma_wait3A_894 : memref<1x8x2048xf32, #tpu.memory_space<vmem>> -> memref<8x2048xf32, #tpu.memory_space<vmem>>
    tpu.wait_dma2 semaphore(%arg8 : memref<!tpu.dma_semaphore, #tpu.memory_space<semaphore_mem>>) src(%dma_wait3A_895 : memref<8x2048xf32, #tpu.memory_space<vmem>>) dst(%dma_wait3A_891 : memref<8x2048xf32, #tpu.memory_space<hbm>>)
    %dma_start3A_896 = arith.constant 1 : i32
    %dma_start3A_897 = arith.constant 0 : i32
    %dma_start3A_898 = arith.constant 0 : i32
    %dma_start3A_899 = tpu.memref_slice %arg6[%dma_start3A_896, %dma_start3A_897, %dma_start3A_898] : memref<3x8x2048xf32, #tpu.memory_space<vmem>> -> memref<1x8x2048xf32, #tpu.memory_space<vmem>>
    %dma_start3A_900 = tpu.memref_squeeze %dma_start3A_899 : memref<1x8x2048xf32, #tpu.memory_space<vmem>> -> memref<8x2048xf32, #tpu.memory_space<vmem>>
    %dma_start3A_901 = arith.constant 152 : i32
    %dma_start3A_902 = tpu.memref_slice %arg5[%dma_start3A_901] : memref<160xi32, #tpu.memory_space<vmem>> -> memref<8xi32, #tpu.memory_space<vmem>>
    %dma_start3A_903 = arith.constant 0 : i32
    %dma_start3A_904 = arith.constant 0 : i32
    %dma_start3A_905 = tpu.memref_slice %arg2[%dma_start3A_903, %dma_start3A_904] : memref<2048x2048xf32, #tpu.memory_space<hbm>> -> memref<2048x2048xf32, #tpu.memory_space<hbm>>
    tpu.enqueue_indirect_dma source(%dma_start3A_905 : memref<2048x2048xf32, #tpu.memory_space<hbm>>) target(%dma_start3A_900 : memref<8x2048xf32, #tpu.memory_space<vmem>>) offsets(%dma_start3A_902 : memref<8xi32, #tpu.memory_space<vmem>>) semaphore(%arg8 : memref<!tpu.dma_semaphore, #tpu.memory_space<semaphore_mem>>)
    %dma_wait3A_906 = arith.constant 0 : i32
    %dma_wait3A_907 = arith.constant 0 : i32
    %dma_wait3A_908 = arith.constant 0 : i32
    %dma_wait3A_909 = tpu.memref_slice %arg6[%dma_wait3A_906, %dma_wait3A_907, %dma_wait3A_908] : memref<3x8x2048xf32, #tpu.memory_space<vmem>> -> memref<1x8x2048xf32, #tpu.memory_space<vmem>>
    %dma_wait3A_910 = tpu.memref_squeeze %dma_wait3A_909 : memref<1x8x2048xf32, #tpu.memory_space<vmem>> -> memref<8x2048xf32, #tpu.memory_space<vmem>>
    %dma_wait3A_911 = arith.constant 144 : i32
    %dma_wait3A_912 = tpu.memref_slice %arg5[%dma_wait3A_911] : memref<160xi32, #tpu.memory_space<vmem>> -> memref<8xi32, #tpu.memory_space<vmem>>
    %dma_wait3A_913 = arith.constant 0 : i32
    %dma_wait3A_914 = arith.constant 0 : i32
    %dma_wait3A_915 = tpu.memref_slice %arg2[%dma_wait3A_913, %dma_wait3A_914] : memref<2048x2048xf32, #tpu.memory_space<hbm>> -> memref<2048x2048xf32, #tpu.memory_space<hbm>>
    tpu.wait_indirect_dma semaphore(%arg7 : memref<!tpu.dma_semaphore, #tpu.memory_space<semaphore_mem>>) src(%dma_wait3A_915 : memref<2048x2048xf32, #tpu.memory_space<hbm>>) dst(%dma_wait3A_910 : memref<8x2048xf32, #tpu.memory_space<vmem>>)
    %add3A_916 = arith.constant 144 : i32
    %add3A_917 = arith.addi %mul3A_2, %add3A_916 : i32
    %dma_start3A_918 = arith.constant 0 : i32
    %dma_start3A_919 = arith.constant 0 : i32
    %dma_start3A_920 = arith.constant 0 : i32
    %dma_start3A_921 = tpu.memref_slice %arg6[%dma_start3A_918, %dma_start3A_919, %dma_start3A_920] : memref<3x8x2048xf32, #tpu.memory_space<vmem>> -> memref<1x8x2048xf32, #tpu.memory_space<vmem>>
    %dma_start3A_922 = tpu.memref_squeeze %dma_start3A_921 : memref<1x8x2048xf32, #tpu.memory_space<vmem>> -> memref<8x2048xf32, #tpu.memory_space<vmem>>
    %dma_start3A_923 = arith.constant 0 : i32
    %dma_start3A_924 = tpu.memref_slice %arg4[%add3A_917, %dma_start3A_923] : memref<5120x2048xf32, #tpu.memory_space<hbm>> -> memref<8x2048xf32, #tpu.memory_space<hbm>>
    %dma_start3A_925 = arith.constant 0 : i32
    %dma_start3A_926 = tpu.memref_slice %arg4[%add3A_917, %dma_start3A_925] : memref<5120x2048xf32, #tpu.memory_space<hbm>> -> memref<8x2048xf32, #tpu.memory_space<hbm>>
    %dma_start3A_927 = arith.constant 0 : i32
    %dma_start3A_928 = arith.constant 0 : i32
    %dma_start3A_929 = tpu.memref_slice %arg6[%dma_start3A_918, %dma_start3A_927, %dma_start3A_928] : memref<3x8x2048xf32, #tpu.memory_space<vmem>> -> memref<1x8x2048xf32, #tpu.memory_space<vmem>>
    %dma_start3A_930 = tpu.memref_squeeze %dma_start3A_929 : memref<1x8x2048xf32, #tpu.memory_space<vmem>> -> memref<8x2048xf32, #tpu.memory_space<vmem>>
    tpu.enqueue_dma source(%dma_start3A_930 : memref<8x2048xf32, #tpu.memory_space<vmem>>) target(%dma_start3A_926 : memref<8x2048xf32, #tpu.memory_space<hbm>>) target_semaphore(%arg7 : memref<!tpu.dma_semaphore, #tpu.memory_space<semaphore_mem>>)
    %dma_wait3A_931 = arith.constant 1 : i32
    %dma_wait3A_932 = arith.constant 0 : i32
    %dma_wait3A_933 = arith.constant 0 : i32
    %dma_wait3A_934 = tpu.memref_slice %arg6[%dma_wait3A_931, %dma_wait3A_932, %dma_wait3A_933] : memref<3x8x2048xf32, #tpu.memory_space<vmem>> -> memref<1x8x2048xf32, #tpu.memory_space<vmem>>
    %dma_wait3A_935 = tpu.memref_squeeze %dma_wait3A_934 : memref<1x8x2048xf32, #tpu.memory_space<vmem>> -> memref<8x2048xf32, #tpu.memory_space<vmem>>
    %dma_wait3A_936 = arith.constant 152 : i32
    %dma_wait3A_937 = tpu.memref_slice %arg5[%dma_wait3A_936] : memref<160xi32, #tpu.memory_space<vmem>> -> memref<8xi32, #tpu.memory_space<vmem>>
    %dma_wait3A_938 = arith.constant 0 : i32
    %dma_wait3A_939 = arith.constant 0 : i32
    %dma_wait3A_940 = tpu.memref_slice %arg2[%dma_wait3A_938, %dma_wait3A_939] : memref<2048x2048xf32, #tpu.memory_space<hbm>> -> memref<2048x2048xf32, #tpu.memory_space<hbm>>
    tpu.wait_indirect_dma semaphore(%arg8 : memref<!tpu.dma_semaphore, #tpu.memory_space<semaphore_mem>>) src(%dma_wait3A_940 : memref<2048x2048xf32, #tpu.memory_space<hbm>>) dst(%dma_wait3A_935 : memref<8x2048xf32, #tpu.memory_space<vmem>>)
    %add3A_941 = arith.constant 152 : i32
    %add3A_942 = arith.addi %mul3A_2, %add3A_941 : i32
    %dma_start3A_943 = arith.constant 1 : i32
    %dma_start3A_944 = arith.constant 0 : i32
    %dma_start3A_945 = arith.constant 0 : i32
    %dma_start3A_946 = tpu.memref_slice %arg6[%dma_start3A_943, %dma_start3A_944, %dma_start3A_945] : memref<3x8x2048xf32, #tpu.memory_space<vmem>> -> memref<1x8x2048xf32, #tpu.memory_space<vmem>>
    %dma_start3A_947 = tpu.memref_squeeze %dma_start3A_946 : memref<1x8x2048xf32, #tpu.memory_space<vmem>> -> memref<8x2048xf32, #tpu.memory_space<vmem>>
    %dma_start3A_948 = arith.constant 0 : i32
    %dma_start3A_949 = tpu.memref_slice %arg4[%add3A_942, %dma_start3A_948] : memref<5120x2048xf32, #tpu.memory_space<hbm>> -> memref<8x2048xf32, #tpu.memory_space<hbm>>
    %dma_start3A_950 = arith.constant 0 : i32
    %dma_start3A_951 = tpu.memref_slice %arg4[%add3A_942, %dma_start3A_950] : memref<5120x2048xf32, #tpu.memory_space<hbm>> -> memref<8x2048xf32, #tpu.memory_space<hbm>>
    %dma_start3A_952 = arith.constant 0 : i32
    %dma_start3A_953 = arith.constant 0 : i32
    %dma_start3A_954 = tpu.memref_slice %arg6[%dma_start3A_943, %dma_start3A_952, %dma_start3A_953] : memref<3x8x2048xf32, #tpu.memory_space<vmem>> -> memref<1x8x2048xf32, #tpu.memory_space<vmem>>
    %dma_start3A_955 = tpu.memref_squeeze %dma_start3A_954 : memref<1x8x2048xf32, #tpu.memory_space<vmem>> -> memref<8x2048xf32, #tpu.memory_space<vmem>>
    tpu.enqueue_dma source(%dma_start3A_955 : memref<8x2048xf32, #tpu.memory_space<vmem>>) target(%dma_start3A_951 : memref<8x2048xf32, #tpu.memory_space<hbm>>) target_semaphore(%arg8 : memref<!tpu.dma_semaphore, #tpu.memory_space<semaphore_mem>>)
    %add3A_956 = arith.constant 136 : i32
    %add3A_957 = arith.addi %mul3A_2, %add3A_956 : i32
    %dma_wait3A_958 = arith.constant 2 : i32
    %dma_wait3A_959 = arith.constant 0 : i32
    %dma_wait3A_960 = arith.constant 0 : i32
    %dma_wait3A_961 = tpu.memref_slice %arg6[%dma_wait3A_958, %dma_wait3A_959, %dma_wait3A_960] : memref<3x8x2048xf32, #tpu.memory_space<vmem>> -> memref<1x8x2048xf32, #tpu.memory_space<vmem>>
    %dma_wait3A_962 = tpu.memref_squeeze %dma_wait3A_961 : memref<1x8x2048xf32, #tpu.memory_space<vmem>> -> memref<8x2048xf32, #tpu.memory_space<vmem>>
    %dma_wait3A_963 = arith.constant 0 : i32
    %dma_wait3A_964 = tpu.memref_slice %arg4[%add3A_957, %dma_wait3A_963] : memref<5120x2048xf32, #tpu.memory_space<hbm>> -> memref<8x2048xf32, #tpu.memory_space<hbm>>
    %dma_wait3A_965 = arith.constant 0 : i32
    %dma_wait3A_966 = tpu.memref_slice %arg4[%add3A_957, %dma_wait3A_965] : memref<5120x2048xf32, #tpu.memory_space<hbm>> -> memref<8x2048xf32, #tpu.memory_space<hbm>>
    %dma_wait3A_967 = arith.constant 0 : i32
    %dma_wait3A_968 = arith.constant 0 : i32
    %dma_wait3A_969 = tpu.memref_slice %arg6[%dma_wait3A_958, %dma_wait3A_967, %dma_wait3A_968] : memref<3x8x2048xf32, #tpu.memory_space<vmem>> -> memref<1x8x2048xf32, #tpu.memory_space<vmem>>
    %dma_wait3A_970 = tpu.memref_squeeze %dma_wait3A_969 : memref<1x8x2048xf32, #tpu.memory_space<vmem>> -> memref<8x2048xf32, #tpu.memory_space<vmem>>
    tpu.wait_dma2 semaphore(%arg9 : memref<!tpu.dma_semaphore, #tpu.memory_space<semaphore_mem>>) src(%dma_wait3A_970 : memref<8x2048xf32, #tpu.memory_space<vmem>>) dst(%dma_wait3A_966 : memref<8x2048xf32, #tpu.memory_space<hbm>>)
    %add3A_971 = arith.constant 144 : i32
    %add3A_972 = arith.addi %mul3A_2, %add3A_971 : i32
    %dma_wait3A_973 = arith.constant 0 : i32
    %dma_wait3A_974 = arith.constant 0 : i32
    %dma_wait3A_975 = arith.constant 0 : i32
    %dma_wait3A_976 = tpu.memref_slice %arg6[%dma_wait3A_973, %dma_wait3A_974, %dma_wait3A_975] : memref<3x8x2048xf32, #tpu.memory_space<vmem>> -> memref<1x8x2048xf32, #tpu.memory_space<vmem>>
    %dma_wait3A_977 = tpu.memref_squeeze %dma_wait3A_976 : memref<1x8x2048xf32, #tpu.memory_space<vmem>> -> memref<8x2048xf32, #tpu.memory_space<vmem>>
    %dma_wait3A_978 = arith.constant 0 : i32
    %dma_wait3A_979 = tpu.memref_slice %arg4[%add3A_972, %dma_wait3A_978] : memref<5120x2048xf32, #tpu.memory_space<hbm>> -> memref<8x2048xf32, #tpu.memory_space<hbm>>
    %dma_wait3A_980 = arith.constant 0 : i32
    %dma_wait3A_981 = tpu.memref_slice %arg4[%add3A_972, %dma_wait3A_980] : memref<5120x2048xf32, #tpu.memory_space<hbm>> -> memref<8x2048xf32, #tpu.memory_space<hbm>>
    %dma_wait3A_982 = arith.constant 0 : i32
    %dma_wait3A_983 = arith.constant 0 : i32
    %dma_wait3A_984 = tpu.memref_slice %arg6[%dma_wait3A_973, %dma_wait3A_982, %dma_wait3A_983] : memref<3x8x2048xf32, #tpu.memory_space<vmem>> -> memref<1x8x2048xf32, #tpu.memory_space<vmem>>
    %dma_wait3A_985 = tpu.memref_squeeze %dma_wait3A_984 : memref<1x8x2048xf32, #tpu.memory_space<vmem>> -> memref<8x2048xf32, #tpu.memory_space<vmem>>
    tpu.wait_dma2 semaphore(%arg7 : memref<!tpu.dma_semaphore, #tpu.memory_space<semaphore_mem>>) src(%dma_wait3A_985 : memref<8x2048xf32, #tpu.memory_space<vmem>>) dst(%dma_wait3A_981 : memref<8x2048xf32, #tpu.memory_space<hbm>>)
    %add3A_986 = arith.constant 152 : i32
    %add3A_987 = arith.addi %mul3A_2, %add3A_986 : i32
    %dma_wait3A_988 = arith.constant 1 : i32
    %dma_wait3A_989 = arith.constant 0 : i32
    %dma_wait3A_990 = arith.constant 0 : i32
    %dma_wait3A_991 = tpu.memref_slice %arg6[%dma_wait3A_988, %dma_wait3A_989, %dma_wait3A_990] : memref<3x8x2048xf32, #tpu.memory_space<vmem>> -> memref<1x8x2048xf32, #tpu.memory_space<vmem>>
    %dma_wait3A_992 = tpu.memref_squeeze %dma_wait3A_991 : memref<1x8x2048xf32, #tpu.memory_space<vmem>> -> memref<8x2048xf32, #tpu.memory_space<vmem>>
    %dma_wait3A_993 = arith.constant 0 : i32
    %dma_wait3A_994 = tpu.memref_slice %arg4[%add3A_987, %dma_wait3A_993] : memref<5120x2048xf32, #tpu.memory_space<hbm>> -> memref<8x2048xf32, #tpu.memory_space<hbm>>
    %dma_wait3A_995 = arith.constant 0 : i32
    %dma_wait3A_996 = tpu.memref_slice %arg4[%add3A_987, %dma_wait3A_995] : memref<5120x2048xf32, #tpu.memory_space<hbm>> -> memref<8x2048xf32, #tpu.memory_space<hbm>>
    %dma_wait3A_997 = arith.constant 0 : i32
    %dma_wait3A_998 = arith.constant 0 : i32
    %dma_wait3A_999 = tpu.memref_slice %arg6[%dma_wait3A_988, %dma_wait3A_997, %dma_wait3A_998] : memref<3x8x2048xf32, #tpu.memory_space<vmem>> -> memref<1x8x2048xf32, #tpu.memory_space<vmem>>
    %dma_wait3A_1000 = tpu.memref_squeeze %dma_wait3A_999 : memref<1x8x2048xf32, #tpu.memory_space<vmem>> -> memref<8x2048xf32, #tpu.memory_space<vmem>>
    tpu.wait_dma2 semaphore(%arg8 : memref<!tpu.dma_semaphore, #tpu.memory_space<semaphore_mem>>) src(%dma_wait3A_1000 : memref<8x2048xf32, #tpu.memory_space<vmem>>) dst(%dma_wait3A_996 : memref<8x2048xf32, #tpu.memory_space<hbm>>)
    return
  }
}

module attributes {stable_mosaic.version = 14 : i64} {
  func.func @_router_body(%arg0: i32, %arg1: memref<512x2048xf32, #tpu.memory_space<vmem>>, %arg2: memref<8x2048xf32, #tpu.memory_space<vmem>>, %arg3: memref<512x8xf32, #tpu.memory_space<vmem>>, %arg4: memref<512x2xi32, #tpu.memory_space<vmem>>, %arg5: memref<512x2xf32, #tpu.memory_space<vmem>>) attributes {dimension_semantics = [#tpu.dimension_semantics<arbitrary>], iteration_bounds = array<i64: 4>, scalar_prefetch = 0 : i64, scratch_operands = 0 : i64, tpu.core_type = #tpu.core_type<tc>, window_params = [{transform_indices = @transform_0, window_bounds = array<i64: 512, 2048>}, {pipeline_mode = #tpu.pipeline_mode<synchronous>, transform_indices = @transform_1, window_bounds = array<i64: 8, 2048>}, {transform_indices = @transform_2, window_bounds = array<i64: 512, 8>}, {transform_indices = @transform_3, window_bounds = array<i64: 512, 2>}, {transform_indices = @transform_4, window_bounds = array<i64: 512, 2>}]} {
    %get3A = arith.constant 0 : index
    %get3A_0 = arith.constant 0 : index
    %get3A_1 = vector.load %arg1[%get3A, %get3A_0] : memref<512x2048xf32, #tpu.memory_space<vmem>>, vector<512x2048xf32>
    %get3A_2 = arith.constant 0 : index
    %get3A_3 = arith.constant 0 : index
    %get3A_4 = vector.load %arg2[%get3A_2, %get3A_3] : memref<8x2048xf32, #tpu.memory_space<vmem>>, vector<8x2048xf32>
    %dot_general3A = arith.constant dense<0.000000e+00> : vector<512x8xf32>
    %dot_general3A_5 = tpu.matmul %get3A_1, %get3A_4, %dot_general3A {dimension_numbers = #tpu.dot_dimension_numbers<[1], [1], [0], [0], [0, 0, 1, 0], [], []>, transpose_lhs_hint = false} : vector<512x2048xf32>, vector<8x2048xf32>, vector<512x8xf32> -> vector<512x8xf32>
    %swap3A = arith.constant 0 : index
    %swap3A_6 = arith.constant 0 : index
    %swap3A_7 = vector.load %arg3[%swap3A, %swap3A_6] : memref<512x8xf32, #tpu.memory_space<vmem>>, vector<512x8xf32>
    tpu.vector_store %arg3[%swap3A, %swap3A_6], %dot_general3A_5 {strides = array<i32>} : memref<512x8xf32, #tpu.memory_space<vmem>>, vector<512x8xf32>,
    %slice3A = vector.extract_strided_slice %dot_general3A_5 {offsets = [0, 0], sizes = [512, 1], strides = [1, 1]} : vector<512x8xf32> to vector<512x1xf32>
    %broadcast_in_dim3A = arith.constant 0 : i32
    %broadcast_in_dim3A_8 = vector.broadcast %broadcast_in_dim3A : i32 to vector<512x1xi32>
    %slice3A_9 = vector.extract_strided_slice %dot_general3A_5 {offsets = [0, 1], sizes = [512, 1], strides = [1, 1]} : vector<512x8xf32> to vector<512x1xf32>
    %gt3A = arith.cmpf ogt, %slice3A_9, %slice3A : vector<512x1xf32>
    %select_n3A = arith.select %gt3A, %slice3A_9, %slice3A : vector<512x1xi1>, vector<512x1xf32>
    %jit3A = arith.constant 1 : i32
    %broadcast_in_dim3A_10 = vector.broadcast %jit3A : i32 to vector<512x1xi32>
    %select_n3A_11 = arith.select %gt3A, %broadcast_in_dim3A_10, %broadcast_in_dim3A_8 : vector<512x1xi1>, vector<512x1xi32>
    %slice3A_12 = vector.extract_strided_slice %dot_general3A_5 {offsets = [0, 2], sizes = [512, 1], strides = [1, 1]} : vector<512x8xf32> to vector<512x1xf32>
    %gt3A_13 = arith.cmpf ogt, %slice3A_12, %select_n3A : vector<512x1xf32>
    %select_n3A_14 = arith.select %gt3A_13, %slice3A_12, %select_n3A : vector<512x1xi1>, vector<512x1xf32>
    %jit3A_15 = arith.constant 2 : i32
    %broadcast_in_dim3A_16 = vector.broadcast %jit3A_15 : i32 to vector<512x1xi32>
    %select_n3A_17 = arith.select %gt3A_13, %broadcast_in_dim3A_16, %select_n3A_11 : vector<512x1xi1>, vector<512x1xi32>
    %slice3A_18 = vector.extract_strided_slice %dot_general3A_5 {offsets = [0, 3], sizes = [512, 1], strides = [1, 1]} : vector<512x8xf32> to vector<512x1xf32>
    %gt3A_19 = arith.cmpf ogt, %slice3A_18, %select_n3A_14 : vector<512x1xf32>
    %select_n3A_20 = arith.select %gt3A_19, %slice3A_18, %select_n3A_14 : vector<512x1xi1>, vector<512x1xf32>
    %jit3A_21 = arith.constant 3 : i32
    %broadcast_in_dim3A_22 = vector.broadcast %jit3A_21 : i32 to vector<512x1xi32>
    %select_n3A_23 = arith.select %gt3A_19, %broadcast_in_dim3A_22, %select_n3A_17 : vector<512x1xi1>, vector<512x1xi32>
    %slice3A_24 = vector.extract_strided_slice %dot_general3A_5 {offsets = [0, 4], sizes = [512, 1], strides = [1, 1]} : vector<512x8xf32> to vector<512x1xf32>
    %gt3A_25 = arith.cmpf ogt, %slice3A_24, %select_n3A_20 : vector<512x1xf32>
    %select_n3A_26 = arith.select %gt3A_25, %slice3A_24, %select_n3A_20 : vector<512x1xi1>, vector<512x1xf32>
    %jit3A_27 = arith.constant 4 : i32
    %broadcast_in_dim3A_28 = vector.broadcast %jit3A_27 : i32 to vector<512x1xi32>
    %select_n3A_29 = arith.select %gt3A_25, %broadcast_in_dim3A_28, %select_n3A_23 : vector<512x1xi1>, vector<512x1xi32>
    %slice3A_30 = vector.extract_strided_slice %dot_general3A_5 {offsets = [0, 5], sizes = [512, 1], strides = [1, 1]} : vector<512x8xf32> to vector<512x1xf32>
    %gt3A_31 = arith.cmpf ogt, %slice3A_30, %select_n3A_26 : vector<512x1xf32>
    %select_n3A_32 = arith.select %gt3A_31, %slice3A_30, %select_n3A_26 : vector<512x1xi1>, vector<512x1xf32>
    %jit3A_33 = arith.constant 5 : i32
    %broadcast_in_dim3A_34 = vector.broadcast %jit3A_33 : i32 to vector<512x1xi32>
    %select_n3A_35 = arith.select %gt3A_31, %broadcast_in_dim3A_34, %select_n3A_29 : vector<512x1xi1>, vector<512x1xi32>
    %slice3A_36 = vector.extract_strided_slice %dot_general3A_5 {offsets = [0, 6], sizes = [512, 1], strides = [1, 1]} : vector<512x8xf32> to vector<512x1xf32>
    %gt3A_37 = arith.cmpf ogt, %slice3A_36, %select_n3A_32 : vector<512x1xf32>
    %select_n3A_38 = arith.select %gt3A_37, %slice3A_36, %select_n3A_32 : vector<512x1xi1>, vector<512x1xf32>
    %jit3A_39 = arith.constant 6 : i32
    %broadcast_in_dim3A_40 = vector.broadcast %jit3A_39 : i32 to vector<512x1xi32>
    %select_n3A_41 = arith.select %gt3A_37, %broadcast_in_dim3A_40, %select_n3A_35 : vector<512x1xi1>, vector<512x1xi32>
    %slice3A_42 = vector.extract_strided_slice %dot_general3A_5 {offsets = [0, 7], sizes = [512, 1], strides = [1, 1]} : vector<512x8xf32> to vector<512x1xf32>
    %gt3A_43 = arith.cmpf ogt, %slice3A_42, %select_n3A_38 : vector<512x1xf32>
    %select_n3A_44 = arith.select %gt3A_43, %slice3A_42, %select_n3A_38 : vector<512x1xi1>, vector<512x1xf32>
    %jit3A_45 = arith.constant 7 : i32
    %broadcast_in_dim3A_46 = vector.broadcast %jit3A_45 : i32 to vector<512x1xi32>
    %select_n3A_47 = arith.select %gt3A_43, %broadcast_in_dim3A_46, %select_n3A_41 : vector<512x1xi1>, vector<512x1xi32>
    %broadcast_in_dim3A_48 = arith.constant 0xFF800000 : f32
    %broadcast_in_dim3A_49 = vector.broadcast %broadcast_in_dim3A_48 : f32 to vector<512x1xf32>
    %broadcast_in_dim3A_50 = arith.constant 0 : i32
    %broadcast_in_dim3A_51 = vector.broadcast %broadcast_in_dim3A_50 : i32 to vector<512x1xi32>
    %slice3A_52 = vector.extract_strided_slice %dot_general3A_5 {offsets = [0, 0], sizes = [512, 1], strides = [1, 1]} : vector<512x8xf32> to vector<512x1xf32>
    %gt3A_53 = arith.cmpf ogt, %slice3A_52, %broadcast_in_dim3A_49 : vector<512x1xf32>
    %ne3A = arith.constant 0 : i32
    %ne3A_54 = vector.broadcast %ne3A : i32 to vector<512x1xi32>
    %ne3A_55 = arith.cmpi ne, %select_n3A_47, %ne3A_54 : vector<512x1xi32>
    %and3A = arith.andi %gt3A_53, %ne3A_55 : vector<512x1xi1>
    %select_n3A_56 = arith.select %and3A, %slice3A_52, %broadcast_in_dim3A_49 : vector<512x1xi1>, vector<512x1xf32>
    %jit3A_57 = arith.constant 0 : i32
    %broadcast_in_dim3A_58 = vector.broadcast %jit3A_57 : i32 to vector<512x1xi32>
    %select_n3A_59 = arith.select %and3A, %broadcast_in_dim3A_58, %broadcast_in_dim3A_51 : vector<512x1xi1>, vector<512x1xi32>
    %slice3A_60 = vector.extract_strided_slice %dot_general3A_5 {offsets = [0, 1], sizes = [512, 1], strides = [1, 1]} : vector<512x8xf32> to vector<512x1xf32>
    %gt3A_61 = arith.cmpf ogt, %slice3A_60, %select_n3A_56 : vector<512x1xf32>
    %ne3A_62 = arith.constant 1 : i32
    %ne3A_63 = vector.broadcast %ne3A_62 : i32 to vector<512x1xi32>
    %ne3A_64 = arith.cmpi ne, %select_n3A_47, %ne3A_63 : vector<512x1xi32>
    %and3A_65 = arith.andi %gt3A_61, %ne3A_64 : vector<512x1xi1>
    %select_n3A_66 = arith.select %and3A_65, %slice3A_60, %select_n3A_56 : vector<512x1xi1>, vector<512x1xf32>
    %jit3A_67 = arith.constant 1 : i32
    %broadcast_in_dim3A_68 = vector.broadcast %jit3A_67 : i32 to vector<512x1xi32>
    %select_n3A_69 = arith.select %and3A_65, %broadcast_in_dim3A_68, %select_n3A_59 : vector<512x1xi1>, vector<512x1xi32>
    %slice3A_70 = vector.extract_strided_slice %dot_general3A_5 {offsets = [0, 2], sizes = [512, 1], strides = [1, 1]} : vector<512x8xf32> to vector<512x1xf32>
    %gt3A_71 = arith.cmpf ogt, %slice3A_70, %select_n3A_66 : vector<512x1xf32>
    %ne3A_72 = arith.constant 2 : i32
    %ne3A_73 = vector.broadcast %ne3A_72 : i32 to vector<512x1xi32>
    %ne3A_74 = arith.cmpi ne, %select_n3A_47, %ne3A_73 : vector<512x1xi32>
    %and3A_75 = arith.andi %gt3A_71, %ne3A_74 : vector<512x1xi1>
    %select_n3A_76 = arith.select %and3A_75, %slice3A_70, %select_n3A_66 : vector<512x1xi1>, vector<512x1xf32>
    %jit3A_77 = arith.constant 2 : i32
    %broadcast_in_dim3A_78 = vector.broadcast %jit3A_77 : i32 to vector<512x1xi32>
    %select_n3A_79 = arith.select %and3A_75, %broadcast_in_dim3A_78, %select_n3A_69 : vector<512x1xi1>, vector<512x1xi32>
    %slice3A_80 = vector.extract_strided_slice %dot_general3A_5 {offsets = [0, 3], sizes = [512, 1], strides = [1, 1]} : vector<512x8xf32> to vector<512x1xf32>
    %gt3A_81 = arith.cmpf ogt, %slice3A_80, %select_n3A_76 : vector<512x1xf32>
    %ne3A_82 = arith.constant 3 : i32
    %ne3A_83 = vector.broadcast %ne3A_82 : i32 to vector<512x1xi32>
    %ne3A_84 = arith.cmpi ne, %select_n3A_47, %ne3A_83 : vector<512x1xi32>
    %and3A_85 = arith.andi %gt3A_81, %ne3A_84 : vector<512x1xi1>
    %select_n3A_86 = arith.select %and3A_85, %slice3A_80, %select_n3A_76 : vector<512x1xi1>, vector<512x1xf32>
    %jit3A_87 = arith.constant 3 : i32
    %broadcast_in_dim3A_88 = vector.broadcast %jit3A_87 : i32 to vector<512x1xi32>
    %select_n3A_89 = arith.select %and3A_85, %broadcast_in_dim3A_88, %select_n3A_79 : vector<512x1xi1>, vector<512x1xi32>
    %slice3A_90 = vector.extract_strided_slice %dot_general3A_5 {offsets = [0, 4], sizes = [512, 1], strides = [1, 1]} : vector<512x8xf32> to vector<512x1xf32>
    %gt3A_91 = arith.cmpf ogt, %slice3A_90, %select_n3A_86 : vector<512x1xf32>
    %ne3A_92 = arith.constant 4 : i32
    %ne3A_93 = vector.broadcast %ne3A_92 : i32 to vector<512x1xi32>
    %ne3A_94 = arith.cmpi ne, %select_n3A_47, %ne3A_93 : vector<512x1xi32>
    %and3A_95 = arith.andi %gt3A_91, %ne3A_94 : vector<512x1xi1>
    %select_n3A_96 = arith.select %and3A_95, %slice3A_90, %select_n3A_86 : vector<512x1xi1>, vector<512x1xf32>
    %jit3A_97 = arith.constant 4 : i32
    %broadcast_in_dim3A_98 = vector.broadcast %jit3A_97 : i32 to vector<512x1xi32>
    %select_n3A_99 = arith.select %and3A_95, %broadcast_in_dim3A_98, %select_n3A_89 : vector<512x1xi1>, vector<512x1xi32>
    %slice3A_100 = vector.extract_strided_slice %dot_general3A_5 {offsets = [0, 5], sizes = [512, 1], strides = [1, 1]} : vector<512x8xf32> to vector<512x1xf32>
    %gt3A_101 = arith.cmpf ogt, %slice3A_100, %select_n3A_96 : vector<512x1xf32>
    %ne3A_102 = arith.constant 5 : i32
    %ne3A_103 = vector.broadcast %ne3A_102 : i32 to vector<512x1xi32>
    %ne3A_104 = arith.cmpi ne, %select_n3A_47, %ne3A_103 : vector<512x1xi32>
    %and3A_105 = arith.andi %gt3A_101, %ne3A_104 : vector<512x1xi1>
    %select_n3A_106 = arith.select %and3A_105, %slice3A_100, %select_n3A_96 : vector<512x1xi1>, vector<512x1xf32>
    %jit3A_107 = arith.constant 5 : i32
    %broadcast_in_dim3A_108 = vector.broadcast %jit3A_107 : i32 to vector<512x1xi32>
    %select_n3A_109 = arith.select %and3A_105, %broadcast_in_dim3A_108, %select_n3A_99 : vector<512x1xi1>, vector<512x1xi32>
    %slice3A_110 = vector.extract_strided_slice %dot_general3A_5 {offsets = [0, 6], sizes = [512, 1], strides = [1, 1]} : vector<512x8xf32> to vector<512x1xf32>
    %gt3A_111 = arith.cmpf ogt, %slice3A_110, %select_n3A_106 : vector<512x1xf32>
    %ne3A_112 = arith.constant 6 : i32
    %ne3A_113 = vector.broadcast %ne3A_112 : i32 to vector<512x1xi32>
    %ne3A_114 = arith.cmpi ne, %select_n3A_47, %ne3A_113 : vector<512x1xi32>
    %and3A_115 = arith.andi %gt3A_111, %ne3A_114 : vector<512x1xi1>
    %select_n3A_116 = arith.select %and3A_115, %slice3A_110, %select_n3A_106 : vector<512x1xi1>, vector<512x1xf32>
    %jit3A_117 = arith.constant 6 : i32
    %broadcast_in_dim3A_118 = vector.broadcast %jit3A_117 : i32 to vector<512x1xi32>
    %select_n3A_119 = arith.select %and3A_115, %broadcast_in_dim3A_118, %select_n3A_109 : vector<512x1xi1>, vector<512x1xi32>
    %slice3A_120 = vector.extract_strided_slice %dot_general3A_5 {offsets = [0, 7], sizes = [512, 1], strides = [1, 1]} : vector<512x8xf32> to vector<512x1xf32>
    %gt3A_121 = arith.cmpf ogt, %slice3A_120, %select_n3A_116 : vector<512x1xf32>
    %ne3A_122 = arith.constant 7 : i32
    %ne3A_123 = vector.broadcast %ne3A_122 : i32 to vector<512x1xi32>
    %ne3A_124 = arith.cmpi ne, %select_n3A_47, %ne3A_123 : vector<512x1xi32>
    %and3A_125 = arith.andi %gt3A_121, %ne3A_124 : vector<512x1xi1>
    %select_n3A_126 = arith.select %and3A_125, %slice3A_120, %select_n3A_116 : vector<512x1xi1>, vector<512x1xf32>
    %jit3A_127 = arith.constant 7 : i32
    %broadcast_in_dim3A_128 = vector.broadcast %jit3A_127 : i32 to vector<512x1xi32>
    %select_n3A_129 = arith.select %and3A_125, %broadcast_in_dim3A_128, %select_n3A_119 : vector<512x1xi1>, vector<512x1xi32>
    %concatenate3A = tpu.concatenate %select_n3A_47, %select_n3A_129 in 1 : vector<512x1xi32>, vector<512x1xi32> -> vector<512x2xi32>
    %swap3A_130 = arith.constant 0 : index
    %swap3A_131 = arith.constant 0 : index
    %swap3A_132 = vector.load %arg4[%swap3A_130, %swap3A_131] : memref<512x2xi32, #tpu.memory_space<vmem>>, vector<512x2xi32>
    tpu.vector_store %arg4[%swap3A_130, %swap3A_131], %concatenate3A {strides = array<i32>} : memref<512x2xi32, #tpu.memory_space<vmem>>, vector<512x2xi32>,
    %sub3A = arith.subf %select_n3A_126, %select_n3A_44 : vector<512x1xf32>
    %exp3A = math.exp %sub3A : vector<512x1xf32>
    %add3A = arith.constant 1.000000e+00 : f32
    %add3A_133 = vector.broadcast %add3A : f32 to vector<512x1xf32>
    %add3A_134 = arith.addf %add3A_133, %exp3A : vector<512x1xf32>
    %div3A = arith.constant 1.000000e+00 : f32
    %div3A_135 = vector.broadcast %div3A : f32 to vector<512x1xf32>
    %div3A_136 = arith.divf %div3A_135, %add3A_134 : vector<512x1xf32>
    %sub3A_137 = arith.constant 1.000000e+00 : f32
    %sub3A_138 = vector.broadcast %sub3A_137 : f32 to vector<512x1xf32>
    %sub3A_139 = arith.subf %sub3A_138, %div3A_136 : vector<512x1xf32>
    %concatenate3A_140 = tpu.concatenate %div3A_136, %sub3A_139 in 1 : vector<512x1xf32>, vector<512x1xf32> -> vector<512x2xf32>
    %swap3A_141 = arith.constant 0 : index
    %swap3A_142 = arith.constant 0 : index
    %swap3A_143 = vector.load %arg5[%swap3A_141, %swap3A_142] : memref<512x2xf32, #tpu.memory_space<vmem>>, vector<512x2xf32>
    tpu.vector_store %arg5[%swap3A_141, %swap3A_142], %concatenate3A_140 {strides = array<i32>} : memref<512x2xf32, #tpu.memory_space<vmem>>, vector<512x2xf32>,
    return
  }
  func.func @transform_0(%arg0: i32) -> (i32, i32) {
    %c0_i32 = arith.constant 0 : i32
    %c0_i32_0 = arith.constant 0 : i32
    return %arg0, %c0_i32 : i32, i32
  }
  func.func @transform_1(%arg0: i32) -> (i32, i32) {
    %c0_i32 = arith.constant 0 : i32
    %c0_i32_0 = arith.constant 0 : i32
    %c0_i32_1 = arith.constant 0 : i32
    return %c0_i32, %c0_i32_0 : i32, i32
  }
  func.func @transform_2(%arg0: i32) -> (i32, i32) {
    %c0_i32 = arith.constant 0 : i32
    %c0_i32_0 = arith.constant 0 : i32
    return %arg0, %c0_i32 : i32, i32
  }
  func.func @transform_3(%arg0: i32) -> (i32, i32) {
    %c0_i32 = arith.constant 0 : i32
    %c0_i32_0 = arith.constant 0 : i32
    return %arg0, %c0_i32 : i32, i32
  }
  func.func @transform_4(%arg0: i32) -> (i32, i32) {
    %c0_i32 = arith.constant 0 : i32
    %c0_i32_0 = arith.constant 0 : i32
    return %arg0, %c0_i32 : i32, i32
  }
}

module attributes {stable_mosaic.version = 14 : i64} {
  func.func @_mlp_body(%arg0: i32, %arg1: memref<39xi32, #tpu.memory_space<smem>>, %arg2: memref<128x2048xf32, #tpu.memory_space<vmem>>, %arg3: memref<1x1024x2048xf32, #tpu.memory_space<vmem>>, %arg4: memref<1x1024x2048xf32, #tpu.memory_space<vmem>>, %arg5: memref<1x2048x1024xf32, #tpu.memory_space<vmem>>, %arg6: memref<128x2048xf32, #tpu.memory_space<vmem>>) attributes {dimension_semantics = [#tpu.dimension_semantics<arbitrary>], iteration_bounds = array<i64: 39>, scalar_prefetch = 1 : i64, scratch_operands = 0 : i64, tpu.core_type = #tpu.core_type<tc>, window_params = [{transform_indices = @transform_0, window_bounds = array<i64: 128, 2048>}, {transform_indices = @transform_1, window_bounds = array<i64: 1, 1024, 2048>}, {transform_indices = @transform_2, window_bounds = array<i64: 1, 1024, 2048>}, {transform_indices = @transform_3, window_bounds = array<i64: 1, 2048, 1024>}, {transform_indices = @transform_4, window_bounds = array<i64: 128, 2048>}]} {
    %get3A = arith.constant 0 : index
    %get3A_0 = arith.constant 0 : index
    %get3A_1 = vector.load %arg2[%get3A, %get3A_0] : memref<128x2048xf32, #tpu.memory_space<vmem>>, vector<128x2048xf32>
    %get3A_2 = arith.constant 0 : index
    %get3A_3 = arith.constant 0 : index
    %get3A_4 = arith.constant 0 : index
    %get3A_5 = vector.load %arg3[%get3A_2, %get3A_3, %get3A_4] : memref<1x1024x2048xf32, #tpu.memory_space<vmem>>, vector<1x1024x2048xf32>
    %get3A_6 = vector.shape_cast %get3A_5 : vector<1x1024x2048xf32> to vector<1024x2048xf32>
    %dot_general3A = arith.constant dense<0.000000e+00> : vector<128x1024xf32>
    %dot_general3A_7 = tpu.matmul %get3A_1, %get3A_6, %dot_general3A {dimension_numbers = #tpu.dot_dimension_numbers<[1], [1], [0], [0], [0, 0, 1, 0], [], []>, transpose_lhs_hint = false} : vector<128x2048xf32>, vector<1024x2048xf32>, vector<128x1024xf32> -> vector<128x1024xf32>
    %get3A_8 = arith.constant 0 : index
    %get3A_9 = arith.constant 0 : index
    %get3A_10 = arith.constant 0 : index
    %get3A_11 = vector.load %arg4[%get3A_8, %get3A_9, %get3A_10] : memref<1x1024x2048xf32, #tpu.memory_space<vmem>>, vector<1x1024x2048xf32>
    %get3A_12 = vector.shape_cast %get3A_11 : vector<1x1024x2048xf32> to vector<1024x2048xf32>
    %dot_general3A_13 = arith.constant dense<0.000000e+00> : vector<128x1024xf32>
    %dot_general3A_14 = tpu.matmul %get3A_1, %get3A_12, %dot_general3A_13 {dimension_numbers = #tpu.dot_dimension_numbers<[1], [1], [0], [0], [0, 0, 1, 0], [], []>, transpose_lhs_hint = false} : vector<128x2048xf32>, vector<1024x2048xf32>, vector<128x1024xf32> -> vector<128x1024xf32>
    %logistic3A = arith.negf %dot_general3A_7 : vector<128x1024xf32>
    %logistic3A_15 = math.exp %logistic3A : vector<128x1024xf32>
    %logistic3A_16 = arith.constant 1.000000e+00 : f32
    %logistic3A_17 = vector.broadcast %logistic3A_16 : f32 to vector<128x1024xf32>
    %logistic3A_18 = arith.addf %logistic3A_17, %logistic3A_15 : vector<128x1024xf32>
    %logistic3A_19 = arith.divf %logistic3A_17, %logistic3A_18 : vector<128x1024xf32>
    %mul3A = arith.mulf %dot_general3A_7, %logistic3A_19 : vector<128x1024xf32>
    %mul3A_20 = arith.mulf %mul3A, %dot_general3A_14 : vector<128x1024xf32>
    %get3A_21 = arith.constant 0 : index
    %get3A_22 = arith.constant 0 : index
    %get3A_23 = arith.constant 0 : index
    %get3A_24 = vector.load %arg5[%get3A_21, %get3A_22, %get3A_23] : memref<1x2048x1024xf32, #tpu.memory_space<vmem>>, vector<1x2048x1024xf32>
    %get3A_25 = vector.shape_cast %get3A_24 : vector<1x2048x1024xf32> to vector<2048x1024xf32>
    %dot_general3A_26 = arith.constant dense<0.000000e+00> : vector<128x2048xf32>
    %dot_general3A_27 = tpu.matmul %mul3A_20, %get3A_25, %dot_general3A_26 {dimension_numbers = #tpu.dot_dimension_numbers<[1], [1], [0], [0], [0, 0, 1, 0], [], []>, transpose_lhs_hint = false} : vector<128x1024xf32>, vector<2048x1024xf32>, vector<128x2048xf32> -> vector<128x2048xf32>
    %swap3A = arith.constant 0 : index
    %swap3A_28 = arith.constant 0 : index
    %swap3A_29 = vector.load %arg6[%swap3A, %swap3A_28] : memref<128x2048xf32, #tpu.memory_space<vmem>>, vector<128x2048xf32>
    tpu.vector_store %arg6[%swap3A, %swap3A_28], %dot_general3A_27 {strides = array<i32>} : memref<128x2048xf32, #tpu.memory_space<vmem>>, vector<128x2048xf32>,
    return
  }
  func.func @transform_0(%arg0: i32, %arg1: memref<39xi32, #tpu.memory_space<smem>>) -> (i32, i32) {
    %c0_i32 = arith.constant 0 : i32
    %c0_i32_0 = arith.constant 0 : i32
    return %arg0, %c0_i32 : i32, i32
  }
  func.func @transform_1(%arg0: i32, %arg1: memref<39xi32, #tpu.memory_space<smem>>) -> (i32, i32, i32) {
    %get3A = arith.index_cast %arg0 : i32 to index
    %get3A_0 = memref.load %arg1[%get3A] : memref<39xi32, #tpu.memory_space<smem>>
    %c0_i32 = arith.constant 0 : i32
    %c0_i32_1 = arith.constant 0 : i32
    %c0_i32_2 = arith.constant 0 : i32
    return %get3A_0, %c0_i32, %c0_i32_1 : i32, i32, i32
  }
  func.func @transform_2(%arg0: i32, %arg1: memref<39xi32, #tpu.memory_space<smem>>) -> (i32, i32, i32) {
    %get3A = arith.index_cast %arg0 : i32 to index
    %get3A_0 = memref.load %arg1[%get3A] : memref<39xi32, #tpu.memory_space<smem>>
    %c0_i32 = arith.constant 0 : i32
    %c0_i32_1 = arith.constant 0 : i32
    %c0_i32_2 = arith.constant 0 : i32
    return %get3A_0, %c0_i32, %c0_i32_1 : i32, i32, i32
  }
  func.func @transform_3(%arg0: i32, %arg1: memref<39xi32, #tpu.memory_space<smem>>) -> (i32, i32, i32) {
    %get3A = arith.index_cast %arg0 : i32 to index
    %get3A_0 = memref.load %arg1[%get3A] : memref<39xi32, #tpu.memory_space<smem>>
    %c0_i32 = arith.constant 0 : i32
    %c0_i32_1 = arith.constant 0 : i32
    %c0_i32_2 = arith.constant 0 : i32
    return %get3A_0, %c0_i32, %c0_i32_1 : i32, i32, i32
  }
  func.func @transform_4(%arg0: i32, %arg1: memref<39xi32, #tpu.memory_space<smem>>) -> (i32, i32) {
    %c0_i32 = arith.constant 0 : i32
    %c0_i32_0 = arith.constant 0 : i32
    return %arg0, %c0_i32 : i32, i32
  }
}

module attributes {stable_mosaic.version = 14 : i64} {
  func.func @_combine_body(%arg0: i32, %arg1: memref<256x2048xf32, #tpu.memory_space<vmem>>, %arg2: memref<256x2048xf32, #tpu.memory_space<vmem>>, %arg3: memref<256x2xf32, #tpu.memory_space<vmem>>, %arg4: memref<256x2048xf32, #tpu.memory_space<vmem>>) attributes {dimension_semantics = [#tpu.dimension_semantics<arbitrary>], iteration_bounds = array<i64: 8>, scalar_prefetch = 0 : i64, scratch_operands = 0 : i64, tpu.core_type = #tpu.core_type<tc>, window_params = [{transform_indices = @transform_0, window_bounds = array<i64: 256, 2048>}, {transform_indices = @transform_1, window_bounds = array<i64: 256, 2048>}, {transform_indices = @transform_2, window_bounds = array<i64: 256, 2>}, {transform_indices = @transform_3, window_bounds = array<i64: 256, 2048>}]} {
    %get3A = arith.constant 0 : index
    %get3A_0 = arith.constant 0 : index
    %get3A_1 = vector.load %arg3[%get3A, %get3A_0] : memref<256x2xf32, #tpu.memory_space<vmem>>, vector<256x2xf32>
    %get3A_2 = arith.constant 0 : index
    %get3A_3 = arith.constant 0 : index
    %get3A_4 = vector.load %arg1[%get3A_2, %get3A_3] : memref<256x2048xf32, #tpu.memory_space<vmem>>, vector<256x2048xf32>
    %slice3A = vector.extract_strided_slice %get3A_1 {offsets = [0, 0], sizes = [256, 1], strides = [1, 1]} : vector<256x2xf32> to vector<256x1xf32>
    %mul3A = vector.broadcast %slice3A : vector<256x1xf32> to vector<256x2048xf32>
    %mul3A_5 = arith.mulf %get3A_4, %mul3A : vector<256x2048xf32>
    %get3A_6 = arith.constant 0 : index
    %get3A_7 = arith.constant 0 : index
    %get3A_8 = vector.load %arg2[%get3A_6, %get3A_7] : memref<256x2048xf32, #tpu.memory_space<vmem>>, vector<256x2048xf32>
    %slice3A_9 = vector.extract_strided_slice %get3A_1 {offsets = [0, 1], sizes = [256, 1], strides = [1, 1]} : vector<256x2xf32> to vector<256x1xf32>
    %mul3A_10 = vector.broadcast %slice3A_9 : vector<256x1xf32> to vector<256x2048xf32>
    %mul3A_11 = arith.mulf %get3A_8, %mul3A_10 : vector<256x2048xf32>
    %add3A = arith.addf %mul3A_5, %mul3A_11 : vector<256x2048xf32>
    %swap3A = arith.constant 0 : index
    %swap3A_12 = arith.constant 0 : index
    %swap3A_13 = vector.load %arg4[%swap3A, %swap3A_12] : memref<256x2048xf32, #tpu.memory_space<vmem>>, vector<256x2048xf32>
    tpu.vector_store %arg4[%swap3A, %swap3A_12], %add3A {strides = array<i32>} : memref<256x2048xf32, #tpu.memory_space<vmem>>, vector<256x2048xf32>,
    return
  }
  func.func @transform_0(%arg0: i32) -> (i32, i32) {
    %c0_i32 = arith.constant 0 : i32
    %c0_i32_0 = arith.constant 0 : i32
    return %arg0, %c0_i32 : i32, i32
  }
  func.func @transform_1(%arg0: i32) -> (i32, i32) {
    %add3A = arith.constant 8 : i32
    %add3A_0 = arith.addi %arg0, %add3A : i32
    %c0_i32 = arith.constant 0 : i32
    %c0_i32_1 = arith.constant 0 : i32
    return %add3A_0, %c0_i32 : i32, i32
  }
  func.func @transform_2(%arg0: i32) -> (i32, i32) {
    %c0_i32 = arith.constant 0 : i32
    %c0_i32_0 = arith.constant 0 : i32
    return %arg0, %c0_i32 : i32, i32
  }
  func.func @transform_3(%arg0: i32) -> (i32, i32) {
    %c0_i32 = arith.constant 0 : i32
    %c0_i32_0 = arith.constant 0 : i32
    return %arg0, %c0_i32 : i32, i32
  }
}

</mosaic_0001>

<sc_bundles>
// kernel: kernel.10.cloned.1.call-start
scs
__scs_entry_jumppad:
0x0: {  	(pc) =	sbr.rel $0x88, $3  }
0x1: {  	(tag) =	ssettag $0x0;
	lr =	simm.s32 $0x1  }
0x2: {  	[smem:$0x3F9C] =	sst lr;
	_ =	strace $0xD0000000  }
0x3: {  	_ = 	snop  }
0x4: {  	_ = 	snop  }
0x5: {  	_ = 	snop  }
0x6: {  	_ = 	snop  }
0x7: {  	_ = 	snop  }
__scs_overlays_trampoline_lowered:
0x8: {  	[smem:$0x3FAB] =	sst s0  }
0x9: {  	[smem:$0x3FAC] =	sst s1  }
0xa: {  	[smem:$0x3FAD] =	sst s2  }
0xb: {  	[smem:$0x3FAE] =	sst s3  }
0xc: {  	[smem:$0x3FAF] =	sst s4  }
0xd: {  	[smem:$0x3FB0] =	sst s5  }
0xe: {  	[smem:$0x3FB1] =	sst s6  }
0xf: {  	[smem:$0x3FB2] =	sst s7  }
0x10: {  	[smem:$0x3FB3] =	sst s8  }
0x11: {  	[smem:$0x3FB4] =	sst s9;
	s0 =	simm.s32 @!p0 $0x0  }
0x12: {  	s1 =	sld [smem:$0x3F9A];
	s0 =	simm.s32 @p0 $0x1  }
0x13: {  	[smem:$0x3FB5] =	sst s0;
	s0 =	simm.s32 @!p1 $0x0  }
0x14: {  	s2 =	sld [smem:$0x3F99];
	s0 =	simm.s32 @p1 $0x1  }
0x15: {  	[smem:$0x3FB6] =	sst s0;
	s0 =	simm.s32 @!p2 $0x0  }
0x16: {  	s3 =	sld [smem:$0x3FDB];
	s0 =	simm.s32 @p2 $0x1  }
0x17: {  	s4 =	simm.s32 $0x1BF5;
	[smem:$0x3FB8] =	sst s0  }
0x18: {  	s0 =	sld [smem:$0x3F9B];
	_ =	swait.ge [sflag:s4], $0x0  }
0x19: {  	s7 =	sld [smem:$0x3F9C]  }
0x1a: {  	s8 =	sadd.s32 $0xFFFFE003, lr  }
0x1b: {  	s9 =	sadd.s32 $0xFFFFFEF7, lr;
	s5 =	simm.s32 $0xFFFFFFFF;
	p2 =	slt.u32 s8, $0xFFFFF086  }
0x1c: {  	p1 =	slt.u32 s9, $0xF7A;
	s5 =	simm.s32 @!p2 $0x0  }
0x1d: {  	s5 =	simm.s32 @p1 $0x1;
	p0 =	seq.s32 s7, s2  }
0x1e: {  	s7 =	smul.u32 @!p0 $0xF7A, s2;
	p2 =	seq.s32 @!p0 s5, $0x0  }
0x1f: {  	s9 =	smul.u32 $0xF7A, s1;
	s8 =	simm.s32 @!p0 $0x1BF5;
	p2 =	por !p2, p0  }
0x20: {  	[sflag:s8] =	ssyncset.s32 @!p0 $0xFFFFF086;
	s6 =	sadd.s32 @!p0 s3, s7;
	s7 =	simm.s32 @!p0 $0x108  }
0x21: {  	s3 =	sadd.s32 s3, s9;
	s6 =	sadd.s32 @!p0 $0x88, s6;
	s7 =	simm.s32 @p2 $0x1082  }
0x22: {  	[simem:s7], [sflag:s8] =	dma.local @!p0 [hbm:s6], $0xF7A  }
0x23: {  	s9 =	sor.u32 $0xD0000000, s2;
	s6 =	simm.s32 $0x108;
	_ =	swait.ge @!p0 [sflag:s8], $0x0  }
0x24: {  	s3 =	sadd.s32 $0x88, s3;
	s6 =	simm.s32 @!p1 $0x1082;
	[sflag:s4] =	ssyncset.s32 $0xFFFFF086  }
0x25: {  	[simem:s6], [sflag:s4] =	dma.local [hbm:s3], $0xF7A  }
0x26: {  	[smem:$0x3F9C] =	sst s1;
	(tag) =	ssettag s2;
	_ =	strace s9  }
0x27: {  	s1 =	sld [smem:$0x3FAC]  }
0x28: {  	s2 =	sld [smem:$0x3FAD]  }
0x29: {  	s4 =	sld [smem:$0x3FAF]  }
0x2a: {  	p0 =	seq.s32 s5, $0x0;
	s5 =	sld [smem:$0x3FB0]  }
0x2b: {  	s6 =	sld [smem:$0x3FB1]  }
0x2c: {  	s7 =	sld [smem:$0x3FB2]  }
0x2d: {  	s3 =	simm.s32 $0x108;
	s8 =	sld [smem:$0x3FB3]  }
0x2e: {  	s3 =	simm.s32 @!p0 $0x1082;
	s9 =	sld [smem:$0x3FB4]  }
0x2f: {  	lr =	sadd.s32 s0, s3;
	s0 =	sld [smem:$0x3FAB]  }
0x30: {  	s3 =	sld [smem:$0x3FAE]  }
0x31: {  	[smem:$0x3FB7] =	sst s10  }
0x32: {  	s10 =	sld [smem:$0x3FB5];
	_ =	sdelay $0x3  }
0x33: {  	p0 =	seq.s32 s10, $0x1;
	s10 =	sld [smem:$0x3FB7];
	_ =	sdelay $0x3  }
0x34: {  	[smem:$0x3FB7] =	sst s10  }
0x35: {  	s10 =	sld [smem:$0x3FB6];
	_ =	sdelay $0x3  }
0x36: {  	p1 =	seq.s32 s10, $0x1;
	s10 =	sld [smem:$0x3FB7];
	_ =	sdelay $0x3  }
0x37: {  	[smem:$0x3FB7] =	sst s10  }
0x38: {  	s10 =	sld [smem:$0x3FB8]  }
0x39: {  	_ = 	snop;
	(pc) =	sbr.ind lr, $3  }
0x3a: {  	_ = 	snop  }
0x3b: {  	_ = 	snop  }
0x3c: {  	p2 =	seq.s32 s10, $0x1;
	s10 =	sld [smem:$0x3FB7]  }
0x3d: {  	_ =	shalt  }
0x3e: {  	_ =	shalt  }
0x3f: {  	_ =	shalt  }
0x40: {  	_ =	shalt  }
0x41: {  	_ =	shalt  }
0x42: {  	_ =	shalt  }
0x43: {  	_ =	shalt  }
0x44: {  	_ =	shalt  }
0x45: {  	_ =	shalt  }
0x46: {  	_ =	shalt  }
0x47: {  	_ =	shalt  }
0x48: {  	_ =	shalt  }
0x49: {  	_ =	shalt  }
0x4a: {  	_ =	shalt  }
0x4b: {  	_ =	shalt  }
0x4c: {  	_ =	shalt  }
0x4d: {  	_ =	shalt  }
0x4e: {  	_ =	shalt  }
0x4f: {  	_ =	shalt  }
0x50: {  	_ =	shalt  }
0x51: {  	_ =	shalt  }
0x52: {  	_ =	shalt  }
0x53: {  	_ =	shalt  }
0x54: {  	_ =	shalt  }
0x55: {  	_ =	shalt  }
0x56: {  	_ =	shalt  }
0x57: {  	_ =	shalt  }
0x58: {  	_ =	shalt  }
0x59: {  	_ =	shalt  }
0x5a: {  	_ =	shalt  }
0x5b: {  	_ =	shalt  }
0x5c: {  	_ =	shalt  }
0x5d: {  	_ =	shalt  }
0x5e: {  	_ =	shalt  }
0x5f: {  	_ =	shalt  }
0x60: {  	_ =	shalt  }
0x61: {  	_ =	shalt  }
0x62: {  	_ =	shalt  }
0x63: {  	_ =	shalt  }
0x64: {  	_ =	shalt  }
0x65: {  	_ =	shalt  }
0x66: {  	_ =	shalt  }
0x67: {  	_ =	shalt  }
0x68: {  	_ =	shalt  }
0x69: {  	_ =	shalt  }
0x6a: {  	_ =	shalt  }
0x6b: {  	_ =	shalt  }
0x6c: {  	_ =	shalt  }
0x6d: {  	_ =	shalt  }
0x6e: {  	_ =	shalt  }
0x6f: {  	_ =	shalt  }
0x70: {  	_ =	shalt  }
0x71: {  	_ =	shalt  }
0x72: {  	_ =	shalt  }
0x73: {  	_ =	shalt  }
0x74: {  	_ =	shalt  }
0x75: {  	_ =	shalt  }
0x76: {  	_ =	shalt  }
0x77: {  	_ =	shalt  }
0x78: {  	_ =	shalt  }
0x79: {  	_ =	shalt  }
0x7a: {  	_ =	shalt  }
0x7b: {  	_ =	shalt  }
0x7c: {  	_ =	shalt  }
0x7d: {  	_ =	shalt  }
0x7e: {  	_ =	shalt  }
0x7f: {  	_ =	shalt  }
0x80: {  	_ =	shalt  }
0x81: {  	_ =	shalt  }
0x82: {  	_ =	shalt  }
0x83: {  	_ =	shalt  }
0x84: {  	_ =	shalt  }
0x85: {  	_ =	shalt  }
0x86: {  	_ =	shalt  }
0x87: {  	_ =	shalt  }
.Lfunc_end0:
.L_simem_size_0:
called_computation.1_lowered:
.L_overlay_start_0:
0x88: {  	s2 =	sld [smem:$0x3FD9]  }
0x89: {  	s3 =	sld [smem:$0x3FFE];
	_ =	sdelay $0x1  }
0x8a: {  	s1 =	srdreg.scid  }
0x8b: {  	s0 =	sand.u32 $0x1, s1  }
0x8c: {  	s16 =	sshll.u32 s0, $0xA;
	s2 =	sadd.s32 s3, s2  }
0x8d: {  	s2 =	sadd.s32 s2, s16  }
0x8e: {  	[smem:$0x3FC3] =	sst s2  }
0x8f: {  	_ = 	snop  }
0x90: {  	(tm) =	ssettm $0x1  }
0x91: {  	s17 =	sld [smem:$0x3FFB];
	_ =	sdelay $0x3  }
0x92: {  	_ =	strace s17  }
0x93: {  	s2 =	sld [smem:$0x3FFC];
	_ =	sdelay $0x3  }
0x94: {  	_ =	strace s2  }
0x95: {  	s2 =	sld [smem:$0x3FFD];
	_ =	sdelay $0x3  }
0x96: {  	_ =	strace s2  }
0x97: {  	_ =	strace $0x8FFFFFFF  }
0x98: {  	s18 =	sld [smem:$0x3FDB];
	_ =	sdelay $0x1  }
0x99: {  	s19 =	simm.s32 $_scs_section_size  }
0x9a: {  	s4 =	simm.s32 $_size__tile_overlayer_lowered;
	s5 =	simm.s32 $_tile_overlayer_lowered  }
0x9b: {  	s22 =	simm.s32 $0x1BFF;
	s21 =	sshll.u32 s5, $0x1;
	s2 =	sadd.s32 s19, s18  }
0x9c: {  	s6 =	simm.s32 $0x0;
	s20 =	sshll.u32 s4, $0x1;
	s4 =	sadd.s32 s21, s2  }
0x9d: {  	[timem:s6], [sflag:s22] =	dma.local [hbm:s4], s20  }
0x9e: {  	_ =	swait.ge [sflag:s22], s20  }
0x9f: {  	s3 =	ssub.s32 $0x0, s20;
	[sflag:s22] =	ssyncset.done $0x0  }
0xa0: {  	[sflag:s22] =	ssyncadd.s32 s3;
	_ =	sdelay $0x1  }
0xa1: {  	s23 =	simm.s32 $0x1B8B  }
0xa2: {  	_ =	swait.ge [sflag:s23], $0x1  }
0xa3: {  	[sflag:s23] =	ssyncset.done $0x0  }
0xa4: {  	s25 =	simm.s32 $0x1B8E;
	s24 =	sld [smem:$0x3FFE];
	[sflag:s23] =	ssyncadd.s32 $0xFFFFFFFF  }
0xa5: {  	s26 =	simm.s32 $execute0_lowered;
	[smem:$0x3FD2] =	sst s25  }
0xa6: {  	s4 =	sshll.u32 s26, $0x1;
	_ =	strace $0x80000049;
	[dreg:$0x1] =	wrdreg $0xFFFFFFFF  }
0xa7: {  	s28 =	simm.s32 $_size_execute0_lowered;
	s2 =	sadd.s32 s2, s4;
	[dreg:$0x0] =	wrdreg $0x0  }
0xa8: {  	s4 =	sshll.u32 s28, $0x1;
	[dreg:$0x2] =	wrdreg s2  }
0xa9: {  	[dreg:$0x3] =	wrdreg s4  }
0xaa: {  	[dreg:$0x4] =	wrdreg $0xC0  }
0xab: {  	_ =	task [dreg:s6], $0x5FFFF  }
0xac: {  	[dreg:$0x1] =	wrdreg $0xFFFFFFFF  }
0xad: {  	[dreg:$0x0] =	wrdreg $0x60  }
0xae: {  	[dreg:$0x2] =	wrdreg s24  }
0xaf: {  	[dreg:$0x3] =	wrdreg $0x9  }
0xb0: {  	_ =	task.clear_ibuf [dreg:s6], $0x4FFFF;
	_ =	strace $0x90000049  }
0xb1: {  	s29 =	simm.s32 $0x9;
	_ =	strace $0x8000004B  }
0xb2: {  	_ =	swait.ge [sflag:s29], $0x1  }
0xb3: {  	[sflag:s29] =	ssyncadd.s32 $0xFFFFFFFF  }
0xb4: {  	_ =	strace $0x9000004B  }
0xb5: {  	_ =	sfence  }
0xb6: {  	s30 =	sld [smem:$0x0];
	_ =	sdelay $0x2  }
0xb7: {  	s31 =	sshll.u32 s1, $0xD;
	s1 =	sshrl.u32 s1, $0x2  }
0xb8: {  	s3 =	sand.u32 $0x4000, s31;
	s1 =	sadd.s32 s1, s30  }
0xb9: {  	s0 =	sor.u32 s3, s0;
	s1 =	sshll.u32 s1, $0x11  }
0xba: {  	s0 =	sor.u32 s1, s0  }
0xbb: {  	s0 =	sadd.s32 $0x8F2B, s0  }
0xbc: {  	[sflag:s0] =	ssyncadd.remote.s32 $0x1  }
0xbd: {  	_ =	sfence.sel $0xFFFF  }
0xbe: {  	[dreg:$0x0] =	wrdreg $0xFFFFFFFF;
	(pc) =	sbr.abs _section_cstart, $3  }
0xbf: {  	[dreg:$0x1] =	wrdreg $0xFFFFFFFF  }
0xc0: {  	_ =	task.clear_ibuf [dreg:s6], $0x2FFFF;
	_ =	strace $0x9FFFFFFF  }
0xc1: {  	(tm) =	ssettm $0x7FFFFFFF  }
tec
execute0_lowered:
.L_overlay_start_1:
0x0: {  	(tag) =	ssettag $0x1  }
0x1: {  	s0 =	srdreg.scid  }
0x2: {  	s1 =	stileid.u32;
	s0 =	sand.u32 $0x1, s0  }
0x3: {  	s1 =	sshll.u32 s1, $0x8;
	s2 =	sshll.u32 s0, $0x7  }
0x4: {  	s1 =	sor.u32 s2, s1  }
0x5: {  	s10 =	rddreg [dreg:$0x0];
	s3 =	sshrl.u32 s1, $0x3  }
0x6: {  	s2 =	simm.s32 $0x0;
	s1 =	sshll.u32 s1, $0x8;
	s3 =	sadd.s32 s3, s10  }
0x7: {  	[smem:$0x7FF] =	sst s2;
	s1 =	sadd.s32 s1, s10;
	s3 =	sadd.s32 $0x150000, s3  }
0x8: {  	_ =	strace $0x8000004A;
	s19 =	sadd.s32 $0x10000, s1;
	[dreg:$0x2] =	wrdreg s3  }
0x9: {  	s20 =	sadd.s32 $0x10800, s1;
	[dreg:$0x3] =	wrdreg s19  }
0xa: {  	s21 =	sadd.s32 $0x11000, s1;
	[dreg:$0x4] =	wrdreg s20  }
0xb: {  	s13 =	simm.s32 $0x80;
	s22 =	sadd.s32 $0x11800, s1;
	[dreg:$0x5] =	wrdreg s21  }
0xc: {  	s30 =	simm.s32 $0x1;
	s4 =	sadd.s32 $0x12000, s1;
	[dreg:$0x6] =	wrdreg s22  }
0xd: {  	s31 =	simm.s32 $0x8080;
	s23 =	sadd.s32 $0x12800, s1;
	[dreg:$0x7] =	wrdreg s4  }
0xe: {  	s28 =	simm.s32 $0x3;
	s24 =	sadd.s32 $0x13000, s1;
	[dreg:$0x8] =	wrdreg s23  }
0xf: {  	s0 =	ssub.s32 $0x2, s0;
	s25 =	sadd.s32 $0x13800, s1;
	[dreg:$0x9] =	wrdreg s24  }
0x10: {  	s5 =	sshrl.u32 s0, $0x1;
	s26 =	sadd.s32 $0x14000, s1;
	[dreg:$0xa] =	wrdreg s25  }
0x11: {  	s0 =	ssub.s32 s0, s5;
	s6 =	sadd.s32 $0x14800, s1;
	[dreg:$0xb] =	wrdreg s26  }
0x12: {  	s5 =	sadd.s32 $0x150400, s10;
	s7 =	sadd.s32 $0x15000, s1;
	[dreg:$0xc] =	wrdreg s6  }
0x13: {  	s8 =	sadd.s32 $0x15800, s1;
	s9 =	sadd.s32 $0x16000, s1;
	[dreg:$0xd] =	wrdreg s7  }
0x14: {  	s11 =	sadd.s32 $0x16800, s1;
	s29 =	sadd.s32 $0x17000, s1;
	[dreg:$0xe] =	wrdreg s8  }
0x15: {  	s1 =	sadd.s32 $0x17800, s1;
	s3 =	sadd.s32 $0x150200, s10;
	[dreg:$0xf] =	wrdreg s9  }
0x16: {  	s4 =	sadd.s32 $0x150300, s10;
	s6 =	sadd.s32 $0x150500, s10;
	[dreg:$0x10] =	wrdreg s11  }
0x17: {  	v0 =	vlaneseq.u32;
	s7 =	sadd.s32 $0x150600, s10;
	s8 =	sadd.s32 $0x150700, s10;
	[dreg:$0x11] =	wrdreg s29  }
0x18: {  	v1 =	vshrl.u32 v0, $0x3;
	s9 =	sadd.s32 $0x150800, s10;
	s10 =	sadd.s32 $0x150900, s10;
	[dreg:$0x12] =	wrdreg s1  }
0x19: {  	vm0 =	vmmov $0xffff;
	v0 =	vand.u32 $0x7, v0;
	v1 =	vmul.u32 $0x8, v1;
	s11 =	smax.u32 s0, $0x1;
	s25 =	simm.s32 $0x4080;
	s26 =	simm.s32 $0x2  }
.LBB2_1:
0x1a: {  	s29 =	rddreg [dreg:$0x2];
	s12 =	simm.s32 $0x4  }
0x1b: {  	[tilespmem:s2], [sflag:$0x4] =	stream.linear.gather [hbm4b:s29+s2], $0x80, $0x38;
	[tilespmem:$0xC080] =	vst v63  }
0x1c: {  	_ =	swait.ge [sflag:s12], $0x80  }
0x1d: {  	[sflag:s12] =	ssyncset.done $0x0  }
0x1e: {  	[sflag:s12] =	ssyncadd.s32 $0xFFFFFF80  }
0x1f: {  	v2 =	vld.msk [tilespmem:$0x0], $0xff;
	_ =	sdelay $0x4  }
0x20: {  	v3 =	vshll.u32 v2, $0x4  }
0x21: {  	v2 =	vand.u32 $0x7, v2;
	v3 =	vand.u32 $0xFFFFFF80, v3  }
0x22: {  	v2 =	vor.u32 v2, v3  }
0x23: {  	v2 =	vperm.xlane v2, v0;
	_ =	sdelay $0x1  }
0x24: {  	v2 =	vadd.s32 v1, v2;
	_ =	sdelay $0x4  }
0x25: {  	[tilespmem:s13], [sflag:$0x1] =	stream.indirect_vreg.gather [hbm4b:s3+s2], $0x80, v2, vm0, $0xb8;
	[tilespmem:$0xC080] =	vst v63  }
0x26: {  	s0 =	simm.s32 $0x880  }
0x27: {  	[tilespmem:s0], [sflag:$0x1] =	stream.indirect_vreg.gather [hbm4b:s4+s2], $0x80, v2, vm0, $0xb8;
	[tilespmem:$0xC080] =	vst v63  }
0x28: {  	s14 =	simm.s32 $0x1080  }
0x29: {  	[tilespmem:s14], [sflag:$0x1] =	stream.indirect_vreg.gather [hbm4b:s5+s2], $0x80, v2, vm0, $0xb8;
	[tilespmem:$0xC080] =	vst v63  }
0x2a: {  	s15 =	simm.s32 $0x1880  }
0x2b: {  	[tilespmem:s15], [sflag:$0x1] =	stream.indirect_vreg.gather [hbm4b:s6+s2], $0x80, v2, vm0, $0xb8;
	[tilespmem:$0xC080] =	vst v63  }
0x2c: {  	s16 =	simm.s32 $0x2080  }
0x2d: {  	[tilespmem:s16], [sflag:$0x1] =	stream.indirect_vreg.gather [hbm4b:s7+s2], $0x80, v2, vm0, $0xb8;
	[tilespmem:$0xC080] =	vst v63  }
0x2e: {  	s17 =	simm.s32 $0x2880  }
0x2f: {  	[tilespmem:s17], [sflag:$0x1] =	stream.indirect_vreg.gather [hbm4b:s8+s2], $0x80, v2, vm0, $0xb8;
	[tilespmem:$0xC080] =	vst v63  }
0x30: {  	s18 =	simm.s32 $0x3080  }
0x31: {  	[tilespmem:s18], [sflag:$0x1] =	stream.indirect_vreg.gather [hbm4b:s9+s2], $0x80, v2, vm0, $0xb8;
	[tilespmem:$0xC080] =	vst v63  }
0x32: {  	s19 =	simm.s32 $0x3880  }
0x33: {  	[tilespmem:s19], [sflag:$0x1] =	stream.indirect_vreg.gather [hbm4b:s10+s2], $0x80, v2, vm0, $0xb8;
	[tilespmem:$0xC080] =	vst v63  }
0x34: {  	v2 =	vld.msk [tilespmem:$0x8], $0xff;
	_ =	sdelay $0x4  }
0x35: {  	v3 =	vshll.u32 v2, $0x4  }
0x36: {  	v2 =	vand.u32 $0x7, v2;
	v3 =	vand.u32 $0xFFFFFF80, v3  }
0x37: {  	v2 =	vor.u32 v2, v3  }
0x38: {  	v2 =	vperm.xlane v2, v0;
	_ =	sdelay $0x1  }
0x39: {  	v2 =	vadd.s32 v1, v2;
	_ =	sdelay $0x4  }
0x3a: {  	[tilespmem:s25], [sflag:$0x2] =	stream.indirect_vreg.gather [hbm4b:s3+s2], $0x80, v2, vm0, $0xb8;
	[tilespmem:$0xC080] =	vst v63  }
0x3b: {  	s20 =	simm.s32 $0x4880  }
0x3c: {  	[tilespmem:s20], [sflag:$0x2] =	stream.indirect_vreg.gather [hbm4b:s4+s2], $0x80, v2, vm0, $0xb8;
	[tilespmem:$0xC080] =	vst v63  }
0x3d: {  	s22 =	simm.s32 $0x5080  }
0x3e: {  	[tilespmem:s22], [sflag:$0x2] =	stream.indirect_vreg.gather [hbm4b:s5+s2], $0x80, v2, vm0, $0xb8;
	[tilespmem:$0xC080] =	vst v63  }
0x3f: {  	s23 =	simm.s32 $0x5880  }
0x40: {  	[tilespmem:s23], [sflag:$0x2] =	stream.indirect_vreg.gather [hbm4b:s6+s2], $0x80, v2, vm0, $0xb8;
	[tilespmem:$0xC080] =	vst v63  }
0x41: {  	s24 =	simm.s32 $0x6080  }
0x42: {  	[tilespmem:s24], [sflag:$0x2] =	stream.indirect_vreg.gather [hbm4b:s7+s2], $0x80, v2, vm0, $0xb8;
	[tilespmem:$0xC080] =	vst v63  }
0x43: {  	s29 =	simm.s32 $0x6880  }
0x44: {  	[tilespmem:s29], [sflag:$0x2] =	stream.indirect_vreg.gather [hbm4b:s8+s2], $0x80, v2, vm0, $0xb8;
	[tilespmem:$0xC080] =	vst v63  }
0x45: {  	s19 =	simm.s32 $0x7080  }
0x46: {  	[tilespmem:s19], [sflag:$0x2] =	stream.indirect_vreg.gather [hbm4b:s9+s2], $0x80, v2, vm0, $0xb8;
	[tilespmem:$0xC080] =	vst v63  }
0x47: {  	s22 =	simm.s32 $0x7880  }
0x48: {  	[tilespmem:s22], [sflag:$0x2] =	stream.indirect_vreg.gather [hbm4b:s10+s2], $0x80, v2, vm0, $0xb8;
	[tilespmem:$0xC080] =	vst v63  }
0x49: {  	_ =	swait.ge [sflag:s30], $0x4000  }
0x4a: {  	[sflag:s30] =	ssyncset.done $0x0  }
0x4b: {  	s23 =	rddreg [dreg:$0x3];
	[sflag:s30] =	ssyncadd.s32 $0xFFFFC000  }
0x4c: {  	[hbm4b:s23+s2] =	stream.linear.scatter [tilespmem:s13], [sflag:$0x1], $0x4000, $0x38;
	[tilespmem:$0xC080] =	vst v63  }
0x4d: {  	v2 =	vld.msk [tilespmem:$0x10], $0xff;
	_ =	sdelay $0x4  }
0x4e: {  	v3 =	vshll.u32 v2, $0x4  }
0x4f: {  	v2 =	vand.u32 $0x7, v2;
	v3 =	vand.u32 $0xFFFFFF80, v3  }
0x50: {  	v2 =	vor.u32 v2, v3  }
0x51: {  	v2 =	vperm.xlane v2, v0;
	_ =	sdelay $0x1  }
0x52: {  	v2 =	vadd.s32 v1, v2;
	_ =	sdelay $0x4  }
0x53: {  	[tilespmem:s31], [sflag:$0x3] =	stream.indirect_vreg.gather [hbm4b:s3+s2], $0x80, v2, vm0, $0xb8;
	[tilespmem:$0xC080] =	vst v63  }
0x54: {  	s24 =	simm.s32 $0x8880  }
0x55: {  	[tilespmem:s24], [sflag:$0x3] =	stream.indirect_vreg.gather [hbm4b:s4+s2], $0x80, v2, vm0, $0xb8;
	[tilespmem:$0xC080] =	vst v63  }
0x56: {  	s29 =	simm.s32 $0x9080  }
0x57: {  	[tilespmem:s29], [sflag:$0x3] =	stream.indirect_vreg.gather [hbm4b:s5+s2], $0x80, v2, vm0, $0xb8;
	[tilespmem:$0xC080] =	vst v63  }
0x58: {  	s19 =	simm.s32 $0x9880  }
0x59: {  	[tilespmem:s19], [sflag:$0x3] =	stream.indirect_vreg.gather [hbm4b:s6+s2], $0x80, v2, vm0, $0xb8;
	[tilespmem:$0xC080] =	vst v63  }
0x5a: {  	s22 =	simm.s32 $0xA080  }
0x5b: {  	[tilespmem:s22], [sflag:$0x3] =	stream.indirect_vreg.gather [hbm4b:s7+s2], $0x80, v2, vm0, $0xb8;
	[tilespmem:$0xC080] =	vst v63  }
0x5c: {  	s23 =	simm.s32 $0xA880  }
0x5d: {  	[tilespmem:s23], [sflag:$0x3] =	stream.indirect_vreg.gather [hbm4b:s8+s2], $0x80, v2, vm0, $0xb8;
	[tilespmem:$0xC080] =	vst v63  }
0x5e: {  	s24 =	simm.s32 $0xB080  }
0x5f: {  	[tilespmem:s24], [sflag:$0x3] =	stream.indirect_vreg.gather [hbm4b:s9+s2], $0x80, v2, vm0, $0xb8;
	[tilespmem:$0xC080] =	vst v63  }
0x60: {  	s29 =	simm.s32 $0xB880  }
0x61: {  	[tilespmem:s29], [sflag:$0x3] =	stream.indirect_vreg.gather [hbm4b:s10+s2], $0x80, v2, vm0, $0xb8;
	[tilespmem:$0xC080] =	vst v63  }
0x62: {  	_ =	swait.ge [sflag:s26], $0x4000  }
0x63: {  	[sflag:s26] =	ssyncset.done $0x0  }
0x64: {  	s0 =	rddreg [dreg:$0x4];
	[sflag:s26] =	ssyncadd.s32 $0xFFFFC000  }
0x65: {  	[hbm4b:s0+s2] =	stream.linear.scatter [tilespmem:s25], [sflag:$0x2], $0x4000, $0x38;
	[tilespmem:$0xC080] =	vst v63  }
0x66: {  	_ =	swait.ge [sflag:s30], $0x4000  }
0x67: {  	[sflag:s30] =	ssyncset.done $0x0  }
0x68: {  	[sflag:s30] =	ssyncadd.s32 $0xFFFFC000  }
0x69: {  	v2 =	vld.msk [tilespmem:$0x18], $0xff;
	_ =	sdelay $0x4  }
0x6a: {  	v3 =	vshll.u32 v2, $0x4  }
0x6b: {  	v2 =	vand.u32 $0x7, v2;
	v3 =	vand.u32 $0xFFFFFF80, v3  }
0x6c: {  	v2 =	vor.u32 v2, v3  }
0x6d: {  	v2 =	vperm.xlane v2, v0;
	_ =	sdelay $0x1  }
0x6e: {  	v2 =	vadd.s32 v1, v2;
	_ =	sdelay $0x4  }
0x6f: {  	[tilespmem:s13], [sflag:$0x1] =	stream.indirect_vreg.gather [hbm4b:s3+s2], $0x80, v2, vm0, $0xb8;
	[tilespmem:$0xC080] =	vst v63  }
0x70: {  	s0 =	simm.s32 $0x880  }
0x71: {  	[tilespmem:s0], [sflag:$0x1] =	stream.indirect_vreg.gather [hbm4b:s4+s2], $0x80, v2, vm0, $0xb8;
	[tilespmem:$0xC080] =	vst v63  }
0x72: {  	s1 =	simm.s32 $0x1080  }
0x73: {  	[tilespmem:s1], [sflag:$0x1] =	stream.indirect_vreg.gather [hbm4b:s5+s2], $0x80, v2, vm0, $0xb8;
	[tilespmem:$0xC080] =	vst v63  }
0x74: {  	s12 =	simm.s32 $0x1880  }
0x75: {  	[tilespmem:s12], [sflag:$0x1] =	stream.indirect_vreg.gather [hbm4b:s6+s2], $0x80, v2, vm0, $0xb8;
	[tilespmem:$0xC080] =	vst v63  }
0x76: {  	s14 =	simm.s32 $0x2080  }
0x77: {  	[tilespmem:s14], [sflag:$0x1] =	stream.indirect_vreg.gather [hbm4b:s7+s2], $0x80, v2, vm0, $0xb8;
	[tilespmem:$0xC080] =	vst v63  }
0x78: {  	s15 =	simm.s32 $0x2880  }
0x79: {  	[tilespmem:s15], [sflag:$0x1] =	stream.indirect_vreg.gather [hbm4b:s8+s2], $0x80, v2, vm0, $0xb8;
	[tilespmem:$0xC080] =	vst v63  }
0x7a: {  	s16 =	simm.s32 $0x3080  }
0x7b: {  	[tilespmem:s16], [sflag:$0x1] =	stream.indirect_vreg.gather [hbm4b:s9+s2], $0x80, v2, vm0, $0xb8;
	[tilespmem:$0xC080] =	vst v63  }
0x7c: {  	s21 =	simm.s32 $0x3880  }
0x7d: {  	[tilespmem:s21], [sflag:$0x1] =	stream.indirect_vreg.gather [hbm4b:s10+s2], $0x80, v2, vm0, $0xb8;
	[tilespmem:$0xC080] =	vst v63  }
0x7e: {  	_ =	swait.ge [sflag:s28], $0x4000  }
0x7f: {  	[sflag:s28] =	ssyncset.done $0x0  }
0x80: {  	s19 =	rddreg [dreg:$0x5];
	[sflag:s28] =	ssyncadd.s32 $0xFFFFC000  }
0x81: {  	[hbm4b:s19+s2] =	stream.linear.scatter [tilespmem:s31], [sflag:$0x3], $0x4000, $0x38;
	[tilespmem:$0xC080] =	vst v63  }
0x82: {  	_ =	swait.ge [sflag:s26], $0x4000  }
0x83: {  	[sflag:s26] =	ssyncset.done $0x0  }
0x84: {  	[sflag:s26] =	ssyncadd.s32 $0xFFFFC000  }
0x85: {  	v2 =	vld.msk [tilespmem:$0x20], $0xff;
	_ =	sdelay $0x4  }
0x86: {  	v3 =	vshll.u32 v2, $0x4  }
0x87: {  	v2 =	vand.u32 $0x7, v2;
	v3 =	vand.u32 $0xFFFFFF80, v3  }
0x88: {  	v2 =	vor.u32 v2, v3  }
0x89: {  	v2 =	vperm.xlane v2, v0;
	_ =	sdelay $0x1  }
0x8a: {  	v2 =	vadd.s32 v1, v2;
	_ =	sdelay $0x4  }
0x8b: {  	[tilespmem:s25], [sflag:$0x2] =	stream.indirect_vreg.gather [hbm4b:s3+s2], $0x80, v2, vm0, $0xb8;
	[tilespmem:$0xC080] =	vst v63  }
0x8c: {  	s17 =	simm.s32 $0x4880  }
0x8d: {  	[tilespmem:s17], [sflag:$0x2] =	stream.indirect_vreg.gather [hbm4b:s4+s2], $0x80, v2, vm0, $0xb8;
	[tilespmem:$0xC080] =	vst v63  }
0x8e: {  	s18 =	simm.s32 $0x5080  }
0x8f: {  	[tilespmem:s18], [sflag:$0x2] =	stream.indirect_vreg.gather [hbm4b:s5+s2], $0x80, v2, vm0, $0xb8;
	[tilespmem:$0xC080] =	vst v63  }
0x90: {  	s20 =	simm.s32 $0x5880  }
0x91: {  	[tilespmem:s20], [sflag:$0x2] =	stream.indirect_vreg.gather [hbm4b:s6+s2], $0x80, v2, vm0, $0xb8;
	[tilespmem:$0xC080] =	vst v63  }
0x92: {  	s19 =	simm.s32 $0x6080  }
0x93: {  	[tilespmem:s19], [sflag:$0x2] =	stream.indirect_vreg.gather [hbm4b:s7+s2], $0x80, v2, vm0, $0xb8;
	[tilespmem:$0xC080] =	vst v63  }
0x94: {  	s22 =	simm.s32 $0x6880  }
0x95: {  	[tilespmem:s22], [sflag:$0x2] =	stream.indirect_vreg.gather [hbm4b:s8+s2], $0x80, v2, vm0, $0xb8;
	[tilespmem:$0xC080] =	vst v63  }
0x96: {  	s23 =	simm.s32 $0x7080  }
0x97: {  	[tilespmem:s23], [sflag:$0x2] =	stream.indirect_vreg.gather [hbm4b:s9+s2], $0x80, v2, vm0, $0xb8;
	[tilespmem:$0xC080] =	vst v63  }
0x98: {  	s24 =	simm.s32 $0x7880  }
0x99: {  	[tilespmem:s24], [sflag:$0x2] =	stream.indirect_vreg.gather [hbm4b:s10+s2], $0x80, v2, vm0, $0xb8;
	[tilespmem:$0xC080] =	vst v63  }
0x9a: {  	_ =	swait.ge [sflag:s30], $0x4000  }
0x9b: {  	[sflag:s30] =	ssyncset.done $0x0  }
0x9c: {  	s21 =	rddreg [dreg:$0x6];
	[sflag:s30] =	ssyncadd.s32 $0xFFFFC000  }
0x9d: {  	[hbm4b:s21+s2] =	stream.linear.scatter [tilespmem:s13], [sflag:$0x1], $0x4000, $0x38;
	[tilespmem:$0xC080] =	vst v63  }
0x9e: {  	_ =	swait.ge [sflag:s28], $0x4000  }
0x9f: {  	[sflag:s28] =	ssyncset.done $0x0  }
0xa0: {  	[sflag:s28] =	ssyncadd.s32 $0xFFFFC000  }
0xa1: {  	v2 =	vld.msk [tilespmem:$0x28], $0xff;
	_ =	sdelay $0x4  }
0xa2: {  	v3 =	vshll.u32 v2, $0x4  }
0xa3: {  	v2 =	vand.u32 $0x7, v2;
	v3 =	vand.u32 $0xFFFFFF80, v3  }
0xa4: {  	v2 =	vor.u32 v2, v3  }
0xa5: {  	v2 =	vperm.xlane v2, v0;
	_ =	sdelay $0x1  }
0xa6: {  	v2 =	vadd.s32 v1, v2;
	_ =	sdelay $0x4  }
0xa7: {  	[tilespmem:s31], [sflag:$0x3] =	stream.indirect_vreg.gather [hbm4b:s3+s2], $0x80, v2, vm0, $0xb8;
	[tilespmem:$0xC080] =	vst v63  }
0xa8: {  	s21 =	simm.s32 $0x8880  }
0xa9: {  	[tilespmem:s21], [sflag:$0x3] =	stream.indirect_vreg.gather [hbm4b:s4+s2], $0x80, v2, vm0, $0xb8;
	[tilespmem:$0xC080] =	vst v63  }
0xaa: {  	s1 =	simm.s32 $0x9080  }
0xab: {  	[tilespmem:s1], [sflag:$0x3] =	stream.indirect_vreg.gather [hbm4b:s5+s2], $0x80, v2, vm0, $0xb8;
	[tilespmem:$0xC080] =	vst v63  }
0xac: {  	s12 =	simm.s32 $0x9880  }
0xad: {  	[tilespmem:s12], [sflag:$0x3] =	stream.indirect_vreg.gather [hbm4b:s6+s2], $0x80, v2, vm0, $0xb8;
	[tilespmem:$0xC080] =	vst v63  }
0xae: {  	s20 =	simm.s32 $0xA080  }
0xaf: {  	[tilespmem:s20], [sflag:$0x3] =	stream.indirect_vreg.gather [hbm4b:s7+s2], $0x80, v2, vm0, $0xb8;
	[tilespmem:$0xC080] =	vst v63  }
0xb0: {  	s17 =	simm.s32 $0xA880  }
0xb1: {  	[tilespmem:s17], [sflag:$0x3] =	stream.indirect_vreg.gather [hbm4b:s8+s2], $0x80, v2, vm0, $0xb8;
	[tilespmem:$0xC080] =	vst v63  }
0xb2: {  	s18 =	simm.s32 $0xB080  }
0xb3: {  	[tilespmem:s18], [sflag:$0x3] =	stream.indirect_vreg.gather [hbm4b:s9+s2], $0x80, v2, vm0, $0xb8;
	[tilespmem:$0xC080] =	vst v63  }
0xb4: {  	s29 =	simm.s32 $0xB880  }
0xb5: {  	[tilespmem:s29], [sflag:$0x3] =	stream.indirect_vreg.gather [hbm4b:s10+s2], $0x80, v2, vm0, $0xb8;
	[tilespmem:$0xC080] =	vst v63  }
0xb6: {  	_ =	swait.ge [sflag:s26], $0x4000  }
0xb7: {  	[sflag:s26] =	ssyncset.done $0x0  }
0xb8: {  	s29 =	rddreg [dreg:$0x7];
	[sflag:s26] =	ssyncadd.s32 $0xFFFFC000  }
0xb9: {  	[hbm4b:s29+s2] =	stream.linear.scatter [tilespmem:s25], [sflag:$0x2], $0x4000, $0x38;
	[tilespmem:$0xC080] =	vst v63  }
0xba: {  	_ =	swait.ge [sflag:s30], $0x4000  }
0xbb: {  	[sflag:s30] =	ssyncset.done $0x0  }
0xbc: {  	[sflag:s30] =	ssyncadd.s32 $0xFFFFC000  }
0xbd: {  	v2 =	vld.msk [tilespmem:$0x30], $0xff;
	_ =	sdelay $0x4  }
0xbe: {  	v3 =	vshll.u32 v2, $0x4  }
0xbf: {  	v2 =	vand.u32 $0x7, v2;
	v3 =	vand.u32 $0xFFFFFF80, v3  }
0xc0: {  	v2 =	vor.u32 v2, v3  }
0xc1: {  	v2 =	vperm.xlane v2, v0;
	_ =	sdelay $0x1  }
0xc2: {  	v2 =	vadd.s32 v1, v2;
	_ =	sdelay $0x4  }
0xc3: {  	[tilespmem:s13], [sflag:$0x1] =	stream.indirect_vreg.gather [hbm4b:s3+s2], $0x80, v2, vm0, $0xb8;
	[tilespmem:$0xC080] =	vst v63  }
0xc4: {  	_ = 	snop  }
0xc5: {  	[tilespmem:s0], [sflag:$0x1] =	stream.indirect_vreg.gather [hbm4b:s4+s2], $0x80, v2, vm0, $0xb8;
	[tilespmem:$0xC080] =	vst v63  }
0xc6: {  	s29 =	simm.s32 $0x1080  }
0xc7: {  	[tilespmem:s29], [sflag:$0x1] =	stream.indirect_vreg.gather [hbm4b:s5+s2], $0x80, v2, vm0, $0xb8;
	[tilespmem:$0xC080] =	vst v63  }
0xc8: {  	s29 =	simm.s32 $0x1880  }
0xc9: {  	[tilespmem:s29], [sflag:$0x1] =	stream.indirect_vreg.gather [hbm4b:s6+s2], $0x80, v2, vm0, $0xb8;
	[tilespmem:$0xC080] =	vst v63  }
0xca: {  	s14 =	simm.s32 $0x2080  }
0xcb: {  	[tilespmem:s14], [sflag:$0x1] =	stream.indirect_vreg.gather [hbm4b:s7+s2], $0x80, v2, vm0, $0xb8;
	[tilespmem:$0xC080] =	vst v63  }
0xcc: {  	s15 =	simm.s32 $0x2880  }
0xcd: {  	[tilespmem:s15], [sflag:$0x1] =	stream.indirect_vreg.gather [hbm4b:s8+s2], $0x80, v2, vm0, $0xb8;
	[tilespmem:$0xC080] =	vst v63  }
0xce: {  	s16 =	simm.s32 $0x3080  }
0xcf: {  	[tilespmem:s16], [sflag:$0x1] =	stream.indirect_vreg.gather [hbm4b:s9+s2], $0x80, v2, vm0, $0xb8;
	[tilespmem:$0xC080] =	vst v63  }
0xd0: {  	s29 =	simm.s32 $0x3880  }
0xd1: {  	[tilespmem:s29], [sflag:$0x1] =	stream.indirect_vreg.gather [hbm4b:s10+s2], $0x80, v2, vm0, $0xb8;
	[tilespmem:$0xC080] =	vst v63  }
0xd2: {  	_ =	swait.ge [sflag:s28], $0x4000  }
0xd3: {  	[sflag:s28] =	ssyncset.done $0x0  }
0xd4: {  	s29 =	rddreg [dreg:$0x8];
	[sflag:s28] =	ssyncadd.s32 $0xFFFFC000  }
0xd5: {  	[hbm4b:s29+s2] =	stream.linear.scatter [tilespmem:s31], [sflag:$0x3], $0x4000, $0x38;
	[tilespmem:$0xC080] =	vst v63  }
0xd6: {  	_ =	swait.ge [sflag:s26], $0x4000  }
0xd7: {  	[sflag:s26] =	ssyncset.done $0x0  }
0xd8: {  	[sflag:s26] =	ssyncadd.s32 $0xFFFFC000  }
0xd9: {  	v2 =	vld.msk [tilespmem:$0x38], $0xff;
	_ =	sdelay $0x4  }
0xda: {  	v3 =	vshll.u32 v2, $0x4  }
0xdb: {  	v2 =	vand.u32 $0x7, v2;
	v3 =	vand.u32 $0xFFFFFF80, v3  }
0xdc: {  	v2 =	vor.u32 v2, v3  }
0xdd: {  	v2 =	vperm.xlane v2, v0;
	_ =	sdelay $0x1  }
0xde: {  	v2 =	vadd.s32 v1, v2;
	_ =	sdelay $0x4  }
0xdf: {  	[tilespmem:s25], [sflag:$0x2] =	stream.indirect_vreg.gather [hbm4b:s3+s2], $0x80, v2, vm0, $0xb8;
	[tilespmem:$0xC080] =	vst v63  }
0xe0: {  	s29 =	simm.s32 $0x4880  }
0xe1: {  	[tilespmem:s29], [sflag:$0x2] =	stream.indirect_vreg.gather [hbm4b:s4+s2], $0x80, v2, vm0, $0xb8;
	[tilespmem:$0xC080] =	vst v63  }
0xe2: {  	s29 =	simm.s32 $0x5080  }
0xe3: {  	[tilespmem:s29], [sflag:$0x2] =	stream.indirect_vreg.gather [hbm4b:s5+s2], $0x80, v2, vm0, $0xb8;
	[tilespmem:$0xC080] =	vst v63  }
0xe4: {  	s29 =	simm.s32 $0x5880  }
0xe5: {  	[tilespmem:s29], [sflag:$0x2] =	stream.indirect_vreg.gather [hbm4b:s6+s2], $0x80, v2, vm0, $0xb8;
	[tilespmem:$0xC080] =	vst v63  }
0xe6: {  	_ = 	snop  }
0xe7: {  	[tilespmem:s19], [sflag:$0x2] =	stream.indirect_vreg.gather [hbm4b:s7+s2], $0x80, v2, vm0, $0xb8;
	[tilespmem:$0xC080] =	vst v63  }
0xe8: {  	_ = 	snop  }
0xe9: {  	[tilespmem:s22], [sflag:$0x2] =	stream.indirect_vreg.gather [hbm4b:s8+s2], $0x80, v2, vm0, $0xb8;
	[tilespmem:$0xC080] =	vst v63  }
0xea: {  	_ = 	snop  }
0xeb: {  	[tilespmem:s23], [sflag:$0x2] =	stream.indirect_vreg.gather [hbm4b:s9+s2], $0x80, v2, vm0, $0xb8;
	[tilespmem:$0xC080] =	vst v63  }
0xec: {  	_ = 	snop  }
0xed: {  	[tilespmem:s24], [sflag:$0x2] =	stream.indirect_vreg.gather [hbm4b:s10+s2], $0x80, v2, vm0, $0xb8;
	[tilespmem:$0xC080] =	vst v63  }
0xee: {  	_ =	swait.ge [sflag:s30], $0x4000  }
0xef: {  	[sflag:s30] =	ssyncset.done $0x0  }
0xf0: {  	s29 =	rddreg [dreg:$0x9];
	[sflag:s30] =	ssyncadd.s32 $0xFFFFC000  }
0xf1: {  	[hbm4b:s29+s2] =	stream.linear.scatter [tilespmem:s13], [sflag:$0x1], $0x4000, $0x38;
	[tilespmem:$0xC080] =	vst v63  }
0xf2: {  	_ =	swait.ge [sflag:s28], $0x4000  }
0xf3: {  	[sflag:s28] =	ssyncset.done $0x0  }
0xf4: {  	[sflag:s28] =	ssyncadd.s32 $0xFFFFC000  }
0xf5: {  	v2 =	vld.msk [tilespmem:$0x40], $0xff;
	_ =	sdelay $0x4  }
0xf6: {  	v3 =	vshll.u32 v2, $0x4  }
0xf7: {  	v2 =	vand.u32 $0x7, v2;
	v3 =	vand.u32 $0xFFFFFF80, v3  }
0xf8: {  	v2 =	vor.u32 v2, v3  }
0xf9: {  	v2 =	vperm.xlane v2, v0;
	_ =	sdelay $0x1  }
0xfa: {  	v2 =	vadd.s32 v1, v2;
	_ =	sdelay $0x4  }
0xfb: {  	[tilespmem:s31], [sflag:$0x3] =	stream.indirect_vreg.gather [hbm4b:s3+s2], $0x80, v2, vm0, $0xb8;
	[tilespmem:$0xC080] =	vst v63  }
0xfc: {  	_ = 	snop  }
0xfd: {  	[tilespmem:s21], [sflag:$0x3] =	stream.indirect_vreg.gather [hbm4b:s4+s2], $0x80, v2, vm0, $0xb8;
	[tilespmem:$0xC080] =	vst v63  }
0xfe: {  	_ = 	snop  }
0xff: {  	[tilespmem:s1], [sflag:$0x3] =	stream.indirect_vreg.gather [hbm4b:s5+s2], $0x80, v2, vm0, $0xb8;
	[tilespmem:$0xC080] =	vst v63  }
0x100: {  	_ = 	snop  }
0x101: {  	[tilespmem:s12], [sflag:$0x3] =	stream.indirect_vreg.gather [hbm4b:s6+s2], $0x80, v2, vm0, $0xb8;
	[tilespmem:$0xC080] =	vst v63  }
0x102: {  	_ = 	snop  }
0x103: {  	[tilespmem:s20], [sflag:$0x3] =	stream.indirect_vreg.gather [hbm4b:s7+s2], $0x80, v2, vm0, $0xb8;
	[tilespmem:$0xC080] =	vst v63  }
0x104: {  	_ = 	snop  }
0x105: {  	[tilespmem:s17], [sflag:$0x3] =	stream.indirect_vreg.gather [hbm4b:s8+s2], $0x80, v2, vm0, $0xb8;
	[tilespmem:$0xC080] =	vst v63  }
0x106: {  	_ = 	snop  }
0x107: {  	[tilespmem:s18], [sflag:$0x3] =	stream.indirect_vreg.gather [hbm4b:s9+s2], $0x80, v2, vm0, $0xb8;
	[tilespmem:$0xC080] =	vst v63  }
0x108: {  	s29 =	simm.s32 $0xB880  }
0x109: {  	[tilespmem:s29], [sflag:$0x3] =	stream.indirect_vreg.gather [hbm4b:s10+s2], $0x80, v2, vm0, $0xb8;
	[tilespmem:$0xC080] =	vst v63  }
0x10a: {  	_ =	swait.ge [sflag:s26], $0x4000  }
0x10b: {  	[sflag:s26] =	ssyncset.done $0x0  }
0x10c: {  	s29 =	rddreg [dreg:$0xa];
	[sflag:s26] =	ssyncadd.s32 $0xFFFFC000  }
0x10d: {  	[hbm4b:s29+s2] =	stream.linear.scatter [tilespmem:s25], [sflag:$0x2], $0x4000, $0x38;
	[tilespmem:$0xC080] =	vst v63  }
0x10e: {  	_ =	swait.ge [sflag:s30], $0x4000  }
0x10f: {  	[sflag:s30] =	ssyncset.done $0x0  }
0x110: {  	[sflag:s30] =	ssyncadd.s32 $0xFFFFC000  }
0x111: {  	v2 =	vld.msk [tilespmem:$0x48], $0xff;
	_ =	sdelay $0x4  }
0x112: {  	v3 =	vshll.u32 v2, $0x4  }
0x113: {  	v2 =	vand.u32 $0x7, v2;
	v3 =	vand.u32 $0xFFFFFF80, v3  }
0x114: {  	v2 =	vor.u32 v2, v3  }
0x115: {  	v2 =	vperm.xlane v2, v0;
	_ =	sdelay $0x1  }
0x116: {  	v2 =	vadd.s32 v1, v2;
	_ =	sdelay $0x4  }
0x117: {  	[tilespmem:s13], [sflag:$0x1] =	stream.indirect_vreg.gather [hbm4b:s3+s2], $0x80, v2, vm0, $0xb8;
	[tilespmem:$0xC080] =	vst v63  }
0x118: {  	s0 =	simm.s32 $0x880  }
0x119: {  	[tilespmem:s0], [sflag:$0x1] =	stream.indirect_vreg.gather [hbm4b:s4+s2], $0x80, v2, vm0, $0xb8;
	[tilespmem:$0xC080] =	vst v63  }
0x11a: {  	s29 =	simm.s32 $0x1080  }
0x11b: {  	[tilespmem:s29], [sflag:$0x1] =	stream.indirect_vreg.gather [hbm4b:s5+s2], $0x80, v2, vm0, $0xb8;
	[tilespmem:$0xC080] =	vst v63  }
0x11c: {  	s29 =	simm.s32 $0x1880  }
0x11d: {  	[tilespmem:s29], [sflag:$0x1] =	stream.indirect_vreg.gather [hbm4b:s6+s2], $0x80, v2, vm0, $0xb8;
	[tilespmem:$0xC080] =	vst v63  }
0x11e: {  	s14 =	simm.s32 $0x2080  }
0x11f: {  	[tilespmem:s14], [sflag:$0x1] =	stream.indirect_vreg.gather [hbm4b:s7+s2], $0x80, v2, vm0, $0xb8;
	[tilespmem:$0xC080] =	vst v63  }
0x120: {  	s15 =	simm.s32 $0x2880  }
0x121: {  	[tilespmem:s15], [sflag:$0x1] =	stream.indirect_vreg.gather [hbm4b:s8+s2], $0x80, v2, vm0, $0xb8;
	[tilespmem:$0xC080] =	vst v63  }
0x122: {  	s16 =	simm.s32 $0x3080  }
0x123: {  	[tilespmem:s16], [sflag:$0x1] =	stream.indirect_vreg.gather [hbm4b:s9+s2], $0x80, v2, vm0, $0xb8;
	[tilespmem:$0xC080] =	vst v63  }
0x124: {  	s14 =	simm.s32 $0x3880  }
0x125: {  	[tilespmem:s14], [sflag:$0x1] =	stream.indirect_vreg.gather [hbm4b:s10+s2], $0x80, v2, vm0, $0xb8;
	[tilespmem:$0xC080] =	vst v63  }
0x126: {  	_ =	swait.ge [sflag:s28], $0x4000  }
0x127: {  	[sflag:s28] =	ssyncset.done $0x0  }
0x128: {  	s15 =	rddreg [dreg:$0xb];
	[sflag:s28] =	ssyncadd.s32 $0xFFFFC000  }
0x129: {  	[hbm4b:s15+s2] =	stream.linear.scatter [tilespmem:s31], [sflag:$0x3], $0x4000, $0x38;
	[tilespmem:$0xC080] =	vst v63  }
0x12a: {  	_ =	swait.ge [sflag:s26], $0x4000  }
0x12b: {  	[sflag:s26] =	ssyncset.done $0x0  }
0x12c: {  	[sflag:s26] =	ssyncadd.s32 $0xFFFFC000  }
0x12d: {  	v2 =	vld.msk [tilespmem:$0x50], $0xff;
	_ =	sdelay $0x4  }
0x12e: {  	v3 =	vshll.u32 v2, $0x4  }
0x12f: {  	v2 =	vand.u32 $0x7, v2;
	v3 =	vand.u32 $0xFFFFFF80, v3  }
0x130: {  	v2 =	vor.u32 v2, v3  }
0x131: {  	v2 =	vperm.xlane v2, v0;
	_ =	sdelay $0x1  }
0x132: {  	v2 =	vadd.s32 v1, v2;
	_ =	sdelay $0x4  }
0x133: {  	[tilespmem:s25], [sflag:$0x2] =	stream.indirect_vreg.gather [hbm4b:s3+s2], $0x80, v2, vm0, $0xb8;
	[tilespmem:$0xC080] =	vst v63  }
0x134: {  	s16 =	simm.s32 $0x4880  }
0x135: {  	[tilespmem:s16], [sflag:$0x2] =	stream.indirect_vreg.gather [hbm4b:s4+s2], $0x80, v2, vm0, $0xb8;
	[tilespmem:$0xC080] =	vst v63  }
0x136: {  	s29 =	simm.s32 $0x5080  }
0x137: {  	[tilespmem:s29], [sflag:$0x2] =	stream.indirect_vreg.gather [hbm4b:s5+s2], $0x80, v2, vm0, $0xb8;
	[tilespmem:$0xC080] =	vst v63  }
0x138: {  	s14 =	simm.s32 $0x5880  }
0x139: {  	[tilespmem:s14], [sflag:$0x2] =	stream.indirect_vreg.gather [hbm4b:s6+s2], $0x80, v2, vm0, $0xb8;
	[tilespmem:$0xC080] =	vst v63  }
0x13a: {  	s19 =	simm.s32 $0x6080  }
0x13b: {  	[tilespmem:s19], [sflag:$0x2] =	stream.indirect_vreg.gather [hbm4b:s7+s2], $0x80, v2, vm0, $0xb8;
	[tilespmem:$0xC080] =	vst v63  }
0x13c: {  	s22 =	simm.s32 $0x6880  }
0x13d: {  	[tilespmem:s22], [sflag:$0x2] =	stream.indirect_vreg.gather [hbm4b:s8+s2], $0x80, v2, vm0, $0xb8;
	[tilespmem:$0xC080] =	vst v63  }
0x13e: {  	s23 =	simm.s32 $0x7080  }
0x13f: {  	[tilespmem:s23], [sflag:$0x2] =	stream.indirect_vreg.gather [hbm4b:s9+s2], $0x80, v2, vm0, $0xb8;
	[tilespmem:$0xC080] =	vst v63  }
0x140: {  	s24 =	simm.s32 $0x7880  }
0x141: {  	[tilespmem:s24], [sflag:$0x2] =	stream.indirect_vreg.gather [hbm4b:s10+s2], $0x80, v2, vm0, $0xb8;
	[tilespmem:$0xC080] =	vst v63  }
0x142: {  	_ =	swait.ge [sflag:s30], $0x4000  }
0x143: {  	[sflag:s30] =	ssyncset.done $0x0  }
0x144: {  	s15 =	rddreg [dreg:$0xc];
	[sflag:s30] =	ssyncadd.s32 $0xFFFFC000  }
0x145: {  	[hbm4b:s15+s2] =	stream.linear.scatter [tilespmem:s13], [sflag:$0x1], $0x4000, $0x38;
	[tilespmem:$0xC080] =	vst v63  }
0x146: {  	_ =	swait.ge [sflag:s28], $0x4000  }
0x147: {  	[sflag:s28] =	ssyncset.done $0x0  }
0x148: {  	[sflag:s28] =	ssyncadd.s32 $0xFFFFC000  }
0x149: {  	v2 =	vld.msk [tilespmem:$0x58], $0xff;
	_ =	sdelay $0x4  }
0x14a: {  	v3 =	vshll.u32 v2, $0x4  }
0x14b: {  	v2 =	vand.u32 $0x7, v2;
	v3 =	vand.u32 $0xFFFFFF80, v3  }
0x14c: {  	v2 =	vor.u32 v2, v3  }
0x14d: {  	v2 =	vperm.xlane v2, v0;
	_ =	sdelay $0x1  }
0x14e: {  	v2 =	vadd.s32 v1, v2;
	_ =	sdelay $0x4  }
0x14f: {  	[tilespmem:s31], [sflag:$0x3] =	stream.indirect_vreg.gather [hbm4b:s3+s2], $0x80, v2, vm0, $0xb8;
	[tilespmem:$0xC080] =	vst v63  }
0x150: {  	s21 =	simm.s32 $0x8880  }
0x151: {  	[tilespmem:s21], [sflag:$0x3] =	stream.indirect_vreg.gather [hbm4b:s4+s2], $0x80, v2, vm0, $0xb8;
	[tilespmem:$0xC080] =	vst v63  }
0x152: {  	s1 =	simm.s32 $0x9080  }
0x153: {  	[tilespmem:s1], [sflag:$0x3] =	stream.indirect_vreg.gather [hbm4b:s5+s2], $0x80, v2, vm0, $0xb8;
	[tilespmem:$0xC080] =	vst v63  }
0x154: {  	s12 =	simm.s32 $0x9880  }
0x155: {  	[tilespmem:s12], [sflag:$0x3] =	stream.indirect_vreg.gather [hbm4b:s6+s2], $0x80, v2, vm0, $0xb8;
	[tilespmem:$0xC080] =	vst v63  }
0x156: {  	s20 =	simm.s32 $0xA080  }
0x157: {  	[tilespmem:s20], [sflag:$0x3] =	stream.indirect_vreg.gather [hbm4b:s7+s2], $0x80, v2, vm0, $0xb8;
	[tilespmem:$0xC080] =	vst v63  }
0x158: {  	s17 =	simm.s32 $0xA880  }
0x159: {  	[tilespmem:s17], [sflag:$0x3] =	stream.indirect_vreg.gather [hbm4b:s8+s2], $0x80, v2, vm0, $0xb8;
	[tilespmem:$0xC080] =	vst v63  }
0x15a: {  	s18 =	simm.s32 $0xB080  }
0x15b: {  	[tilespmem:s18], [sflag:$0x3] =	stream.indirect_vreg.gather [hbm4b:s9+s2], $0x80, v2, vm0, $0xb8;
	[tilespmem:$0xC080] =	vst v63  }
0x15c: {  	s16 =	simm.s32 $0xB880  }
0x15d: {  	[tilespmem:s16], [sflag:$0x3] =	stream.indirect_vreg.gather [hbm4b:s10+s2], $0x80, v2, vm0, $0xb8;
	[tilespmem:$0xC080] =	vst v63  }
0x15e: {  	_ =	swait.ge [sflag:s26], $0x4000  }
0x15f: {  	[sflag:s26] =	ssyncset.done $0x0  }
0x160: {  	s18 =	rddreg [dreg:$0xd];
	[sflag:s26] =	ssyncadd.s32 $0xFFFFC000  }
0x161: {  	[hbm4b:s18+s2] =	stream.linear.scatter [tilespmem:s25], [sflag:$0x2], $0x4000, $0x38;
	[tilespmem:$0xC080] =	vst v63  }
0x162: {  	_ =	swait.ge [sflag:s30], $0x4000  }
0x163: {  	[sflag:s30] =	ssyncset.done $0x0  }
0x164: {  	[sflag:s30] =	ssyncadd.s32 $0xFFFFC000  }
0x165: {  	v2 =	vld.msk [tilespmem:$0x60], $0xff;
	_ =	sdelay $0x4  }
0x166: {  	v3 =	vshll.u32 v2, $0x4  }
0x167: {  	v2 =	vand.u32 $0x7, v2;
	v3 =	vand.u32 $0xFFFFFF80, v3  }
0x168: {  	v2 =	vor.u32 v2, v3  }
0x169: {  	v2 =	vperm.xlane v2, v0;
	_ =	sdelay $0x1  }
0x16a: {  	v2 =	vadd.s32 v1, v2;
	_ =	sdelay $0x4  }
0x16b: {  	[tilespmem:s13], [sflag:$0x1] =	stream.indirect_vreg.gather [hbm4b:s3+s2], $0x80, v2, vm0, $0xb8;
	[tilespmem:$0xC080] =	vst v63  }
0x16c: {  	s14 =	simm.s32 $0x880  }
0x16d: {  	[tilespmem:s14], [sflag:$0x1] =	stream.indirect_vreg.gather [hbm4b:s4+s2], $0x80, v2, vm0, $0xb8;
	[tilespmem:$0xC080] =	vst v63  }
0x16e: {  	s15 =	simm.s32 $0x1080  }
0x16f: {  	[tilespmem:s15], [sflag:$0x1] =	stream.indirect_vreg.gather [hbm4b:s5+s2], $0x80, v2, vm0, $0xb8;
	[tilespmem:$0xC080] =	vst v63  }
0x170: {  	s16 =	simm.s32 $0x1880  }
0x171: {  	[tilespmem:s16], [sflag:$0x1] =	stream.indirect_vreg.gather [hbm4b:s6+s2], $0x80, v2, vm0, $0xb8;
	[tilespmem:$0xC080] =	vst v63  }
0x172: {  	s29 =	simm.s32 $0x2080  }
0x173: {  	[tilespmem:s29], [sflag:$0x1] =	stream.indirect_vreg.gather [hbm4b:s7+s2], $0x80, v2, vm0, $0xb8;
	[tilespmem:$0xC080] =	vst v63  }
0x174: {  	s29 =	simm.s32 $0x2880  }
0x175: {  	[tilespmem:s29], [sflag:$0x1] =	stream.indirect_vreg.gather [hbm4b:s8+s2], $0x80, v2, vm0, $0xb8;
	[tilespmem:$0xC080] =	vst v63  }
0x176: {  	s29 =	simm.s32 $0x3080  }
0x177: {  	[tilespmem:s29], [sflag:$0x1] =	stream.indirect_vreg.gather [hbm4b:s9+s2], $0x80, v2, vm0, $0xb8;
	[tilespmem:$0xC080] =	vst v63  }
0x178: {  	s29 =	simm.s32 $0x3880  }
0x179: {  	[tilespmem:s29], [sflag:$0x1] =	stream.indirect_vreg.gather [hbm4b:s10+s2], $0x80, v2, vm0, $0xb8;
	[tilespmem:$0xC080] =	vst v63  }
0x17a: {  	_ =	swait.ge [sflag:s28], $0x4000  }
0x17b: {  	[sflag:s28] =	ssyncset.done $0x0  }
0x17c: {  	s29 =	rddreg [dreg:$0xe];
	[sflag:s28] =	ssyncadd.s32 $0xFFFFC000  }
0x17d: {  	[hbm4b:s29+s2] =	stream.linear.scatter [tilespmem:s31], [sflag:$0x3], $0x4000, $0x38;
	[tilespmem:$0xC080] =	vst v63  }
0x17e: {  	_ =	swait.ge [sflag:s26], $0x4000  }
0x17f: {  	[sflag:s26] =	ssyncset.done $0x0  }
0x180: {  	[sflag:s26] =	ssyncadd.s32 $0xFFFFC000  }
0x181: {  	v2 =	vld.msk [tilespmem:$0x68], $0xff;
	_ =	sdelay $0x4  }
0x182: {  	v3 =	vshll.u32 v2, $0x4  }
0x183: {  	v2 =	vand.u32 $0x7, v2;
	v3 =	vand.u32 $0xFFFFFF80, v3  }
0x184: {  	v2 =	vor.u32 v2, v3  }
0x185: {  	v2 =	vperm.xlane v2, v0;
	_ =	sdelay $0x1  }
0x186: {  	v2 =	vadd.s32 v1, v2;
	_ =	sdelay $0x4  }
0x187: {  	[tilespmem:s25], [sflag:$0x2] =	stream.indirect_vreg.gather [hbm4b:s3+s2], $0x80, v2, vm0, $0xb8;
	[tilespmem:$0xC080] =	vst v63  }
0x188: {  	s29 =	simm.s32 $0x4880  }
0x189: {  	[tilespmem:s29], [sflag:$0x2] =	stream.indirect_vreg.gather [hbm4b:s4+s2], $0x80, v2, vm0, $0xb8;
	[tilespmem:$0xC080] =	vst v63  }
0x18a: {  	s29 =	simm.s32 $0x5080  }
0x18b: {  	[tilespmem:s29], [sflag:$0x2] =	stream.indirect_vreg.gather [hbm4b:s5+s2], $0x80, v2, vm0, $0xb8;
	[tilespmem:$0xC080] =	vst v63  }
0x18c: {  	s29 =	simm.s32 $0x5880  }
0x18d: {  	[tilespmem:s29], [sflag:$0x2] =	stream.indirect_vreg.gather [hbm4b:s6+s2], $0x80, v2, vm0, $0xb8;
	[tilespmem:$0xC080] =	vst v63  }
0x18e: {  	s0 =	simm.s32 $0x6080  }
0x18f: {  	[tilespmem:s0], [sflag:$0x2] =	stream.indirect_vreg.gather [hbm4b:s7+s2], $0x80, v2, vm0, $0xb8;
	[tilespmem:$0xC080] =	vst v63  }
0x190: {  	s19 =	simm.s32 $0x6880  }
0x191: {  	[tilespmem:s19], [sflag:$0x2] =	stream.indirect_vreg.gather [hbm4b:s8+s2], $0x80, v2, vm0, $0xb8;
	[tilespmem:$0xC080] =	vst v63  }
0x192: {  	s22 =	simm.s32 $0x7080  }
0x193: {  	[tilespmem:s22], [sflag:$0x2] =	stream.indirect_vreg.gather [hbm4b:s9+s2], $0x80, v2, vm0, $0xb8;
	[tilespmem:$0xC080] =	vst v63  }
0x194: {  	s23 =	simm.s32 $0x7880  }
0x195: {  	[tilespmem:s23], [sflag:$0x2] =	stream.indirect_vreg.gather [hbm4b:s10+s2], $0x80, v2, vm0, $0xb8;
	[tilespmem:$0xC080] =	vst v63  }
0x196: {  	_ =	swait.ge [sflag:s30], $0x4000  }
0x197: {  	[sflag:s30] =	ssyncset.done $0x0  }
0x198: {  	s0 =	rddreg [dreg:$0xf];
	[sflag:s30] =	ssyncadd.s32 $0xFFFFC000  }
0x199: {  	[hbm4b:s0+s2] =	stream.linear.scatter [tilespmem:s13], [sflag:$0x1], $0x4000, $0x38;
	[tilespmem:$0xC080] =	vst v63  }
0x19a: {  	_ =	swait.ge [sflag:s28], $0x4000  }
0x19b: {  	[sflag:s28] =	ssyncset.done $0x0  }
0x19c: {  	[sflag:s28] =	ssyncadd.s32 $0xFFFFC000  }
0x19d: {  	v2 =	vld.msk [tilespmem:$0x70], $0xff;
	_ =	sdelay $0x4  }
0x19e: {  	v3 =	vshll.u32 v2, $0x4  }
0x19f: {  	v2 =	vand.u32 $0x7, v2;
	v3 =	vand.u32 $0xFFFFFF80, v3  }
0x1a0: {  	v2 =	vor.u32 v2, v3  }
0x1a1: {  	v2 =	vperm.xlane v2, v0;
	_ =	sdelay $0x1  }
0x1a2: {  	v2 =	vadd.s32 v1, v2;
	_ =	sdelay $0x4  }
0x1a3: {  	[tilespmem:s31], [sflag:$0x3] =	stream.indirect_vreg.gather [hbm4b:s3+s2], $0x80, v2, vm0, $0xb8;
	[tilespmem:$0xC080] =	vst v63  }
0x1a4: {  	s24 =	simm.s32 $0x8880  }
0x1a5: {  	[tilespmem:s24], [sflag:$0x3] =	stream.indirect_vreg.gather [hbm4b:s4+s2], $0x80, v2, vm0, $0xb8;
	[tilespmem:$0xC080] =	vst v63  }
0x1a6: {  	s21 =	simm.s32 $0x9080  }
0x1a7: {  	[tilespmem:s21], [sflag:$0x3] =	stream.indirect_vreg.gather [hbm4b:s5+s2], $0x80, v2, vm0, $0xb8;
	[tilespmem:$0xC080] =	vst v63  }
0x1a8: {  	s1 =	simm.s32 $0x9880  }
0x1a9: {  	[tilespmem:s1], [sflag:$0x3] =	stream.indirect_vreg.gather [hbm4b:s6+s2], $0x80, v2, vm0, $0xb8;
	[tilespmem:$0xC080] =	vst v63  }
0x1aa: {  	s12 =	simm.s32 $0xA080  }
0x1ab: {  	[tilespmem:s12], [sflag:$0x3] =	stream.indirect_vreg.gather [hbm4b:s7+s2], $0x80, v2, vm0, $0xb8;
	[tilespmem:$0xC080] =	vst v63  }
0x1ac: {  	s20 =	simm.s32 $0xA880  }
0x1ad: {  	[tilespmem:s20], [sflag:$0x3] =	stream.indirect_vreg.gather [hbm4b:s8+s2], $0x80, v2, vm0, $0xb8;
	[tilespmem:$0xC080] =	vst v63  }
0x1ae: {  	s17 =	simm.s32 $0xB080  }
0x1af: {  	[tilespmem:s17], [sflag:$0x3] =	stream.indirect_vreg.gather [hbm4b:s9+s2], $0x80, v2, vm0, $0xb8;
	[tilespmem:$0xC080] =	vst v63  }
0x1b0: {  	s17 =	simm.s32 $0xB880  }
0x1b1: {  	[tilespmem:s17], [sflag:$0x3] =	stream.indirect_vreg.gather [hbm4b:s10+s2], $0x80, v2, vm0, $0xb8;
	[tilespmem:$0xC080] =	vst v63  }
0x1b2: {  	_ =	swait.ge [sflag:s26], $0x4000  }
0x1b3: {  	[sflag:s26] =	ssyncset.done $0x0  }
0x1b4: {  	s19 =	rddreg [dreg:$0x10];
	[sflag:s26] =	ssyncadd.s32 $0xFFFFC000  }
0x1b5: {  	[hbm4b:s19+s2] =	stream.linear.scatter [tilespmem:s25], [sflag:$0x2], $0x4000, $0x38;
	[tilespmem:$0xC080] =	vst v63  }
0x1b6: {  	_ =	swait.ge [sflag:s30], $0x4000  }
0x1b7: {  	[sflag:s30] =	ssyncset.done $0x0  }
0x1b8: {  	[sflag:s30] =	ssyncadd.s32 $0xFFFFC000  }
0x1b9: {  	v2 =	vld.msk [tilespmem:$0x78], $0xff;
	_ =	sdelay $0x4  }
0x1ba: {  	v3 =	vshll.u32 v2, $0x4  }
0x1bb: {  	v2 =	vand.u32 $0x7, v2;
	v3 =	vand.u32 $0xFFFFFF80, v3  }
0x1bc: {  	v2 =	vor.u32 v2, v3  }
0x1bd: {  	v2 =	vperm.xlane v2, v0;
	_ =	sdelay $0x1  }
0x1be: {  	v2 =	vadd.s32 v1, v2;
	_ =	sdelay $0x4  }
0x1bf: {  	[tilespmem:s13], [sflag:$0x1] =	stream.indirect_vreg.gather [hbm4b:s3+s2], $0x80, v2, vm0, $0xb8;
	[tilespmem:$0xC080] =	vst v63  }
0x1c0: {  	s18 =	simm.s32 $0x880  }
0x1c1: {  	[tilespmem:s18], [sflag:$0x1] =	stream.indirect_vreg.gather [hbm4b:s4+s2], $0x80, v2, vm0, $0xb8;
	[tilespmem:$0xC080] =	vst v63  }
0x1c2: {  	s14 =	simm.s32 $0x1080  }
0x1c3: {  	[tilespmem:s14], [sflag:$0x1] =	stream.indirect_vreg.gather [hbm4b:s5+s2], $0x80, v2, vm0, $0xb8;
	[tilespmem:$0xC080] =	vst v63  }
0x1c4: {  	s15 =	simm.s32 $0x1880  }
0x1c5: {  	[tilespmem:s15], [sflag:$0x1] =	stream.indirect_vreg.gather [hbm4b:s6+s2], $0x80, v2, vm0, $0xb8;
	[tilespmem:$0xC080] =	vst v63  }
0x1c6: {  	s16 =	simm.s32 $0x2080  }
0x1c7: {  	[tilespmem:s16], [sflag:$0x1] =	stream.indirect_vreg.gather [hbm4b:s7+s2], $0x80, v2, vm0, $0xb8;
	[tilespmem:$0xC080] =	vst v63  }
0x1c8: {  	s20 =	simm.s32 $0x2880  }
0x1c9: {  	[tilespmem:s20], [sflag:$0x1] =	stream.indirect_vreg.gather [hbm4b:s8+s2], $0x80, v2, vm0, $0xb8;
	[tilespmem:$0xC080] =	vst v63  }
0x1ca: {  	s21 =	simm.s32 $0x3080  }
0x1cb: {  	[tilespmem:s21], [sflag:$0x1] =	stream.indirect_vreg.gather [hbm4b:s9+s2], $0x80, v2, vm0, $0xb8;
	[tilespmem:$0xC080] =	vst v63  }
0x1cc: {  	s22 =	simm.s32 $0x3880  }
0x1cd: {  	[tilespmem:s22], [sflag:$0x1] =	stream.indirect_vreg.gather [hbm4b:s10+s2], $0x80, v2, vm0, $0xb8;
	[tilespmem:$0xC080] =	vst v63  }
0x1ce: {  	_ =	swait.ge [sflag:s28], $0x4000  }
0x1cf: {  	[sflag:s28] =	ssyncset.done $0x0  }
0x1d0: {  	s23 =	rddreg [dreg:$0x11];
	[sflag:s28] =	ssyncadd.s32 $0xFFFFC000  }
0x1d1: {  	[hbm4b:s23+s2] =	stream.linear.scatter [tilespmem:s31], [sflag:$0x3], $0x4000, $0x38;
	[tilespmem:$0xC080] =	vst v63  }
0x1d2: {  	_ =	swait.ge [sflag:s30], $0x4000  }
0x1d3: {  	[sflag:s30] =	ssyncset.done $0x0  }
0x1d4: {  	s24 =	rddreg [dreg:$0x12];
	[sflag:s30] =	ssyncadd.s32 $0xFFFFC000  }
0x1d5: {  	[hbm4b:s24+s2] =	stream.linear.scatter [tilespmem:s13], [sflag:$0x1], $0x4000, $0x38;
	[tilespmem:$0xC080] =	vst v63  }
0x1d6: {  	_ =	swait.ge [sflag:s26], $0x4000  }
0x1d7: {  	[sflag:s26] =	ssyncset.done $0x0  }
0x1d8: {  	[sflag:s26] =	ssyncadd.s32 $0xFFFFC000  }
0x1d9: {  	p0 =	sne.s32 s11, $0x1;
	_ =	swait.ge [sflag:s28], $0x4000  }
.Ltmp0:
0x1da: {  	[sflag:s28] =	ssyncset.done $0x0;
	(pc) =	sbr.rel @p0 .LBB2_1-.Ltmp0, $4  }
0x1db: {  	[sflag:s28] =	ssyncadd.s32 $0xFFFFC000  }
0x1dc: {  	_ =	swait.ge [sflag:s30], $0x4000  }
0x1dd: {  	[sflag:s30] =	ssyncset.done $0x0  }
0x1de: {  	s11 =	sadd.s32 $0xFFFFFFFF, s11;
	[sflag:s30] =	ssyncadd.s32 $0xFFFFC000  }
0x1df: {  	_ =	sfence.sel $0x180000  }
0x1e0: {  	[bflag:$0x0] =	sbarrier.arrive $0xFFFF  }
0x1e1: {  	_ =	strace $0x9000004A  }
0x1e2: {  	s0 =	stileid.u32;
	[bflag:$0x2] =	sbarrier.arrive $0xFFFF  }
0x1e3: {  	p0 =	sne.s32 s0, $0x0;
	s0 =	rddreg [dreg:$0x1]  }
0x1e4: {  	s0 =	sadd.s32 @!p0 $0x100000, s0  }
0x1e5: {  	[sflag:s0] =	ssyncadd.tile.s32 @!p0 $0x1;
	_ =	shalt  }
.Lfunc_end2:
_tile_overlayer_lowered:
.L_overlay_start_2:
0x1e6: {  	(tag) =	ssettag $0x2  }
0x1e7: {  	s0 =	rddreg [dreg:$0x0];
	s2 =	stileid.u32  }
0x1e8: {  	s1 =	rddreg [dreg:$0x1];
	p0 =	sne.s32 s2, $0x0  }
0x1e9: {  	s3 =	rddreg [dreg:$0x2];
	[bflag:$0x3] =	sbarrier.arrive $0xFFFF;
	s2 =	simm.s32 @!p0 $0x1C04  }
0x1ea: {  	[timem:s3], [sflag:s2] =	dma.local @!p0 [hbm:s0], s1  }
0x1eb: {  	s0 =	simm.s32 @!p0 $0x4  }
0x1ec: {  	_ =	swait.ge @!p0 [sflag:s0], s1  }
0x1ed: {  	s1 =	ssub.s32 @!p0 $0x0, s1;
	[sflag:s0] =	ssyncset.done @!p0 $0x0  }
0x1ee: {  	[sflag:s0] =	ssyncadd.s32 @!p0 s1  }
0x1ef: {  	[bflag:$0x3] =	sbarrier.arrive $0xFFFF  }
0x1f0: {  	_ =	shalt  }

// kernel: kernel.7.cloned.1.call-start
scs
__scs_entry_jumppad:
0x0: {  	(pc) =	sbr.rel $0x88, $3  }
0x1: {  	(tag) =	ssettag $0x0;
	lr =	simm.s32 $0x1  }
0x2: {  	[smem:$0x3F9C] =	sst lr;
	_ =	strace $0xD0000000  }
0x3: {  	_ = 	snop  }
0x4: {  	_ = 	snop  }
0x5: {  	_ = 	snop  }
0x6: {  	_ = 	snop  }
0x7: {  	_ = 	snop  }
__scs_overlays_trampoline_lowered:
0x8: {  	[smem:$0x3FAB] =	sst s0  }
0x9: {  	[smem:$0x3FAC] =	sst s1  }
0xa: {  	[smem:$0x3FAD] =	sst s2  }
0xb: {  	[smem:$0x3FAE] =	sst s3  }
0xc: {  	[smem:$0x3FAF] =	sst s4  }
0xd: {  	[smem:$0x3FB0] =	sst s5  }
0xe: {  	[smem:$0x3FB1] =	sst s6  }
0xf: {  	[smem:$0x3FB2] =	sst s7  }
0x10: {  	[smem:$0x3FB3] =	sst s8  }
0x11: {  	[smem:$0x3FB4] =	sst s9;
	s0 =	simm.s32 @!p0 $0x0  }
0x12: {  	s1 =	sld [smem:$0x3F9A];
	s0 =	simm.s32 @p0 $0x1  }
0x13: {  	[smem:$0x3FB5] =	sst s0;
	s0 =	simm.s32 @!p1 $0x0  }
0x14: {  	s2 =	sld [smem:$0x3F99];
	s0 =	simm.s32 @p1 $0x1  }
0x15: {  	[smem:$0x3FB6] =	sst s0;
	s0 =	simm.s32 @!p2 $0x0  }
0x16: {  	s3 =	sld [smem:$0x3FDB];
	s0 =	simm.s32 @p2 $0x1  }
0x17: {  	s4 =	simm.s32 $0x1BF5;
	[smem:$0x3FB8] =	sst s0  }
0x18: {  	s0 =	sld [smem:$0x3F9B];
	_ =	swait.ge [sflag:s4], $0x0  }
0x19: {  	s7 =	sld [smem:$0x3F9C]  }
0x1a: {  	s8 =	sadd.s32 $0xFFFFE003, lr  }
0x1b: {  	s9 =	sadd.s32 $0xFFFFFEF7, lr;
	s5 =	simm.s32 $0xFFFFFFFF;
	p2 =	slt.u32 s8, $0xFFFFF086  }
0x1c: {  	p1 =	slt.u32 s9, $0xF7A;
	s5 =	simm.s32 @!p2 $0x0  }
0x1d: {  	s5 =	simm.s32 @p1 $0x1;
	p0 =	seq.s32 s7, s2  }
0x1e: {  	s7 =	smul.u32 @!p0 $0xF7A, s2;
	p2 =	seq.s32 @!p0 s5, $0x0  }
0x1f: {  	s9 =	smul.u32 $0xF7A, s1;
	s8 =	simm.s32 @!p0 $0x1BF5;
	p2 =	por !p2, p0  }
0x20: {  	[sflag:s8] =	ssyncset.s32 @!p0 $0xFFFFF086;
	s6 =	sadd.s32 @!p0 s3, s7;
	s7 =	simm.s32 @!p0 $0x108  }
0x21: {  	s3 =	sadd.s32 s3, s9;
	s6 =	sadd.s32 @!p0 $0x88, s6;
	s7 =	simm.s32 @p2 $0x1082  }
0x22: {  	[simem:s7], [sflag:s8] =	dma.local @!p0 [hbm:s6], $0xF7A  }
0x23: {  	s9 =	sor.u32 $0xD0000000, s2;
	s6 =	simm.s32 $0x108;
	_ =	swait.ge @!p0 [sflag:s8], $0x0  }
0x24: {  	s3 =	sadd.s32 $0x88, s3;
	s6 =	simm.s32 @!p1 $0x1082;
	[sflag:s4] =	ssyncset.s32 $0xFFFFF086  }
0x25: {  	[simem:s6], [sflag:s4] =	dma.local [hbm:s3], $0xF7A  }
0x26: {  	[smem:$0x3F9C] =	sst s1;
	(tag) =	ssettag s2;
	_ =	strace s9  }
0x27: {  	s1 =	sld [smem:$0x3FAC]  }
0x28: {  	s2 =	sld [smem:$0x3FAD]  }
0x29: {  	s4 =	sld [smem:$0x3FAF]  }
0x2a: {  	p0 =	seq.s32 s5, $0x0;
	s5 =	sld [smem:$0x3FB0]  }
0x2b: {  	s6 =	sld [smem:$0x3FB1]  }
0x2c: {  	s7 =	sld [smem:$0x3FB2]  }
0x2d: {  	s3 =	simm.s32 $0x108;
	s8 =	sld [smem:$0x3FB3]  }
0x2e: {  	s3 =	simm.s32 @!p0 $0x1082;
	s9 =	sld [smem:$0x3FB4]  }
0x2f: {  	lr =	sadd.s32 s0, s3;
	s0 =	sld [smem:$0x3FAB]  }
0x30: {  	s3 =	sld [smem:$0x3FAE]  }
0x31: {  	[smem:$0x3FB7] =	sst s10  }
0x32: {  	s10 =	sld [smem:$0x3FB5];
	_ =	sdelay $0x3  }
0x33: {  	p0 =	seq.s32 s10, $0x1;
	s10 =	sld [smem:$0x3FB7];
	_ =	sdelay $0x3  }
0x34: {  	[smem:$0x3FB7] =	sst s10  }
0x35: {  	s10 =	sld [smem:$0x3FB6];
	_ =	sdelay $0x3  }
0x36: {  	p1 =	seq.s32 s10, $0x1;
	s10 =	sld [smem:$0x3FB7];
	_ =	sdelay $0x3  }
0x37: {  	[smem:$0x3FB7] =	sst s10  }
0x38: {  	s10 =	sld [smem:$0x3FB8]  }
0x39: {  	_ = 	snop;
	(pc) =	sbr.ind lr, $3  }
0x3a: {  	_ = 	snop  }
0x3b: {  	_ = 	snop  }
0x3c: {  	p2 =	seq.s32 s10, $0x1;
	s10 =	sld [smem:$0x3FB7]  }
0x3d: {  	_ =	shalt  }
0x3e: {  	_ =	shalt  }
0x3f: {  	_ =	shalt  }
0x40: {  	_ =	shalt  }
0x41: {  	_ =	shalt  }
0x42: {  	_ =	shalt  }
0x43: {  	_ =	shalt  }
0x44: {  	_ =	shalt  }
0x45: {  	_ =	shalt  }
0x46: {  	_ =	shalt  }
0x47: {  	_ =	shalt  }
0x48: {  	_ =	shalt  }
0x49: {  	_ =	shalt  }
0x4a: {  	_ =	shalt  }
0x4b: {  	_ =	shalt  }
0x4c: {  	_ =	shalt  }
0x4d: {  	_ =	shalt  }
0x4e: {  	_ =	shalt  }
0x4f: {  	_ =	shalt  }
0x50: {  	_ =	shalt  }
0x51: {  	_ =	shalt  }
0x52: {  	_ =	shalt  }
0x53: {  	_ =	shalt  }
0x54: {  	_ =	shalt  }
0x55: {  	_ =	shalt  }
0x56: {  	_ =	shalt  }
0x57: {  	_ =	shalt  }
0x58: {  	_ =	shalt  }
0x59: {  	_ =	shalt  }
0x5a: {  	_ =	shalt  }
0x5b: {  	_ =	shalt  }
0x5c: {  	_ =	shalt  }
0x5d: {  	_ =	shalt  }
0x5e: {  	_ =	shalt  }
0x5f: {  	_ =	shalt  }
0x60: {  	_ =	shalt  }
0x61: {  	_ =	shalt  }
0x62: {  	_ =	shalt  }
0x63: {  	_ =	shalt  }
0x64: {  	_ =	shalt  }
0x65: {  	_ =	shalt  }
0x66: {  	_ =	shalt  }
0x67: {  	_ =	shalt  }
0x68: {  	_ =	shalt  }
0x69: {  	_ =	shalt  }
0x6a: {  	_ =	shalt  }
0x6b: {  	_ =	shalt  }
0x6c: {  	_ =	shalt  }
0x6d: {  	_ =	shalt  }
0x6e: {  	_ =	shalt  }
0x6f: {  	_ =	shalt  }
0x70: {  	_ =	shalt  }
0x71: {  	_ =	shalt  }
0x72: {  	_ =	shalt  }
0x73: {  	_ =	shalt  }
0x74: {  	_ =	shalt  }
0x75: {  	_ =	shalt  }
0x76: {  	_ =	shalt  }
0x77: {  	_ =	shalt  }
0x78: {  	_ =	shalt  }
0x79: {  	_ =	shalt  }
0x7a: {  	_ =	shalt  }
0x7b: {  	_ =	shalt  }
0x7c: {  	_ =	shalt  }
0x7d: {  	_ =	shalt  }
0x7e: {  	_ =	shalt  }
0x7f: {  	_ =	shalt  }
0x80: {  	_ =	shalt  }
0x81: {  	_ =	shalt  }
0x82: {  	_ =	shalt  }
0x83: {  	_ =	shalt  }
0x84: {  	_ =	shalt  }
0x85: {  	_ =	shalt  }
0x86: {  	_ =	shalt  }
0x87: {  	_ =	shalt  }
.Lfunc_end0:
.L_simem_size_0:
called_computation_lowered:
.L_overlay_start_0:
0x88: {  	s2 =	sld [smem:$0x3FD9]  }
0x89: {  	s3 =	sld [smem:$0x3FFE];
	_ =	sdelay $0x1  }
0x8a: {  	s1 =	srdreg.scid  }
0x8b: {  	s0 =	sand.u32 $0x1, s1  }
0x8c: {  	s14 =	sshll.u32 s0, $0xA;
	s2 =	sadd.s32 s3, s2  }
0x8d: {  	s2 =	sadd.s32 s2, s14  }
0x8e: {  	[smem:$0x3FC3] =	sst s2  }
0x8f: {  	_ = 	snop  }
0x90: {  	s2 =	sld [smem:$0x3FD0];
	_ =	sdelay $0x2  }
0x91: {  	s4 =	simm.s32 $0xA;
	s5 =	simm.s32 $0x10;
	s15 =	sld [smem:$0x3FC9]  }
0x92: {  	[smem:s5], [sflag:s4] =	dma.local [hbm:s2], $0x1  }
0x93: {  	_ =	swait.eq [sflag:s4], $0x1  }
0x94: {  	[sflag:s4] =	ssyncset.done $0x0  }
0x95: {  	[sflag:s4] =	ssyncadd.s32 $0xFFFFFFFF  }
0x96: {  	s16 =	sld [smem:$0x11];
	(tm) =	ssettm $0x1  }
0x97: {  	s17 =	sld [smem:$0x3FFB];
	_ =	sdelay $0x3  }
0x98: {  	_ =	strace s17  }
0x99: {  	s4 =	sld [smem:$0x3FFC];
	_ =	sdelay $0x3  }
0x9a: {  	_ =	strace s4  }
0x9b: {  	s4 =	sld [smem:$0x3FFD];
	_ =	sdelay $0x3  }
0x9c: {  	_ =	strace s4  }
0x9d: {  	_ =	strace $0x8FFFFFFF  }
0x9e: {  	s18 =	sld [smem:$0x3FDB];
	_ =	sdelay $0x1  }
0x9f: {  	s19 =	simm.s32 $_scs_section_size  }
0xa0: {  	s6 =	simm.s32 $_size__tile_overlayer_lowered;
	s7 =	simm.s32 $_tile_overlayer_lowered  }
0xa1: {  	s22 =	simm.s32 $0x1BFF;
	s21 =	sshll.u32 s7, $0x1;
	s4 =	sadd.s32 s19, s18  }
0xa2: {  	s8 =	simm.s32 $0x0;
	s20 =	sshll.u32 s6, $0x1;
	s6 =	sadd.s32 s21, s4  }
0xa3: {  	[timem:s8], [sflag:s22] =	dma.local [hbm:s6], s20  }
0xa4: {  	_ =	swait.ge [sflag:s22], s20  }
0xa5: {  	s5 =	ssub.s32 $0x0, s20;
	[sflag:s22] =	ssyncset.done $0x0  }
0xa6: {  	[sflag:s22] =	ssyncadd.s32 s5;
	_ =	sdelay $0x1  }
0xa7: {  	s23 =	simm.s32 $0x1B8B  }
0xa8: {  	_ =	swait.ge [sflag:s23], $0x1  }
0xa9: {  	[sflag:s23] =	ssyncset.done $0x0  }
0xaa: {  	s25 =	simm.s32 $0x1B8E;
	s24 =	sld [smem:$0x3FFE];
	[sflag:s23] =	ssyncadd.s32 $0xFFFFFFFF  }
0xab: {  	s26 =	simm.s32 $execute0_lowered;
	[smem:$0x3FD2] =	sst s25  }
0xac: {  	s6 =	sshll.u32 s26, $0x1;
	_ =	strace $0x80000046;
	[dreg:$0x1] =	wrdreg $0xFFFFFFFF  }
0xad: {  	s28 =	simm.s32 $_size_execute0_lowered;
	s4 =	sadd.s32 s4, s6;
	[dreg:$0x0] =	wrdreg $0x0  }
0xae: {  	s6 =	sshll.u32 s28, $0x1;
	[dreg:$0x2] =	wrdreg s4  }
0xaf: {  	[dreg:$0x3] =	wrdreg s6  }
0xb0: {  	[dreg:$0x4] =	wrdreg $0xC0  }
0xb1: {  	_ =	task [dreg:s8], $0x5FFFF  }
0xb2: {  	[dreg:$0x1] =	wrdreg $0xFFFFFFFF  }
0xb3: {  	[dreg:$0x0] =	wrdreg $0x60  }
0xb4: {  	[dreg:$0x2] =	wrdreg s15  }
0xb5: {  	[dreg:$0x3] =	wrdreg s16  }
0xb6: {  	[dreg:$0x4] =	wrdreg s24  }
0xb7: {  	[dreg:$0x5] =	wrdreg $0x9  }
0xb8: {  	_ =	task.clear_ibuf [dreg:s8], $0x6FFFF;
	_ =	strace $0x90000046  }
0xb9: {  	s29 =	simm.s32 $0x9;
	_ =	strace $0x80000048  }
0xba: {  	_ =	swait.ge [sflag:s29], $0x1  }
0xbb: {  	[sflag:s29] =	ssyncadd.s32 $0xFFFFFFFF  }
0xbc: {  	_ =	strace $0x90000048  }
0xbd: {  	_ =	sfence  }
0xbe: {  	s30 =	sld [smem:$0x0];
	_ =	sdelay $0x2  }
0xbf: {  	s31 =	sshll.u32 s1, $0xD;
	s1 =	sshrl.u32 s1, $0x2  }
0xc0: {  	s3 =	sand.u32 $0x4000, s31;
	s1 =	sadd.s32 s1, s30  }
0xc1: {  	s0 =	sor.u32 s3, s0;
	s1 =	sshll.u32 s1, $0x11  }
0xc2: {  	s0 =	sor.u32 s1, s0  }
0xc3: {  	s0 =	sadd.s32 $0x8F2B, s0  }
0xc4: {  	[sflag:s0] =	ssyncadd.remote.s32 $0x1  }
0xc5: {  	_ =	sfence.sel $0xFFFF  }
0xc6: {  	[dreg:$0x0] =	wrdreg $0xFFFFFFFF;
	(pc) =	sbr.abs _section_cstart, $3  }
0xc7: {  	[dreg:$0x1] =	wrdreg $0xFFFFFFFF  }
0xc8: {  	_ =	task.clear_ibuf [dreg:s8], $0x2FFFF;
	_ =	strace $0x9FFFFFFF  }
0xc9: {  	(tm) =	ssettm $0x7FFFFFFF  }
tec
execute0_lowered:
.L_overlay_start_1:
0x0: {  	(tag) =	ssettag $0x1  }
0x1: {  	s0 =	srdreg.scid;
	s3 =	stileid.u32  }
0x2: {  	s1 =	rddreg [dreg:$0x0];
	s0 =	sand.u32 $0x1, s0;
	s3 =	sshll.u32 s3, $0x1  }
0x3: {  	s2 =	rddreg [dreg:$0x1];
	s5 =	sor.u32 s0, s3  }
0x4: {  	s4 =	rddreg [dreg:$0x2];
	s6 =	smul.u32 $0x14, s5  }
0x5: {  	s4 =	sadd.s32 $0x10000, s4;
	s3 =	simm.s32 $0x0;
	s7 =	smul.u32 $0xA000, s5  }
0x6: {  	[smem:$0x7FF] =	sst s3;
	s5 =	smul.u32 $0x50000, s5;
	s2 =	sadd.s32 s2, s6  }
0x7: {  	_ =	strace $0x80000047;
	s8 =	sadd.s32 s4, s7;
	[dreg:$0x4] =	wrdreg s2  }
0x8: {  	s9 =	sadd.s32 $0x800, s8;
	[dreg:$0x18] =	wrdreg s8  }
0x9: {  	s5 =	sshrl.u32 s5, $0x3;
	s10 =	sadd.s32 $0x1000, s8;
	[dreg:$0x5] =	wrdreg s9  }
0xa: {  	s11 =	sadd.s32 $0x1800, s8;
	s4 =	sadd.s32 s4, s5;
	[dreg:$0x6] =	wrdreg s10  }
0xb: {  	[dreg:$0x7] =	wrdreg s11;
	s12 =	sadd.s32 $0x2000, s4  }
0xc: {  	s13 =	sadd.s32 $0x2800, s4;
	[dreg:$0x8] =	wrdreg s12  }
0xd: {  	s14 =	sadd.s32 $0x3000, s4;
	[dreg:$0x9] =	wrdreg s13  }
0xe: {  	s15 =	sadd.s32 $0x3800, s4;
	[dreg:$0xa] =	wrdreg s14  }
0xf: {  	s31 =	simm.s32 $0x1;
	s16 =	sadd.s32 $0x4000, s4;
	[dreg:$0xb] =	wrdreg s15  }
0x10: {  	s30 =	simm.s32 $0x8100;
	s17 =	sadd.s32 $0x4800, s4;
	[dreg:$0xc] =	wrdreg s16  }
0x11: {  	s0 =	ssub.s32 $0x2, s0;
	s18 =	sadd.s32 $0x5000, s4;
	[dreg:$0xd] =	wrdreg s17  }
0x12: {  	s19 =	sshrl.u32 s0, $0x1;
	s20 =	sadd.s32 $0x5800, s4;
	[dreg:$0xe] =	wrdreg s18  }
0x13: {  	s0 =	ssub.s32 s0, s19;
	s21 =	sadd.s32 $0x6000, s4;
	[dreg:$0xf] =	wrdreg s20  }
0x14: {  	s6 =	sadd.s32 $0x200, s1;
	s22 =	sadd.s32 $0x6800, s4;
	[dreg:$0x10] =	wrdreg s21  }
0x15: {  	s7 =	sadd.s32 $0x300, s1;
	s23 =	sadd.s32 $0x7000, s4;
	[dreg:$0x11] =	wrdreg s22  }
0x16: {  	s5 =	sadd.s32 $0x100, s1;
	s24 =	sadd.s32 $0x7800, s4;
	[dreg:$0x12] =	wrdreg s23  }
0x17: {  	s8 =	sadd.s32 $0x400, s1;
	s25 =	sadd.s32 $0x8000, s4;
	[dreg:$0x13] =	wrdreg s24  }
0x18: {  	s9 =	sadd.s32 $0x500, s1;
	s26 =	sadd.s32 $0x8800, s4;
	[dreg:$0x14] =	wrdreg s25  }
0x19: {  	s10 =	sadd.s32 $0x600, s1;
	s28 =	sadd.s32 $0x9000, s4;
	[dreg:$0x15] =	wrdreg s26  }
0x1a: {  	v0 =	vlaneseq.u32;
	s11 =	sadd.s32 $0x700, s1;
	s29 =	sadd.s32 $0x9800, s4;
	[dreg:$0x16] =	wrdreg s28  }
0x1b: {  	v1 =	vshrl.u32 v0, $0x3;
	s4 =	simm.s32 $0x2;
	[dreg:$0x17] =	wrdreg s29;
	s12 =	smax.u32 s0, $0x1  }
0x1c: {  	vm0 =	vmmov $0xffff;
	v0 =	vand.u32 $0x7, v0;
	v1 =	vmul.u32 $0x8, v1;
	s14 =	simm.s32 $0x100;
	s22 =	simm.s32 $0x4100;
	s13 =	simm.s32 $0x3  }
.LBB2_1:
0x1d: {  	s0 =	rddreg [dreg:$0x4];
	s29 =	simm.s32 $0x4  }
0x1e: {  	[tilespmem:s3], [sflag:$0x4] =	stream.linear.gather [hbm4b:s0+s3], $0xA0, $0x38;
	[tilespmem:$0xC100] =	vst v63  }
0x1f: {  	_ =	swait.ge [sflag:s29], $0xA0  }
0x20: {  	[sflag:s29] =	ssyncset.done $0x0  }
0x21: {  	[sflag:s29] =	ssyncadd.s32 $0xFFFFFF60  }
0x22: {  	v2 =	vld.msk [tilespmem:$0x0], $0xff;
	_ =	sdelay $0x4  }
0x23: {  	v3 =	vshll.u32 v2, $0x4  }
0x24: {  	v2 =	vand.u32 $0x7, v2;
	v3 =	vand.u32 $0xFFFFFF80, v3  }
0x25: {  	v2 =	vor.u32 v2, v3  }
0x26: {  	v2 =	vperm.xlane v2, v0;
	_ =	sdelay $0x1  }
0x27: {  	v2 =	vadd.s32 v1, v2;
	_ =	sdelay $0x4  }
0x28: {  	[tilespmem:s14], [sflag:$0x1] =	stream.indirect_vreg.gather [hbm4b:s1+s3], $0x80, v2, vm0, $0xb8;
	[tilespmem:$0xC100] =	vst v63  }
0x29: {  	s2 =	simm.s32 $0x900  }
0x2a: {  	[tilespmem:s2], [sflag:$0x1] =	stream.indirect_vreg.gather [hbm4b:s5+s3], $0x80, v2, vm0, $0xb8;
	[tilespmem:$0xC100] =	vst v63  }
0x2b: {  	s15 =	simm.s32 $0x1100  }
0x2c: {  	[tilespmem:s15], [sflag:$0x1] =	stream.indirect_vreg.gather [hbm4b:s6+s3], $0x80, v2, vm0, $0xb8;
	[tilespmem:$0xC100] =	vst v63  }
0x2d: {  	s16 =	simm.s32 $0x1900  }
0x2e: {  	[tilespmem:s16], [sflag:$0x1] =	stream.indirect_vreg.gather [hbm4b:s7+s3], $0x80, v2, vm0, $0xb8;
	[tilespmem:$0xC100] =	vst v63  }
0x2f: {  	s17 =	simm.s32 $0x2100  }
0x30: {  	[tilespmem:s17], [sflag:$0x1] =	stream.indirect_vreg.gather [hbm4b:s8+s3], $0x80, v2, vm0, $0xb8;
	[tilespmem:$0xC100] =	vst v63  }
0x31: {  	s18 =	simm.s32 $0x2900  }
0x32: {  	[tilespmem:s18], [sflag:$0x1] =	stream.indirect_vreg.gather [hbm4b:s9+s3], $0x80, v2, vm0, $0xb8;
	[tilespmem:$0xC100] =	vst v63  }
0x33: {  	s19 =	simm.s32 $0x3100  }
0x34: {  	[tilespmem:s19], [sflag:$0x1] =	stream.indirect_vreg.gather [hbm4b:s10+s3], $0x80, v2, vm0, $0xb8;
	[tilespmem:$0xC100] =	vst v63  }
0x35: {  	s20 =	simm.s32 $0x3900  }
0x36: {  	[tilespmem:s20], [sflag:$0x1] =	stream.indirect_vreg.gather [hbm4b:s11+s3], $0x80, v2, vm0, $0xb8;
	[tilespmem:$0xC100] =	vst v63  }
0x37: {  	v2 =	vld.msk [tilespmem:$0x8], $0xff;
	_ =	sdelay $0x4  }
0x38: {  	v3 =	vshll.u32 v2, $0x4  }
0x39: {  	v2 =	vand.u32 $0x7, v2;
	v3 =	vand.u32 $0xFFFFFF80, v3  }
0x3a: {  	v2 =	vor.u32 v2, v3  }
0x3b: {  	v2 =	vperm.xlane v2, v0;
	_ =	sdelay $0x1  }
0x3c: {  	v2 =	vadd.s32 v1, v2;
	_ =	sdelay $0x4  }
0x3d: {  	[tilespmem:s22], [sflag:$0x2] =	stream.indirect_vreg.gather [hbm4b:s1+s3], $0x80, v2, vm0, $0xb8;
	[tilespmem:$0xC100] =	vst v63  }
0x3e: {  	s21 =	simm.s32 $0x4900  }
0x3f: {  	[tilespmem:s21], [sflag:$0x2] =	stream.indirect_vreg.gather [hbm4b:s5+s3], $0x80, v2, vm0, $0xb8;
	[tilespmem:$0xC100] =	vst v63  }
0x40: {  	s24 =	simm.s32 $0x5100  }
0x41: {  	[tilespmem:s24], [sflag:$0x2] =	stream.indirect_vreg.gather [hbm4b:s6+s3], $0x80, v2, vm0, $0xb8;
	[tilespmem:$0xC100] =	vst v63  }
0x42: {  	s25 =	simm.s32 $0x5900  }
0x43: {  	[tilespmem:s25], [sflag:$0x2] =	stream.indirect_vreg.gather [hbm4b:s7+s3], $0x80, v2, vm0, $0xb8;
	[tilespmem:$0xC100] =	vst v63  }
0x44: {  	s26 =	simm.s32 $0x6100  }
0x45: {  	[tilespmem:s26], [sflag:$0x2] =	stream.indirect_vreg.gather [hbm4b:s8+s3], $0x80, v2, vm0, $0xb8;
	[tilespmem:$0xC100] =	vst v63  }
0x46: {  	s28 =	simm.s32 $0x6900  }
0x47: {  	[tilespmem:s28], [sflag:$0x2] =	stream.indirect_vreg.gather [hbm4b:s9+s3], $0x80, v2, vm0, $0xb8;
	[tilespmem:$0xC100] =	vst v63  }
0x48: {  	s29 =	simm.s32 $0x7100  }
0x49: {  	[tilespmem:s29], [sflag:$0x2] =	stream.indirect_vreg.gather [hbm4b:s10+s3], $0x80, v2, vm0, $0xb8;
	[tilespmem:$0xC100] =	vst v63  }
0x4a: {  	s20 =	simm.s32 $0x7900  }
0x4b: {  	[tilespmem:s20], [sflag:$0x2] =	stream.indirect_vreg.gather [hbm4b:s11+s3], $0x80, v2, vm0, $0xb8;
	[tilespmem:$0xC100] =	vst v63  }
0x4c: {  	_ =	swait.ge [sflag:s31], $0x4000  }
0x4d: {  	[sflag:s31] =	ssyncset.done $0x0  }
0x4e: {  	s0 =	rddreg [dreg:$0x18];
	[sflag:s31] =	ssyncadd.s32 $0xFFFFC000  }
0x4f: {  	[hbm4b:s0+s3] =	stream.linear.scatter [tilespmem:s14], [sflag:$0x1], $0x4000, $0x38;
	[tilespmem:$0xC100] =	vst v63  }
0x50: {  	v2 =	vld.msk [tilespmem:$0x10], $0xff;
	_ =	sdelay $0x4  }
0x51: {  	v3 =	vshll.u32 v2, $0x4  }
0x52: {  	v2 =	vand.u32 $0x7, v2;
	v3 =	vand.u32 $0xFFFFFF80, v3  }
0x53: {  	v2 =	vor.u32 v2, v3  }
0x54: {  	v2 =	vperm.xlane v2, v0;
	_ =	sdelay $0x1  }
0x55: {  	v2 =	vadd.s32 v1, v2;
	_ =	sdelay $0x4  }
0x56: {  	[tilespmem:s30], [sflag:$0x3] =	stream.indirect_vreg.gather [hbm4b:s1+s3], $0x80, v2, vm0, $0xb8;
	[tilespmem:$0xC100] =	vst v63  }
0x57: {  	s0 =	simm.s32 $0x8900  }
0x58: {  	[tilespmem:s0], [sflag:$0x3] =	stream.indirect_vreg.gather [hbm4b:s5+s3], $0x80, v2, vm0, $0xb8;
	[tilespmem:$0xC100] =	vst v63  }
0x59: {  	s0 =	simm.s32 $0x9100  }
0x5a: {  	[tilespmem:s0], [sflag:$0x3] =	stream.indirect_vreg.gather [hbm4b:s6+s3], $0x80, v2, vm0, $0xb8;
	[tilespmem:$0xC100] =	vst v63  }
0x5b: {  	s0 =	simm.s32 $0x9900  }
0x5c: {  	[tilespmem:s0], [sflag:$0x3] =	stream.indirect_vreg.gather [hbm4b:s7+s3], $0x80, v2, vm0, $0xb8;
	[tilespmem:$0xC100] =	vst v63  }
0x5d: {  	s0 =	simm.s32 $0xA100  }
0x5e: {  	[tilespmem:s0], [sflag:$0x3] =	stream.indirect_vreg.gather [hbm4b:s8+s3], $0x80, v2, vm0, $0xb8;
	[tilespmem:$0xC100] =	vst v63  }
0x5f: {  	s0 =	simm.s32 $0xA900  }
0x60: {  	[tilespmem:s0], [sflag:$0x3] =	stream.indirect_vreg.gather [hbm4b:s9+s3], $0x80, v2, vm0, $0xb8;
	[tilespmem:$0xC100] =	vst v63  }
0x61: {  	s0 =	simm.s32 $0xB100  }
0x62: {  	[tilespmem:s0], [sflag:$0x3] =	stream.indirect_vreg.gather [hbm4b:s10+s3], $0x80, v2, vm0, $0xb8;
	[tilespmem:$0xC100] =	vst v63  }
0x63: {  	s0 =	simm.s32 $0xB900  }
0x64: {  	[tilespmem:s0], [sflag:$0x3] =	stream.indirect_vreg.gather [hbm4b:s11+s3], $0x80, v2, vm0, $0xb8;
	[tilespmem:$0xC100] =	vst v63  }
0x65: {  	_ =	swait.ge [sflag:s4], $0x4000  }
0x66: {  	[sflag:s4] =	ssyncset.done $0x0  }
0x67: {  	s0 =	rddreg [dreg:$0x5];
	[sflag:s4] =	ssyncadd.s32 $0xFFFFC000  }
0x68: {  	[hbm4b:s0+s3] =	stream.linear.scatter [tilespmem:s22], [sflag:$0x2], $0x4000, $0x38;
	[tilespmem:$0xC100] =	vst v63  }
0x69: {  	_ =	swait.ge [sflag:s31], $0x4000  }
0x6a: {  	[sflag:s31] =	ssyncset.done $0x0  }
0x6b: {  	[sflag:s31] =	ssyncadd.s32 $0xFFFFC000  }
0x6c: {  	v2 =	vld.msk [tilespmem:$0x18], $0xff;
	_ =	sdelay $0x4  }
0x6d: {  	v3 =	vshll.u32 v2, $0x4  }
0x6e: {  	v2 =	vand.u32 $0x7, v2;
	v3 =	vand.u32 $0xFFFFFF80, v3  }
0x6f: {  	v2 =	vor.u32 v2, v3  }
0x70: {  	v2 =	vperm.xlane v2, v0;
	_ =	sdelay $0x1  }
0x71: {  	v2 =	vadd.s32 v1, v2;
	_ =	sdelay $0x4  }
0x72: {  	[tilespmem:s14], [sflag:$0x1] =	stream.indirect_vreg.gather [hbm4b:s1+s3], $0x80, v2, vm0, $0xb8;
	[tilespmem:$0xC100] =	vst v63  }
0x73: {  	s2 =	simm.s32 $0x900  }
0x74: {  	[tilespmem:s2], [sflag:$0x1] =	stream.indirect_vreg.gather [hbm4b:s5+s3], $0x80, v2, vm0, $0xb8;
	[tilespmem:$0xC100] =	vst v63  }
0x75: {  	s15 =	simm.s32 $0x1100  }
0x76: {  	[tilespmem:s15], [sflag:$0x1] =	stream.indirect_vreg.gather [hbm4b:s6+s3], $0x80, v2, vm0, $0xb8;
	[tilespmem:$0xC100] =	vst v63  }
0x77: {  	s16 =	simm.s32 $0x1900  }
0x78: {  	[tilespmem:s16], [sflag:$0x1] =	stream.indirect_vreg.gather [hbm4b:s7+s3], $0x80, v2, vm0, $0xb8;
	[tilespmem:$0xC100] =	vst v63  }
0x79: {  	s17 =	simm.s32 $0x2100  }
0x7a: {  	[tilespmem:s17], [sflag:$0x1] =	stream.indirect_vreg.gather [hbm4b:s8+s3], $0x80, v2, vm0, $0xb8;
	[tilespmem:$0xC100] =	vst v63  }
0x7b: {  	s18 =	simm.s32 $0x2900  }
0x7c: {  	[tilespmem:s18], [sflag:$0x1] =	stream.indirect_vreg.gather [hbm4b:s9+s3], $0x80, v2, vm0, $0xb8;
	[tilespmem:$0xC100] =	vst v63  }
0x7d: {  	s19 =	simm.s32 $0x3100  }
0x7e: {  	[tilespmem:s19], [sflag:$0x1] =	stream.indirect_vreg.gather [hbm4b:s10+s3], $0x80, v2, vm0, $0xb8;
	[tilespmem:$0xC100] =	vst v63  }
0x7f: {  	s23 =	simm.s32 $0x3900  }
0x80: {  	[tilespmem:s23], [sflag:$0x1] =	stream.indirect_vreg.gather [hbm4b:s11+s3], $0x80, v2, vm0, $0xb8;
	[tilespmem:$0xC100] =	vst v63  }
0x81: {  	_ =	swait.ge [sflag:s13], $0x4000  }
0x82: {  	[sflag:s13] =	ssyncset.done $0x0  }
0x83: {  	s19 =	rddreg [dreg:$0x6];
	[sflag:s13] =	ssyncadd.s32 $0xFFFFC000  }
0x84: {  	[hbm4b:s19+s3] =	stream.linear.scatter [tilespmem:s30], [sflag:$0x3], $0x4000, $0x38;
	[tilespmem:$0xC100] =	vst v63  }
0x85: {  	_ =	swait.ge [sflag:s4], $0x4000  }
0x86: {  	[sflag:s4] =	ssyncset.done $0x0  }
0x87: {  	[sflag:s4] =	ssyncadd.s32 $0xFFFFC000  }
0x88: {  	v2 =	vld.msk [tilespmem:$0x20], $0xff;
	_ =	sdelay $0x4  }
0x89: {  	v3 =	vshll.u32 v2, $0x4  }
0x8a: {  	v2 =	vand.u32 $0x7, v2;
	v3 =	vand.u32 $0xFFFFFF80, v3  }
0x8b: {  	v2 =	vor.u32 v2, v3  }
0x8c: {  	v2 =	vperm.xlane v2, v0;
	_ =	sdelay $0x1  }
0x8d: {  	v2 =	vadd.s32 v1, v2;
	_ =	sdelay $0x4  }
0x8e: {  	[tilespmem:s22], [sflag:$0x2] =	stream.indirect_vreg.gather [hbm4b:s1+s3], $0x80, v2, vm0, $0xb8;
	[tilespmem:$0xC100] =	vst v63  }
0x8f: {  	s21 =	simm.s32 $0x4900  }
0x90: {  	[tilespmem:s21], [sflag:$0x2] =	stream.indirect_vreg.gather [hbm4b:s5+s3], $0x80, v2, vm0, $0xb8;
	[tilespmem:$0xC100] =	vst v63  }
0x91: {  	s24 =	simm.s32 $0x5100  }
0x92: {  	[tilespmem:s24], [sflag:$0x2] =	stream.indirect_vreg.gather [hbm4b:s6+s3], $0x80, v2, vm0, $0xb8;
	[tilespmem:$0xC100] =	vst v63  }
0x93: {  	s25 =	simm.s32 $0x5900  }
0x94: {  	[tilespmem:s25], [sflag:$0x2] =	stream.indirect_vreg.gather [hbm4b:s7+s3], $0x80, v2, vm0, $0xb8;
	[tilespmem:$0xC100] =	vst v63  }
0x95: {  	s26 =	simm.s32 $0x6100  }
0x96: {  	[tilespmem:s26], [sflag:$0x2] =	stream.indirect_vreg.gather [hbm4b:s8+s3], $0x80, v2, vm0, $0xb8;
	[tilespmem:$0xC100] =	vst v63  }
0x97: {  	s28 =	simm.s32 $0x6900  }
0x98: {  	[tilespmem:s28], [sflag:$0x2] =	stream.indirect_vreg.gather [hbm4b:s9+s3], $0x80, v2, vm0, $0xb8;
	[tilespmem:$0xC100] =	vst v63  }
0x99: {  	s29 =	simm.s32 $0x7100  }
0x9a: {  	[tilespmem:s29], [sflag:$0x2] =	stream.indirect_vreg.gather [hbm4b:s10+s3], $0x80, v2, vm0, $0xb8;
	[tilespmem:$0xC100] =	vst v63  }
0x9b: {  	s20 =	simm.s32 $0x7900  }
0x9c: {  	[tilespmem:s20], [sflag:$0x2] =	stream.indirect_vreg.gather [hbm4b:s11+s3], $0x80, v2, vm0, $0xb8;
	[tilespmem:$0xC100] =	vst v63  }
0x9d: {  	_ =	swait.ge [sflag:s31], $0x4000  }
0x9e: {  	[sflag:s31] =	ssyncset.done $0x0  }
0x9f: {  	s28 =	rddreg [dreg:$0x7];
	[sflag:s31] =	ssyncadd.s32 $0xFFFFC000  }
0xa0: {  	[hbm4b:s28+s3] =	stream.linear.scatter [tilespmem:s14], [sflag:$0x1], $0x4000, $0x38;
	[tilespmem:$0xC100] =	vst v63  }
0xa1: {  	_ =	swait.ge [sflag:s13], $0x4000  }
0xa2: {  	[sflag:s13] =	ssyncset.done $0x0  }
0xa3: {  	[sflag:s13] =	ssyncadd.s32 $0xFFFFC000  }
0xa4: {  	v2 =	vld.msk [tilespmem:$0x28], $0xff;
	_ =	sdelay $0x4  }
0xa5: {  	v3 =	vshll.u32 v2, $0x4  }
0xa6: {  	v2 =	vand.u32 $0x7, v2;
	v3 =	vand.u32 $0xFFFFFF80, v3  }
0xa7: {  	v2 =	vor.u32 v2, v3  }
0xa8: {  	v2 =	vperm.xlane v2, v0;
	_ =	sdelay $0x1  }
0xa9: {  	v2 =	vadd.s32 v1, v2;
	_ =	sdelay $0x4  }
0xaa: {  	[tilespmem:s30], [sflag:$0x3] =	stream.indirect_vreg.gather [hbm4b:s1+s3], $0x80, v2, vm0, $0xb8;
	[tilespmem:$0xC100] =	vst v63  }
0xab: {  	s29 =	simm.s32 $0x8900  }
0xac: {  	[tilespmem:s29], [sflag:$0x3] =	stream.indirect_vreg.gather [hbm4b:s5+s3], $0x80, v2, vm0, $0xb8;
	[tilespmem:$0xC100] =	vst v63  }
0xad: {  	s21 =	simm.s32 $0x9100  }
0xae: {  	[tilespmem:s21], [sflag:$0x3] =	stream.indirect_vreg.gather [hbm4b:s6+s3], $0x80, v2, vm0, $0xb8;
	[tilespmem:$0xC100] =	vst v63  }
0xaf: {  	s25 =	simm.s32 $0x9900  }
0xb0: {  	[tilespmem:s25], [sflag:$0x3] =	stream.indirect_vreg.gather [hbm4b:s7+s3], $0x80, v2, vm0, $0xb8;
	[tilespmem:$0xC100] =	vst v63  }
0xb1: {  	s26 =	simm.s32 $0xA100  }
0xb2: {  	[tilespmem:s26], [sflag:$0x3] =	stream.indirect_vreg.gather [hbm4b:s8+s3], $0x80, v2, vm0, $0xb8;
	[tilespmem:$0xC100] =	vst v63  }
0xb3: {  	s28 =	simm.s32 $0xA900  }
0xb4: {  	[tilespmem:s28], [sflag:$0x3] =	stream.indirect_vreg.gather [hbm4b:s9+s3], $0x80, v2, vm0, $0xb8;
	[tilespmem:$0xC100] =	vst v63  }
0xb5: {  	s29 =	simm.s32 $0xB100  }
0xb6: {  	[tilespmem:s29], [sflag:$0x3] =	stream.indirect_vreg.gather [hbm4b:s10+s3], $0x80, v2, vm0, $0xb8;
	[tilespmem:$0xC100] =	vst v63  }
0xb7: {  	s0 =	simm.s32 $0xB900  }
0xb8: {  	[tilespmem:s0], [sflag:$0x3] =	stream.indirect_vreg.gather [hbm4b:s11+s3], $0x80, v2, vm0, $0xb8;
	[tilespmem:$0xC100] =	vst v63  }
0xb9: {  	_ =	swait.ge [sflag:s4], $0x4000  }
0xba: {  	[sflag:s4] =	ssyncset.done $0x0  }
0xbb: {  	s0 =	rddreg [dreg:$0x8];
	[sflag:s4] =	ssyncadd.s32 $0xFFFFC000  }
0xbc: {  	[hbm4b:s0+s3] =	stream.linear.scatter [tilespmem:s22], [sflag:$0x2], $0x4000, $0x38;
	[tilespmem:$0xC100] =	vst v63  }
0xbd: {  	_ =	swait.ge [sflag:s31], $0x4000  }
0xbe: {  	[sflag:s31] =	ssyncset.done $0x0  }
0xbf: {  	[sflag:s31] =	ssyncadd.s32 $0xFFFFC000  }
0xc0: {  	v2 =	vld.msk [tilespmem:$0x30], $0xff;
	_ =	sdelay $0x4  }
0xc1: {  	v3 =	vshll.u32 v2, $0x4  }
0xc2: {  	v2 =	vand.u32 $0x7, v2;
	v3 =	vand.u32 $0xFFFFFF80, v3  }
0xc3: {  	v2 =	vor.u32 v2, v3  }
0xc4: {  	v2 =	vperm.xlane v2, v0;
	_ =	sdelay $0x1  }
0xc5: {  	v2 =	vadd.s32 v1, v2;
	_ =	sdelay $0x4  }
0xc6: {  	[tilespmem:s14], [sflag:$0x1] =	stream.indirect_vreg.gather [hbm4b:s1+s3], $0x80, v2, vm0, $0xb8;
	[tilespmem:$0xC100] =	vst v63  }
0xc7: {  	s0 =	simm.s32 $0x900  }
0xc8: {  	[tilespmem:s0], [sflag:$0x1] =	stream.indirect_vreg.gather [hbm4b:s5+s3], $0x80, v2, vm0, $0xb8;
	[tilespmem:$0xC100] =	vst v63  }
0xc9: {  	s0 =	simm.s32 $0x1100  }
0xca: {  	[tilespmem:s0], [sflag:$0x1] =	stream.indirect_vreg.gather [hbm4b:s6+s3], $0x80, v2, vm0, $0xb8;
	[tilespmem:$0xC100] =	vst v63  }
0xcb: {  	s0 =	simm.s32 $0x1900  }
0xcc: {  	[tilespmem:s0], [sflag:$0x1] =	stream.indirect_vreg.gather [hbm4b:s7+s3], $0x80, v2, vm0, $0xb8;
	[tilespmem:$0xC100] =	vst v63  }
0xcd: {  	s0 =	simm.s32 $0x2100  }
0xce: {  	[tilespmem:s0], [sflag:$0x1] =	stream.indirect_vreg.gather [hbm4b:s8+s3], $0x80, v2, vm0, $0xb8;
	[tilespmem:$0xC100] =	vst v63  }
0xcf: {  	s0 =	simm.s32 $0x2900  }
0xd0: {  	[tilespmem:s0], [sflag:$0x1] =	stream.indirect_vreg.gather [hbm4b:s9+s3], $0x80, v2, vm0, $0xb8;
	[tilespmem:$0xC100] =	vst v63  }
0xd1: {  	s0 =	simm.s32 $0x3100  }
0xd2: {  	[tilespmem:s0], [sflag:$0x1] =	stream.indirect_vreg.gather [hbm4b:s10+s3], $0x80, v2, vm0, $0xb8;
	[tilespmem:$0xC100] =	vst v63  }
0xd3: {  	s23 =	simm.s32 $0x3900  }
0xd4: {  	[tilespmem:s23], [sflag:$0x1] =	stream.indirect_vreg.gather [hbm4b:s11+s3], $0x80, v2, vm0, $0xb8;
	[tilespmem:$0xC100] =	vst v63  }
0xd5: {  	_ =	swait.ge [sflag:s13], $0x4000  }
0xd6: {  	[sflag:s13] =	ssyncset.done $0x0  }
0xd7: {  	s0 =	rddreg [dreg:$0x9];
	[sflag:s13] =	ssyncadd.s32 $0xFFFFC000  }
0xd8: {  	[hbm4b:s0+s3] =	stream.linear.scatter [tilespmem:s30], [sflag:$0x3], $0x4000, $0x38;
	[tilespmem:$0xC100] =	vst v63  }
0xd9: {  	_ =	swait.ge [sflag:s4], $0x4000  }
0xda: {  	[sflag:s4] =	ssyncset.done $0x0  }
0xdb: {  	[sflag:s4] =	ssyncadd.s32 $0xFFFFC000  }
0xdc: {  	v2 =	vld.msk [tilespmem:$0x38], $0xff;
	_ =	sdelay $0x4  }
0xdd: {  	v3 =	vshll.u32 v2, $0x4  }
0xde: {  	v2 =	vand.u32 $0x7, v2;
	v3 =	vand.u32 $0xFFFFFF80, v3  }
0xdf: {  	v2 =	vor.u32 v2, v3  }
0xe0: {  	v2 =	vperm.xlane v2, v0;
	_ =	sdelay $0x1  }
0xe1: {  	v2 =	vadd.s32 v1, v2;
	_ =	sdelay $0x4  }
0xe2: {  	[tilespmem:s22], [sflag:$0x2] =	stream.indirect_vreg.gather [hbm4b:s1+s3], $0x80, v2, vm0, $0xb8;
	[tilespmem:$0xC100] =	vst v63  }
0xe3: {  	s2 =	simm.s32 $0x4900  }
0xe4: {  	[tilespmem:s2], [sflag:$0x2] =	stream.indirect_vreg.gather [hbm4b:s5+s3], $0x80, v2, vm0, $0xb8;
	[tilespmem:$0xC100] =	vst v63  }
0xe5: {  	s15 =	simm.s32 $0x5100  }
0xe6: {  	[tilespmem:s15], [sflag:$0x2] =	stream.indirect_vreg.gather [hbm4b:s6+s3], $0x80, v2, vm0, $0xb8;
	[tilespmem:$0xC100] =	vst v63  }
0xe7: {  	s16 =	simm.s32 $0x5900  }
0xe8: {  	[tilespmem:s16], [sflag:$0x2] =	stream.indirect_vreg.gather [hbm4b:s7+s3], $0x80, v2, vm0, $0xb8;
	[tilespmem:$0xC100] =	vst v63  }
0xe9: {  	s17 =	simm.s32 $0x6100  }
0xea: {  	[tilespmem:s17], [sflag:$0x2] =	stream.indirect_vreg.gather [hbm4b:s8+s3], $0x80, v2, vm0, $0xb8;
	[tilespmem:$0xC100] =	vst v63  }
0xeb: {  	s18 =	simm.s32 $0x6900  }
0xec: {  	[tilespmem:s18], [sflag:$0x2] =	stream.indirect_vreg.gather [hbm4b:s9+s3], $0x80, v2, vm0, $0xb8;
	[tilespmem:$0xC100] =	vst v63  }
0xed: {  	s19 =	simm.s32 $0x7100  }
0xee: {  	[tilespmem:s19], [sflag:$0x2] =	stream.indirect_vreg.gather [hbm4b:s10+s3], $0x80, v2, vm0, $0xb8;
	[tilespmem:$0xC100] =	vst v63  }
0xef: {  	s20 =	simm.s32 $0x7900  }
0xf0: {  	[tilespmem:s20], [sflag:$0x2] =	stream.indirect_vreg.gather [hbm4b:s11+s3], $0x80, v2, vm0, $0xb8;
	[tilespmem:$0xC100] =	vst v63  }
0xf1: {  	_ =	swait.ge [sflag:s31], $0x4000  }
0xf2: {  	[sflag:s31] =	ssyncset.done $0x0  }
0xf3: {  	s0 =	rddreg [dreg:$0xa];
	[sflag:s31] =	ssyncadd.s32 $0xFFFFC000  }
0xf4: {  	[hbm4b:s0+s3] =	stream.linear.scatter [tilespmem:s14], [sflag:$0x1], $0x4000, $0x38;
	[tilespmem:$0xC100] =	vst v63  }
0xf5: {  	_ =	swait.ge [sflag:s13], $0x4000  }
0xf6: {  	[sflag:s13] =	ssyncset.done $0x0  }
0xf7: {  	[sflag:s13] =	ssyncadd.s32 $0xFFFFC000  }
0xf8: {  	v2 =	vld.msk [tilespmem:$0x40], $0xff;
	_ =	sdelay $0x4  }
0xf9: {  	v3 =	vshll.u32 v2, $0x4  }
0xfa: {  	v2 =	vand.u32 $0x7, v2;
	v3 =	vand.u32 $0xFFFFFF80, v3  }
0xfb: {  	v2 =	vor.u32 v2, v3  }
0xfc: {  	v2 =	vperm.xlane v2, v0;
	_ =	sdelay $0x1  }
0xfd: {  	v2 =	vadd.s32 v1, v2;
	_ =	sdelay $0x4  }
0xfe: {  	[tilespmem:s30], [sflag:$0x3] =	stream.indirect_vreg.gather [hbm4b:s1+s3], $0x80, v2, vm0, $0xb8;
	[tilespmem:$0xC100] =	vst v63  }
0xff: {  	s24 =	simm.s32 $0x8900  }
0x100: {  	[tilespmem:s24], [sflag:$0x3] =	stream.indirect_vreg.gather [hbm4b:s5+s3], $0x80, v2, vm0, $0xb8;
	[tilespmem:$0xC100] =	vst v63  }
0x101: {  	s21 =	simm.s32 $0x9100  }
0x102: {  	[tilespmem:s21], [sflag:$0x3] =	stream.indirect_vreg.gather [hbm4b:s6+s3], $0x80, v2, vm0, $0xb8;
	[tilespmem:$0xC100] =	vst v63  }
0x103: {  	s25 =	simm.s32 $0x9900  }
0x104: {  	[tilespmem:s25], [sflag:$0x3] =	stream.indirect_vreg.gather [hbm4b:s7+s3], $0x80, v2, vm0, $0xb8;
	[tilespmem:$0xC100] =	vst v63  }
0x105: {  	s26 =	simm.s32 $0xA100  }
0x106: {  	[tilespmem:s26], [sflag:$0x3] =	stream.indirect_vreg.gather [hbm4b:s8+s3], $0x80, v2, vm0, $0xb8;
	[tilespmem:$0xC100] =	vst v63  }
0x107: {  	s28 =	simm.s32 $0xA900  }
0x108: {  	[tilespmem:s28], [sflag:$0x3] =	stream.indirect_vreg.gather [hbm4b:s9+s3], $0x80, v2, vm0, $0xb8;
	[tilespmem:$0xC100] =	vst v63  }
0x109: {  	s29 =	simm.s32 $0xB100  }
0x10a: {  	[tilespmem:s29], [sflag:$0x3] =	stream.indirect_vreg.gather [hbm4b:s10+s3], $0x80, v2, vm0, $0xb8;
	[tilespmem:$0xC100] =	vst v63  }
0x10b: {  	s0 =	simm.s32 $0xB900  }
0x10c: {  	[tilespmem:s0], [sflag:$0x3] =	stream.indirect_vreg.gather [hbm4b:s11+s3], $0x80, v2, vm0, $0xb8;
	[tilespmem:$0xC100] =	vst v63  }
0x10d: {  	_ =	swait.ge [sflag:s4], $0x4000  }
0x10e: {  	[sflag:s4] =	ssyncset.done $0x0  }
0x10f: {  	s0 =	rddreg [dreg:$0xb];
	[sflag:s4] =	ssyncadd.s32 $0xFFFFC000  }
0x110: {  	[hbm4b:s0+s3] =	stream.linear.scatter [tilespmem:s22], [sflag:$0x2], $0x4000, $0x38;
	[tilespmem:$0xC100] =	vst v63  }
0x111: {  	_ =	swait.ge [sflag:s31], $0x4000  }
0x112: {  	[sflag:s31] =	ssyncset.done $0x0  }
0x113: {  	[sflag:s31] =	ssyncadd.s32 $0xFFFFC000  }
0x114: {  	v2 =	vld.msk [tilespmem:$0x48], $0xff;
	_ =	sdelay $0x4  }
0x115: {  	v3 =	vshll.u32 v2, $0x4  }
0x116: {  	v2 =	vand.u32 $0x7, v2;
	v3 =	vand.u32 $0xFFFFFF80, v3  }
0x117: {  	v2 =	vor.u32 v2, v3  }
0x118: {  	v2 =	vperm.xlane v2, v0;
	_ =	sdelay $0x1  }
0x119: {  	v2 =	vadd.s32 v1, v2;
	_ =	sdelay $0x4  }
0x11a: {  	[tilespmem:s14], [sflag:$0x1] =	stream.indirect_vreg.gather [hbm4b:s1+s3], $0x80, v2, vm0, $0xb8;
	[tilespmem:$0xC100] =	vst v63  }
0x11b: {  	s0 =	simm.s32 $0x900  }
0x11c: {  	[tilespmem:s0], [sflag:$0x1] =	stream.indirect_vreg.gather [hbm4b:s5+s3], $0x80, v2, vm0, $0xb8;
	[tilespmem:$0xC100] =	vst v63  }
0x11d: {  	s0 =	simm.s32 $0x1100  }
0x11e: {  	[tilespmem:s0], [sflag:$0x1] =	stream.indirect_vreg.gather [hbm4b:s6+s3], $0x80, v2, vm0, $0xb8;
	[tilespmem:$0xC100] =	vst v63  }
0x11f: {  	s0 =	simm.s32 $0x1900  }
0x120: {  	[tilespmem:s0], [sflag:$0x1] =	stream.indirect_vreg.gather [hbm4b:s7+s3], $0x80, v2, vm0, $0xb8;
	[tilespmem:$0xC100] =	vst v63  }
0x121: {  	s0 =	simm.s32 $0x2100  }
0x122: {  	[tilespmem:s0], [sflag:$0x1] =	stream.indirect_vreg.gather [hbm4b:s8+s3], $0x80, v2, vm0, $0xb8;
	[tilespmem:$0xC100] =	vst v63  }
0x123: {  	s0 =	simm.s32 $0x2900  }
0x124: {  	[tilespmem:s0], [sflag:$0x1] =	stream.indirect_vreg.gather [hbm4b:s9+s3], $0x80, v2, vm0, $0xb8;
	[tilespmem:$0xC100] =	vst v63  }
0x125: {  	s0 =	simm.s32 $0x3100  }
0x126: {  	[tilespmem:s0], [sflag:$0x1] =	stream.indirect_vreg.gather [hbm4b:s10+s3], $0x80, v2, vm0, $0xb8;
	[tilespmem:$0xC100] =	vst v63  }
0x127: {  	s23 =	simm.s32 $0x3900  }
0x128: {  	[tilespmem:s23], [sflag:$0x1] =	stream.indirect_vreg.gather [hbm4b:s11+s3], $0x80, v2, vm0, $0xb8;
	[tilespmem:$0xC100] =	vst v63  }
0x129: {  	_ =	swait.ge [sflag:s13], $0x4000  }
0x12a: {  	[sflag:s13] =	ssyncset.done $0x0  }
0x12b: {  	s0 =	rddreg [dreg:$0xc];
	[sflag:s13] =	ssyncadd.s32 $0xFFFFC000  }
0x12c: {  	[hbm4b:s0+s3] =	stream.linear.scatter [tilespmem:s30], [sflag:$0x3], $0x4000, $0x38;
	[tilespmem:$0xC100] =	vst v63  }
0x12d: {  	_ =	swait.ge [sflag:s4], $0x4000  }
0x12e: {  	[sflag:s4] =	ssyncset.done $0x0  }
0x12f: {  	[sflag:s4] =	ssyncadd.s32 $0xFFFFC000  }
0x130: {  	v2 =	vld.msk [tilespmem:$0x50], $0xff;
	_ =	sdelay $0x4  }
0x131: {  	v3 =	vshll.u32 v2, $0x4  }
0x132: {  	v2 =	vand.u32 $0x7, v2;
	v3 =	vand.u32 $0xFFFFFF80, v3  }
0x133: {  	v2 =	vor.u32 v2, v3  }
0x134: {  	v2 =	vperm.xlane v2, v0;
	_ =	sdelay $0x1  }
0x135: {  	v2 =	vadd.s32 v1, v2;
	_ =	sdelay $0x4  }
0x136: {  	[tilespmem:s22], [sflag:$0x2] =	stream.indirect_vreg.gather [hbm4b:s1+s3], $0x80, v2, vm0, $0xb8;
	[tilespmem:$0xC100] =	vst v63  }
0x137: {  	s2 =	simm.s32 $0x4900  }
0x138: {  	[tilespmem:s2], [sflag:$0x2] =	stream.indirect_vreg.gather [hbm4b:s5+s3], $0x80, v2, vm0, $0xb8;
	[tilespmem:$0xC100] =	vst v63  }
0x139: {  	s15 =	simm.s32 $0x5100  }
0x13a: {  	[tilespmem:s15], [sflag:$0x2] =	stream.indirect_vreg.gather [hbm4b:s6+s3], $0x80, v2, vm0, $0xb8;
	[tilespmem:$0xC100] =	vst v63  }
0x13b: {  	s16 =	simm.s32 $0x5900  }
0x13c: {  	[tilespmem:s16], [sflag:$0x2] =	stream.indirect_vreg.gather [hbm4b:s7+s3], $0x80, v2, vm0, $0xb8;
	[tilespmem:$0xC100] =	vst v63  }
0x13d: {  	s17 =	simm.s32 $0x6100  }
0x13e: {  	[tilespmem:s17], [sflag:$0x2] =	stream.indirect_vreg.gather [hbm4b:s8+s3], $0x80, v2, vm0, $0xb8;
	[tilespmem:$0xC100] =	vst v63  }
0x13f: {  	s18 =	simm.s32 $0x6900  }
0x140: {  	[tilespmem:s18], [sflag:$0x2] =	stream.indirect_vreg.gather [hbm4b:s9+s3], $0x80, v2, vm0, $0xb8;
	[tilespmem:$0xC100] =	vst v63  }
0x141: {  	s19 =	simm.s32 $0x7100  }
0x142: {  	[tilespmem:s19], [sflag:$0x2] =	stream.indirect_vreg.gather [hbm4b:s10+s3], $0x80, v2, vm0, $0xb8;
	[tilespmem:$0xC100] =	vst v63  }
0x143: {  	s20 =	simm.s32 $0x7900  }
0x144: {  	[tilespmem:s20], [sflag:$0x2] =	stream.indirect_vreg.gather [hbm4b:s11+s3], $0x80, v2, vm0, $0xb8;
	[tilespmem:$0xC100] =	vst v63  }
0x145: {  	_ =	swait.ge [sflag:s31], $0x4000  }
0x146: {  	[sflag:s31] =	ssyncset.done $0x0  }
0x147: {  	s0 =	rddreg [dreg:$0xd];
	[sflag:s31] =	ssyncadd.s32 $0xFFFFC000  }
0x148: {  	[hbm4b:s0+s3] =	stream.linear.scatter [tilespmem:s14], [sflag:$0x1], $0x4000, $0x38;
	[tilespmem:$0xC100] =	vst v63  }
0x149: {  	_ =	swait.ge [sflag:s13], $0x4000  }
0x14a: {  	[sflag:s13] =	ssyncset.done $0x0  }
0x14b: {  	[sflag:s13] =	ssyncadd.s32 $0xFFFFC000  }
0x14c: {  	v2 =	vld.msk [tilespmem:$0x58], $0xff;
	_ =	sdelay $0x4  }
0x14d: {  	v3 =	vshll.u32 v2, $0x4  }
0x14e: {  	v2 =	vand.u32 $0x7, v2;
	v3 =	vand.u32 $0xFFFFFF80, v3  }
0x14f: {  	v2 =	vor.u32 v2, v3  }
0x150: {  	v2 =	vperm.xlane v2, v0;
	_ =	sdelay $0x1  }
0x151: {  	v2 =	vadd.s32 v1, v2;
	_ =	sdelay $0x4  }
0x152: {  	[tilespmem:s30], [sflag:$0x3] =	stream.indirect_vreg.gather [hbm4b:s1+s3], $0x80, v2, vm0, $0xb8;
	[tilespmem:$0xC100] =	vst v63  }
0x153: {  	s24 =	simm.s32 $0x8900  }
0x154: {  	[tilespmem:s24], [sflag:$0x3] =	stream.indirect_vreg.gather [hbm4b:s5+s3], $0x80, v2, vm0, $0xb8;
	[tilespmem:$0xC100] =	vst v63  }
0x155: {  	s21 =	simm.s32 $0x9100  }
0x156: {  	[tilespmem:s21], [sflag:$0x3] =	stream.indirect_vreg.gather [hbm4b:s6+s3], $0x80, v2, vm0, $0xb8;
	[tilespmem:$0xC100] =	vst v63  }
0x157: {  	s25 =	simm.s32 $0x9900  }
0x158: {  	[tilespmem:s25], [sflag:$0x3] =	stream.indirect_vreg.gather [hbm4b:s7+s3], $0x80, v2, vm0, $0xb8;
	[tilespmem:$0xC100] =	vst v63  }
0x159: {  	s26 =	simm.s32 $0xA100  }
0x15a: {  	[tilespmem:s26], [sflag:$0x3] =	stream.indirect_vreg.gather [hbm4b:s8+s3], $0x80, v2, vm0, $0xb8;
	[tilespmem:$0xC100] =	vst v63  }
0x15b: {  	s28 =	simm.s32 $0xA900  }
0x15c: {  	[tilespmem:s28], [sflag:$0x3] =	stream.indirect_vreg.gather [hbm4b:s9+s3], $0x80, v2, vm0, $0xb8;
	[tilespmem:$0xC100] =	vst v63  }
0x15d: {  	s29 =	simm.s32 $0xB100  }
0x15e: {  	[tilespmem:s29], [sflag:$0x3] =	stream.indirect_vreg.gather [hbm4b:s10+s3], $0x80, v2, vm0, $0xb8;
	[tilespmem:$0xC100] =	vst v63  }
0x15f: {  	s0 =	simm.s32 $0xB900  }
0x160: {  	[tilespmem:s0], [sflag:$0x3] =	stream.indirect_vreg.gather [hbm4b:s11+s3], $0x80, v2, vm0, $0xb8;
	[tilespmem:$0xC100] =	vst v63  }
0x161: {  	_ =	swait.ge [sflag:s4], $0x4000  }
0x162: {  	[sflag:s4] =	ssyncset.done $0x0  }
0x163: {  	s0 =	rddreg [dreg:$0xe];
	[sflag:s4] =	ssyncadd.s32 $0xFFFFC000  }
0x164: {  	[hbm4b:s0+s3] =	stream.linear.scatter [tilespmem:s22], [sflag:$0x2], $0x4000, $0x38;
	[tilespmem:$0xC100] =	vst v63  }
0x165: {  	_ =	swait.ge [sflag:s31], $0x4000  }
0x166: {  	[sflag:s31] =	ssyncset.done $0x0  }
0x167: {  	[sflag:s31] =	ssyncadd.s32 $0xFFFFC000  }
0x168: {  	v2 =	vld.msk [tilespmem:$0x60], $0xff;
	_ =	sdelay $0x4  }
0x169: {  	v3 =	vshll.u32 v2, $0x4  }
0x16a: {  	v2 =	vand.u32 $0x7, v2;
	v3 =	vand.u32 $0xFFFFFF80, v3  }
0x16b: {  	v2 =	vor.u32 v2, v3  }
0x16c: {  	v2 =	vperm.xlane v2, v0;
	_ =	sdelay $0x1  }
0x16d: {  	v2 =	vadd.s32 v1, v2;
	_ =	sdelay $0x4  }
0x16e: {  	[tilespmem:s14], [sflag:$0x1] =	stream.indirect_vreg.gather [hbm4b:s1+s3], $0x80, v2, vm0, $0xb8;
	[tilespmem:$0xC100] =	vst v63  }
0x16f: {  	s0 =	simm.s32 $0x900  }
0x170: {  	[tilespmem:s0], [sflag:$0x1] =	stream.indirect_vreg.gather [hbm4b:s5+s3], $0x80, v2, vm0, $0xb8;
	[tilespmem:$0xC100] =	vst v63  }
0x171: {  	s0 =	simm.s32 $0x1100  }
0x172: {  	[tilespmem:s0], [sflag:$0x1] =	stream.indirect_vreg.gather [hbm4b:s6+s3], $0x80, v2, vm0, $0xb8;
	[tilespmem:$0xC100] =	vst v63  }
0x173: {  	s0 =	simm.s32 $0x1900  }
0x174: {  	[tilespmem:s0], [sflag:$0x1] =	stream.indirect_vreg.gather [hbm4b:s7+s3], $0x80, v2, vm0, $0xb8;
	[tilespmem:$0xC100] =	vst v63  }
0x175: {  	s0 =	simm.s32 $0x2100  }
0x176: {  	[tilespmem:s0], [sflag:$0x1] =	stream.indirect_vreg.gather [hbm4b:s8+s3], $0x80, v2, vm0, $0xb8;
	[tilespmem:$0xC100] =	vst v63  }
0x177: {  	s0 =	simm.s32 $0x2900  }
0x178: {  	[tilespmem:s0], [sflag:$0x1] =	stream.indirect_vreg.gather [hbm4b:s9+s3], $0x80, v2, vm0, $0xb8;
	[tilespmem:$0xC100] =	vst v63  }
0x179: {  	s0 =	simm.s32 $0x3100  }
0x17a: {  	[tilespmem:s0], [sflag:$0x1] =	stream.indirect_vreg.gather [hbm4b:s10+s3], $0x80, v2, vm0, $0xb8;
	[tilespmem:$0xC100] =	vst v63  }
0x17b: {  	s23 =	simm.s32 $0x3900  }
0x17c: {  	[tilespmem:s23], [sflag:$0x1] =	stream.indirect_vreg.gather [hbm4b:s11+s3], $0x80, v2, vm0, $0xb8;
	[tilespmem:$0xC100] =	vst v63  }
0x17d: {  	_ =	swait.ge [sflag:s13], $0x4000  }
0x17e: {  	[sflag:s13] =	ssyncset.done $0x0  }
0x17f: {  	s23 =	rddreg [dreg:$0xf];
	[sflag:s13] =	ssyncadd.s32 $0xFFFFC000  }
0x180: {  	[hbm4b:s23+s3] =	stream.linear.scatter [tilespmem:s30], [sflag:$0x3], $0x4000, $0x38;
	[tilespmem:$0xC100] =	vst v63  }
0x181: {  	_ =	swait.ge [sflag:s4], $0x4000  }
0x182: {  	[sflag:s4] =	ssyncset.done $0x0  }
0x183: {  	[sflag:s4] =	ssyncadd.s32 $0xFFFFC000  }
0x184: {  	v2 =	vld.msk [tilespmem:$0x68], $0xff;
	_ =	sdelay $0x4  }
0x185: {  	v3 =	vshll.u32 v2, $0x4  }
0x186: {  	v2 =	vand.u32 $0x7, v2;
	v3 =	vand.u32 $0xFFFFFF80, v3  }
0x187: {  	v2 =	vor.u32 v2, v3  }
0x188: {  	v2 =	vperm.xlane v2, v0;
	_ =	sdelay $0x1  }
0x189: {  	v2 =	vadd.s32 v1, v2;
	_ =	sdelay $0x4  }
0x18a: {  	[tilespmem:s22], [sflag:$0x2] =	stream.indirect_vreg.gather [hbm4b:s1+s3], $0x80, v2, vm0, $0xb8;
	[tilespmem:$0xC100] =	vst v63  }
0x18b: {  	s2 =	simm.s32 $0x4900  }
0x18c: {  	[tilespmem:s2], [sflag:$0x2] =	stream.indirect_vreg.gather [hbm4b:s5+s3], $0x80, v2, vm0, $0xb8;
	[tilespmem:$0xC100] =	vst v63  }
0x18d: {  	s15 =	simm.s32 $0x5100  }
0x18e: {  	[tilespmem:s15], [sflag:$0x2] =	stream.indirect_vreg.gather [hbm4b:s6+s3], $0x80, v2, vm0, $0xb8;
	[tilespmem:$0xC100] =	vst v63  }
0x18f: {  	s16 =	simm.s32 $0x5900  }
0x190: {  	[tilespmem:s16], [sflag:$0x2] =	stream.indirect_vreg.gather [hbm4b:s7+s3], $0x80, v2, vm0, $0xb8;
	[tilespmem:$0xC100] =	vst v63  }
0x191: {  	s17 =	simm.s32 $0x6100  }
0x192: {  	[tilespmem:s17], [sflag:$0x2] =	stream.indirect_vreg.gather [hbm4b:s8+s3], $0x80, v2, vm0, $0xb8;
	[tilespmem:$0xC100] =	vst v63  }
0x193: {  	s18 =	simm.s32 $0x6900  }
0x194: {  	[tilespmem:s18], [sflag:$0x2] =	stream.indirect_vreg.gather [hbm4b:s9+s3], $0x80, v2, vm0, $0xb8;
	[tilespmem:$0xC100] =	vst v63  }
0x195: {  	s19 =	simm.s32 $0x7100  }
0x196: {  	[tilespmem:s19], [sflag:$0x2] =	stream.indirect_vreg.gather [hbm4b:s10+s3], $0x80, v2, vm0, $0xb8;
	[tilespmem:$0xC100] =	vst v63  }
0x197: {  	s20 =	simm.s32 $0x7900  }
0x198: {  	[tilespmem:s20], [sflag:$0x2] =	stream.indirect_vreg.gather [hbm4b:s11+s3], $0x80, v2, vm0, $0xb8;
	[tilespmem:$0xC100] =	vst v63  }
0x199: {  	_ =	swait.ge [sflag:s31], $0x4000  }
0x19a: {  	[sflag:s31] =	ssyncset.done $0x0  }
0x19b: {  	s23 =	rddreg [dreg:$0x10];
	[sflag:s31] =	ssyncadd.s32 $0xFFFFC000  }
0x19c: {  	[hbm4b:s23+s3] =	stream.linear.scatter [tilespmem:s14], [sflag:$0x1], $0x4000, $0x38;
	[tilespmem:$0xC100] =	vst v63  }
0x19d: {  	_ =	swait.ge [sflag:s13], $0x4000  }
0x19e: {  	[sflag:s13] =	ssyncset.done $0x0  }
0x19f: {  	[sflag:s13] =	ssyncadd.s32 $0xFFFFC000  }
0x1a0: {  	v2 =	vld.msk [tilespmem:$0x70], $0xff;
	_ =	sdelay $0x4  }
0x1a1: {  	v3 =	vshll.u32 v2, $0x4  }
0x1a2: {  	v2 =	vand.u32 $0x7, v2;
	v3 =	vand.u32 $0xFFFFFF80, v3  }
0x1a3: {  	v2 =	vor.u32 v2, v3  }
0x1a4: {  	v2 =	vperm.xlane v2, v0;
	_ =	sdelay $0x1  }
0x1a5: {  	v2 =	vadd.s32 v1, v2;
	_ =	sdelay $0x4  }
0x1a6: {  	[tilespmem:s30], [sflag:$0x3] =	stream.indirect_vreg.gather [hbm4b:s1+s3], $0x80, v2, vm0, $0xb8;
	[tilespmem:$0xC100] =	vst v63  }
0x1a7: {  	s24 =	simm.s32 $0x8900  }
0x1a8: {  	[tilespmem:s24], [sflag:$0x3] =	stream.indirect_vreg.gather [hbm4b:s5+s3], $0x80, v2, vm0, $0xb8;
	[tilespmem:$0xC100] =	vst v63  }
0x1a9: {  	s21 =	simm.s32 $0x9100  }
0x1aa: {  	[tilespmem:s21], [sflag:$0x3] =	stream.indirect_vreg.gather [hbm4b:s6+s3], $0x80, v2, vm0, $0xb8;
	[tilespmem:$0xC100] =	vst v63  }
0x1ab: {  	s25 =	simm.s32 $0x9900  }
0x1ac: {  	[tilespmem:s25], [sflag:$0x3] =	stream.indirect_vreg.gather [hbm4b:s7+s3], $0x80, v2, vm0, $0xb8;
	[tilespmem:$0xC100] =	vst v63  }
0x1ad: {  	s26 =	simm.s32 $0xA100  }
0x1ae: {  	[tilespmem:s26], [sflag:$0x3] =	stream.indirect_vreg.gather [hbm4b:s8+s3], $0x80, v2, vm0, $0xb8;
	[tilespmem:$0xC100] =	vst v63  }
0x1af: {  	s28 =	simm.s32 $0xA900  }
0x1b0: {  	[tilespmem:s28], [sflag:$0x3] =	stream.indirect_vreg.gather [hbm4b:s9+s3], $0x80, v2, vm0, $0xb8;
	[tilespmem:$0xC100] =	vst v63  }
0x1b1: {  	s29 =	simm.s32 $0xB100  }
0x1b2: {  	[tilespmem:s29], [sflag:$0x3] =	stream.indirect_vreg.gather [hbm4b:s10+s3], $0x80, v2, vm0, $0xb8;
	[tilespmem:$0xC100] =	vst v63  }
0x1b3: {  	s29 =	simm.s32 $0xB900  }
0x1b4: {  	[tilespmem:s29], [sflag:$0x3] =	stream.indirect_vreg.gather [hbm4b:s11+s3], $0x80, v2, vm0, $0xb8;
	[tilespmem:$0xC100] =	vst v63  }
0x1b5: {  	_ =	swait.ge [sflag:s4], $0x4000  }
0x1b6: {  	[sflag:s4] =	ssyncset.done $0x0  }
0x1b7: {  	s28 =	rddreg [dreg:$0x11];
	[sflag:s4] =	ssyncadd.s32 $0xFFFFC000  }
0x1b8: {  	[hbm4b:s28+s3] =	stream.linear.scatter [tilespmem:s22], [sflag:$0x2], $0x4000, $0x38;
	[tilespmem:$0xC100] =	vst v63  }
0x1b9: {  	_ =	swait.ge [sflag:s31], $0x4000  }
0x1ba: {  	[sflag:s31] =	ssyncset.done $0x0  }
0x1bb: {  	[sflag:s31] =	ssyncadd.s32 $0xFFFFC000  }
0x1bc: {  	v2 =	vld.msk [tilespmem:$0x78], $0xff;
	_ =	sdelay $0x4  }
0x1bd: {  	v3 =	vshll.u32 v2, $0x4  }
0x1be: {  	v2 =	vand.u32 $0x7, v2;
	v3 =	vand.u32 $0xFFFFFF80, v3  }
0x1bf: {  	v2 =	vor.u32 v2, v3  }
0x1c0: {  	v2 =	vperm.xlane v2, v0;
	_ =	sdelay $0x1  }
0x1c1: {  	v2 =	vadd.s32 v1, v2;
	_ =	sdelay $0x4  }
0x1c2: {  	[tilespmem:s14], [sflag:$0x1] =	stream.indirect_vreg.gather [hbm4b:s1+s3], $0x80, v2, vm0, $0xb8;
	[tilespmem:$0xC100] =	vst v63  }
0x1c3: {  	s29 =	simm.s32 $0x900  }
0x1c4: {  	[tilespmem:s29], [sflag:$0x1] =	stream.indirect_vreg.gather [hbm4b:s5+s3], $0x80, v2, vm0, $0xb8;
	[tilespmem:$0xC100] =	vst v63  }
0x1c5: {  	s28 =	simm.s32 $0x1100  }
0x1c6: {  	[tilespmem:s28], [sflag:$0x1] =	stream.indirect_vreg.gather [hbm4b:s6+s3], $0x80, v2, vm0, $0xb8;
	[tilespmem:$0xC100] =	vst v63  }
0x1c7: {  	s28 =	simm.s32 $0x1900  }
0x1c8: {  	[tilespmem:s28], [sflag:$0x1] =	stream.indirect_vreg.gather [hbm4b:s7+s3], $0x80, v2, vm0, $0xb8;
	[tilespmem:$0xC100] =	vst v63  }
0x1c9: {  	s28 =	simm.s32 $0x2100  }
0x1ca: {  	[tilespmem:s28], [sflag:$0x1] =	stream.indirect_vreg.gather [hbm4b:s8+s3], $0x80, v2, vm0, $0xb8;
	[tilespmem:$0xC100] =	vst v63  }
0x1cb: {  	s28 =	simm.s32 $0x2900  }
0x1cc: {  	[tilespmem:s28], [sflag:$0x1] =	stream.indirect_vreg.gather [hbm4b:s9+s3], $0x80, v2, vm0, $0xb8;
	[tilespmem:$0xC100] =	vst v63  }
0x1cd: {  	s28 =	simm.s32 $0x3100  }
0x1ce: {  	[tilespmem:s28], [sflag:$0x1] =	stream.indirect_vreg.gather [hbm4b:s10+s3], $0x80, v2, vm0, $0xb8;
	[tilespmem:$0xC100] =	vst v63  }
0x1cf: {  	s28 =	simm.s32 $0x3900  }
0x1d0: {  	[tilespmem:s28], [sflag:$0x1] =	stream.indirect_vreg.gather [hbm4b:s11+s3], $0x80, v2, vm0, $0xb8;
	[tilespmem:$0xC100] =	vst v63  }
0x1d1: {  	_ =	swait.ge [sflag:s13], $0x4000  }
0x1d2: {  	[sflag:s13] =	ssyncset.done $0x0  }
0x1d3: {  	s28 =	rddreg [dreg:$0x12];
	[sflag:s13] =	ssyncadd.s32 $0xFFFFC000  }
0x1d4: {  	[hbm4b:s28+s3] =	stream.linear.scatter [tilespmem:s30], [sflag:$0x3], $0x4000, $0x38;
	[tilespmem:$0xC100] =	vst v63  }
0x1d5: {  	_ =	swait.ge [sflag:s4], $0x4000  }
0x1d6: {  	[sflag:s4] =	ssyncset.done $0x0  }
0x1d7: {  	[sflag:s4] =	ssyncadd.s32 $0xFFFFC000  }
0x1d8: {  	v2 =	vld.msk [tilespmem:$0x80], $0xff;
	_ =	sdelay $0x4  }
0x1d9: {  	v3 =	vshll.u32 v2, $0x4  }
0x1da: {  	v2 =	vand.u32 $0x7, v2;
	v3 =	vand.u32 $0xFFFFFF80, v3  }
0x1db: {  	v2 =	vor.u32 v2, v3  }
0x1dc: {  	v2 =	vperm.xlane v2, v0;
	_ =	sdelay $0x1  }
0x1dd: {  	v2 =	vadd.s32 v1, v2;
	_ =	sdelay $0x4  }
0x1de: {  	[tilespmem:s22], [sflag:$0x2] =	stream.indirect_vreg.gather [hbm4b:s1+s3], $0x80, v2, vm0, $0xb8;
	[tilespmem:$0xC100] =	vst v63  }
0x1df: {  	s2 =	simm.s32 $0x4900  }
0x1e0: {  	[tilespmem:s2], [sflag:$0x2] =	stream.indirect_vreg.gather [hbm4b:s5+s3], $0x80, v2, vm0, $0xb8;
	[tilespmem:$0xC100] =	vst v63  }
0x1e1: {  	s15 =	simm.s32 $0x5100  }
0x1e2: {  	[tilespmem:s15], [sflag:$0x2] =	stream.indirect_vreg.gather [hbm4b:s6+s3], $0x80, v2, vm0, $0xb8;
	[tilespmem:$0xC100] =	vst v63  }
0x1e3: {  	s16 =	simm.s32 $0x5900  }
0x1e4: {  	[tilespmem:s16], [sflag:$0x2] =	stream.indirect_vreg.gather [hbm4b:s7+s3], $0x80, v2, vm0, $0xb8;
	[tilespmem:$0xC100] =	vst v63  }
0x1e5: {  	s17 =	simm.s32 $0x6100  }
0x1e6: {  	[tilespmem:s17], [sflag:$0x2] =	stream.indirect_vreg.gather [hbm4b:s8+s3], $0x80, v2, vm0, $0xb8;
	[tilespmem:$0xC100] =	vst v63  }
0x1e7: {  	s18 =	simm.s32 $0x6900  }
0x1e8: {  	[tilespmem:s18], [sflag:$0x2] =	stream.indirect_vreg.gather [hbm4b:s9+s3], $0x80, v2, vm0, $0xb8;
	[tilespmem:$0xC100] =	vst v63  }
0x1e9: {  	s19 =	simm.s32 $0x7100  }
0x1ea: {  	[tilespmem:s19], [sflag:$0x2] =	stream.indirect_vreg.gather [hbm4b:s10+s3], $0x80, v2, vm0, $0xb8;
	[tilespmem:$0xC100] =	vst v63  }
0x1eb: {  	s19 =	simm.s32 $0x7900  }
0x1ec: {  	[tilespmem:s19], [sflag:$0x2] =	stream.indirect_vreg.gather [hbm4b:s11+s3], $0x80, v2, vm0, $0xb8;
	[tilespmem:$0xC100] =	vst v63  }
0x1ed: {  	_ =	swait.ge [sflag:s31], $0x4000  }
0x1ee: {  	[sflag:s31] =	ssyncset.done $0x0  }
0x1ef: {  	s0 =	rddreg [dreg:$0x13];
	[sflag:s31] =	ssyncadd.s32 $0xFFFFC000  }
0x1f0: {  	[hbm4b:s0+s3] =	stream.linear.scatter [tilespmem:s14], [sflag:$0x1], $0x4000, $0x38;
	[tilespmem:$0xC100] =	vst v63  }
0x1f1: {  	_ =	swait.ge [sflag:s13], $0x4000  }
0x1f2: {  	[sflag:s13] =	ssyncset.done $0x0  }
0x1f3: {  	[sflag:s13] =	ssyncadd.s32 $0xFFFFC000  }
0x1f4: {  	v2 =	vld.msk [tilespmem:$0x88], $0xff;
	_ =	sdelay $0x4  }
0x1f5: {  	v3 =	vshll.u32 v2, $0x4  }
0x1f6: {  	v2 =	vand.u32 $0x7, v2;
	v3 =	vand.u32 $0xFFFFFF80, v3  }
0x1f7: {  	v2 =	vor.u32 v2, v3  }
0x1f8: {  	v2 =	vperm.xlane v2, v0;
	_ =	sdelay $0x1  }
0x1f9: {  	v2 =	vadd.s32 v1, v2;
	_ =	sdelay $0x4  }
0x1fa: {  	[tilespmem:s30], [sflag:$0x3] =	stream.indirect_vreg.gather [hbm4b:s1+s3], $0x80, v2, vm0, $0xb8;
	[tilespmem:$0xC100] =	vst v63  }
0x1fb: {  	s23 =	simm.s32 $0x8900  }
0x1fc: {  	[tilespmem:s23], [sflag:$0x3] =	stream.indirect_vreg.gather [hbm4b:s5+s3], $0x80, v2, vm0, $0xb8;
	[tilespmem:$0xC100] =	vst v63  }
0x1fd: {  	s20 =	simm.s32 $0x9100  }
0x1fe: {  	[tilespmem:s20], [sflag:$0x3] =	stream.indirect_vreg.gather [hbm4b:s6+s3], $0x80, v2, vm0, $0xb8;
	[tilespmem:$0xC100] =	vst v63  }
0x1ff: {  	s21 =	simm.s32 $0x9900  }
0x200: {  	[tilespmem:s21], [sflag:$0x3] =	stream.indirect_vreg.gather [hbm4b:s7+s3], $0x80, v2, vm0, $0xb8;
	[tilespmem:$0xC100] =	vst v63  }
0x201: {  	s24 =	simm.s32 $0xA100  }
0x202: {  	[tilespmem:s24], [sflag:$0x3] =	stream.indirect_vreg.gather [hbm4b:s8+s3], $0x80, v2, vm0, $0xb8;
	[tilespmem:$0xC100] =	vst v63  }
0x203: {  	s25 =	simm.s32 $0xA900  }
0x204: {  	[tilespmem:s25], [sflag:$0x3] =	stream.indirect_vreg.gather [hbm4b:s9+s3], $0x80, v2, vm0, $0xb8;
	[tilespmem:$0xC100] =	vst v63  }
0x205: {  	s26 =	simm.s32 $0xB100  }
0x206: {  	[tilespmem:s26], [sflag:$0x3] =	stream.indirect_vreg.gather [hbm4b:s10+s3], $0x80, v2, vm0, $0xb8;
	[tilespmem:$0xC100] =	vst v63  }
0x207: {  	s25 =	simm.s32 $0xB900  }
0x208: {  	[tilespmem:s25], [sflag:$0x3] =	stream.indirect_vreg.gather [hbm4b:s11+s3], $0x80, v2, vm0, $0xb8;
	[tilespmem:$0xC100] =	vst v63  }
0x209: {  	_ =	swait.ge [sflag:s4], $0x4000  }
0x20a: {  	[sflag:s4] =	ssyncset.done $0x0  }
0x20b: {  	s26 =	rddreg [dreg:$0x14];
	[sflag:s4] =	ssyncadd.s32 $0xFFFFC000  }
0x20c: {  	[hbm4b:s26+s3] =	stream.linear.scatter [tilespmem:s22], [sflag:$0x2], $0x4000, $0x38;
	[tilespmem:$0xC100] =	vst v63  }
0x20d: {  	_ =	swait.ge [sflag:s31], $0x4000  }
0x20e: {  	[sflag:s31] =	ssyncset.done $0x0  }
0x20f: {  	[sflag:s31] =	ssyncadd.s32 $0xFFFFC000  }
0x210: {  	v2 =	vld.msk [tilespmem:$0x90], $0xff;
	_ =	sdelay $0x4  }
0x211: {  	v3 =	vshll.u32 v2, $0x4  }
0x212: {  	v2 =	vand.u32 $0x7, v2;
	v3 =	vand.u32 $0xFFFFFF80, v3  }
0x213: {  	v2 =	vor.u32 v2, v3  }
0x214: {  	v2 =	vperm.xlane v2, v0;
	_ =	sdelay $0x1  }
0x215: {  	v2 =	vadd.s32 v1, v2;
	_ =	sdelay $0x4  }
0x216: {  	[tilespmem:s14], [sflag:$0x1] =	stream.indirect_vreg.gather [hbm4b:s1+s3], $0x80, v2, vm0, $0xb8;
	[tilespmem:$0xC100] =	vst v63  }
0x217: {  	s29 =	simm.s32 $0x900  }
0x218: {  	[tilespmem:s29], [sflag:$0x1] =	stream.indirect_vreg.gather [hbm4b:s5+s3], $0x80, v2, vm0, $0xb8;
	[tilespmem:$0xC100] =	vst v63  }
0x219: {  	s29 =	simm.s32 $0x1100  }
0x21a: {  	[tilespmem:s29], [sflag:$0x1] =	stream.indirect_vreg.gather [hbm4b:s6+s3], $0x80, v2, vm0, $0xb8;
	[tilespmem:$0xC100] =	vst v63  }
0x21b: {  	s20 =	simm.s32 $0x1900  }
0x21c: {  	[tilespmem:s20], [sflag:$0x1] =	stream.indirect_vreg.gather [hbm4b:s7+s3], $0x80, v2, vm0, $0xb8;
	[tilespmem:$0xC100] =	vst v63  }
0x21d: {  	s21 =	simm.s32 $0x2100  }
0x21e: {  	[tilespmem:s21], [sflag:$0x1] =	stream.indirect_vreg.gather [hbm4b:s8+s3], $0x80, v2, vm0, $0xb8;
	[tilespmem:$0xC100] =	vst v63  }
0x21f: {  	s23 =	simm.s32 $0x2900  }
0x220: {  	[tilespmem:s23], [sflag:$0x1] =	stream.indirect_vreg.gather [hbm4b:s9+s3], $0x80, v2, vm0, $0xb8;
	[tilespmem:$0xC100] =	vst v63  }
0x221: {  	s24 =	simm.s32 $0x3100  }
0x222: {  	[tilespmem:s24], [sflag:$0x1] =	stream.indirect_vreg.gather [hbm4b:s10+s3], $0x80, v2, vm0, $0xb8;
	[tilespmem:$0xC100] =	vst v63  }
0x223: {  	s25 =	simm.s32 $0x3900  }
0x224: {  	[tilespmem:s25], [sflag:$0x1] =	stream.indirect_vreg.gather [hbm4b:s11+s3], $0x80, v2, vm0, $0xb8;
	[tilespmem:$0xC100] =	vst v63  }
0x225: {  	_ =	swait.ge [sflag:s13], $0x4000  }
0x226: {  	[sflag:s13] =	ssyncset.done $0x0  }
0x227: {  	s26 =	rddreg [dreg:$0x15];
	[sflag:s13] =	ssyncadd.s32 $0xFFFFC000  }
0x228: {  	[hbm4b:s26+s3] =	stream.linear.scatter [tilespmem:s30], [sflag:$0x3], $0x4000, $0x38;
	[tilespmem:$0xC100] =	vst v63  }
0x229: {  	_ =	swait.ge [sflag:s4], $0x4000  }
0x22a: {  	[sflag:s4] =	ssyncset.done $0x0  }
0x22b: {  	[sflag:s4] =	ssyncadd.s32 $0xFFFFC000  }
0x22c: {  	v2 =	vld.msk [tilespmem:$0x98], $0xff;
	_ =	sdelay $0x4  }
0x22d: {  	v3 =	vshll.u32 v2, $0x4  }
0x22e: {  	v2 =	vand.u32 $0x7, v2;
	v3 =	vand.u32 $0xFFFFFF80, v3  }
0x22f: {  	v2 =	vor.u32 v2, v3  }
0x230: {  	v2 =	vperm.xlane v2, v0;
	_ =	sdelay $0x1  }
0x231: {  	v2 =	vadd.s32 v1, v2;
	_ =	sdelay $0x4  }
0x232: {  	[tilespmem:s22], [sflag:$0x2] =	stream.indirect_vreg.gather [hbm4b:s1+s3], $0x80, v2, vm0, $0xb8;
	[tilespmem:$0xC100] =	vst v63  }
0x233: {  	s28 =	simm.s32 $0x4900  }
0x234: {  	[tilespmem:s28], [sflag:$0x2] =	stream.indirect_vreg.gather [hbm4b:s5+s3], $0x80, v2, vm0, $0xb8;
	[tilespmem:$0xC100] =	vst v63  }
0x235: {  	s2 =	simm.s32 $0x5100  }
0x236: {  	[tilespmem:s2], [sflag:$0x2] =	stream.indirect_vreg.gather [hbm4b:s6+s3], $0x80, v2, vm0, $0xb8;
	[tilespmem:$0xC100] =	vst v63  }
0x237: {  	s15 =	simm.s32 $0x5900  }
0x238: {  	[tilespmem:s15], [sflag:$0x2] =	stream.indirect_vreg.gather [hbm4b:s7+s3], $0x80, v2, vm0, $0xb8;
	[tilespmem:$0xC100] =	vst v63  }
0x239: {  	s16 =	simm.s32 $0x6100  }
0x23a: {  	[tilespmem:s16], [sflag:$0x2] =	stream.indirect_vreg.gather [hbm4b:s8+s3], $0x80, v2, vm0, $0xb8;
	[tilespmem:$0xC100] =	vst v63  }
0x23b: {  	s17 =	simm.s32 $0x6900  }
0x23c: {  	[tilespmem:s17], [sflag:$0x2] =	stream.indirect_vreg.gather [hbm4b:s9+s3], $0x80, v2, vm0, $0xb8;
	[tilespmem:$0xC100] =	vst v63  }
0x23d: {  	s18 =	simm.s32 $0x7100  }
0x23e: {  	[tilespmem:s18], [sflag:$0x2] =	stream.indirect_vreg.gather [hbm4b:s10+s3], $0x80, v2, vm0, $0xb8;
	[tilespmem:$0xC100] =	vst v63  }
0x23f: {  	s19 =	simm.s32 $0x7900  }
0x240: {  	[tilespmem:s19], [sflag:$0x2] =	stream.indirect_vreg.gather [hbm4b:s11+s3], $0x80, v2, vm0, $0xb8;
	[tilespmem:$0xC100] =	vst v63  }
0x241: {  	_ =	swait.ge [sflag:s31], $0x4000  }
0x242: {  	[sflag:s31] =	ssyncset.done $0x0  }
0x243: {  	s28 =	rddreg [dreg:$0x16];
	[sflag:s31] =	ssyncadd.s32 $0xFFFFC000  }
0x244: {  	[hbm4b:s28+s3] =	stream.linear.scatter [tilespmem:s14], [sflag:$0x1], $0x4000, $0x38;
	[tilespmem:$0xC100] =	vst v63  }
0x245: {  	_ =	swait.ge [sflag:s4], $0x4000  }
0x246: {  	[sflag:s4] =	ssyncset.done $0x0  }
0x247: {  	s29 =	rddreg [dreg:$0x17];
	[sflag:s4] =	ssyncadd.s32 $0xFFFFC000  }
0x248: {  	[hbm4b:s29+s3] =	stream.linear.scatter [tilespmem:s22], [sflag:$0x2], $0x4000, $0x38;
	[tilespmem:$0xC100] =	vst v63  }
0x249: {  	_ =	swait.ge [sflag:s13], $0x4000  }
0x24a: {  	[sflag:s13] =	ssyncset.done $0x0  }
0x24b: {  	[sflag:s13] =	ssyncadd.s32 $0xFFFFC000  }
0x24c: {  	p0 =	sne.s32 s12, $0x1;
	_ =	swait.ge [sflag:s31], $0x4000  }
.Ltmp0:
0x24d: {  	[sflag:s31] =	ssyncset.done $0x0;
	(pc) =	sbr.rel @p0 .LBB2_1-.Ltmp0, $4  }
0x24e: {  	[sflag:s31] =	ssyncadd.s32 $0xFFFFC000  }
0x24f: {  	_ =	swait.ge [sflag:s4], $0x4000  }
0x250: {  	[sflag:s4] =	ssyncset.done $0x0  }
0x251: {  	s12 =	sadd.s32 $0xFFFFFFFF, s12;
	[sflag:s4] =	ssyncadd.s32 $0xFFFFC000  }
0x252: {  	_ =	sfence.sel $0x180000  }
0x253: {  	[bflag:$0x0] =	sbarrier.arrive $0xFFFF  }
0x254: {  	_ =	strace $0x90000047  }
0x255: {  	s0 =	stileid.u32;
	[bflag:$0x2] =	sbarrier.arrive $0xFFFF  }
0x256: {  	p0 =	sne.s32 s0, $0x0;
	s0 =	rddreg [dreg:$0x3]  }
0x257: {  	s0 =	sadd.s32 @!p0 $0x100000, s0  }
0x258: {  	[sflag:s0] =	ssyncadd.tile.s32 @!p0 $0x1;
	_ =	shalt  }
.Lfunc_end2:
_tile_overlayer_lowered:
.L_overlay_start_2:
0x259: {  	(tag) =	ssettag $0x2  }
0x25a: {  	s0 =	rddreg [dreg:$0x0];
	s2 =	stileid.u32  }
0x25b: {  	s1 =	rddreg [dreg:$0x1];
	p0 =	sne.s32 s2, $0x0  }
0x25c: {  	s3 =	rddreg [dreg:$0x2];
	[bflag:$0x3] =	sbarrier.arrive $0xFFFF;
	s2 =	simm.s32 @!p0 $0x1C04  }
0x25d: {  	[timem:s3], [sflag:s2] =	dma.local @!p0 [hbm:s0], s1  }
0x25e: {  	s0 =	simm.s32 @!p0 $0x4  }
0x25f: {  	_ =	swait.ge @!p0 [sflag:s0], s1  }
0x260: {  	s1 =	ssub.s32 @!p0 $0x0, s1;
	[sflag:s0] =	ssyncset.done @!p0 $0x0  }
0x261: {  	[sflag:s0] =	ssyncadd.s32 @!p0 s1  }
0x262: {  	[bflag:$0x3] =	sbarrier.arrive $0xFFFF  }
0x263: {  	_ =	shalt  }

</sc_bundles>
